<compile_context>
chip_gen: v7x
topology: tpu7x:2x2x1
jax: 0.10.2.dev20260603
libtpu: 0.0.44.dev20260713+nightly
codegen_flags: <defaults>
</compile_context>

<pallas_src>
import functools

import jax
import jax.numpy as jnp
from jax import lax
from jax.experimental import pallas as pl
from jax.experimental.pallas import tpu as pltpu
from jax.experimental.pallas import tpu_sc as plsc

N = 10000
NP = 10112
SENT = N
HEADS = 2
C = 32
HID = 64
NTILES = 32
K = 64
NCH = 162
EPT = NCH * K
TOT = NTILES * EPT
RPT = NP // 16
NEG = -1e30


def _tc_head_body(din, x_ref, w_ref, asrc_ref, adst_ref,
                  h_ref, tabs_ref, mv_ref):
    x = x_ref[...]
    w = w_ref[...]
    h = jnp.dot(x, w, preferred_element_type=jnp.float32)
    h_ref[...] = h
    av = asrc_ref[...]
    bv = adst_ref[...]
    ps = h * av
    pd = h * bv
    as0 = ps[:, :C].sum(axis=1, keepdims=True)
    as1 = ps[:, C:].sum(axis=1, keepdims=True)
    ad0 = pd[:, :C].sum(axis=1, keepdims=True)
    ad1 = pd[:, C:].sum(axis=1, keepdims=True)
    row = lax.broadcasted_iota(jnp.int32, (NP, 1), 0)
    valid = row < N
    as0 = jnp.where(valid, as0, NEG)
    as1 = jnp.where(valid, as1, NEG)
    ad0 = jnp.where(valid, ad0, NEG)
    ad1 = jnp.where(valid, ad1, NEG)
    tabs_ref[...] = jnp.concatenate([as0, as1, ad0, ad1], axis=1)
    m0 = jnp.max(as0) + jnp.max(ad0)
    m1 = jnp.max(as1) + jnp.max(ad1)
    col = lax.broadcasted_iota(jnp.int32, (1, 32), 1)
    mv_ref[...] = jnp.where(col < 16, m0, m1)


def _tc_head(x_pad, w, asrc, adst, din):
    return pl.pallas_call(
        functools.partial(_tc_head_body, din),
        out_shape=[
            jax.ShapeDtypeStruct((NP, HID), jnp.float32),
            jax.ShapeDtypeStruct((NP, 4), jnp.float32),
            jax.ShapeDtypeStruct((1, 32), jnp.float32),
        ],
    )(x_pad, w, asrc, adst)


def _sc_edge_body(tabs_hbm, mv_hbm, src_hbm, dst_hbm, h_hbm,
                  acc_hbm, den_hbm,
                  tabs_v, sidx_v, didx_v, didxc_v, den_v, rows_v, exb_v, mv_v,
                  acc_sh, sem, sem2):
    c = lax.axis_index("c")
    s = lax.axis_index("s")
    wid = c * 16 + s

    pltpu.sync_copy(tabs_hbm, tabs_v)
    pltpu.sync_copy(mv_hbm, mv_v)
    pltpu.sync_copy(src_hbm.at[wid], sidx_v)
    pltpu.sync_copy(dst_hbm.at[wid], didx_v)

    zv = jnp.zeros((16,), jnp.float32)

    def zden(i, carry):
        den_v[pl.ds(i * 16, 16)] = zv
        return carry

    lax.fori_loop(0, (2 * NP) // 16, zden, 0)

    def zrow(i, carry):
        rows_v[0, i, pl.ds(0, 16)] = zv
        rows_v[0, i, pl.ds(16, 16)] = zv
        rows_v[0, i, pl.ds(32, 16)] = zv
        rows_v[0, i, pl.ds(48, 16)] = zv
        return carry

    lax.fori_loop(0, K, zrow, 0)

    base = s * RPT
    for i in range(9):
        pltpu.sync_copy(rows_v.at[0, pl.ds(0, 64)],
                        acc_sh.at[pl.ds(base + i * 64, 64)])
    pltpu.sync_copy(rows_v.at[0, pl.ds(0, 56)],
                    acc_sh.at[pl.ds(base + 576, 56)])
    plsc.subcore_barrier()

    m0 = mv_v[pl.ds(0, 16)]
    m1 = mv_v[pl.ds(16, 16)]
    sems = (sem, sem2)

    pltpu.async_copy(h_hbm.at[sidx_v.at[0]], rows_v.at[0], sems[0])

    def chunk(j, carry):
        def alpha16(t, inner):
            sv = sidx_v[j, pl.ds(t * 16, 16)]
            dv = didx_v[j, pl.ds(t * 16, 16)]
            didxc_v[pl.ds(t * 16, 16)] = dv
            s4 = sv * 4
            d4 = dv * 4
            as0 = plsc.load_gather(tabs_v, [s4])
            as1 = plsc.load_gather(tabs_v, [s4 + 1])
            ad0 = plsc.load_gather(tabs_v, [d4 + 2])
            ad1 = plsc.load_gather(tabs_v, [d4 + 3])
            a0 = as0 + ad0
            a1 = as1 + ad1
            a0 = jnp.where(a0 > 0.0, a0, a0 * 0.2)
            a1 = jnp.where(a1 > 0.0, a1, a1 * 0.2)
            e0 = jnp.exp(a0 - m0)
            e1 = jnp.exp(a1 - m1)
            d2 = dv * 2
            plsc.addupdate_scatter(den_v, [d2], e0)
            plsc.addupdate_scatter(den_v, [d2 + 1], e1)
            exb_v[pl.ds(t * 16, 16)] = e0
            exb_v[pl.ds(K + t * 16, 16)] = e1
            return inner

        def halfbody(b):
            @pl.when(j + 1 < NCH)
            def _():
                pltpu.async_copy(h_hbm.at[sidx_v.at[j + 1]],
                                 rows_v.at[1 - b], sems[1 - b])

            lax.fori_loop(0, K // 16, alpha16, 0)
            pltpu.make_async_copy(h_hbm.at[sidx_v.at[j]],
                                  rows_v.at[b], sems[b]).wait()

            @plsc.parallel_loop(0, K, unroll=4)
            def mulrow(r):
                s0 = plsc.load_gather(exb_v,
                                      [jnp.full((16,), 0, jnp.int32) + r])
                s1 = plsc.load_gather(exb_v,
                                      [jnp.full((16,), K, jnp.int32) + r])
                rows_v[b, r, pl.ds(0, 16)] = rows_v[b, r, pl.ds(0, 16)] * s0
                rows_v[b, r, pl.ds(16, 16)] = rows_v[b, r, pl.ds(16, 16)] * s0
                rows_v[b, r, pl.ds(32, 16)] = rows_v[b, r, pl.ds(32, 16)] * s1
                rows_v[b, r, pl.ds(48, 16)] = rows_v[b, r, pl.ds(48, 16)] * s1
            pltpu.sync_copy(rows_v.at[b], acc_sh.at[didxc_v], add=True)

        @pl.when(j % 2 == 0)
        def _():
            halfbody(0)

        @pl.when(j % 2 == 1)
        def _():
            halfbody(1)

        return carry

    lax.fori_loop(0, NCH, chunk, 0)

    pltpu.sync_copy(den_v, den_hbm.at[wid])
    plsc.subcore_barrier()
    pltpu.sync_copy(acc_sh.at[pl.ds(base, RPT)],
                    acc_hbm.at[c, pl.ds(base, RPT)])


def _sc_edge(tabs, mv, srcp, dstp, h_pad):
    mesh = plsc.VectorSubcoreMesh(core_axis_name="c", subcore_axis_name="s")
    fn = functools.partial(
        pl.kernel,
        mesh=mesh,
        compiler_params=pltpu.CompilerParams(
            needs_layout_passes=False, use_tc_tiling_on_sc=False),
        out_type=[
            jax.ShapeDtypeStruct((2, NP, HID), jnp.float32),
            jax.ShapeDtypeStruct((NTILES, 2 * NP), jnp.float32),
        ],
        scratch_types=[
            pltpu.VMEM((4 * NP,), jnp.float32),
            pltpu.VMEM((NCH, K), jnp.int32),
            pltpu.VMEM((NCH, K), jnp.int32),
            pltpu.VMEM((K,), jnp.int32),
            pltpu.VMEM((2 * NP,), jnp.float32),
            pltpu.VMEM((2, K, HID), jnp.float32),
            pltpu.VMEM((2 * K,), jnp.float32),
            pltpu.VMEM((32,), jnp.float32),
            pltpu.VMEM_SHARED((NP, HID), jnp.float32),
            pltpu.SemaphoreType.DMA,
            pltpu.SemaphoreType.DMA,
        ],
    )(_sc_edge_body)
    return fn(tabs, mv, srcp, dstp, h_pad)


def _denred_body(den_ref, out_ref):
    t = pl.program_id(0)

    @pl.when(t == 0)
    def _():
        out_ref[...] = jnp.zeros_like(out_ref)

    out_ref[...] += den_ref[0]


def _denred(den):
    return pl.pallas_call(
        _denred_body,
        grid=(NTILES,),
        in_specs=[pl.BlockSpec((1, 158, 128), lambda t: (t, 0, 0))],
        out_specs=pl.BlockSpec((158, 128), lambda t: (0, 0)),
        out_shape=jax.ShapeDtypeStruct((158, 128), jnp.float32),
    )(den)


def _combine(acc_ref, den_ref, b_ref, g_ref, be_ref):
    acc = acc_ref[0] + acc_ref[1]
    den = den_ref[...]
    d0 = den[:, 0:1]
    d1 = den[:, 1:2]
    col = lax.broadcasted_iota(jnp.int32, (NP, HID), 1)
    divv = jnp.where(col < C, d0, d1)
    out = acc / (divv + 1e-16) + b_ref[...]
    mu = out.mean(axis=1, keepdims=True)
    var = ((out - mu) ** 2).mean(axis=1, keepdims=True)
    ln = (out - mu) / jnp.sqrt(var + 1e-5) * g_ref[...] + be_ref[...]
    return ln


def _tc_mid_body(acc_ref, den_ref, b_ref, g_ref, be_ref, w2_ref,
                 asrc_ref, adst_ref,
                 x1_ref, h_ref, tabs_ref, mv_ref):
    ln = _combine(acc_ref, den_ref, b_ref, g_ref, be_ref)
    x1 = jnp.where(ln > 0.0, ln, jnp.exp(ln) - 1.0)
    x1_ref[...] = x1
    _tc_head_body(HID, x1_ref, w2_ref, asrc_ref, adst_ref,
                  h_ref, tabs_ref, mv_ref)


def _tc_mid(acc1, den1, b1, g1, be1, w2, asrc2, adst2):
    return pl.pallas_call(
        _tc_mid_body,
        out_shape=[
            jax.ShapeDtypeStruct((NP, HID), jnp.float32),
            jax.ShapeDtypeStruct((NP, HID), jnp.float32),
            jax.ShapeDtypeStruct((NP, 4), jnp.float32),
            jax.ShapeDtypeStruct((1, 32), jnp.float32),
        ],
    )(acc1, den1, b1, g1, be1, w2, asrc2, adst2)


def _tc_fin_body(acc_ref, den_ref, b_ref, g_ref, be_ref, x1_ref, wa_ref,
                 ba_ref, out_ref):
    ln = _combine(acc_ref, den_ref, b_ref, g_ref, be_ref)
    x2 = ln + x1_ref[...]
    x2 = jnp.where(x2 > 0.0, x2, jnp.exp(x2) - 1.0)
    logits = jnp.dot(x2, wa_ref[...], preferred_element_type=jnp.float32)
    logits = logits + ba_ref[...]
    row = lax.broadcasted_iota(jnp.int32, (NP, 1), 0)
    logits = jnp.where(row < N, logits, NEG)
    m = jnp.max(logits)
    wgt = jnp.exp(logits - m)
    z = jnp.sum(wgt)
    attw = wgt / z
    out_ref[...] = jnp.sum(x2 * attw, axis=0, keepdims=True)


def _tc_fin(acc2, den2, b2, g2, be2, x1, wa, ba):
    return pl.pallas_call(
        _tc_fin_body,
        out_shape=jax.ShapeDtypeStruct((1, HID), jnp.float32),
    )(acc2, den2, b2, g2, be2, x1, wa, ba)


def kernel(x, edge_index, W1, a_src1, a_dst1, b1, g1, be1, W2, a_src2,
           a_dst2, b2, g2, be2, Wa, ba):
    x_pad = jnp.pad(x, ((0, NP - N), (0, 0)))
    loop = jnp.arange(N, dtype=jnp.int32)
    padv = jnp.full((TOT - 320000 - N,), SENT, dtype=jnp.int32)
    srcp = jnp.concatenate([edge_index[0].astype(jnp.int32), loop, padv])
    dstp = jnp.concatenate([edge_index[1].astype(jnp.int32), loop, padv])
    srcp = srcp.reshape(NTILES, NCH, K)
    dstp = dstp.reshape(NTILES, NCH, K)

    h1, tabs1, mv1 = _tc_head(x_pad, W1, a_src1.reshape(1, HID),
                              a_dst1.reshape(1, HID), 128)
    acc1, den1 = _sc_edge(tabs1.reshape(4 * NP), mv1.reshape(32), srcp, dstp, h1)
    den1 = _denred(den1.reshape(NTILES, 158, 128)).reshape(NP, 2)
    x1, h2, tabs2, mv2 = _tc_mid(acc1, den1,
                                 b1.reshape(1, HID), g1.reshape(1, HID),
                                 be1.reshape(1, HID), W2,
                                 a_src2.reshape(1, HID),
                                 a_dst2.reshape(1, HID))
    acc2, den2 = _sc_edge(tabs2.reshape(4 * NP), mv2.reshape(32), srcp, dstp, h2)
    den2 = _denred(den2.reshape(NTILES, 158, 128)).reshape(NP, 2)
    pooled = _tc_fin(acc2, den2,
                     b2.reshape(1, HID), g2.reshape(1, HID),
                     be2.reshape(1, HID), x1, Wa, ba.reshape(1, 1))
    return pooled.reshape(HID)

# --- scband reference (transcript-rebuilt; emitter-appended) ---
"""Pipeline reference for scband-gnncomponent-27693949125173 (READ-ONLY COPY).

The authoritative reference and input builder live on the scoring server;
editing this copy changes nothing except your own understanding.
"""

import jax, jax.numpy as jnp
import numpy as np

N = 10000
E = 320000
D_IN = 128
HEADS = 2
C = 32  # hidden_dim // num_heads
HID = HEADS * C


def _gat_conv(x, src, dst, W, a_src, a_dst, bias):
    # Faithful PyG GATConv (concat=True, negative_slope=0.2); self-loops already added to src/dst.
    n = x.shape[0]
    h = (x @ W).reshape(n, HEADS, C)
    alpha_src = (h * a_src).sum(-1)  # [N, H]
    alpha_dst = (h * a_dst).sum(-1)  # [N, H]
    alpha = alpha_src[src] + alpha_dst[dst]  # [E, H]
    alpha = jax.nn.leaky_relu(alpha, 0.2)
    amax = jax.lax.stop_gradient(jax.ops.segment_max(alpha, dst, num_segments=n))
    ex = jnp.exp(alpha - amax[dst])
    denom = jax.ops.segment_sum(ex, dst, num_segments=n)
    coef = ex / (denom[dst] + 1e-16)  # softmax over incoming edges per dst node
    msg = h[src] * coef[:, :, None]
    out = jax.ops.segment_sum(msg, dst, num_segments=n)  # [N, H, C]
    return out.reshape(n, HID) + bias


def _ln(x, g, b, eps=1e-5):
    mu = x.mean(-1, keepdims=True)
    var = ((x - mu) ** 2).mean(-1, keepdims=True)
    return (x - mu) / jnp.sqrt(var + eps) * g + b


def setup_inputs(seed: int = 0):
    key = jax.random.key(seed)
    ks = jax.random.split(key, 16)
    x = jax.random.normal(ks[0], (N, D_IN), dtype=jnp.float32)
    edge_index = jax.random.randint(ks[1], (2, E), 0, N)
    W1 = jax.random.normal(ks[2], (D_IN, HID), dtype=jnp.float32) / np.sqrt(D_IN)
    a_src1 = jax.random.normal(ks[3], (HEADS, C), dtype=jnp.float32) * 0.1
    a_dst1 = jax.random.normal(ks[4], (HEADS, C), dtype=jnp.float32) * 0.1
    b1 = jnp.zeros((HID,), dtype=jnp.float32)
    g1 = jnp.ones((HID,), dtype=jnp.float32)
    be1 = jnp.zeros((HID,), dtype=jnp.float32)
    W2 = jax.random.normal(ks[5], (HID, HID), dtype=jnp.float32) / np.sqrt(HID)
    a_src2 = jax.random.normal(ks[6], (HEADS, C), dtype=jnp.float32) * 0.1
    a_dst2 = jax.random.normal(ks[7], (HEADS, C), dtype=jnp.float32) * 0.1
    b2 = jnp.zeros((HID,), dtype=jnp.float32)
    g2 = jnp.ones((HID,), dtype=jnp.float32)
    be2 = jnp.zeros((HID,), dtype=jnp.float32)
    Wa = jax.random.normal(ks[8], (HID, 1), dtype=jnp.float32) / np.sqrt(HID)
    ba = jnp.zeros((1,), dtype=jnp.float32)
    return dict(x=x, edge_index=edge_index, W1=W1, a_src1=a_src1, a_dst1=a_dst1, b1=b1,
                g1=g1, be1=be1, W2=W2, a_src2=a_src2, a_dst2=a_dst2, b2=b2, g2=g2,
                be2=be2, Wa=Wa, ba=ba)


def reference(x, edge_index, W1, a_src1, a_dst1, b1, g1, be1, W2, a_src2, a_dst2, b2, g2, be2, Wa, ba):
    n = x.shape[0]
    loop = jnp.arange(n)
    src = jnp.concatenate([edge_index[0], loop])  # add_self_loops=True (PyG default)
    dst = jnp.concatenate([edge_index[1], loop])
    x1 = _gat_conv(x, src, dst, W1, a_src1, a_dst1, b1)
    x1 = jax.nn.elu(_ln(x1, g1, be1))
    x2 = _gat_conv(x1, src, dst, W2, a_src2, a_dst2, b2)
    x2 = _ln(x2, g2, be2)
    x2 = jax.nn.elu(x2 + x1)
    logits = x2 @ Wa + ba  # [N, 1]
    attw = jax.nn.softmax(logits, axis=0)  # Softmax(dim=0) over nodes
    pooled = (x2 * attw).sum(axis=0)  # [HID]
    return pooled

if __name__ == "__main__":
    import jax
    _d = setup_inputs()
    print(jax.jit(kernel)(*tuple(_d.values())))

</pallas_src>

<mosaic_0001>
#map = affine_map<(d0, d1) -> (0)>
#map1 = affine_map<(d0, d1) -> (0, 0, 0)>
#map2 = affine_map<(d0, d1) -> (0, 0)>
module attributes {stable_mosaic.version = 14 : i64} {
  func.func @_sc_edge_body(%arg0: i32, %arg1: i32, %arg2: memref<40448xf32, #tpu.memory_space<hbm>>, %arg3: memref<32xf32, #tpu.memory_space<hbm>>, %arg4: memref<32x162x64xi32, #tpu.memory_space<hbm>>, %arg5: memref<32x162x64xi32, #tpu.memory_space<hbm>>, %arg6: memref<10112x64xf32, #tpu.memory_space<hbm>>, %arg7: memref<2x10112x64xf32, #tpu.memory_space<hbm>>, %arg8: memref<32x20224xf32, #tpu.memory_space<hbm>>, %arg9: memref<40448xf32, #tpu.memory_space<vmem>>, %arg10: memref<162x64xi32, #tpu.memory_space<vmem>>, %arg11: memref<162x64xi32, #tpu.memory_space<vmem>>, %arg12: memref<64xi32, #tpu.memory_space<vmem>>, %arg13: memref<20224xf32, #tpu.memory_space<vmem>>, %arg14: memref<2x64x64xf32, #tpu.memory_space<vmem>>, %arg15: memref<128xf32, #tpu.memory_space<vmem>>, %arg16: memref<32xf32, #tpu.memory_space<vmem>>, %arg17: memref<10112x64xf32, #tpu.memory_space<vmem_shared>>, %arg18: memref<!tpu.dma_semaphore, #tpu.memory_space<semaphore_mem>>, %arg19: memref<!tpu.dma_semaphore, #tpu.memory_space<semaphore_mem>>) attributes {dimension_semantics = [#tpu.dimension_semantics<core_parallel>, #tpu.dimension_semantics<subcore_parallel>], iteration_bounds = array<i64: 2, 16>, scalar_prefetch = 0 : i64, scratch_operands = 11 : i64, tpu.core_type = #tpu.core_type<sc_vector_subcore>, window_params = [{transform_indices = #map}, {transform_indices = #map}, {transform_indices = #map1}, {transform_indices = #map1}, {transform_indices = #map2}, {transform_indices = #map1}, {transform_indices = #map2}]} {
    %mul3A = arith.constant 16 : i32
    %mul3A_0 = arith.muli %arg0, %mul3A : i32
    %add3A = arith.addi %mul3A_0, %arg1 : i32
    "tpu.region"() ({
      %run_scoped3A_65 = tpu.sem_alloc : memref<!tpu.dma_semaphore, #tpu.memory_space<semaphore_mem>>
      tpu.enqueue_dma source(%arg2 : memref<40448xf32, #tpu.memory_space<hbm>>) target(%arg9 : memref<40448xf32, #tpu.memory_space<vmem>>) target_semaphore(%run_scoped3A_65 : memref<!tpu.dma_semaphore, #tpu.memory_space<semaphore_mem>>)
      tpu.wait_dma2 semaphore(%run_scoped3A_65 : memref<!tpu.dma_semaphore, #tpu.memory_space<semaphore_mem>>) src(%arg2 : memref<40448xf32, #tpu.memory_space<hbm>>) dst(%arg9 : memref<40448xf32, #tpu.memory_space<vmem>>)
      tpu.yield
    }) : () -> ()
    "tpu.region"() ({
      %run_scoped3A_65 = tpu.sem_alloc : memref<!tpu.dma_semaphore, #tpu.memory_space<semaphore_mem>>
      tpu.enqueue_dma source(%arg3 : memref<32xf32, #tpu.memory_space<hbm>>) target(%arg16 : memref<32xf32, #tpu.memory_space<vmem>>) target_semaphore(%run_scoped3A_65 : memref<!tpu.dma_semaphore, #tpu.memory_space<semaphore_mem>>)
      tpu.wait_dma2 semaphore(%run_scoped3A_65 : memref<!tpu.dma_semaphore, #tpu.memory_space<semaphore_mem>>) src(%arg3 : memref<32xf32, #tpu.memory_space<hbm>>) dst(%arg16 : memref<32xf32, #tpu.memory_space<vmem>>)
      tpu.yield
    }) : () -> ()
    "tpu.region"() ({
      %run_scoped3A_65 = tpu.sem_alloc : memref<!tpu.dma_semaphore, #tpu.memory_space<semaphore_mem>>
      %dma_start3A_66 = arith.constant 0 : i32
      %dma_start3A_67 = arith.constant 0 : i32
      %dma_start3A_68 = tpu.memref_slice %arg4[%add3A, %dma_start3A_66, %dma_start3A_67] : memref<32x162x64xi32, #tpu.memory_space<hbm>> -> memref<1x162x64xi32, #tpu.memory_space<hbm>>
      %dma_start3A_69 = tpu.memref_squeeze %dma_start3A_68 : memref<1x162x64xi32, #tpu.memory_space<hbm>> -> memref<162x64xi32, #tpu.memory_space<hbm>>
      %dma_start3A_70 = arith.constant 0 : i32
      %dma_start3A_71 = arith.constant 0 : i32
      %dma_start3A_72 = tpu.memref_slice %arg4[%add3A, %dma_start3A_70, %dma_start3A_71] : memref<32x162x64xi32, #tpu.memory_space<hbm>> -> memref<1x162x64xi32, #tpu.memory_space<hbm>>
      %dma_start3A_73 = tpu.memref_squeeze %dma_start3A_72 : memref<1x162x64xi32, #tpu.memory_space<hbm>> -> memref<162x64xi32, #tpu.memory_space<hbm>>
      tpu.enqueue_dma source(%dma_start3A_73 : memref<162x64xi32, #tpu.memory_space<hbm>>) target(%arg10 : memref<162x64xi32, #tpu.memory_space<vmem>>) target_semaphore(%run_scoped3A_65 : memref<!tpu.dma_semaphore, #tpu.memory_space<semaphore_mem>>)
      %dma_wait3A = arith.constant 0 : i32
      %dma_wait3A_74 = arith.constant 0 : i32
      %dma_wait3A_75 = tpu.memref_slice %arg4[%add3A, %dma_wait3A, %dma_wait3A_74] : memref<32x162x64xi32, #tpu.memory_space<hbm>> -> memref<1x162x64xi32, #tpu.memory_space<hbm>>
      %dma_wait3A_76 = tpu.memref_squeeze %dma_wait3A_75 : memref<1x162x64xi32, #tpu.memory_space<hbm>> -> memref<162x64xi32, #tpu.memory_space<hbm>>
      %dma_wait3A_77 = arith.constant 0 : i32
      %dma_wait3A_78 = arith.constant 0 : i32
      %dma_wait3A_79 = tpu.memref_slice %arg4[%add3A, %dma_wait3A_77, %dma_wait3A_78] : memref<32x162x64xi32, #tpu.memory_space<hbm>> -> memref<1x162x64xi32, #tpu.memory_space<hbm>>
      %dma_wait3A_80 = tpu.memref_squeeze %dma_wait3A_79 : memref<1x162x64xi32, #tpu.memory_space<hbm>> -> memref<162x64xi32, #tpu.memory_space<hbm>>
      tpu.wait_dma2 semaphore(%run_scoped3A_65 : memref<!tpu.dma_semaphore, #tpu.memory_space<semaphore_mem>>) src(%dma_wait3A_80 : memref<162x64xi32, #tpu.memory_space<hbm>>) dst(%arg10 : memref<162x64xi32, #tpu.memory_space<vmem>>)
      tpu.yield
    }) : () -> ()
    "tpu.region"() ({
      %run_scoped3A_65 = tpu.sem_alloc : memref<!tpu.dma_semaphore, #tpu.memory_space<semaphore_mem>>
      %dma_start3A_66 = arith.constant 0 : i32
      %dma_start3A_67 = arith.constant 0 : i32
      %dma_start3A_68 = tpu.memref_slice %arg5[%add3A, %dma_start3A_66, %dma_start3A_67] : memref<32x162x64xi32, #tpu.memory_space<hbm>> -> memref<1x162x64xi32, #tpu.memory_space<hbm>>
      %dma_start3A_69 = tpu.memref_squeeze %dma_start3A_68 : memref<1x162x64xi32, #tpu.memory_space<hbm>> -> memref<162x64xi32, #tpu.memory_space<hbm>>
      %dma_start3A_70 = arith.constant 0 : i32
      %dma_start3A_71 = arith.constant 0 : i32
      %dma_start3A_72 = tpu.memref_slice %arg5[%add3A, %dma_start3A_70, %dma_start3A_71] : memref<32x162x64xi32, #tpu.memory_space<hbm>> -> memref<1x162x64xi32, #tpu.memory_space<hbm>>
      %dma_start3A_73 = tpu.memref_squeeze %dma_start3A_72 : memref<1x162x64xi32, #tpu.memory_space<hbm>> -> memref<162x64xi32, #tpu.memory_space<hbm>>
      tpu.enqueue_dma source(%dma_start3A_73 : memref<162x64xi32, #tpu.memory_space<hbm>>) target(%arg11 : memref<162x64xi32, #tpu.memory_space<vmem>>) target_semaphore(%run_scoped3A_65 : memref<!tpu.dma_semaphore, #tpu.memory_space<semaphore_mem>>)
      %dma_wait3A = arith.constant 0 : i32
      %dma_wait3A_74 = arith.constant 0 : i32
      %dma_wait3A_75 = tpu.memref_slice %arg5[%add3A, %dma_wait3A, %dma_wait3A_74] : memref<32x162x64xi32, #tpu.memory_space<hbm>> -> memref<1x162x64xi32, #tpu.memory_space<hbm>>
      %dma_wait3A_76 = tpu.memref_squeeze %dma_wait3A_75 : memref<1x162x64xi32, #tpu.memory_space<hbm>> -> memref<162x64xi32, #tpu.memory_space<hbm>>
      %dma_wait3A_77 = arith.constant 0 : i32
      %dma_wait3A_78 = arith.constant 0 : i32
      %dma_wait3A_79 = tpu.memref_slice %arg5[%add3A, %dma_wait3A_77, %dma_wait3A_78] : memref<32x162x64xi32, #tpu.memory_space<hbm>> -> memref<1x162x64xi32, #tpu.memory_space<hbm>>
      %dma_wait3A_80 = tpu.memref_squeeze %dma_wait3A_79 : memref<1x162x64xi32, #tpu.memory_space<hbm>> -> memref<162x64xi32, #tpu.memory_space<hbm>>
      tpu.wait_dma2 semaphore(%run_scoped3A_65 : memref<!tpu.dma_semaphore, #tpu.memory_space<semaphore_mem>>) src(%dma_wait3A_80 : memref<162x64xi32, #tpu.memory_space<hbm>>) dst(%arg11 : memref<162x64xi32, #tpu.memory_space<vmem>>)
      tpu.yield
    }) : () -> ()
    %broadcast_in_dim3A = arith.constant 0.000000e+00 : f32
    %broadcast_in_dim3A_1 = vector.broadcast %broadcast_in_dim3A : f32 to vector<16xf32>
    %scan3A = arith.constant 0 : i32
    %scan3A_2 = arith.constant 0 : i32
    %scan3A_3 = arith.constant 1264 : i32
    %scan3A_4 = arith.addi %scan3A_2, %scan3A_3 : i32
    %scan3A_5 = arith.constant 1 : i32
    scf.for %scan3A_65 = %scan3A_2 to %scan3A_4 step %scan3A_5  : i32 {
      %mul3A_66 = arith.constant 16 : i32
      %mul3A_67 = arith.muli %scan3A_65, %mul3A_66 : i32
      %swap3A = arith.index_cast %mul3A_67 : i32 to index
      %swap3A_68 = tpu.vector_load %arg13[%swap3A] {strides = array<i32>} : memref<20224xf32, #tpu.memory_space<vmem>>, vector<16xf32>,
      tpu.vector_store %arg13[%swap3A], %broadcast_in_dim3A_1 {strides = array<i32>} : memref<20224xf32, #tpu.memory_space<vmem>>, vector<16xf32>,
    }
    %scan3A_6 = arith.constant 1264 : i32
    %scan3A_7 = arith.constant 0 : i32
    %scan3A_8 = arith.constant 0 : i32
    %scan3A_9 = arith.constant 64 : i32
    %scan3A_10 = arith.addi %scan3A_8, %scan3A_9 : i32
    %scan3A_11 = arith.constant 1 : i32
    scf.for %scan3A_65 = %scan3A_8 to %scan3A_10 step %scan3A_11  : i32 {
      %swap3A = arith.constant 0 : i32
      %swap3A_66 = arith.index_cast %swap3A : i32 to index
      %swap3A_67 = arith.index_cast %scan3A_65 : i32 to index
      %swap3A_68 = arith.constant 0 : index
      %swap3A_69 = tpu.vector_load %arg14[%swap3A_66, %swap3A_67, %swap3A_68] {strides = array<i32>} : memref<2x64x64xf32, #tpu.memory_space<vmem>>, vector<16xf32>,
      tpu.vector_store %arg14[%swap3A_66, %swap3A_67, %swap3A_68], %broadcast_in_dim3A_1 {strides = array<i32>} : memref<2x64x64xf32, #tpu.memory_space<vmem>>, vector<16xf32>,
      %swap3A_70 = arith.constant 0 : i32
      %swap3A_71 = arith.index_cast %swap3A_70 : i32 to index
      %swap3A_72 = arith.index_cast %scan3A_65 : i32 to index
      %swap3A_73 = arith.constant 16 : index
      %swap3A_74 = tpu.vector_load %arg14[%swap3A_71, %swap3A_72, %swap3A_73] {strides = array<i32>} : memref<2x64x64xf32, #tpu.memory_space<vmem>>, vector<16xf32>,
      tpu.vector_store %arg14[%swap3A_71, %swap3A_72, %swap3A_73], %broadcast_in_dim3A_1 {strides = array<i32>} : memref<2x64x64xf32, #tpu.memory_space<vmem>>, vector<16xf32>,
      %swap3A_75 = arith.constant 0 : i32
      %swap3A_76 = arith.index_cast %swap3A_75 : i32 to index
      %swap3A_77 = arith.index_cast %scan3A_65 : i32 to index
      %swap3A_78 = arith.constant 32 : index
      %swap3A_79 = tpu.vector_load %arg14[%swap3A_76, %swap3A_77, %swap3A_78] {strides = array<i32>} : memref<2x64x64xf32, #tpu.memory_space<vmem>>, vector<16xf32>,
      tpu.vector_store %arg14[%swap3A_76, %swap3A_77, %swap3A_78], %broadcast_in_dim3A_1 {strides = array<i32>} : memref<2x64x64xf32, #tpu.memory_space<vmem>>, vector<16xf32>,
      %swap3A_80 = arith.constant 0 : i32
      %swap3A_81 = arith.index_cast %swap3A_80 : i32 to index
      %swap3A_82 = arith.index_cast %scan3A_65 : i32 to index
      %swap3A_83 = arith.constant 48 : index
      %swap3A_84 = tpu.vector_load %arg14[%swap3A_81, %swap3A_82, %swap3A_83] {strides = array<i32>} : memref<2x64x64xf32, #tpu.memory_space<vmem>>, vector<16xf32>,
      tpu.vector_store %arg14[%swap3A_81, %swap3A_82, %swap3A_83], %broadcast_in_dim3A_1 {strides = array<i32>} : memref<2x64x64xf32, #tpu.memory_space<vmem>>, vector<16xf32>,
    }
    %scan3A_12 = arith.constant 64 : i32
    %mul3A_13 = arith.constant 632 : i32
    %mul3A_14 = arith.muli %arg1, %mul3A_13 : i32
    %add3A_15 = arith.constant 0 : i32
    %add3A_16 = arith.addi %mul3A_14, %add3A_15 : i32
    %run_scoped3A = arith.constant 0 : i32
    "tpu.region"() ({
      %run_scoped3A_65 = tpu.sem_alloc : memref<!tpu.dma_semaphore, #tpu.memory_space<semaphore_mem>>
      %dma_start3A_66 = arith.constant 0 : i32
      %dma_start3A_67 = arith.constant 0 : i32
      %dma_start3A_68 = tpu.memref_slice %arg14[%run_scoped3A, %dma_start3A_66, %dma_start3A_67] : memref<2x64x64xf32, #tpu.memory_space<vmem>> -> memref<1x64x64xf32, #tpu.memory_space<vmem>>
      %dma_start3A_69 = tpu.memref_squeeze %dma_start3A_68 : memref<1x64x64xf32, #tpu.memory_space<vmem>> -> memref<64x64xf32, #tpu.memory_space<vmem>>
      %dma_start3A_70 = arith.constant 0 : i32
      %dma_start3A_71 = tpu.memref_slice %arg17[%add3A_16, %dma_start3A_70] : memref<10112x64xf32, #tpu.memory_space<vmem_shared>> -> memref<64x64xf32, #tpu.memory_space<vmem_shared>>
      %dma_start3A_72 = arith.constant 0 : i32
      %dma_start3A_73 = tpu.memref_slice %arg17[%add3A_16, %dma_start3A_72] : memref<10112x64xf32, #tpu.memory_space<vmem_shared>> -> memref<64x64xf32, #tpu.memory_space<vmem_shared>>
      %dma_start3A_74 = arith.constant 0 : i32
      %dma_start3A_75 = arith.constant 0 : i32
      %dma_start3A_76 = tpu.memref_slice %arg14[%run_scoped3A, %dma_start3A_74, %dma_start3A_75] : memref<2x64x64xf32, #tpu.memory_space<vmem>> -> memref<1x64x64xf32, #tpu.memory_space<vmem>>
      %dma_start3A_77 = tpu.memref_squeeze %dma_start3A_76 : memref<1x64x64xf32, #tpu.memory_space<vmem>> -> memref<64x64xf32, #tpu.memory_space<vmem>>
      tpu.enqueue_dma source(%dma_start3A_77 : memref<64x64xf32, #tpu.memory_space<vmem>>) target(%dma_start3A_73 : memref<64x64xf32, #tpu.memory_space<vmem_shared>>) target_semaphore(%run_scoped3A_65 : memref<!tpu.dma_semaphore, #tpu.memory_space<semaphore_mem>>)
      %dma_wait3A = arith.constant 0 : i32
      %dma_wait3A_78 = arith.constant 0 : i32
      %dma_wait3A_79 = tpu.memref_slice %arg14[%run_scoped3A, %dma_wait3A, %dma_wait3A_78] : memref<2x64x64xf32, #tpu.memory_space<vmem>> -> memref<1x64x64xf32, #tpu.memory_space<vmem>>
      %dma_wait3A_80 = tpu.memref_squeeze %dma_wait3A_79 : memref<1x64x64xf32, #tpu.memory_space<vmem>> -> memref<64x64xf32, #tpu.memory_space<vmem>>
      %dma_wait3A_81 = arith.constant 0 : i32
      %dma_wait3A_82 = tpu.memref_slice %arg17[%add3A_16, %dma_wait3A_81] : memref<10112x64xf32, #tpu.memory_space<vmem_shared>> -> memref<64x64xf32, #tpu.memory_space<vmem_shared>>
      %dma_wait3A_83 = arith.constant 0 : i32
      %dma_wait3A_84 = tpu.memref_slice %arg17[%add3A_16, %dma_wait3A_83] : memref<10112x64xf32, #tpu.memory_space<vmem_shared>> -> memref<64x64xf32, #tpu.memory_space<vmem_shared>>
      %dma_wait3A_85 = arith.constant 0 : i32
      %dma_wait3A_86 = arith.constant 0 : i32
      %dma_wait3A_87 = tpu.memref_slice %arg14[%run_scoped3A, %dma_wait3A_85, %dma_wait3A_86] : memref<2x64x64xf32, #tpu.memory_space<vmem>> -> memref<1x64x64xf32, #tpu.memory_space<vmem>>
      %dma_wait3A_88 = tpu.memref_squeeze %dma_wait3A_87 : memref<1x64x64xf32, #tpu.memory_space<vmem>> -> memref<64x64xf32, #tpu.memory_space<vmem>>
      tpu.wait_dma2 semaphore(%run_scoped3A_65 : memref<!tpu.dma_semaphore, #tpu.memory_space<semaphore_mem>>) src(%dma_wait3A_88 : memref<64x64xf32, #tpu.memory_space<vmem>>) dst(%dma_wait3A_84 : memref<64x64xf32, #tpu.memory_space<vmem_shared>>)
      tpu.yield
    }) : () -> ()
    %add3A_17 = arith.constant 64 : i32
    %add3A_18 = arith.addi %mul3A_14, %add3A_17 : i32
    %run_scoped3A_19 = arith.constant 0 : i32
    "tpu.region"() ({
      %run_scoped3A_65 = tpu.sem_alloc : memref<!tpu.dma_semaphore, #tpu.memory_space<semaphore_mem>>
      %dma_start3A_66 = arith.constant 0 : i32
      %dma_start3A_67 = arith.constant 0 : i32
      %dma_start3A_68 = tpu.memref_slice %arg14[%run_scoped3A_19, %dma_start3A_66, %dma_start3A_67] : memref<2x64x64xf32, #tpu.memory_space<vmem>> -> memref<1x64x64xf32, #tpu.memory_space<vmem>>
      %dma_start3A_69 = tpu.memref_squeeze %dma_start3A_68 : memref<1x64x64xf32, #tpu.memory_space<vmem>> -> memref<64x64xf32, #tpu.memory_space<vmem>>
      %dma_start3A_70 = arith.constant 0 : i32
      %dma_start3A_71 = tpu.memref_slice %arg17[%add3A_18, %dma_start3A_70] : memref<10112x64xf32, #tpu.memory_space<vmem_shared>> -> memref<64x64xf32, #tpu.memory_space<vmem_shared>>
      %dma_start3A_72 = arith.constant 0 : i32
      %dma_start3A_73 = tpu.memref_slice %arg17[%add3A_18, %dma_start3A_72] : memref<10112x64xf32, #tpu.memory_space<vmem_shared>> -> memref<64x64xf32, #tpu.memory_space<vmem_shared>>
      %dma_start3A_74 = arith.constant 0 : i32
      %dma_start3A_75 = arith.constant 0 : i32
      %dma_start3A_76 = tpu.memref_slice %arg14[%run_scoped3A_19, %dma_start3A_74, %dma_start3A_75] : memref<2x64x64xf32, #tpu.memory_space<vmem>> -> memref<1x64x64xf32, #tpu.memory_space<vmem>>
      %dma_start3A_77 = tpu.memref_squeeze %dma_start3A_76 : memref<1x64x64xf32, #tpu.memory_space<vmem>> -> memref<64x64xf32, #tpu.memory_space<vmem>>
      tpu.enqueue_dma source(%dma_start3A_77 : memref<64x64xf32, #tpu.memory_space<vmem>>) target(%dma_start3A_73 : memref<64x64xf32, #tpu.memory_space<vmem_shared>>) target_semaphore(%run_scoped3A_65 : memref<!tpu.dma_semaphore, #tpu.memory_space<semaphore_mem>>)
      %dma_wait3A = arith.constant 0 : i32
      %dma_wait3A_78 = arith.constant 0 : i32
      %dma_wait3A_79 = tpu.memref_slice %arg14[%run_scoped3A_19, %dma_wait3A, %dma_wait3A_78] : memref<2x64x64xf32, #tpu.memory_space<vmem>> -> memref<1x64x64xf32, #tpu.memory_space<vmem>>
      %dma_wait3A_80 = tpu.memref_squeeze %dma_wait3A_79 : memref<1x64x64xf32, #tpu.memory_space<vmem>> -> memref<64x64xf32, #tpu.memory_space<vmem>>
      %dma_wait3A_81 = arith.constant 0 : i32
      %dma_wait3A_82 = tpu.memref_slice %arg17[%add3A_18, %dma_wait3A_81] : memref<10112x64xf32, #tpu.memory_space<vmem_shared>> -> memref<64x64xf32, #tpu.memory_space<vmem_shared>>
      %dma_wait3A_83 = arith.constant 0 : i32
      %dma_wait3A_84 = tpu.memref_slice %arg17[%add3A_18, %dma_wait3A_83] : memref<10112x64xf32, #tpu.memory_space<vmem_shared>> -> memref<64x64xf32, #tpu.memory_space<vmem_shared>>
      %dma_wait3A_85 = arith.constant 0 : i32
      %dma_wait3A_86 = arith.constant 0 : i32
      %dma_wait3A_87 = tpu.memref_slice %arg14[%run_scoped3A_19, %dma_wait3A_85, %dma_wait3A_86] : memref<2x64x64xf32, #tpu.memory_space<vmem>> -> memref<1x64x64xf32, #tpu.memory_space<vmem>>
      %dma_wait3A_88 = tpu.memref_squeeze %dma_wait3A_87 : memref<1x64x64xf32, #tpu.memory_space<vmem>> -> memref<64x64xf32, #tpu.memory_space<vmem>>
      tpu.wait_dma2 semaphore(%run_scoped3A_65 : memref<!tpu.dma_semaphore, #tpu.memory_space<semaphore_mem>>) src(%dma_wait3A_88 : memref<64x64xf32, #tpu.memory_space<vmem>>) dst(%dma_wait3A_84 : memref<64x64xf32, #tpu.memory_space<vmem_shared>>)
      tpu.yield
    }) : () -> ()
    %add3A_20 = arith.constant 128 : i32
    %add3A_21 = arith.addi %mul3A_14, %add3A_20 : i32
    %run_scoped3A_22 = arith.constant 0 : i32
    "tpu.region"() ({
      %run_scoped3A_65 = tpu.sem_alloc : memref<!tpu.dma_semaphore, #tpu.memory_space<semaphore_mem>>
      %dma_start3A_66 = arith.constant 0 : i32
      %dma_start3A_67 = arith.constant 0 : i32
      %dma_start3A_68 = tpu.memref_slice %arg14[%run_scoped3A_22, %dma_start3A_66, %dma_start3A_67] : memref<2x64x64xf32, #tpu.memory_space<vmem>> -> memref<1x64x64xf32, #tpu.memory_space<vmem>>
      %dma_start3A_69 = tpu.memref_squeeze %dma_start3A_68 : memref<1x64x64xf32, #tpu.memory_space<vmem>> -> memref<64x64xf32, #tpu.memory_space<vmem>>
      %dma_start3A_70 = arith.constant 0 : i32
      %dma_start3A_71 = tpu.memref_slice %arg17[%add3A_21, %dma_start3A_70] : memref<10112x64xf32, #tpu.memory_space<vmem_shared>> -> memref<64x64xf32, #tpu.memory_space<vmem_shared>>
      %dma_start3A_72 = arith.constant 0 : i32
      %dma_start3A_73 = tpu.memref_slice %arg17[%add3A_21, %dma_start3A_72] : memref<10112x64xf32, #tpu.memory_space<vmem_shared>> -> memref<64x64xf32, #tpu.memory_space<vmem_shared>>
      %dma_start3A_74 = arith.constant 0 : i32
      %dma_start3A_75 = arith.constant 0 : i32
      %dma_start3A_76 = tpu.memref_slice %arg14[%run_scoped3A_22, %dma_start3A_74, %dma_start3A_75] : memref<2x64x64xf32, #tpu.memory_space<vmem>> -> memref<1x64x64xf32, #tpu.memory_space<vmem>>
      %dma_start3A_77 = tpu.memref_squeeze %dma_start3A_76 : memref<1x64x64xf32, #tpu.memory_space<vmem>> -> memref<64x64xf32, #tpu.memory_space<vmem>>
      tpu.enqueue_dma source(%dma_start3A_77 : memref<64x64xf32, #tpu.memory_space<vmem>>) target(%dma_start3A_73 : memref<64x64xf32, #tpu.memory_space<vmem_shared>>) target_semaphore(%run_scoped3A_65 : memref<!tpu.dma_semaphore, #tpu.memory_space<semaphore_mem>>)
      %dma_wait3A = arith.constant 0 : i32
      %dma_wait3A_78 = arith.constant 0 : i32
      %dma_wait3A_79 = tpu.memref_slice %arg14[%run_scoped3A_22, %dma_wait3A, %dma_wait3A_78] : memref<2x64x64xf32, #tpu.memory_space<vmem>> -> memref<1x64x64xf32, #tpu.memory_space<vmem>>
      %dma_wait3A_80 = tpu.memref_squeeze %dma_wait3A_79 : memref<1x64x64xf32, #tpu.memory_space<vmem>> -> memref<64x64xf32, #tpu.memory_space<vmem>>
      %dma_wait3A_81 = arith.constant 0 : i32
      %dma_wait3A_82 = tpu.memref_slice %arg17[%add3A_21, %dma_wait3A_81] : memref<10112x64xf32, #tpu.memory_space<vmem_shared>> -> memref<64x64xf32, #tpu.memory_space<vmem_shared>>
      %dma_wait3A_83 = arith.constant 0 : i32
      %dma_wait3A_84 = tpu.memref_slice %arg17[%add3A_21, %dma_wait3A_83] : memref<10112x64xf32, #tpu.memory_space<vmem_shared>> -> memref<64x64xf32, #tpu.memory_space<vmem_shared>>
      %dma_wait3A_85 = arith.constant 0 : i32
      %dma_wait3A_86 = arith.constant 0 : i32
      %dma_wait3A_87 = tpu.memref_slice %arg14[%run_scoped3A_22, %dma_wait3A_85, %dma_wait3A_86] : memref<2x64x64xf32, #tpu.memory_space<vmem>> -> memref<1x64x64xf32, #tpu.memory_space<vmem>>
      %dma_wait3A_88 = tpu.memref_squeeze %dma_wait3A_87 : memref<1x64x64xf32, #tpu.memory_space<vmem>> -> memref<64x64xf32, #tpu.memory_space<vmem>>
      tpu.wait_dma2 semaphore(%run_scoped3A_65 : memref<!tpu.dma_semaphore, #tpu.memory_space<semaphore_mem>>) src(%dma_wait3A_88 : memref<64x64xf32, #tpu.memory_space<vmem>>) dst(%dma_wait3A_84 : memref<64x64xf32, #tpu.memory_space<vmem_shared>>)
      tpu.yield
    }) : () -> ()
    %add3A_23 = arith.constant 192 : i32
    %add3A_24 = arith.addi %mul3A_14, %add3A_23 : i32
    %run_scoped3A_25 = arith.constant 0 : i32
    "tpu.region"() ({
      %run_scoped3A_65 = tpu.sem_alloc : memref<!tpu.dma_semaphore, #tpu.memory_space<semaphore_mem>>
      %dma_start3A_66 = arith.constant 0 : i32
      %dma_start3A_67 = arith.constant 0 : i32
      %dma_start3A_68 = tpu.memref_slice %arg14[%run_scoped3A_25, %dma_start3A_66, %dma_start3A_67] : memref<2x64x64xf32, #tpu.memory_space<vmem>> -> memref<1x64x64xf32, #tpu.memory_space<vmem>>
      %dma_start3A_69 = tpu.memref_squeeze %dma_start3A_68 : memref<1x64x64xf32, #tpu.memory_space<vmem>> -> memref<64x64xf32, #tpu.memory_space<vmem>>
      %dma_start3A_70 = arith.constant 0 : i32
      %dma_start3A_71 = tpu.memref_slice %arg17[%add3A_24, %dma_start3A_70] : memref<10112x64xf32, #tpu.memory_space<vmem_shared>> -> memref<64x64xf32, #tpu.memory_space<vmem_shared>>
      %dma_start3A_72 = arith.constant 0 : i32
      %dma_start3A_73 = tpu.memref_slice %arg17[%add3A_24, %dma_start3A_72] : memref<10112x64xf32, #tpu.memory_space<vmem_shared>> -> memref<64x64xf32, #tpu.memory_space<vmem_shared>>
      %dma_start3A_74 = arith.constant 0 : i32
      %dma_start3A_75 = arith.constant 0 : i32
      %dma_start3A_76 = tpu.memref_slice %arg14[%run_scoped3A_25, %dma_start3A_74, %dma_start3A_75] : memref<2x64x64xf32, #tpu.memory_space<vmem>> -> memref<1x64x64xf32, #tpu.memory_space<vmem>>
      %dma_start3A_77 = tpu.memref_squeeze %dma_start3A_76 : memref<1x64x64xf32, #tpu.memory_space<vmem>> -> memref<64x64xf32, #tpu.memory_space<vmem>>
      tpu.enqueue_dma source(%dma_start3A_77 : memref<64x64xf32, #tpu.memory_space<vmem>>) target(%dma_start3A_73 : memref<64x64xf32, #tpu.memory_space<vmem_shared>>) target_semaphore(%run_scoped3A_65 : memref<!tpu.dma_semaphore, #tpu.memory_space<semaphore_mem>>)
      %dma_wait3A = arith.constant 0 : i32
      %dma_wait3A_78 = arith.constant 0 : i32
      %dma_wait3A_79 = tpu.memref_slice %arg14[%run_scoped3A_25, %dma_wait3A, %dma_wait3A_78] : memref<2x64x64xf32, #tpu.memory_space<vmem>> -> memref<1x64x64xf32, #tpu.memory_space<vmem>>
      %dma_wait3A_80 = tpu.memref_squeeze %dma_wait3A_79 : memref<1x64x64xf32, #tpu.memory_space<vmem>> -> memref<64x64xf32, #tpu.memory_space<vmem>>
      %dma_wait3A_81 = arith.constant 0 : i32
      %dma_wait3A_82 = tpu.memref_slice %arg17[%add3A_24, %dma_wait3A_81] : memref<10112x64xf32, #tpu.memory_space<vmem_shared>> -> memref<64x64xf32, #tpu.memory_space<vmem_shared>>
      %dma_wait3A_83 = arith.constant 0 : i32
      %dma_wait3A_84 = tpu.memref_slice %arg17[%add3A_24, %dma_wait3A_83] : memref<10112x64xf32, #tpu.memory_space<vmem_shared>> -> memref<64x64xf32, #tpu.memory_space<vmem_shared>>
      %dma_wait3A_85 = arith.constant 0 : i32
      %dma_wait3A_86 = arith.constant 0 : i32
      %dma_wait3A_87 = tpu.memref_slice %arg14[%run_scoped3A_25, %dma_wait3A_85, %dma_wait3A_86] : memref<2x64x64xf32, #tpu.memory_space<vmem>> -> memref<1x64x64xf32, #tpu.memory_space<vmem>>
      %dma_wait3A_88 = tpu.memref_squeeze %dma_wait3A_87 : memref<1x64x64xf32, #tpu.memory_space<vmem>> -> memref<64x64xf32, #tpu.memory_space<vmem>>
      tpu.wait_dma2 semaphore(%run_scoped3A_65 : memref<!tpu.dma_semaphore, #tpu.memory_space<semaphore_mem>>) src(%dma_wait3A_88 : memref<64x64xf32, #tpu.memory_space<vmem>>) dst(%dma_wait3A_84 : memref<64x64xf32, #tpu.memory_space<vmem_shared>>)
      tpu.yield
    }) : () -> ()
    %add3A_26 = arith.constant 256 : i32
    %add3A_27 = arith.addi %mul3A_14, %add3A_26 : i32
    %run_scoped3A_28 = arith.constant 0 : i32
    "tpu.region"() ({
      %run_scoped3A_65 = tpu.sem_alloc : memref<!tpu.dma_semaphore, #tpu.memory_space<semaphore_mem>>
      %dma_start3A_66 = arith.constant 0 : i32
      %dma_start3A_67 = arith.constant 0 : i32
      %dma_start3A_68 = tpu.memref_slice %arg14[%run_scoped3A_28, %dma_start3A_66, %dma_start3A_67] : memref<2x64x64xf32, #tpu.memory_space<vmem>> -> memref<1x64x64xf32, #tpu.memory_space<vmem>>
      %dma_start3A_69 = tpu.memref_squeeze %dma_start3A_68 : memref<1x64x64xf32, #tpu.memory_space<vmem>> -> memref<64x64xf32, #tpu.memory_space<vmem>>
      %dma_start3A_70 = arith.constant 0 : i32
      %dma_start3A_71 = tpu.memref_slice %arg17[%add3A_27, %dma_start3A_70] : memref<10112x64xf32, #tpu.memory_space<vmem_shared>> -> memref<64x64xf32, #tpu.memory_space<vmem_shared>>
      %dma_start3A_72 = arith.constant 0 : i32
      %dma_start3A_73 = tpu.memref_slice %arg17[%add3A_27, %dma_start3A_72] : memref<10112x64xf32, #tpu.memory_space<vmem_shared>> -> memref<64x64xf32, #tpu.memory_space<vmem_shared>>
      %dma_start3A_74 = arith.constant 0 : i32
      %dma_start3A_75 = arith.constant 0 : i32
      %dma_start3A_76 = tpu.memref_slice %arg14[%run_scoped3A_28, %dma_start3A_74, %dma_start3A_75] : memref<2x64x64xf32, #tpu.memory_space<vmem>> -> memref<1x64x64xf32, #tpu.memory_space<vmem>>
      %dma_start3A_77 = tpu.memref_squeeze %dma_start3A_76 : memref<1x64x64xf32, #tpu.memory_space<vmem>> -> memref<64x64xf32, #tpu.memory_space<vmem>>
      tpu.enqueue_dma source(%dma_start3A_77 : memref<64x64xf32, #tpu.memory_space<vmem>>) target(%dma_start3A_73 : memref<64x64xf32, #tpu.memory_space<vmem_shared>>) target_semaphore(%run_scoped3A_65 : memref<!tpu.dma_semaphore, #tpu.memory_space<semaphore_mem>>)
      %dma_wait3A = arith.constant 0 : i32
      %dma_wait3A_78 = arith.constant 0 : i32
      %dma_wait3A_79 = tpu.memref_slice %arg14[%run_scoped3A_28, %dma_wait3A, %dma_wait3A_78] : memref<2x64x64xf32, #tpu.memory_space<vmem>> -> memref<1x64x64xf32, #tpu.memory_space<vmem>>
      %dma_wait3A_80 = tpu.memref_squeeze %dma_wait3A_79 : memref<1x64x64xf32, #tpu.memory_space<vmem>> -> memref<64x64xf32, #tpu.memory_space<vmem>>
      %dma_wait3A_81 = arith.constant 0 : i32
      %dma_wait3A_82 = tpu.memref_slice %arg17[%add3A_27, %dma_wait3A_81] : memref<10112x64xf32, #tpu.memory_space<vmem_shared>> -> memref<64x64xf32, #tpu.memory_space<vmem_shared>>
      %dma_wait3A_83 = arith.constant 0 : i32
      %dma_wait3A_84 = tpu.memref_slice %arg17[%add3A_27, %dma_wait3A_83] : memref<10112x64xf32, #tpu.memory_space<vmem_shared>> -> memref<64x64xf32, #tpu.memory_space<vmem_shared>>
      %dma_wait3A_85 = arith.constant 0 : i32
      %dma_wait3A_86 = arith.constant 0 : i32
      %dma_wait3A_87 = tpu.memref_slice %arg14[%run_scoped3A_28, %dma_wait3A_85, %dma_wait3A_86] : memref<2x64x64xf32, #tpu.memory_space<vmem>> -> memref<1x64x64xf32, #tpu.memory_space<vmem>>
      %dma_wait3A_88 = tpu.memref_squeeze %dma_wait3A_87 : memref<1x64x64xf32, #tpu.memory_space<vmem>> -> memref<64x64xf32, #tpu.memory_space<vmem>>
      tpu.wait_dma2 semaphore(%run_scoped3A_65 : memref<!tpu.dma_semaphore, #tpu.memory_space<semaphore_mem>>) src(%dma_wait3A_88 : memref<64x64xf32, #tpu.memory_space<vmem>>) dst(%dma_wait3A_84 : memref<64x64xf32, #tpu.memory_space<vmem_shared>>)
      tpu.yield
    }) : () -> ()
    %add3A_29 = arith.constant 320 : i32
    %add3A_30 = arith.addi %mul3A_14, %add3A_29 : i32
    %run_scoped3A_31 = arith.constant 0 : i32
    "tpu.region"() ({
      %run_scoped3A_65 = tpu.sem_alloc : memref<!tpu.dma_semaphore, #tpu.memory_space<semaphore_mem>>
      %dma_start3A_66 = arith.constant 0 : i32
      %dma_start3A_67 = arith.constant 0 : i32
      %dma_start3A_68 = tpu.memref_slice %arg14[%run_scoped3A_31, %dma_start3A_66, %dma_start3A_67] : memref<2x64x64xf32, #tpu.memory_space<vmem>> -> memref<1x64x64xf32, #tpu.memory_space<vmem>>
      %dma_start3A_69 = tpu.memref_squeeze %dma_start3A_68 : memref<1x64x64xf32, #tpu.memory_space<vmem>> -> memref<64x64xf32, #tpu.memory_space<vmem>>
      %dma_start3A_70 = arith.constant 0 : i32
      %dma_start3A_71 = tpu.memref_slice %arg17[%add3A_30, %dma_start3A_70] : memref<10112x64xf32, #tpu.memory_space<vmem_shared>> -> memref<64x64xf32, #tpu.memory_space<vmem_shared>>
      %dma_start3A_72 = arith.constant 0 : i32
      %dma_start3A_73 = tpu.memref_slice %arg17[%add3A_30, %dma_start3A_72] : memref<10112x64xf32, #tpu.memory_space<vmem_shared>> -> memref<64x64xf32, #tpu.memory_space<vmem_shared>>
      %dma_start3A_74 = arith.constant 0 : i32
      %dma_start3A_75 = arith.constant 0 : i32
      %dma_start3A_76 = tpu.memref_slice %arg14[%run_scoped3A_31, %dma_start3A_74, %dma_start3A_75] : memref<2x64x64xf32, #tpu.memory_space<vmem>> -> memref<1x64x64xf32, #tpu.memory_space<vmem>>
      %dma_start3A_77 = tpu.memref_squeeze %dma_start3A_76 : memref<1x64x64xf32, #tpu.memory_space<vmem>> -> memref<64x64xf32, #tpu.memory_space<vmem>>
      tpu.enqueue_dma source(%dma_start3A_77 : memref<64x64xf32, #tpu.memory_space<vmem>>) target(%dma_start3A_73 : memref<64x64xf32, #tpu.memory_space<vmem_shared>>) target_semaphore(%run_scoped3A_65 : memref<!tpu.dma_semaphore, #tpu.memory_space<semaphore_mem>>)
      %dma_wait3A = arith.constant 0 : i32
      %dma_wait3A_78 = arith.constant 0 : i32
      %dma_wait3A_79 = tpu.memref_slice %arg14[%run_scoped3A_31, %dma_wait3A, %dma_wait3A_78] : memref<2x64x64xf32, #tpu.memory_space<vmem>> -> memref<1x64x64xf32, #tpu.memory_space<vmem>>
      %dma_wait3A_80 = tpu.memref_squeeze %dma_wait3A_79 : memref<1x64x64xf32, #tpu.memory_space<vmem>> -> memref<64x64xf32, #tpu.memory_space<vmem>>
      %dma_wait3A_81 = arith.constant 0 : i32
      %dma_wait3A_82 = tpu.memref_slice %arg17[%add3A_30, %dma_wait3A_81] : memref<10112x64xf32, #tpu.memory_space<vmem_shared>> -> memref<64x64xf32, #tpu.memory_space<vmem_shared>>
      %dma_wait3A_83 = arith.constant 0 : i32
      %dma_wait3A_84 = tpu.memref_slice %arg17[%add3A_30, %dma_wait3A_83] : memref<10112x64xf32, #tpu.memory_space<vmem_shared>> -> memref<64x64xf32, #tpu.memory_space<vmem_shared>>
      %dma_wait3A_85 = arith.constant 0 : i32
      %dma_wait3A_86 = arith.constant 0 : i32
      %dma_wait3A_87 = tpu.memref_slice %arg14[%run_scoped3A_31, %dma_wait3A_85, %dma_wait3A_86] : memref<2x64x64xf32, #tpu.memory_space<vmem>> -> memref<1x64x64xf32, #tpu.memory_space<vmem>>
      %dma_wait3A_88 = tpu.memref_squeeze %dma_wait3A_87 : memref<1x64x64xf32, #tpu.memory_space<vmem>> -> memref<64x64xf32, #tpu.memory_space<vmem>>
      tpu.wait_dma2 semaphore(%run_scoped3A_65 : memref<!tpu.dma_semaphore, #tpu.memory_space<semaphore_mem>>) src(%dma_wait3A_88 : memref<64x64xf32, #tpu.memory_space<vmem>>) dst(%dma_wait3A_84 : memref<64x64xf32, #tpu.memory_space<vmem_shared>>)
      tpu.yield
    }) : () -> ()
    %add3A_32 = arith.constant 384 : i32
    %add3A_33 = arith.addi %mul3A_14, %add3A_32 : i32
    %run_scoped3A_34 = arith.constant 0 : i32
    "tpu.region"() ({
      %run_scoped3A_65 = tpu.sem_alloc : memref<!tpu.dma_semaphore, #tpu.memory_space<semaphore_mem>>
      %dma_start3A_66 = arith.constant 0 : i32
      %dma_start3A_67 = arith.constant 0 : i32
      %dma_start3A_68 = tpu.memref_slice %arg14[%run_scoped3A_34, %dma_start3A_66, %dma_start3A_67] : memref<2x64x64xf32, #tpu.memory_space<vmem>> -> memref<1x64x64xf32, #tpu.memory_space<vmem>>
      %dma_start3A_69 = tpu.memref_squeeze %dma_start3A_68 : memref<1x64x64xf32, #tpu.memory_space<vmem>> -> memref<64x64xf32, #tpu.memory_space<vmem>>
      %dma_start3A_70 = arith.constant 0 : i32
      %dma_start3A_71 = tpu.memref_slice %arg17[%add3A_33, %dma_start3A_70] : memref<10112x64xf32, #tpu.memory_space<vmem_shared>> -> memref<64x64xf32, #tpu.memory_space<vmem_shared>>
      %dma_start3A_72 = arith.constant 0 : i32
      %dma_start3A_73 = tpu.memref_slice %arg17[%add3A_33, %dma_start3A_72] : memref<10112x64xf32, #tpu.memory_space<vmem_shared>> -> memref<64x64xf32, #tpu.memory_space<vmem_shared>>
      %dma_start3A_74 = arith.constant 0 : i32
      %dma_start3A_75 = arith.constant 0 : i32
      %dma_start3A_76 = tpu.memref_slice %arg14[%run_scoped3A_34, %dma_start3A_74, %dma_start3A_75] : memref<2x64x64xf32, #tpu.memory_space<vmem>> -> memref<1x64x64xf32, #tpu.memory_space<vmem>>
      %dma_start3A_77 = tpu.memref_squeeze %dma_start3A_76 : memref<1x64x64xf32, #tpu.memory_space<vmem>> -> memref<64x64xf32, #tpu.memory_space<vmem>>
      tpu.enqueue_dma source(%dma_start3A_77 : memref<64x64xf32, #tpu.memory_space<vmem>>) target(%dma_start3A_73 : memref<64x64xf32, #tpu.memory_space<vmem_shared>>) target_semaphore(%run_scoped3A_65 : memref<!tpu.dma_semaphore, #tpu.memory_space<semaphore_mem>>)
      %dma_wait3A = arith.constant 0 : i32
      %dma_wait3A_78 = arith.constant 0 : i32
      %dma_wait3A_79 = tpu.memref_slice %arg14[%run_scoped3A_34, %dma_wait3A, %dma_wait3A_78] : memref<2x64x64xf32, #tpu.memory_space<vmem>> -> memref<1x64x64xf32, #tpu.memory_space<vmem>>
      %dma_wait3A_80 = tpu.memref_squeeze %dma_wait3A_79 : memref<1x64x64xf32, #tpu.memory_space<vmem>> -> memref<64x64xf32, #tpu.memory_space<vmem>>
      %dma_wait3A_81 = arith.constant 0 : i32
      %dma_wait3A_82 = tpu.memref_slice %arg17[%add3A_33, %dma_wait3A_81] : memref<10112x64xf32, #tpu.memory_space<vmem_shared>> -> memref<64x64xf32, #tpu.memory_space<vmem_shared>>
      %dma_wait3A_83 = arith.constant 0 : i32
      %dma_wait3A_84 = tpu.memref_slice %arg17[%add3A_33, %dma_wait3A_83] : memref<10112x64xf32, #tpu.memory_space<vmem_shared>> -> memref<64x64xf32, #tpu.memory_space<vmem_shared>>
      %dma_wait3A_85 = arith.constant 0 : i32
      %dma_wait3A_86 = arith.constant 0 : i32
      %dma_wait3A_87 = tpu.memref_slice %arg14[%run_scoped3A_34, %dma_wait3A_85, %dma_wait3A_86] : memref<2x64x64xf32, #tpu.memory_space<vmem>> -> memref<1x64x64xf32, #tpu.memory_space<vmem>>
      %dma_wait3A_88 = tpu.memref_squeeze %dma_wait3A_87 : memref<1x64x64xf32, #tpu.memory_space<vmem>> -> memref<64x64xf32, #tpu.memory_space<vmem>>
      tpu.wait_dma2 semaphore(%run_scoped3A_65 : memref<!tpu.dma_semaphore, #tpu.memory_space<semaphore_mem>>) src(%dma_wait3A_88 : memref<64x64xf32, #tpu.memory_space<vmem>>) dst(%dma_wait3A_84 : memref<64x64xf32, #tpu.memory_space<vmem_shared>>)
      tpu.yield
    }) : () -> ()
    %add3A_35 = arith.constant 448 : i32
    %add3A_36 = arith.addi %mul3A_14, %add3A_35 : i32
    %run_scoped3A_37 = arith.constant 0 : i32
    "tpu.region"() ({
      %run_scoped3A_65 = tpu.sem_alloc : memref<!tpu.dma_semaphore, #tpu.memory_space<semaphore_mem>>
      %dma_start3A_66 = arith.constant 0 : i32
      %dma_start3A_67 = arith.constant 0 : i32
      %dma_start3A_68 = tpu.memref_slice %arg14[%run_scoped3A_37, %dma_start3A_66, %dma_start3A_67] : memref<2x64x64xf32, #tpu.memory_space<vmem>> -> memref<1x64x64xf32, #tpu.memory_space<vmem>>
      %dma_start3A_69 = tpu.memref_squeeze %dma_start3A_68 : memref<1x64x64xf32, #tpu.memory_space<vmem>> -> memref<64x64xf32, #tpu.memory_space<vmem>>
      %dma_start3A_70 = arith.constant 0 : i32
      %dma_start3A_71 = tpu.memref_slice %arg17[%add3A_36, %dma_start3A_70] : memref<10112x64xf32, #tpu.memory_space<vmem_shared>> -> memref<64x64xf32, #tpu.memory_space<vmem_shared>>
      %dma_start3A_72 = arith.constant 0 : i32
      %dma_start3A_73 = tpu.memref_slice %arg17[%add3A_36, %dma_start3A_72] : memref<10112x64xf32, #tpu.memory_space<vmem_shared>> -> memref<64x64xf32, #tpu.memory_space<vmem_shared>>
      %dma_start3A_74 = arith.constant 0 : i32
      %dma_start3A_75 = arith.constant 0 : i32
      %dma_start3A_76 = tpu.memref_slice %arg14[%run_scoped3A_37, %dma_start3A_74, %dma_start3A_75] : memref<2x64x64xf32, #tpu.memory_space<vmem>> -> memref<1x64x64xf32, #tpu.memory_space<vmem>>
      %dma_start3A_77 = tpu.memref_squeeze %dma_start3A_76 : memref<1x64x64xf32, #tpu.memory_space<vmem>> -> memref<64x64xf32, #tpu.memory_space<vmem>>
      tpu.enqueue_dma source(%dma_start3A_77 : memref<64x64xf32, #tpu.memory_space<vmem>>) target(%dma_start3A_73 : memref<64x64xf32, #tpu.memory_space<vmem_shared>>) target_semaphore(%run_scoped3A_65 : memref<!tpu.dma_semaphore, #tpu.memory_space<semaphore_mem>>)
      %dma_wait3A = arith.constant 0 : i32
      %dma_wait3A_78 = arith.constant 0 : i32
      %dma_wait3A_79 = tpu.memref_slice %arg14[%run_scoped3A_37, %dma_wait3A, %dma_wait3A_78] : memref<2x64x64xf32, #tpu.memory_space<vmem>> -> memref<1x64x64xf32, #tpu.memory_space<vmem>>
      %dma_wait3A_80 = tpu.memref_squeeze %dma_wait3A_79 : memref<1x64x64xf32, #tpu.memory_space<vmem>> -> memref<64x64xf32, #tpu.memory_space<vmem>>
      %dma_wait3A_81 = arith.constant 0 : i32
      %dma_wait3A_82 = tpu.memref_slice %arg17[%add3A_36, %dma_wait3A_81] : memref<10112x64xf32, #tpu.memory_space<vmem_shared>> -> memref<64x64xf32, #tpu.memory_space<vmem_shared>>
      %dma_wait3A_83 = arith.constant 0 : i32
      %dma_wait3A_84 = tpu.memref_slice %arg17[%add3A_36, %dma_wait3A_83] : memref<10112x64xf32, #tpu.memory_space<vmem_shared>> -> memref<64x64xf32, #tpu.memory_space<vmem_shared>>
      %dma_wait3A_85 = arith.constant 0 : i32
      %dma_wait3A_86 = arith.constant 0 : i32
      %dma_wait3A_87 = tpu.memref_slice %arg14[%run_scoped3A_37, %dma_wait3A_85, %dma_wait3A_86] : memref<2x64x64xf32, #tpu.memory_space<vmem>> -> memref<1x64x64xf32, #tpu.memory_space<vmem>>
      %dma_wait3A_88 = tpu.memref_squeeze %dma_wait3A_87 : memref<1x64x64xf32, #tpu.memory_space<vmem>> -> memref<64x64xf32, #tpu.memory_space<vmem>>
      tpu.wait_dma2 semaphore(%run_scoped3A_65 : memref<!tpu.dma_semaphore, #tpu.memory_space<semaphore_mem>>) src(%dma_wait3A_88 : memref<64x64xf32, #tpu.memory_space<vmem>>) dst(%dma_wait3A_84 : memref<64x64xf32, #tpu.memory_space<vmem_shared>>)
      tpu.yield
    }) : () -> ()
    %add3A_38 = arith.constant 512 : i32
    %add3A_39 = arith.addi %mul3A_14, %add3A_38 : i32
    %run_scoped3A_40 = arith.constant 0 : i32
    "tpu.region"() ({
      %run_scoped3A_65 = tpu.sem_alloc : memref<!tpu.dma_semaphore, #tpu.memory_space<semaphore_mem>>
      %dma_start3A_66 = arith.constant 0 : i32
      %dma_start3A_67 = arith.constant 0 : i32
      %dma_start3A_68 = tpu.memref_slice %arg14[%run_scoped3A_40, %dma_start3A_66, %dma_start3A_67] : memref<2x64x64xf32, #tpu.memory_space<vmem>> -> memref<1x64x64xf32, #tpu.memory_space<vmem>>
      %dma_start3A_69 = tpu.memref_squeeze %dma_start3A_68 : memref<1x64x64xf32, #tpu.memory_space<vmem>> -> memref<64x64xf32, #tpu.memory_space<vmem>>
      %dma_start3A_70 = arith.constant 0 : i32
      %dma_start3A_71 = tpu.memref_slice %arg17[%add3A_39, %dma_start3A_70] : memref<10112x64xf32, #tpu.memory_space<vmem_shared>> -> memref<64x64xf32, #tpu.memory_space<vmem_shared>>
      %dma_start3A_72 = arith.constant 0 : i32
      %dma_start3A_73 = tpu.memref_slice %arg17[%add3A_39, %dma_start3A_72] : memref<10112x64xf32, #tpu.memory_space<vmem_shared>> -> memref<64x64xf32, #tpu.memory_space<vmem_shared>>
      %dma_start3A_74 = arith.constant 0 : i32
      %dma_start3A_75 = arith.constant 0 : i32
      %dma_start3A_76 = tpu.memref_slice %arg14[%run_scoped3A_40, %dma_start3A_74, %dma_start3A_75] : memref<2x64x64xf32, #tpu.memory_space<vmem>> -> memref<1x64x64xf32, #tpu.memory_space<vmem>>
      %dma_start3A_77 = tpu.memref_squeeze %dma_start3A_76 : memref<1x64x64xf32, #tpu.memory_space<vmem>> -> memref<64x64xf32, #tpu.memory_space<vmem>>
      tpu.enqueue_dma source(%dma_start3A_77 : memref<64x64xf32, #tpu.memory_space<vmem>>) target(%dma_start3A_73 : memref<64x64xf32, #tpu.memory_space<vmem_shared>>) target_semaphore(%run_scoped3A_65 : memref<!tpu.dma_semaphore, #tpu.memory_space<semaphore_mem>>)
      %dma_wait3A = arith.constant 0 : i32
      %dma_wait3A_78 = arith.constant 0 : i32
      %dma_wait3A_79 = tpu.memref_slice %arg14[%run_scoped3A_40, %dma_wait3A, %dma_wait3A_78] : memref<2x64x64xf32, #tpu.memory_space<vmem>> -> memref<1x64x64xf32, #tpu.memory_space<vmem>>
      %dma_wait3A_80 = tpu.memref_squeeze %dma_wait3A_79 : memref<1x64x64xf32, #tpu.memory_space<vmem>> -> memref<64x64xf32, #tpu.memory_space<vmem>>
      %dma_wait3A_81 = arith.constant 0 : i32
      %dma_wait3A_82 = tpu.memref_slice %arg17[%add3A_39, %dma_wait3A_81] : memref<10112x64xf32, #tpu.memory_space<vmem_shared>> -> memref<64x64xf32, #tpu.memory_space<vmem_shared>>
      %dma_wait3A_83 = arith.constant 0 : i32
      %dma_wait3A_84 = tpu.memref_slice %arg17[%add3A_39, %dma_wait3A_83] : memref<10112x64xf32, #tpu.memory_space<vmem_shared>> -> memref<64x64xf32, #tpu.memory_space<vmem_shared>>
      %dma_wait3A_85 = arith.constant 0 : i32
      %dma_wait3A_86 = arith.constant 0 : i32
      %dma_wait3A_87 = tpu.memref_slice %arg14[%run_scoped3A_40, %dma_wait3A_85, %dma_wait3A_86] : memref<2x64x64xf32, #tpu.memory_space<vmem>> -> memref<1x64x64xf32, #tpu.memory_space<vmem>>
      %dma_wait3A_88 = tpu.memref_squeeze %dma_wait3A_87 : memref<1x64x64xf32, #tpu.memory_space<vmem>> -> memref<64x64xf32, #tpu.memory_space<vmem>>
      tpu.wait_dma2 semaphore(%run_scoped3A_65 : memref<!tpu.dma_semaphore, #tpu.memory_space<semaphore_mem>>) src(%dma_wait3A_88 : memref<64x64xf32, #tpu.memory_space<vmem>>) dst(%dma_wait3A_84 : memref<64x64xf32, #tpu.memory_space<vmem_shared>>)
      tpu.yield
    }) : () -> ()
    %add3A_41 = arith.constant 576 : i32
    %add3A_42 = arith.addi %mul3A_14, %add3A_41 : i32
    %run_scoped3A_43 = arith.constant 0 : i32
    "tpu.region"() ({
      %run_scoped3A_65 = tpu.sem_alloc : memref<!tpu.dma_semaphore, #tpu.memory_space<semaphore_mem>>
      %dma_start3A_66 = arith.constant 0 : i32
      %dma_start3A_67 = arith.constant 0 : i32
      %dma_start3A_68 = tpu.memref_slice %arg14[%run_scoped3A_43, %dma_start3A_66, %dma_start3A_67] : memref<2x64x64xf32, #tpu.memory_space<vmem>> -> memref<1x56x64xf32, #tpu.memory_space<vmem>>
      %dma_start3A_69 = tpu.memref_squeeze %dma_start3A_68 : memref<1x56x64xf32, #tpu.memory_space<vmem>> -> memref<56x64xf32, #tpu.memory_space<vmem>>
      %dma_start3A_70 = arith.constant 0 : i32
      %dma_start3A_71 = tpu.memref_slice %arg17[%add3A_42, %dma_start3A_70] : memref<10112x64xf32, #tpu.memory_space<vmem_shared>> -> memref<56x64xf32, #tpu.memory_space<vmem_shared>>
      %dma_start3A_72 = arith.constant 0 : i32
      %dma_start3A_73 = tpu.memref_slice %arg17[%add3A_42, %dma_start3A_72] : memref<10112x64xf32, #tpu.memory_space<vmem_shared>> -> memref<56x64xf32, #tpu.memory_space<vmem_shared>>
      %dma_start3A_74 = arith.constant 0 : i32
      %dma_start3A_75 = arith.constant 0 : i32
      %dma_start3A_76 = tpu.memref_slice %arg14[%run_scoped3A_43, %dma_start3A_74, %dma_start3A_75] : memref<2x64x64xf32, #tpu.memory_space<vmem>> -> memref<1x56x64xf32, #tpu.memory_space<vmem>>
      %dma_start3A_77 = tpu.memref_squeeze %dma_start3A_76 : memref<1x56x64xf32, #tpu.memory_space<vmem>> -> memref<56x64xf32, #tpu.memory_space<vmem>>
      tpu.enqueue_dma source(%dma_start3A_77 : memref<56x64xf32, #tpu.memory_space<vmem>>) target(%dma_start3A_73 : memref<56x64xf32, #tpu.memory_space<vmem_shared>>) target_semaphore(%run_scoped3A_65 : memref<!tpu.dma_semaphore, #tpu.memory_space<semaphore_mem>>)
      %dma_wait3A = arith.constant 0 : i32
      %dma_wait3A_78 = arith.constant 0 : i32
      %dma_wait3A_79 = tpu.memref_slice %arg14[%run_scoped3A_43, %dma_wait3A, %dma_wait3A_78] : memref<2x64x64xf32, #tpu.memory_space<vmem>> -> memref<1x56x64xf32, #tpu.memory_space<vmem>>
      %dma_wait3A_80 = tpu.memref_squeeze %dma_wait3A_79 : memref<1x56x64xf32, #tpu.memory_space<vmem>> -> memref<56x64xf32, #tpu.memory_space<vmem>>
      %dma_wait3A_81 = arith.constant 0 : i32
      %dma_wait3A_82 = tpu.memref_slice %arg17[%add3A_42, %dma_wait3A_81] : memref<10112x64xf32, #tpu.memory_space<vmem_shared>> -> memref<56x64xf32, #tpu.memory_space<vmem_shared>>
      %dma_wait3A_83 = arith.constant 0 : i32
      %dma_wait3A_84 = tpu.memref_slice %arg17[%add3A_42, %dma_wait3A_83] : memref<10112x64xf32, #tpu.memory_space<vmem_shared>> -> memref<56x64xf32, #tpu.memory_space<vmem_shared>>
      %dma_wait3A_85 = arith.constant 0 : i32
      %dma_wait3A_86 = arith.constant 0 : i32
      %dma_wait3A_87 = tpu.memref_slice %arg14[%run_scoped3A_43, %dma_wait3A_85, %dma_wait3A_86] : memref<2x64x64xf32, #tpu.memory_space<vmem>> -> memref<1x56x64xf32, #tpu.memory_space<vmem>>
      %dma_wait3A_88 = tpu.memref_squeeze %dma_wait3A_87 : memref<1x56x64xf32, #tpu.memory_space<vmem>> -> memref<56x64xf32, #tpu.memory_space<vmem>>
      tpu.wait_dma2 semaphore(%run_scoped3A_65 : memref<!tpu.dma_semaphore, #tpu.memory_space<semaphore_mem>>) src(%dma_wait3A_88 : memref<56x64xf32, #tpu.memory_space<vmem>>) dst(%dma_wait3A_84 : memref<56x64xf32, #tpu.memory_space<vmem_shared>>)
      tpu.yield
    }) : () -> ()
    %barrier3A = arith.constant 0 : index
    tpu.barrier barrier_id(%barrier3A)
    %get3A = arith.constant 0 : index
    %get3A_44 = tpu.vector_load %arg16[%get3A] {strides = array<i32>} : memref<32xf32, #tpu.memory_space<vmem>>, vector<16xf32>,
    %get3A_45 = arith.constant 16 : index
    %get3A_46 = tpu.vector_load %arg16[%get3A_45] {strides = array<i32>} : memref<32xf32, #tpu.memory_space<vmem>>, vector<16xf32>,
    %dma_start3A = arith.constant 0 : i32
    %dma_start3A_47 = arith.constant 0 : i32
    %dma_start3A_48 = arith.constant 0 : i32
    %dma_start3A_49 = arith.constant 0 : i32
    %dma_start3A_50 = tpu.memref_slice %arg14[%dma_start3A_47, %dma_start3A_48, %dma_start3A_49] : memref<2x64x64xf32, #tpu.memory_space<vmem>> -> memref<1x64x64xf32, #tpu.memory_space<vmem>>
    %dma_start3A_51 = tpu.memref_squeeze %dma_start3A_50 : memref<1x64x64xf32, #tpu.memory_space<vmem>> -> memref<64x64xf32, #tpu.memory_space<vmem>>
    %dma_start3A_52 = arith.constant 0 : i32
    %dma_start3A_53 = tpu.memref_slice %arg10[%dma_start3A, %dma_start3A_52] : memref<162x64xi32, #tpu.memory_space<vmem>> -> memref<1x64xi32, #tpu.memory_space<vmem>>
    %dma_start3A_54 = tpu.memref_squeeze %dma_start3A_53 : memref<1x64xi32, #tpu.memory_space<vmem>> -> memref<64xi32, #tpu.memory_space<vmem>>
    %dma_start3A_55 = arith.constant 0 : i32
    %dma_start3A_56 = arith.constant 0 : i32
    %dma_start3A_57 = tpu.memref_slice %arg6[%dma_start3A_55, %dma_start3A_56] : memref<10112x64xf32, #tpu.memory_space<hbm>> -> memref<10112x64xf32, #tpu.memory_space<hbm>>
    tpu.enqueue_indirect_dma source(%dma_start3A_57 : memref<10112x64xf32, #tpu.memory_space<hbm>>) target(%dma_start3A_51 : memref<64x64xf32, #tpu.memory_space<vmem>>) offsets(%dma_start3A_54 : memref<64xi32, #tpu.memory_space<vmem>>) semaphore(%arg18 : memref<!tpu.dma_semaphore, #tpu.memory_space<semaphore_mem>>)
    %scan3A_58 = arith.constant 0 : i32
    %scan3A_59 = arith.constant 0 : i32
    %scan3A_60 = arith.constant 162 : i32
    %scan3A_61 = arith.addi %scan3A_59, %scan3A_60 : i32
    %scan3A_62 = arith.constant 1 : i32
    scf.for %scan3A_65 = %scan3A_59 to %scan3A_61 step %scan3A_62  : i32 {
      %jit3A = arith.constant 2 : i32
      %eq3A = arith.constant 0 : i32
      %eq3A_66 = arith.cmpi eq, %jit3A, %eq3A : i32
      %jit3A_67 = arith.constant 1 : i32
      %select_n3A = arith.select %eq3A_66, %jit3A_67, %jit3A : i32
      %rem3A = arith.remsi %scan3A_65, %select_n3A : i32
      %ne3A = arith.constant 0 : i32
      %ne3A_68 = arith.cmpi ne, %rem3A, %ne3A : i32
      %lt3A = arith.constant 0 : i32
      %lt3A_69 = arith.cmpi slt, %rem3A, %lt3A : i32
      %lt3A_70 = arith.constant 0 : i32
      %lt3A_71 = arith.cmpi slt, %select_n3A, %lt3A_70 : i32
      %ne3A_72 = arith.xori %lt3A_69, %lt3A_71 : i1
      %and3A = arith.andi %ne3A_72, %ne3A_68 : i1
      %add3A_73 = arith.addi %rem3A, %select_n3A : i32
      %select_n3A_74 = arith.select %and3A, %add3A_73, %rem3A : i32
      %eq3A_75 = arith.constant 0 : i32
      %eq3A_76 = arith.cmpi eq, %select_n3A_74, %eq3A_75 : i32
      %convert_element_type3A = arith.extui %eq3A_76 : i1 to i32
      %cond3A = arith.constant 0 : i32
      %cond3A_77 = arith.cmpi ne, %convert_element_type3A, %cond3A : i32
      scf.if %cond3A_77 {
        %add3A_99 = arith.constant 1 : i32
        %add3A_100 = arith.addi %scan3A_65, %add3A_99 : i32
        %lt3A_101 = arith.constant 162 : i32
        %lt3A_102 = arith.cmpi slt, %add3A_100, %lt3A_101 : i32
        %convert_element_type3A_103 = arith.extui %lt3A_102 : i1 to i32
        %cond3A_104 = arith.constant 0 : i32
        %cond3A_105 = arith.cmpi ne, %convert_element_type3A_103, %cond3A_104 : i32
        scf.if %cond3A_105 {
          %add3A_125 = arith.constant 1 : i32
          %add3A_126 = arith.addi %scan3A_65, %add3A_125 : i32
          %dma_start3A_127 = arith.constant 1 : i32
          %dma_start3A_128 = arith.constant 0 : i32
          %dma_start3A_129 = arith.constant 0 : i32
          %dma_start3A_130 = tpu.memref_slice %arg14[%dma_start3A_127, %dma_start3A_128, %dma_start3A_129] : memref<2x64x64xf32, #tpu.memory_space<vmem>> -> memref<1x64x64xf32, #tpu.memory_space<vmem>>
          %dma_start3A_131 = tpu.memref_squeeze %dma_start3A_130 : memref<1x64x64xf32, #tpu.memory_space<vmem>> -> memref<64x64xf32, #tpu.memory_space<vmem>>
          %dma_start3A_132 = arith.constant 0 : i32
          %dma_start3A_133 = tpu.memref_slice %arg10[%add3A_126, %dma_start3A_132] : memref<162x64xi32, #tpu.memory_space<vmem>> -> memref<1x64xi32, #tpu.memory_space<vmem>>
          %dma_start3A_134 = tpu.memref_squeeze %dma_start3A_133 : memref<1x64xi32, #tpu.memory_space<vmem>> -> memref<64xi32, #tpu.memory_space<vmem>>
          %dma_start3A_135 = arith.constant 0 : i32
          %dma_start3A_136 = arith.constant 0 : i32
          %dma_start3A_137 = tpu.memref_slice %arg6[%dma_start3A_135, %dma_start3A_136] : memref<10112x64xf32, #tpu.memory_space<hbm>> -> memref<10112x64xf32, #tpu.memory_space<hbm>>
          tpu.enqueue_indirect_dma source(%dma_start3A_137 : memref<10112x64xf32, #tpu.memory_space<hbm>>) target(%dma_start3A_131 : memref<64x64xf32, #tpu.memory_space<vmem>>) offsets(%dma_start3A_134 : memref<64xi32, #tpu.memory_space<vmem>>) semaphore(%arg19 : memref<!tpu.dma_semaphore, #tpu.memory_space<semaphore_mem>>)
        } else {
        }
        %scan3A_106 = arith.constant 0 : i32
        %scan3A_107 = arith.constant 0 : i32
        %scan3A_108 = arith.constant 4 : i32
        %scan3A_109 = arith.addi %scan3A_107, %scan3A_108 : i32
        %scan3A_110 = arith.constant 1 : i32
        scf.for %scan3A_125 = %scan3A_107 to %scan3A_109 step %scan3A_110  : i32 {
          %mul3A_126 = arith.constant 16 : i32
          %mul3A_127 = arith.muli %scan3A_125, %mul3A_126 : i32
          %get3A_128 = arith.index_cast %scan3A_65 : i32 to index
          %get3A_129 = arith.index_cast %mul3A_127 : i32 to index
          %get3A_130 = tpu.vector_load %arg10[%get3A_128, %get3A_129] {strides = array<i32>} : memref<162x64xi32, #tpu.memory_space<vmem>>, vector<16xi32>,
          %mul3A_131 = arith.constant 16 : i32
          %mul3A_132 = arith.muli %scan3A_125, %mul3A_131 : i32
          %get3A_133 = arith.index_cast %scan3A_65 : i32 to index
          %get3A_134 = arith.index_cast %mul3A_132 : i32 to index
          %get3A_135 = tpu.vector_load %arg11[%get3A_133, %get3A_134] {strides = array<i32>} : memref<162x64xi32, #tpu.memory_space<vmem>>, vector<16xi32>,
          %mul3A_136 = arith.constant 16 : i32
          %mul3A_137 = arith.muli %scan3A_125, %mul3A_136 : i32
          %swap3A = arith.index_cast %mul3A_137 : i32 to index
          %swap3A_138 = tpu.vector_load %arg12[%swap3A] {strides = array<i32>} : memref<64xi32, #tpu.memory_space<vmem>>, vector<16xi32>,
          tpu.vector_store %arg12[%swap3A], %get3A_135 {strides = array<i32>} : memref<64xi32, #tpu.memory_space<vmem>>, vector<16xi32>,
          %mul3A_139 = arith.constant 4 : i32
          %mul3A_140 = vector.broadcast %mul3A_139 : i32 to vector<16xi32>
          %mul3A_141 = arith.muli %get3A_130, %mul3A_140 : vector<16xi32>
          %mul3A_142 = arith.constant 4 : i32
          %mul3A_143 = vector.broadcast %mul3A_142 : i32 to vector<16xi32>
          %mul3A_144 = arith.muli %get3A_135, %mul3A_143 : vector<16xi32>
          %gather3A = tpu.vector_load_idx %arg9[%mul3A_141] : memref<40448xf32, #tpu.memory_space<vmem>>[vector<16xi32>], vector<16xf32>,
          %add3A_145 = arith.constant 1 : i32
          %add3A_146 = vector.broadcast %add3A_145 : i32 to vector<16xi32>
          %add3A_147 = arith.addi %mul3A_141, %add3A_146 : vector<16xi32>
          %gather3A_148 = tpu.vector_load_idx %arg9[%add3A_147] : memref<40448xf32, #tpu.memory_space<vmem>>[vector<16xi32>], vector<16xf32>,
          %add3A_149 = arith.constant 2 : i32
          %add3A_150 = vector.broadcast %add3A_149 : i32 to vector<16xi32>
          %add3A_151 = arith.addi %mul3A_144, %add3A_150 : vector<16xi32>
          %gather3A_152 = tpu.vector_load_idx %arg9[%add3A_151] : memref<40448xf32, #tpu.memory_space<vmem>>[vector<16xi32>], vector<16xf32>,
          %add3A_153 = arith.constant 3 : i32
          %add3A_154 = vector.broadcast %add3A_153 : i32 to vector<16xi32>
          %add3A_155 = arith.addi %mul3A_144, %add3A_154 : vector<16xi32>
          %gather3A_156 = tpu.vector_load_idx %arg9[%add3A_155] : memref<40448xf32, #tpu.memory_space<vmem>>[vector<16xi32>], vector<16xf32>,
          %add3A_157 = arith.addf %gather3A, %gather3A_152 : vector<16xf32>
          %add3A_158 = arith.addf %gather3A_148, %gather3A_156 : vector<16xf32>
          %gt3A = arith.constant 0.000000e+00 : f32
          %gt3A_159 = vector.broadcast %gt3A : f32 to vector<16xf32>
          %gt3A_160 = arith.cmpf ogt, %add3A_157, %gt3A_159 : vector<16xf32>
          %mul3A_161 = arith.constant 2.000000e-01 : f32
          %mul3A_162 = vector.broadcast %mul3A_161 : f32 to vector<16xf32>
          %mul3A_163 = arith.mulf %add3A_157, %mul3A_162 : vector<16xf32>
          %select_n3A_164 = arith.select %gt3A_160, %add3A_157, %mul3A_163 : vector<16xi1>, vector<16xf32>
          %gt3A_165 = arith.constant 0.000000e+00 : f32
          %gt3A_166 = vector.broadcast %gt3A_165 : f32 to vector<16xf32>
          %gt3A_167 = arith.cmpf ogt, %add3A_158, %gt3A_166 : vector<16xf32>
          %mul3A_168 = arith.constant 2.000000e-01 : f32
          %mul3A_169 = vector.broadcast %mul3A_168 : f32 to vector<16xf32>
          %mul3A_170 = arith.mulf %add3A_158, %mul3A_169 : vector<16xf32>
          %select_n3A_171 = arith.select %gt3A_167, %add3A_158, %mul3A_170 : vector<16xi1>, vector<16xf32>
          %sub3A = arith.subf %select_n3A_164, %get3A_44 : vector<16xf32>
          %exp3A = math.exp %sub3A : vector<16xf32>
          %sub3A_172 = arith.subf %select_n3A_171, %get3A_46 : vector<16xf32>
          %exp3A_173 = math.exp %sub3A_172 : vector<16xf32>
          %mul3A_174 = arith.constant 2 : i32
          %mul3A_175 = vector.broadcast %mul3A_174 : i32 to vector<16xi32>
          %mul3A_176 = arith.muli %get3A_135, %mul3A_175 : vector<16xi32>
          tpu.vector_store_idx %arg13[%mul3A_176], %exp3A {add = true} : memref<20224xf32, #tpu.memory_space<vmem>>[vector<16xi32>], vector<16xf32>,
          %add3A_177 = arith.constant 1 : i32
          %add3A_178 = vector.broadcast %add3A_177 : i32 to vector<16xi32>
          %add3A_179 = arith.addi %mul3A_176, %add3A_178 : vector<16xi32>
          tpu.vector_store_idx %arg13[%add3A_179], %exp3A_173 {add = true} : memref<20224xf32, #tpu.memory_space<vmem>>[vector<16xi32>], vector<16xf32>,
          %mul3A_180 = arith.constant 16 : i32
          %mul3A_181 = arith.muli %scan3A_125, %mul3A_180 : i32
          %swap3A_182 = arith.index_cast %mul3A_181 : i32 to index
          %swap3A_183 = tpu.vector_load %arg15[%swap3A_182] {strides = array<i32>} : memref<128xf32, #tpu.memory_space<vmem>>, vector<16xf32>,
          tpu.vector_store %arg15[%swap3A_182], %exp3A {strides = array<i32>} : memref<128xf32, #tpu.memory_space<vmem>>, vector<16xf32>,
          %mul3A_184 = arith.constant 16 : i32
          %mul3A_185 = arith.muli %scan3A_125, %mul3A_184 : i32
          %add3A_186 = arith.constant 64 : i32
          %add3A_187 = arith.addi %add3A_186, %mul3A_185 : i32
          %swap3A_188 = arith.index_cast %add3A_187 : i32 to index
          %swap3A_189 = tpu.vector_load %arg15[%swap3A_188] {strides = array<i32>} : memref<128xf32, #tpu.memory_space<vmem>>, vector<16xf32>,
          tpu.vector_store %arg15[%swap3A_188], %exp3A_173 {strides = array<i32>} : memref<128xf32, #tpu.memory_space<vmem>>, vector<16xf32>,
        }
        %scan3A_111 = arith.constant 4 : i32
        %dma_wait3A = arith.constant 0 : i32
        %dma_wait3A_112 = arith.constant 0 : i32
        %dma_wait3A_113 = arith.constant 0 : i32
        %dma_wait3A_114 = tpu.memref_slice %arg14[%dma_wait3A, %dma_wait3A_112, %dma_wait3A_113] : memref<2x64x64xf32, #tpu.memory_space<vmem>> -> memref<1x64x64xf32, #tpu.memory_space<vmem>>
        %dma_wait3A_115 = tpu.memref_squeeze %dma_wait3A_114 : memref<1x64x64xf32, #tpu.memory_space<vmem>> -> memref<64x64xf32, #tpu.memory_space<vmem>>
        %dma_wait3A_116 = arith.constant 0 : i32
        %dma_wait3A_117 = tpu.memref_slice %arg10[%scan3A_65, %dma_wait3A_116] : memref<162x64xi32, #tpu.memory_space<vmem>> -> memref<1x64xi32, #tpu.memory_space<vmem>>
        %dma_wait3A_118 = tpu.memref_squeeze %dma_wait3A_117 : memref<1x64xi32, #tpu.memory_space<vmem>> -> memref<64xi32, #tpu.memory_space<vmem>>
        %dma_wait3A_119 = arith.constant 0 : i32
        %dma_wait3A_120 = arith.constant 0 : i32
        %dma_wait3A_121 = tpu.memref_slice %arg6[%dma_wait3A_119, %dma_wait3A_120] : memref<10112x64xf32, #tpu.memory_space<hbm>> -> memref<10112x64xf32, #tpu.memory_space<hbm>>
        tpu.wait_indirect_dma semaphore(%arg18 : memref<!tpu.dma_semaphore, #tpu.memory_space<semaphore_mem>>) src(%dma_wait3A_121 : memref<10112x64xf32, #tpu.memory_space<hbm>>) dst(%dma_wait3A_115 : memref<64x64xf32, #tpu.memory_space<vmem>>)
        %parallel_loop3A = arith.constant 0 : i32
        %parallel_loop3A_122 = arith.constant 64 : i32
        %parallel_loop3A_123 = arith.constant 1 : i32
        scf.for %parallel_loop3A_125 = %parallel_loop3A to %parallel_loop3A_122 step %parallel_loop3A_123  : i32 {
          %parallel_loop3A_126 = arith.constant 0 : i32
          %parallel_loop3A_127 = vector.broadcast %parallel_loop3A_126 : i32 to vector<16xi32>
          %parallel_loop3A_128 = vector.broadcast %parallel_loop3A_125 : i32 to vector<16xi32>
          %parallel_loop3A_129 = arith.addi %parallel_loop3A_127, %parallel_loop3A_128 : vector<16xi32>
          %parallel_loop3A_130 = tpu.vector_load_idx %arg15[%parallel_loop3A_129] : memref<128xf32, #tpu.memory_space<vmem>>[vector<16xi32>], vector<16xf32>,
          %parallel_loop3A_131 = arith.constant 64 : i32
          %parallel_loop3A_132 = vector.broadcast %parallel_loop3A_131 : i32 to vector<16xi32>
          %parallel_loop3A_133 = vector.broadcast %parallel_loop3A_125 : i32 to vector<16xi32>
          %parallel_loop3A_134 = arith.addi %parallel_loop3A_132, %parallel_loop3A_133 : vector<16xi32>
          %parallel_loop3A_135 = tpu.vector_load_idx %arg15[%parallel_loop3A_134] : memref<128xf32, #tpu.memory_space<vmem>>[vector<16xi32>], vector<16xf32>,
          %parallel_loop3A_136 = arith.constant 0 : i32
          %parallel_loop3A_137 = arith.index_cast %parallel_loop3A_136 : i32 to index
          %parallel_loop3A_138 = arith.index_cast %parallel_loop3A_125 : i32 to index
          %parallel_loop3A_139 = arith.constant 0 : index
          %parallel_loop3A_140 = tpu.vector_load %arg14[%parallel_loop3A_137, %parallel_loop3A_138, %parallel_loop3A_139] {strides = array<i32>} : memref<2x64x64xf32, #tpu.memory_space<vmem>>, vector<16xf32>,
          %parallel_loop3A_141 = arith.mulf %parallel_loop3A_140, %parallel_loop3A_130 : vector<16xf32>
          %parallel_loop3A_142 = arith.constant 0 : i32
          %parallel_loop3A_143 = arith.index_cast %parallel_loop3A_142 : i32 to index
          %parallel_loop3A_144 = arith.index_cast %parallel_loop3A_125 : i32 to index
          %parallel_loop3A_145 = arith.constant 0 : index
          %parallel_loop3A_146 = tpu.vector_load %arg14[%parallel_loop3A_143, %parallel_loop3A_144, %parallel_loop3A_145] {strides = array<i32>} : memref<2x64x64xf32, #tpu.memory_space<vmem>>, vector<16xf32>,
          tpu.vector_store %arg14[%parallel_loop3A_143, %parallel_loop3A_144, %parallel_loop3A_145], %parallel_loop3A_141 {strides = array<i32>} : memref<2x64x64xf32, #tpu.memory_space<vmem>>, vector<16xf32>,
          %parallel_loop3A_147 = arith.constant 0 : i32
          %parallel_loop3A_148 = arith.index_cast %parallel_loop3A_147 : i32 to index
          %parallel_loop3A_149 = arith.index_cast %parallel_loop3A_125 : i32 to index
          %parallel_loop3A_150 = arith.constant 16 : index
          %parallel_loop3A_151 = tpu.vector_load %arg14[%parallel_loop3A_148, %parallel_loop3A_149, %parallel_loop3A_150] {strides = array<i32>} : memref<2x64x64xf32, #tpu.memory_space<vmem>>, vector<16xf32>,
          %parallel_loop3A_152 = arith.mulf %parallel_loop3A_151, %parallel_loop3A_130 : vector<16xf32>
          %parallel_loop3A_153 = arith.constant 0 : i32
          %parallel_loop3A_154 = arith.index_cast %parallel_loop3A_153 : i32 to index
          %parallel_loop3A_155 = arith.index_cast %parallel_loop3A_125 : i32 to index
          %parallel_loop3A_156 = arith.constant 16 : index
          %parallel_loop3A_157 = tpu.vector_load %arg14[%parallel_loop3A_154, %parallel_loop3A_155, %parallel_loop3A_156] {strides = array<i32>} : memref<2x64x64xf32, #tpu.memory_space<vmem>>, vector<16xf32>,
          tpu.vector_store %arg14[%parallel_loop3A_154, %parallel_loop3A_155, %parallel_loop3A_156], %parallel_loop3A_152 {strides = array<i32>} : memref<2x64x64xf32, #tpu.memory_space<vmem>>, vector<16xf32>,
          %parallel_loop3A_158 = arith.constant 0 : i32
          %parallel_loop3A_159 = arith.index_cast %parallel_loop3A_158 : i32 to index
          %parallel_loop3A_160 = arith.index_cast %parallel_loop3A_125 : i32 to index
          %parallel_loop3A_161 = arith.constant 32 : index
          %parallel_loop3A_162 = tpu.vector_load %arg14[%parallel_loop3A_159, %parallel_loop3A_160, %parallel_loop3A_161] {strides = array<i32>} : memref<2x64x64xf32, #tpu.memory_space<vmem>>, vector<16xf32>,
          %parallel_loop3A_163 = arith.mulf %parallel_loop3A_162, %parallel_loop3A_135 : vector<16xf32>
          %parallel_loop3A_164 = arith.constant 0 : i32
          %parallel_loop3A_165 = arith.index_cast %parallel_loop3A_164 : i32 to index
          %parallel_loop3A_166 = arith.index_cast %parallel_loop3A_125 : i32 to index
          %parallel_loop3A_167 = arith.constant 32 : index
          %parallel_loop3A_168 = tpu.vector_load %arg14[%parallel_loop3A_165, %parallel_loop3A_166, %parallel_loop3A_167] {strides = array<i32>} : memref<2x64x64xf32, #tpu.memory_space<vmem>>, vector<16xf32>,
          tpu.vector_store %arg14[%parallel_loop3A_165, %parallel_loop3A_166, %parallel_loop3A_167], %parallel_loop3A_163 {strides = array<i32>} : memref<2x64x64xf32, #tpu.memory_space<vmem>>, vector<16xf32>,
          %parallel_loop3A_169 = arith.constant 0 : i32
          %parallel_loop3A_170 = arith.index_cast %parallel_loop3A_169 : i32 to index
          %parallel_loop3A_171 = arith.index_cast %parallel_loop3A_125 : i32 to index
          %parallel_loop3A_172 = arith.constant 48 : index
          %parallel_loop3A_173 = tpu.vector_load %arg14[%parallel_loop3A_170, %parallel_loop3A_171, %parallel_loop3A_172] {strides = array<i32>} : memref<2x64x64xf32, #tpu.memory_space<vmem>>, vector<16xf32>,
          %parallel_loop3A_174 = arith.mulf %parallel_loop3A_173, %parallel_loop3A_135 : vector<16xf32>
          %parallel_loop3A_175 = arith.constant 0 : i32
          %parallel_loop3A_176 = arith.index_cast %parallel_loop3A_175 : i32 to index
          %parallel_loop3A_177 = arith.index_cast %parallel_loop3A_125 : i32 to index
          %parallel_loop3A_178 = arith.constant 48 : index
          %parallel_loop3A_179 = tpu.vector_load %arg14[%parallel_loop3A_176, %parallel_loop3A_177, %parallel_loop3A_178] {strides = array<i32>} : memref<2x64x64xf32, #tpu.memory_space<vmem>>, vector<16xf32>,
          tpu.vector_store %arg14[%parallel_loop3A_176, %parallel_loop3A_177, %parallel_loop3A_178], %parallel_loop3A_174 {strides = array<i32>} : memref<2x64x64xf32, #tpu.memory_space<vmem>>, vector<16xf32>,
        } {sc.loop_unroll_factor = 4 : i64, sc.parallel_access}
        %run_scoped3A_124 = arith.constant 0 : i32
        "tpu.region"() ({
          %run_scoped3A_125 = tpu.sem_alloc : memref<!tpu.dma_semaphore, #tpu.memory_space<semaphore_mem>>
          %dma_start3A_126 = arith.constant 0 : i32
          %dma_start3A_127 = arith.constant 0 : i32
          %dma_start3A_128 = tpu.memref_slice %arg14[%run_scoped3A_124, %dma_start3A_126, %dma_start3A_127] : memref<2x64x64xf32, #tpu.memory_space<vmem>> -> memref<1x64x64xf32, #tpu.memory_space<vmem>>
          %dma_start3A_129 = tpu.memref_squeeze %dma_start3A_128 : memref<1x64x64xf32, #tpu.memory_space<vmem>> -> memref<64x64xf32, #tpu.memory_space<vmem>>
          %dma_start3A_130 = arith.constant 0 : i32
          %dma_start3A_131 = arith.constant 0 : i32
          %dma_start3A_132 = tpu.memref_slice %arg17[%dma_start3A_130, %dma_start3A_131] : memref<10112x64xf32, #tpu.memory_space<vmem_shared>> -> memref<10112x64xf32, #tpu.memory_space<vmem_shared>>
          tpu.enqueue_indirect_dma source(%dma_start3A_129 : memref<64x64xf32, #tpu.memory_space<vmem>>) target(%dma_start3A_132 : memref<10112x64xf32, #tpu.memory_space<vmem_shared>>) offsets(%arg12 : memref<64xi32, #tpu.memory_space<vmem>>) semaphore(%run_scoped3A_125 : memref<!tpu.dma_semaphore, #tpu.memory_space<semaphore_mem>>) {add = true}
          %dma_wait3A_133 = arith.constant 0 : i32
          %dma_wait3A_134 = arith.constant 0 : i32
          %dma_wait3A_135 = tpu.memref_slice %arg14[%run_scoped3A_124, %dma_wait3A_133, %dma_wait3A_134] : memref<2x64x64xf32, #tpu.memory_space<vmem>> -> memref<1x64x64xf32, #tpu.memory_space<vmem>>
          %dma_wait3A_136 = tpu.memref_squeeze %dma_wait3A_135 : memref<1x64x64xf32, #tpu.memory_space<vmem>> -> memref<64x64xf32, #tpu.memory_space<vmem>>
          %dma_wait3A_137 = arith.constant 0 : i32
          %dma_wait3A_138 = arith.constant 0 : i32
          %dma_wait3A_139 = tpu.memref_slice %arg17[%dma_wait3A_137, %dma_wait3A_138] : memref<10112x64xf32, #tpu.memory_space<vmem_shared>> -> memref<10112x64xf32, #tpu.memory_space<vmem_shared>>
          tpu.wait_indirect_dma semaphore(%run_scoped3A_125 : memref<!tpu.dma_semaphore, #tpu.memory_space<semaphore_mem>>) src(%dma_wait3A_136 : memref<64x64xf32, #tpu.memory_space<vmem>>) dst(%dma_wait3A_139 : memref<10112x64xf32, #tpu.memory_space<vmem_shared>>)
          tpu.yield
        }) : () -> ()
      } else {
      }
      %jit3A_78 = arith.constant 2 : i32
      %eq3A_79 = arith.constant 0 : i32
      %eq3A_80 = arith.cmpi eq, %jit3A_78, %eq3A_79 : i32
      %jit3A_81 = arith.constant 1 : i32
      %select_n3A_82 = arith.select %eq3A_80, %jit3A_81, %jit3A_78 : i32
      %rem3A_83 = arith.remsi %scan3A_65, %select_n3A_82 : i32
      %ne3A_84 = arith.constant 0 : i32
      %ne3A_85 = arith.cmpi ne, %rem3A_83, %ne3A_84 : i32
      %lt3A_86 = arith.constant 0 : i32
      %lt3A_87 = arith.cmpi slt, %rem3A_83, %lt3A_86 : i32
      %lt3A_88 = arith.constant 0 : i32
      %lt3A_89 = arith.cmpi slt, %select_n3A_82, %lt3A_88 : i32
      %ne3A_90 = arith.xori %lt3A_87, %lt3A_89 : i1
      %and3A_91 = arith.andi %ne3A_90, %ne3A_85 : i1
      %add3A_92 = arith.addi %rem3A_83, %select_n3A_82 : i32
      %select_n3A_93 = arith.select %and3A_91, %add3A_92, %rem3A_83 : i32
      %eq3A_94 = arith.constant 1 : i32
      %eq3A_95 = arith.cmpi eq, %select_n3A_93, %eq3A_94 : i32
      %convert_element_type3A_96 = arith.extui %eq3A_95 : i1 to i32
      %cond3A_97 = arith.constant 0 : i32
      %cond3A_98 = arith.cmpi ne, %convert_element_type3A_96, %cond3A_97 : i32
      scf.if %cond3A_98 {
        %add3A_99 = arith.constant 1 : i32
        %add3A_100 = arith.addi %scan3A_65, %add3A_99 : i32
        %lt3A_101 = arith.constant 162 : i32
        %lt3A_102 = arith.cmpi slt, %add3A_100, %lt3A_101 : i32
        %convert_element_type3A_103 = arith.extui %lt3A_102 : i1 to i32
        %cond3A_104 = arith.constant 0 : i32
        %cond3A_105 = arith.cmpi ne, %convert_element_type3A_103, %cond3A_104 : i32
        scf.if %cond3A_105 {
          %add3A_125 = arith.constant 1 : i32
          %add3A_126 = arith.addi %scan3A_65, %add3A_125 : i32
          %dma_start3A_127 = arith.constant 0 : i32
          %dma_start3A_128 = arith.constant 0 : i32
          %dma_start3A_129 = arith.constant 0 : i32
          %dma_start3A_130 = tpu.memref_slice %arg14[%dma_start3A_127, %dma_start3A_128, %dma_start3A_129] : memref<2x64x64xf32, #tpu.memory_space<vmem>> -> memref<1x64x64xf32, #tpu.memory_space<vmem>>
          %dma_start3A_131 = tpu.memref_squeeze %dma_start3A_130 : memref<1x64x64xf32, #tpu.memory_space<vmem>> -> memref<64x64xf32, #tpu.memory_space<vmem>>
          %dma_start3A_132 = arith.constant 0 : i32
          %dma_start3A_133 = tpu.memref_slice %arg10[%add3A_126, %dma_start3A_132] : memref<162x64xi32, #tpu.memory_space<vmem>> -> memref<1x64xi32, #tpu.memory_space<vmem>>
          %dma_start3A_134 = tpu.memref_squeeze %dma_start3A_133 : memref<1x64xi32, #tpu.memory_space<vmem>> -> memref<64xi32, #tpu.memory_space<vmem>>
          %dma_start3A_135 = arith.constant 0 : i32
          %dma_start3A_136 = arith.constant 0 : i32
          %dma_start3A_137 = tpu.memref_slice %arg6[%dma_start3A_135, %dma_start3A_136] : memref<10112x64xf32, #tpu.memory_space<hbm>> -> memref<10112x64xf32, #tpu.memory_space<hbm>>
          tpu.enqueue_indirect_dma source(%dma_start3A_137 : memref<10112x64xf32, #tpu.memory_space<hbm>>) target(%dma_start3A_131 : memref<64x64xf32, #tpu.memory_space<vmem>>) offsets(%dma_start3A_134 : memref<64xi32, #tpu.memory_space<vmem>>) semaphore(%arg18 : memref<!tpu.dma_semaphore, #tpu.memory_space<semaphore_mem>>)
        } else {
        }
        %scan3A_106 = arith.constant 0 : i32
        %scan3A_107 = arith.constant 0 : i32
        %scan3A_108 = arith.constant 4 : i32
        %scan3A_109 = arith.addi %scan3A_107, %scan3A_108 : i32
        %scan3A_110 = arith.constant 1 : i32
        scf.for %scan3A_125 = %scan3A_107 to %scan3A_109 step %scan3A_110  : i32 {
          %mul3A_126 = arith.constant 16 : i32
          %mul3A_127 = arith.muli %scan3A_125, %mul3A_126 : i32
          %get3A_128 = arith.index_cast %scan3A_65 : i32 to index
          %get3A_129 = arith.index_cast %mul3A_127 : i32 to index
          %get3A_130 = tpu.vector_load %arg10[%get3A_128, %get3A_129] {strides = array<i32>} : memref<162x64xi32, #tpu.memory_space<vmem>>, vector<16xi32>,
          %mul3A_131 = arith.constant 16 : i32
          %mul3A_132 = arith.muli %scan3A_125, %mul3A_131 : i32
          %get3A_133 = arith.index_cast %scan3A_65 : i32 to index
          %get3A_134 = arith.index_cast %mul3A_132 : i32 to index
          %get3A_135 = tpu.vector_load %arg11[%get3A_133, %get3A_134] {strides = array<i32>} : memref<162x64xi32, #tpu.memory_space<vmem>>, vector<16xi32>,
          %mul3A_136 = arith.constant 16 : i32
          %mul3A_137 = arith.muli %scan3A_125, %mul3A_136 : i32
          %swap3A = arith.index_cast %mul3A_137 : i32 to index
          %swap3A_138 = tpu.vector_load %arg12[%swap3A] {strides = array<i32>} : memref<64xi32, #tpu.memory_space<vmem>>, vector<16xi32>,
          tpu.vector_store %arg12[%swap3A], %get3A_135 {strides = array<i32>} : memref<64xi32, #tpu.memory_space<vmem>>, vector<16xi32>,
          %mul3A_139 = arith.constant 4 : i32
          %mul3A_140 = vector.broadcast %mul3A_139 : i32 to vector<16xi32>
          %mul3A_141 = arith.muli %get3A_130, %mul3A_140 : vector<16xi32>
          %mul3A_142 = arith.constant 4 : i32
          %mul3A_143 = vector.broadcast %mul3A_142 : i32 to vector<16xi32>
          %mul3A_144 = arith.muli %get3A_135, %mul3A_143 : vector<16xi32>
          %gather3A = tpu.vector_load_idx %arg9[%mul3A_141] : memref<40448xf32, #tpu.memory_space<vmem>>[vector<16xi32>], vector<16xf32>,
          %add3A_145 = arith.constant 1 : i32
          %add3A_146 = vector.broadcast %add3A_145 : i32 to vector<16xi32>
          %add3A_147 = arith.addi %mul3A_141, %add3A_146 : vector<16xi32>
          %gather3A_148 = tpu.vector_load_idx %arg9[%add3A_147] : memref<40448xf32, #tpu.memory_space<vmem>>[vector<16xi32>], vector<16xf32>,
          %add3A_149 = arith.constant 2 : i32
          %add3A_150 = vector.broadcast %add3A_149 : i32 to vector<16xi32>
          %add3A_151 = arith.addi %mul3A_144, %add3A_150 : vector<16xi32>
          %gather3A_152 = tpu.vector_load_idx %arg9[%add3A_151] : memref<40448xf32, #tpu.memory_space<vmem>>[vector<16xi32>], vector<16xf32>,
          %add3A_153 = arith.constant 3 : i32
          %add3A_154 = vector.broadcast %add3A_153 : i32 to vector<16xi32>
          %add3A_155 = arith.addi %mul3A_144, %add3A_154 : vector<16xi32>
          %gather3A_156 = tpu.vector_load_idx %arg9[%add3A_155] : memref<40448xf32, #tpu.memory_space<vmem>>[vector<16xi32>], vector<16xf32>,
          %add3A_157 = arith.addf %gather3A, %gather3A_152 : vector<16xf32>
          %add3A_158 = arith.addf %gather3A_148, %gather3A_156 : vector<16xf32>
          %gt3A = arith.constant 0.000000e+00 : f32
          %gt3A_159 = vector.broadcast %gt3A : f32 to vector<16xf32>
          %gt3A_160 = arith.cmpf ogt, %add3A_157, %gt3A_159 : vector<16xf32>
          %mul3A_161 = arith.constant 2.000000e-01 : f32
          %mul3A_162 = vector.broadcast %mul3A_161 : f32 to vector<16xf32>
          %mul3A_163 = arith.mulf %add3A_157, %mul3A_162 : vector<16xf32>
          %select_n3A_164 = arith.select %gt3A_160, %add3A_157, %mul3A_163 : vector<16xi1>, vector<16xf32>
          %gt3A_165 = arith.constant 0.000000e+00 : f32
          %gt3A_166 = vector.broadcast %gt3A_165 : f32 to vector<16xf32>
          %gt3A_167 = arith.cmpf ogt, %add3A_158, %gt3A_166 : vector<16xf32>
          %mul3A_168 = arith.constant 2.000000e-01 : f32
          %mul3A_169 = vector.broadcast %mul3A_168 : f32 to vector<16xf32>
          %mul3A_170 = arith.mulf %add3A_158, %mul3A_169 : vector<16xf32>
          %select_n3A_171 = arith.select %gt3A_167, %add3A_158, %mul3A_170 : vector<16xi1>, vector<16xf32>
          %sub3A = arith.subf %select_n3A_164, %get3A_44 : vector<16xf32>
          %exp3A = math.exp %sub3A : vector<16xf32>
          %sub3A_172 = arith.subf %select_n3A_171, %get3A_46 : vector<16xf32>
          %exp3A_173 = math.exp %sub3A_172 : vector<16xf32>
          %mul3A_174 = arith.constant 2 : i32
          %mul3A_175 = vector.broadcast %mul3A_174 : i32 to vector<16xi32>
          %mul3A_176 = arith.muli %get3A_135, %mul3A_175 : vector<16xi32>
          tpu.vector_store_idx %arg13[%mul3A_176], %exp3A {add = true} : memref<20224xf32, #tpu.memory_space<vmem>>[vector<16xi32>], vector<16xf32>,
          %add3A_177 = arith.constant 1 : i32
          %add3A_178 = vector.broadcast %add3A_177 : i32 to vector<16xi32>
          %add3A_179 = arith.addi %mul3A_176, %add3A_178 : vector<16xi32>
          tpu.vector_store_idx %arg13[%add3A_179], %exp3A_173 {add = true} : memref<20224xf32, #tpu.memory_space<vmem>>[vector<16xi32>], vector<16xf32>,
          %mul3A_180 = arith.constant 16 : i32
          %mul3A_181 = arith.muli %scan3A_125, %mul3A_180 : i32
          %swap3A_182 = arith.index_cast %mul3A_181 : i32 to index
          %swap3A_183 = tpu.vector_load %arg15[%swap3A_182] {strides = array<i32>} : memref<128xf32, #tpu.memory_space<vmem>>, vector<16xf32>,
          tpu.vector_store %arg15[%swap3A_182], %exp3A {strides = array<i32>} : memref<128xf32, #tpu.memory_space<vmem>>, vector<16xf32>,
          %mul3A_184 = arith.constant 16 : i32
          %mul3A_185 = arith.muli %scan3A_125, %mul3A_184 : i32
          %add3A_186 = arith.constant 64 : i32
          %add3A_187 = arith.addi %add3A_186, %mul3A_185 : i32
          %swap3A_188 = arith.index_cast %add3A_187 : i32 to index
          %swap3A_189 = tpu.vector_load %arg15[%swap3A_188] {strides = array<i32>} : memref<128xf32, #tpu.memory_space<vmem>>, vector<16xf32>,
          tpu.vector_store %arg15[%swap3A_188], %exp3A_173 {strides = array<i32>} : memref<128xf32, #tpu.memory_space<vmem>>, vector<16xf32>,
        }
        %scan3A_111 = arith.constant 4 : i32
        %dma_wait3A = arith.constant 1 : i32
        %dma_wait3A_112 = arith.constant 0 : i32
        %dma_wait3A_113 = arith.constant 0 : i32
        %dma_wait3A_114 = tpu.memref_slice %arg14[%dma_wait3A, %dma_wait3A_112, %dma_wait3A_113] : memref<2x64x64xf32, #tpu.memory_space<vmem>> -> memref<1x64x64xf32, #tpu.memory_space<vmem>>
        %dma_wait3A_115 = tpu.memref_squeeze %dma_wait3A_114 : memref<1x64x64xf32, #tpu.memory_space<vmem>> -> memref<64x64xf32, #tpu.memory_space<vmem>>
        %dma_wait3A_116 = arith.constant 0 : i32
        %dma_wait3A_117 = tpu.memref_slice %arg10[%scan3A_65, %dma_wait3A_116] : memref<162x64xi32, #tpu.memory_space<vmem>> -> memref<1x64xi32, #tpu.memory_space<vmem>>
        %dma_wait3A_118 = tpu.memref_squeeze %dma_wait3A_117 : memref<1x64xi32, #tpu.memory_space<vmem>> -> memref<64xi32, #tpu.memory_space<vmem>>
        %dma_wait3A_119 = arith.constant 0 : i32
        %dma_wait3A_120 = arith.constant 0 : i32
        %dma_wait3A_121 = tpu.memref_slice %arg6[%dma_wait3A_119, %dma_wait3A_120] : memref<10112x64xf32, #tpu.memory_space<hbm>> -> memref<10112x64xf32, #tpu.memory_space<hbm>>
        tpu.wait_indirect_dma semaphore(%arg19 : memref<!tpu.dma_semaphore, #tpu.memory_space<semaphore_mem>>) src(%dma_wait3A_121 : memref<10112x64xf32, #tpu.memory_space<hbm>>) dst(%dma_wait3A_115 : memref<64x64xf32, #tpu.memory_space<vmem>>)
        %parallel_loop3A = arith.constant 0 : i32
        %parallel_loop3A_122 = arith.constant 64 : i32
        %parallel_loop3A_123 = arith.constant 1 : i32
        scf.for %parallel_loop3A_125 = %parallel_loop3A to %parallel_loop3A_122 step %parallel_loop3A_123  : i32 {
          %parallel_loop3A_126 = arith.constant 0 : i32
          %parallel_loop3A_127 = vector.broadcast %parallel_loop3A_126 : i32 to vector<16xi32>
          %parallel_loop3A_128 = vector.broadcast %parallel_loop3A_125 : i32 to vector<16xi32>
          %parallel_loop3A_129 = arith.addi %parallel_loop3A_127, %parallel_loop3A_128 : vector<16xi32>
          %parallel_loop3A_130 = tpu.vector_load_idx %arg15[%parallel_loop3A_129] : memref<128xf32, #tpu.memory_space<vmem>>[vector<16xi32>], vector<16xf32>,
          %parallel_loop3A_131 = arith.constant 64 : i32
          %parallel_loop3A_132 = vector.broadcast %parallel_loop3A_131 : i32 to vector<16xi32>
          %parallel_loop3A_133 = vector.broadcast %parallel_loop3A_125 : i32 to vector<16xi32>
          %parallel_loop3A_134 = arith.addi %parallel_loop3A_132, %parallel_loop3A_133 : vector<16xi32>
          %parallel_loop3A_135 = tpu.vector_load_idx %arg15[%parallel_loop3A_134] : memref<128xf32, #tpu.memory_space<vmem>>[vector<16xi32>], vector<16xf32>,
          %parallel_loop3A_136 = arith.constant 1 : i32
          %parallel_loop3A_137 = arith.index_cast %parallel_loop3A_136 : i32 to index
          %parallel_loop3A_138 = arith.index_cast %parallel_loop3A_125 : i32 to index
          %parallel_loop3A_139 = arith.constant 0 : index
          %parallel_loop3A_140 = tpu.vector_load %arg14[%parallel_loop3A_137, %parallel_loop3A_138, %parallel_loop3A_139] {strides = array<i32>} : memref<2x64x64xf32, #tpu.memory_space<vmem>>, vector<16xf32>,
          %parallel_loop3A_141 = arith.mulf %parallel_loop3A_140, %parallel_loop3A_130 : vector<16xf32>
          %parallel_loop3A_142 = arith.constant 1 : i32
          %parallel_loop3A_143 = arith.index_cast %parallel_loop3A_142 : i32 to index
          %parallel_loop3A_144 = arith.index_cast %parallel_loop3A_125 : i32 to index
          %parallel_loop3A_145 = arith.constant 0 : index
          %parallel_loop3A_146 = tpu.vector_load %arg14[%parallel_loop3A_143, %parallel_loop3A_144, %parallel_loop3A_145] {strides = array<i32>} : memref<2x64x64xf32, #tpu.memory_space<vmem>>, vector<16xf32>,
          tpu.vector_store %arg14[%parallel_loop3A_143, %parallel_loop3A_144, %parallel_loop3A_145], %parallel_loop3A_141 {strides = array<i32>} : memref<2x64x64xf32, #tpu.memory_space<vmem>>, vector<16xf32>,
          %parallel_loop3A_147 = arith.constant 1 : i32
          %parallel_loop3A_148 = arith.index_cast %parallel_loop3A_147 : i32 to index
          %parallel_loop3A_149 = arith.index_cast %parallel_loop3A_125 : i32 to index
          %parallel_loop3A_150 = arith.constant 16 : index
          %parallel_loop3A_151 = tpu.vector_load %arg14[%parallel_loop3A_148, %parallel_loop3A_149, %parallel_loop3A_150] {strides = array<i32>} : memref<2x64x64xf32, #tpu.memory_space<vmem>>, vector<16xf32>,
          %parallel_loop3A_152 = arith.mulf %parallel_loop3A_151, %parallel_loop3A_130 : vector<16xf32>
          %parallel_loop3A_153 = arith.constant 1 : i32
          %parallel_loop3A_154 = arith.index_cast %parallel_loop3A_153 : i32 to index
          %parallel_loop3A_155 = arith.index_cast %parallel_loop3A_125 : i32 to index
          %parallel_loop3A_156 = arith.constant 16 : index
          %parallel_loop3A_157 = tpu.vector_load %arg14[%parallel_loop3A_154, %parallel_loop3A_155, %parallel_loop3A_156] {strides = array<i32>} : memref<2x64x64xf32, #tpu.memory_space<vmem>>, vector<16xf32>,
          tpu.vector_store %arg14[%parallel_loop3A_154, %parallel_loop3A_155, %parallel_loop3A_156], %parallel_loop3A_152 {strides = array<i32>} : memref<2x64x64xf32, #tpu.memory_space<vmem>>, vector<16xf32>,
          %parallel_loop3A_158 = arith.constant 1 : i32
          %parallel_loop3A_159 = arith.index_cast %parallel_loop3A_158 : i32 to index
          %parallel_loop3A_160 = arith.index_cast %parallel_loop3A_125 : i32 to index
          %parallel_loop3A_161 = arith.constant 32 : index
          %parallel_loop3A_162 = tpu.vector_load %arg14[%parallel_loop3A_159, %parallel_loop3A_160, %parallel_loop3A_161] {strides = array<i32>} : memref<2x64x64xf32, #tpu.memory_space<vmem>>, vector<16xf32>,
          %parallel_loop3A_163 = arith.mulf %parallel_loop3A_162, %parallel_loop3A_135 : vector<16xf32>
          %parallel_loop3A_164 = arith.constant 1 : i32
          %parallel_loop3A_165 = arith.index_cast %parallel_loop3A_164 : i32 to index
          %parallel_loop3A_166 = arith.index_cast %parallel_loop3A_125 : i32 to index
          %parallel_loop3A_167 = arith.constant 32 : index
          %parallel_loop3A_168 = tpu.vector_load %arg14[%parallel_loop3A_165, %parallel_loop3A_166, %parallel_loop3A_167] {strides = array<i32>} : memref<2x64x64xf32, #tpu.memory_space<vmem>>, vector<16xf32>,
          tpu.vector_store %arg14[%parallel_loop3A_165, %parallel_loop3A_166, %parallel_loop3A_167], %parallel_loop3A_163 {strides = array<i32>} : memref<2x64x64xf32, #tpu.memory_space<vmem>>, vector<16xf32>,
          %parallel_loop3A_169 = arith.constant 1 : i32
          %parallel_loop3A_170 = arith.index_cast %parallel_loop3A_169 : i32 to index
          %parallel_loop3A_171 = arith.index_cast %parallel_loop3A_125 : i32 to index
          %parallel_loop3A_172 = arith.constant 48 : index
          %parallel_loop3A_173 = tpu.vector_load %arg14[%parallel_loop3A_170, %parallel_loop3A_171, %parallel_loop3A_172] {strides = array<i32>} : memref<2x64x64xf32, #tpu.memory_space<vmem>>, vector<16xf32>,
          %parallel_loop3A_174 = arith.mulf %parallel_loop3A_173, %parallel_loop3A_135 : vector<16xf32>
          %parallel_loop3A_175 = arith.constant 1 : i32
          %parallel_loop3A_176 = arith.index_cast %parallel_loop3A_175 : i32 to index
          %parallel_loop3A_177 = arith.index_cast %parallel_loop3A_125 : i32 to index
          %parallel_loop3A_178 = arith.constant 48 : index
          %parallel_loop3A_179 = tpu.vector_load %arg14[%parallel_loop3A_176, %parallel_loop3A_177, %parallel_loop3A_178] {strides = array<i32>} : memref<2x64x64xf32, #tpu.memory_space<vmem>>, vector<16xf32>,
          tpu.vector_store %arg14[%parallel_loop3A_176, %parallel_loop3A_177, %parallel_loop3A_178], %parallel_loop3A_174 {strides = array<i32>} : memref<2x64x64xf32, #tpu.memory_space<vmem>>, vector<16xf32>,
        } {sc.loop_unroll_factor = 4 : i64, sc.parallel_access}
        %run_scoped3A_124 = arith.constant 1 : i32
        "tpu.region"() ({
          %run_scoped3A_125 = tpu.sem_alloc : memref<!tpu.dma_semaphore, #tpu.memory_space<semaphore_mem>>
          %dma_start3A_126 = arith.constant 0 : i32
          %dma_start3A_127 = arith.constant 0 : i32
          %dma_start3A_128 = tpu.memref_slice %arg14[%run_scoped3A_124, %dma_start3A_126, %dma_start3A_127] : memref<2x64x64xf32, #tpu.memory_space<vmem>> -> memref<1x64x64xf32, #tpu.memory_space<vmem>>
          %dma_start3A_129 = tpu.memref_squeeze %dma_start3A_128 : memref<1x64x64xf32, #tpu.memory_space<vmem>> -> memref<64x64xf32, #tpu.memory_space<vmem>>
          %dma_start3A_130 = arith.constant 0 : i32
          %dma_start3A_131 = arith.constant 0 : i32
          %dma_start3A_132 = tpu.memref_slice %arg17[%dma_start3A_130, %dma_start3A_131] : memref<10112x64xf32, #tpu.memory_space<vmem_shared>> -> memref<10112x64xf32, #tpu.memory_space<vmem_shared>>
          tpu.enqueue_indirect_dma source(%dma_start3A_129 : memref<64x64xf32, #tpu.memory_space<vmem>>) target(%dma_start3A_132 : memref<10112x64xf32, #tpu.memory_space<vmem_shared>>) offsets(%arg12 : memref<64xi32, #tpu.memory_space<vmem>>) semaphore(%run_scoped3A_125 : memref<!tpu.dma_semaphore, #tpu.memory_space<semaphore_mem>>) {add = true}
          %dma_wait3A_133 = arith.constant 0 : i32
          %dma_wait3A_134 = arith.constant 0 : i32
          %dma_wait3A_135 = tpu.memref_slice %arg14[%run_scoped3A_124, %dma_wait3A_133, %dma_wait3A_134] : memref<2x64x64xf32, #tpu.memory_space<vmem>> -> memref<1x64x64xf32, #tpu.memory_space<vmem>>
          %dma_wait3A_136 = tpu.memref_squeeze %dma_wait3A_135 : memref<1x64x64xf32, #tpu.memory_space<vmem>> -> memref<64x64xf32, #tpu.memory_space<vmem>>
          %dma_wait3A_137 = arith.constant 0 : i32
          %dma_wait3A_138 = arith.constant 0 : i32
          %dma_wait3A_139 = tpu.memref_slice %arg17[%dma_wait3A_137, %dma_wait3A_138] : memref<10112x64xf32, #tpu.memory_space<vmem_shared>> -> memref<10112x64xf32, #tpu.memory_space<vmem_shared>>
          tpu.wait_indirect_dma semaphore(%run_scoped3A_125 : memref<!tpu.dma_semaphore, #tpu.memory_space<semaphore_mem>>) src(%dma_wait3A_136 : memref<64x64xf32, #tpu.memory_space<vmem>>) dst(%dma_wait3A_139 : memref<10112x64xf32, #tpu.memory_space<vmem_shared>>)
          tpu.yield
        }) : () -> ()
      } else {
      }
    }
    %scan3A_63 = arith.constant 162 : i32
    "tpu.region"() ({
      %run_scoped3A_65 = tpu.sem_alloc : memref<!tpu.dma_semaphore, #tpu.memory_space<semaphore_mem>>
      %dma_start3A_66 = arith.constant 0 : i32
      %dma_start3A_67 = tpu.memref_slice %arg8[%add3A, %dma_start3A_66] : memref<32x20224xf32, #tpu.memory_space<hbm>> -> memref<1x20224xf32, #tpu.memory_space<hbm>>
      %dma_start3A_68 = tpu.memref_squeeze %dma_start3A_67 : memref<1x20224xf32, #tpu.memory_space<hbm>> -> memref<20224xf32, #tpu.memory_space<hbm>>
      %dma_start3A_69 = arith.constant 0 : i32
      %dma_start3A_70 = tpu.memref_slice %arg8[%add3A, %dma_start3A_69] : memref<32x20224xf32, #tpu.memory_space<hbm>> -> memref<1x20224xf32, #tpu.memory_space<hbm>>
      %dma_start3A_71 = tpu.memref_squeeze %dma_start3A_70 : memref<1x20224xf32, #tpu.memory_space<hbm>> -> memref<20224xf32, #tpu.memory_space<hbm>>
      tpu.enqueue_dma source(%arg13 : memref<20224xf32, #tpu.memory_space<vmem>>) target(%dma_start3A_71 : memref<20224xf32, #tpu.memory_space<hbm>>) target_semaphore(%run_scoped3A_65 : memref<!tpu.dma_semaphore, #tpu.memory_space<semaphore_mem>>)
      %dma_wait3A = arith.constant 0 : i32
      %dma_wait3A_72 = tpu.memref_slice %arg8[%add3A, %dma_wait3A] : memref<32x20224xf32, #tpu.memory_space<hbm>> -> memref<1x20224xf32, #tpu.memory_space<hbm>>
      %dma_wait3A_73 = tpu.memref_squeeze %dma_wait3A_72 : memref<1x20224xf32, #tpu.memory_space<hbm>> -> memref<20224xf32, #tpu.memory_space<hbm>>
      %dma_wait3A_74 = arith.constant 0 : i32
      %dma_wait3A_75 = tpu.memref_slice %arg8[%add3A, %dma_wait3A_74] : memref<32x20224xf32, #tpu.memory_space<hbm>> -> memref<1x20224xf32, #tpu.memory_space<hbm>>
      %dma_wait3A_76 = tpu.memref_squeeze %dma_wait3A_75 : memref<1x20224xf32, #tpu.memory_space<hbm>> -> memref<20224xf32, #tpu.memory_space<hbm>>
      tpu.wait_dma2 semaphore(%run_scoped3A_65 : memref<!tpu.dma_semaphore, #tpu.memory_space<semaphore_mem>>) src(%arg13 : memref<20224xf32, #tpu.memory_space<vmem>>) dst(%dma_wait3A_76 : memref<20224xf32, #tpu.memory_space<hbm>>)
      tpu.yield
    }) : () -> ()
    %barrier3A_64 = arith.constant 0 : index
    tpu.barrier barrier_id(%barrier3A_64)
    "tpu.region"() ({
      %run_scoped3A_65 = tpu.sem_alloc : memref<!tpu.dma_semaphore, #tpu.memory_space<semaphore_mem>>
      %dma_start3A_66 = arith.constant 0 : i32
      %dma_start3A_67 = tpu.memref_slice %arg7[%arg0, %mul3A_14, %dma_start3A_66] : memref<2x10112x64xf32, #tpu.memory_space<hbm>> -> memref<1x632x64xf32, #tpu.memory_space<hbm>>
      %dma_start3A_68 = tpu.memref_squeeze %dma_start3A_67 : memref<1x632x64xf32, #tpu.memory_space<hbm>> -> memref<632x64xf32, #tpu.memory_space<hbm>>
      %dma_start3A_69 = arith.constant 0 : i32
      %dma_start3A_70 = tpu.memref_slice %arg17[%mul3A_14, %dma_start3A_69] : memref<10112x64xf32, #tpu.memory_space<vmem_shared>> -> memref<632x64xf32, #tpu.memory_space<vmem_shared>>
      tpu.enqueue_dma source(%dma_start3A_70 : memref<632x64xf32, #tpu.memory_space<vmem_shared>>) target(%dma_start3A_68 : memref<632x64xf32, #tpu.memory_space<hbm>>) target_semaphore(%run_scoped3A_65 : memref<!tpu.dma_semaphore, #tpu.memory_space<semaphore_mem>>)
      %dma_wait3A = arith.constant 0 : i32
      %dma_wait3A_71 = tpu.memref_slice %arg7[%arg0, %mul3A_14, %dma_wait3A] : memref<2x10112x64xf32, #tpu.memory_space<hbm>> -> memref<1x632x64xf32, #tpu.memory_space<hbm>>
      %dma_wait3A_72 = tpu.memref_squeeze %dma_wait3A_71 : memref<1x632x64xf32, #tpu.memory_space<hbm>> -> memref<632x64xf32, #tpu.memory_space<hbm>>
      %dma_wait3A_73 = arith.constant 0 : i32
      %dma_wait3A_74 = tpu.memref_slice %arg17[%mul3A_14, %dma_wait3A_73] : memref<10112x64xf32, #tpu.memory_space<vmem_shared>> -> memref<632x64xf32, #tpu.memory_space<vmem_shared>>
      tpu.wait_dma2 semaphore(%run_scoped3A_65 : memref<!tpu.dma_semaphore, #tpu.memory_space<semaphore_mem>>) src(%dma_wait3A_74 : memref<632x64xf32, #tpu.memory_space<vmem_shared>>) dst(%dma_wait3A_72 : memref<632x64xf32, #tpu.memory_space<hbm>>)
      tpu.yield
    }) : () -> ()
    return
  }
}

#map = affine_map<(d0, d1) -> (0)>
#map1 = affine_map<(d0, d1) -> (0, 0, 0)>
#map2 = affine_map<(d0, d1) -> (0, 0)>
module attributes {stable_mosaic.version = 14 : i64} {
  func.func @_sc_edge_body(%arg0: i32, %arg1: i32, %arg2: memref<40448xf32, #tpu.memory_space<hbm>>, %arg3: memref<32xf32, #tpu.memory_space<hbm>>, %arg4: memref<32x162x64xi32, #tpu.memory_space<hbm>>, %arg5: memref<32x162x64xi32, #tpu.memory_space<hbm>>, %arg6: memref<10112x64xf32, #tpu.memory_space<hbm>>, %arg7: memref<2x10112x64xf32, #tpu.memory_space<hbm>>, %arg8: memref<32x20224xf32, #tpu.memory_space<hbm>>, %arg9: memref<40448xf32, #tpu.memory_space<vmem>>, %arg10: memref<162x64xi32, #tpu.memory_space<vmem>>, %arg11: memref<162x64xi32, #tpu.memory_space<vmem>>, %arg12: memref<64xi32, #tpu.memory_space<vmem>>, %arg13: memref<20224xf32, #tpu.memory_space<vmem>>, %arg14: memref<2x64x64xf32, #tpu.memory_space<vmem>>, %arg15: memref<128xf32, #tpu.memory_space<vmem>>, %arg16: memref<32xf32, #tpu.memory_space<vmem>>, %arg17: memref<10112x64xf32, #tpu.memory_space<vmem_shared>>, %arg18: memref<!tpu.dma_semaphore, #tpu.memory_space<semaphore_mem>>, %arg19: memref<!tpu.dma_semaphore, #tpu.memory_space<semaphore_mem>>) attributes {dimension_semantics = [#tpu.dimension_semantics<core_parallel>, #tpu.dimension_semantics<subcore_parallel>], iteration_bounds = array<i64: 2, 16>, scalar_prefetch = 0 : i64, scratch_operands = 11 : i64, tpu.core_type = #tpu.core_type<sc_vector_subcore>, window_params = [{transform_indices = #map}, {transform_indices = #map}, {transform_indices = #map1}, {transform_indices = #map1}, {transform_indices = #map2}, {transform_indices = #map1}, {transform_indices = #map2}]} {
    %mul3A = arith.constant 16 : i32
    %mul3A_0 = arith.muli %arg0, %mul3A : i32
    %add3A = arith.addi %mul3A_0, %arg1 : i32
    "tpu.region"() ({
      %run_scoped3A_65 = tpu.sem_alloc : memref<!tpu.dma_semaphore, #tpu.memory_space<semaphore_mem>>
      tpu.enqueue_dma source(%arg2 : memref<40448xf32, #tpu.memory_space<hbm>>) target(%arg9 : memref<40448xf32, #tpu.memory_space<vmem>>) target_semaphore(%run_scoped3A_65 : memref<!tpu.dma_semaphore, #tpu.memory_space<semaphore_mem>>)
      tpu.wait_dma2 semaphore(%run_scoped3A_65 : memref<!tpu.dma_semaphore, #tpu.memory_space<semaphore_mem>>) src(%arg2 : memref<40448xf32, #tpu.memory_space<hbm>>) dst(%arg9 : memref<40448xf32, #tpu.memory_space<vmem>>)
      tpu.yield
    }) : () -> ()
    "tpu.region"() ({
      %run_scoped3A_65 = tpu.sem_alloc : memref<!tpu.dma_semaphore, #tpu.memory_space<semaphore_mem>>
      tpu.enqueue_dma source(%arg3 : memref<32xf32, #tpu.memory_space<hbm>>) target(%arg16 : memref<32xf32, #tpu.memory_space<vmem>>) target_semaphore(%run_scoped3A_65 : memref<!tpu.dma_semaphore, #tpu.memory_space<semaphore_mem>>)
      tpu.wait_dma2 semaphore(%run_scoped3A_65 : memref<!tpu.dma_semaphore, #tpu.memory_space<semaphore_mem>>) src(%arg3 : memref<32xf32, #tpu.memory_space<hbm>>) dst(%arg16 : memref<32xf32, #tpu.memory_space<vmem>>)
      tpu.yield
    }) : () -> ()
    "tpu.region"() ({
      %run_scoped3A_65 = tpu.sem_alloc : memref<!tpu.dma_semaphore, #tpu.memory_space<semaphore_mem>>
      %dma_start3A_66 = arith.constant 0 : i32
      %dma_start3A_67 = arith.constant 0 : i32
      %dma_start3A_68 = tpu.memref_slice %arg4[%add3A, %dma_start3A_66, %dma_start3A_67] : memref<32x162x64xi32, #tpu.memory_space<hbm>> -> memref<1x162x64xi32, #tpu.memory_space<hbm>>
      %dma_start3A_69 = tpu.memref_squeeze %dma_start3A_68 : memref<1x162x64xi32, #tpu.memory_space<hbm>> -> memref<162x64xi32, #tpu.memory_space<hbm>>
      %dma_start3A_70 = arith.constant 0 : i32
      %dma_start3A_71 = arith.constant 0 : i32
      %dma_start3A_72 = tpu.memref_slice %arg4[%add3A, %dma_start3A_70, %dma_start3A_71] : memref<32x162x64xi32, #tpu.memory_space<hbm>> -> memref<1x162x64xi32, #tpu.memory_space<hbm>>
      %dma_start3A_73 = tpu.memref_squeeze %dma_start3A_72 : memref<1x162x64xi32, #tpu.memory_space<hbm>> -> memref<162x64xi32, #tpu.memory_space<hbm>>
      tpu.enqueue_dma source(%dma_start3A_73 : memref<162x64xi32, #tpu.memory_space<hbm>>) target(%arg10 : memref<162x64xi32, #tpu.memory_space<vmem>>) target_semaphore(%run_scoped3A_65 : memref<!tpu.dma_semaphore, #tpu.memory_space<semaphore_mem>>)
      %dma_wait3A = arith.constant 0 : i32
      %dma_wait3A_74 = arith.constant 0 : i32
      %dma_wait3A_75 = tpu.memref_slice %arg4[%add3A, %dma_wait3A, %dma_wait3A_74] : memref<32x162x64xi32, #tpu.memory_space<hbm>> -> memref<1x162x64xi32, #tpu.memory_space<hbm>>
      %dma_wait3A_76 = tpu.memref_squeeze %dma_wait3A_75 : memref<1x162x64xi32, #tpu.memory_space<hbm>> -> memref<162x64xi32, #tpu.memory_space<hbm>>
      %dma_wait3A_77 = arith.constant 0 : i32
      %dma_wait3A_78 = arith.constant 0 : i32
      %dma_wait3A_79 = tpu.memref_slice %arg4[%add3A, %dma_wait3A_77, %dma_wait3A_78] : memref<32x162x64xi32, #tpu.memory_space<hbm>> -> memref<1x162x64xi32, #tpu.memory_space<hbm>>
      %dma_wait3A_80 = tpu.memref_squeeze %dma_wait3A_79 : memref<1x162x64xi32, #tpu.memory_space<hbm>> -> memref<162x64xi32, #tpu.memory_space<hbm>>
      tpu.wait_dma2 semaphore(%run_scoped3A_65 : memref<!tpu.dma_semaphore, #tpu.memory_space<semaphore_mem>>) src(%dma_wait3A_80 : memref<162x64xi32, #tpu.memory_space<hbm>>) dst(%arg10 : memref<162x64xi32, #tpu.memory_space<vmem>>)
      tpu.yield
    }) : () -> ()
    "tpu.region"() ({
      %run_scoped3A_65 = tpu.sem_alloc : memref<!tpu.dma_semaphore, #tpu.memory_space<semaphore_mem>>
      %dma_start3A_66 = arith.constant 0 : i32
      %dma_start3A_67 = arith.constant 0 : i32
      %dma_start3A_68 = tpu.memref_slice %arg5[%add3A, %dma_start3A_66, %dma_start3A_67] : memref<32x162x64xi32, #tpu.memory_space<hbm>> -> memref<1x162x64xi32, #tpu.memory_space<hbm>>
      %dma_start3A_69 = tpu.memref_squeeze %dma_start3A_68 : memref<1x162x64xi32, #tpu.memory_space<hbm>> -> memref<162x64xi32, #tpu.memory_space<hbm>>
      %dma_start3A_70 = arith.constant 0 : i32
      %dma_start3A_71 = arith.constant 0 : i32
      %dma_start3A_72 = tpu.memref_slice %arg5[%add3A, %dma_start3A_70, %dma_start3A_71] : memref<32x162x64xi32, #tpu.memory_space<hbm>> -> memref<1x162x64xi32, #tpu.memory_space<hbm>>
      %dma_start3A_73 = tpu.memref_squeeze %dma_start3A_72 : memref<1x162x64xi32, #tpu.memory_space<hbm>> -> memref<162x64xi32, #tpu.memory_space<hbm>>
      tpu.enqueue_dma source(%dma_start3A_73 : memref<162x64xi32, #tpu.memory_space<hbm>>) target(%arg11 : memref<162x64xi32, #tpu.memory_space<vmem>>) target_semaphore(%run_scoped3A_65 : memref<!tpu.dma_semaphore, #tpu.memory_space<semaphore_mem>>)
      %dma_wait3A = arith.constant 0 : i32
      %dma_wait3A_74 = arith.constant 0 : i32
      %dma_wait3A_75 = tpu.memref_slice %arg5[%add3A, %dma_wait3A, %dma_wait3A_74] : memref<32x162x64xi32, #tpu.memory_space<hbm>> -> memref<1x162x64xi32, #tpu.memory_space<hbm>>
      %dma_wait3A_76 = tpu.memref_squeeze %dma_wait3A_75 : memref<1x162x64xi32, #tpu.memory_space<hbm>> -> memref<162x64xi32, #tpu.memory_space<hbm>>
      %dma_wait3A_77 = arith.constant 0 : i32
      %dma_wait3A_78 = arith.constant 0 : i32
      %dma_wait3A_79 = tpu.memref_slice %arg5[%add3A, %dma_wait3A_77, %dma_wait3A_78] : memref<32x162x64xi32, #tpu.memory_space<hbm>> -> memref<1x162x64xi32, #tpu.memory_space<hbm>>
      %dma_wait3A_80 = tpu.memref_squeeze %dma_wait3A_79 : memref<1x162x64xi32, #tpu.memory_space<hbm>> -> memref<162x64xi32, #tpu.memory_space<hbm>>
      tpu.wait_dma2 semaphore(%run_scoped3A_65 : memref<!tpu.dma_semaphore, #tpu.memory_space<semaphore_mem>>) src(%dma_wait3A_80 : memref<162x64xi32, #tpu.memory_space<hbm>>) dst(%arg11 : memref<162x64xi32, #tpu.memory_space<vmem>>)
      tpu.yield
    }) : () -> ()
    %broadcast_in_dim3A = arith.constant 0.000000e+00 : f32
    %broadcast_in_dim3A_1 = vector.broadcast %broadcast_in_dim3A : f32 to vector<16xf32>
    %scan3A = arith.constant 0 : i32
    %scan3A_2 = arith.constant 0 : i32
    %scan3A_3 = arith.constant 1264 : i32
    %scan3A_4 = arith.addi %scan3A_2, %scan3A_3 : i32
    %scan3A_5 = arith.constant 1 : i32
    scf.for %scan3A_65 = %scan3A_2 to %scan3A_4 step %scan3A_5  : i32 {
      %mul3A_66 = arith.constant 16 : i32
      %mul3A_67 = arith.muli %scan3A_65, %mul3A_66 : i32
      %swap3A = arith.index_cast %mul3A_67 : i32 to index
      %swap3A_68 = tpu.vector_load %arg13[%swap3A] {strides = array<i32>} : memref<20224xf32, #tpu.memory_space<vmem>>, vector<16xf32>,
      tpu.vector_store %arg13[%swap3A], %broadcast_in_dim3A_1 {strides = array<i32>} : memref<20224xf32, #tpu.memory_space<vmem>>, vector<16xf32>,
    }
    %scan3A_6 = arith.constant 1264 : i32
    %scan3A_7 = arith.constant 0 : i32
    %scan3A_8 = arith.constant 0 : i32
    %scan3A_9 = arith.constant 64 : i32
    %scan3A_10 = arith.addi %scan3A_8, %scan3A_9 : i32
    %scan3A_11 = arith.constant 1 : i32
    scf.for %scan3A_65 = %scan3A_8 to %scan3A_10 step %scan3A_11  : i32 {
      %swap3A = arith.constant 0 : i32
      %swap3A_66 = arith.index_cast %swap3A : i32 to index
      %swap3A_67 = arith.index_cast %scan3A_65 : i32 to index
      %swap3A_68 = arith.constant 0 : index
      %swap3A_69 = tpu.vector_load %arg14[%swap3A_66, %swap3A_67, %swap3A_68] {strides = array<i32>} : memref<2x64x64xf32, #tpu.memory_space<vmem>>, vector<16xf32>,
      tpu.vector_store %arg14[%swap3A_66, %swap3A_67, %swap3A_68], %broadcast_in_dim3A_1 {strides = array<i32>} : memref<2x64x64xf32, #tpu.memory_space<vmem>>, vector<16xf32>,
      %swap3A_70 = arith.constant 0 : i32
      %swap3A_71 = arith.index_cast %swap3A_70 : i32 to index
      %swap3A_72 = arith.index_cast %scan3A_65 : i32 to index
      %swap3A_73 = arith.constant 16 : index
      %swap3A_74 = tpu.vector_load %arg14[%swap3A_71, %swap3A_72, %swap3A_73] {strides = array<i32>} : memref<2x64x64xf32, #tpu.memory_space<vmem>>, vector<16xf32>,
      tpu.vector_store %arg14[%swap3A_71, %swap3A_72, %swap3A_73], %broadcast_in_dim3A_1 {strides = array<i32>} : memref<2x64x64xf32, #tpu.memory_space<vmem>>, vector<16xf32>,
      %swap3A_75 = arith.constant 0 : i32
      %swap3A_76 = arith.index_cast %swap3A_75 : i32 to index
      %swap3A_77 = arith.index_cast %scan3A_65 : i32 to index
      %swap3A_78 = arith.constant 32 : index
      %swap3A_79 = tpu.vector_load %arg14[%swap3A_76, %swap3A_77, %swap3A_78] {strides = array<i32>} : memref<2x64x64xf32, #tpu.memory_space<vmem>>, vector<16xf32>,
      tpu.vector_store %arg14[%swap3A_76, %swap3A_77, %swap3A_78], %broadcast_in_dim3A_1 {strides = array<i32>} : memref<2x64x64xf32, #tpu.memory_space<vmem>>, vector<16xf32>,
      %swap3A_80 = arith.constant 0 : i32
      %swap3A_81 = arith.index_cast %swap3A_80 : i32 to index
      %swap3A_82 = arith.index_cast %scan3A_65 : i32 to index
      %swap3A_83 = arith.constant 48 : index
      %swap3A_84 = tpu.vector_load %arg14[%swap3A_81, %swap3A_82, %swap3A_83] {strides = array<i32>} : memref<2x64x64xf32, #tpu.memory_space<vmem>>, vector<16xf32>,
      tpu.vector_store %arg14[%swap3A_81, %swap3A_82, %swap3A_83], %broadcast_in_dim3A_1 {strides = array<i32>} : memref<2x64x64xf32, #tpu.memory_space<vmem>>, vector<16xf32>,
    }
    %scan3A_12 = arith.constant 64 : i32
    %mul3A_13 = arith.constant 632 : i32
    %mul3A_14 = arith.muli %arg1, %mul3A_13 : i32
    %add3A_15 = arith.constant 0 : i32
    %add3A_16 = arith.addi %mul3A_14, %add3A_15 : i32
    %run_scoped3A = arith.constant 0 : i32
    "tpu.region"() ({
      %run_scoped3A_65 = tpu.sem_alloc : memref<!tpu.dma_semaphore, #tpu.memory_space<semaphore_mem>>
      %dma_start3A_66 = arith.constant 0 : i32
      %dma_start3A_67 = arith.constant 0 : i32
      %dma_start3A_68 = tpu.memref_slice %arg14[%run_scoped3A, %dma_start3A_66, %dma_start3A_67] : memref<2x64x64xf32, #tpu.memory_space<vmem>> -> memref<1x64x64xf32, #tpu.memory_space<vmem>>
      %dma_start3A_69 = tpu.memref_squeeze %dma_start3A_68 : memref<1x64x64xf32, #tpu.memory_space<vmem>> -> memref<64x64xf32, #tpu.memory_space<vmem>>
      %dma_start3A_70 = arith.constant 0 : i32
      %dma_start3A_71 = tpu.memref_slice %arg17[%add3A_16, %dma_start3A_70] : memref<10112x64xf32, #tpu.memory_space<vmem_shared>> -> memref<64x64xf32, #tpu.memory_space<vmem_shared>>
      %dma_start3A_72 = arith.constant 0 : i32
      %dma_start3A_73 = tpu.memref_slice %arg17[%add3A_16, %dma_start3A_72] : memref<10112x64xf32, #tpu.memory_space<vmem_shared>> -> memref<64x64xf32, #tpu.memory_space<vmem_shared>>
      %dma_start3A_74 = arith.constant 0 : i32
      %dma_start3A_75 = arith.constant 0 : i32
      %dma_start3A_76 = tpu.memref_slice %arg14[%run_scoped3A, %dma_start3A_74, %dma_start3A_75] : memref<2x64x64xf32, #tpu.memory_space<vmem>> -> memref<1x64x64xf32, #tpu.memory_space<vmem>>
      %dma_start3A_77 = tpu.memref_squeeze %dma_start3A_76 : memref<1x64x64xf32, #tpu.memory_space<vmem>> -> memref<64x64xf32, #tpu.memory_space<vmem>>
      tpu.enqueue_dma source(%dma_start3A_77 : memref<64x64xf32, #tpu.memory_space<vmem>>) target(%dma_start3A_73 : memref<64x64xf32, #tpu.memory_space<vmem_shared>>) target_semaphore(%run_scoped3A_65 : memref<!tpu.dma_semaphore, #tpu.memory_space<semaphore_mem>>)
      %dma_wait3A = arith.constant 0 : i32
      %dma_wait3A_78 = arith.constant 0 : i32
      %dma_wait3A_79 = tpu.memref_slice %arg14[%run_scoped3A, %dma_wait3A, %dma_wait3A_78] : memref<2x64x64xf32, #tpu.memory_space<vmem>> -> memref<1x64x64xf32, #tpu.memory_space<vmem>>
      %dma_wait3A_80 = tpu.memref_squeeze %dma_wait3A_79 : memref<1x64x64xf32, #tpu.memory_space<vmem>> -> memref<64x64xf32, #tpu.memory_space<vmem>>
      %dma_wait3A_81 = arith.constant 0 : i32
      %dma_wait3A_82 = tpu.memref_slice %arg17[%add3A_16, %dma_wait3A_81] : memref<10112x64xf32, #tpu.memory_space<vmem_shared>> -> memref<64x64xf32, #tpu.memory_space<vmem_shared>>
      %dma_wait3A_83 = arith.constant 0 : i32
      %dma_wait3A_84 = tpu.memref_slice %arg17[%add3A_16, %dma_wait3A_83] : memref<10112x64xf32, #tpu.memory_space<vmem_shared>> -> memref<64x64xf32, #tpu.memory_space<vmem_shared>>
      %dma_wait3A_85 = arith.constant 0 : i32
      %dma_wait3A_86 = arith.constant 0 : i32
      %dma_wait3A_87 = tpu.memref_slice %arg14[%run_scoped3A, %dma_wait3A_85, %dma_wait3A_86] : memref<2x64x64xf32, #tpu.memory_space<vmem>> -> memref<1x64x64xf32, #tpu.memory_space<vmem>>
      %dma_wait3A_88 = tpu.memref_squeeze %dma_wait3A_87 : memref<1x64x64xf32, #tpu.memory_space<vmem>> -> memref<64x64xf32, #tpu.memory_space<vmem>>
      tpu.wait_dma2 semaphore(%run_scoped3A_65 : memref<!tpu.dma_semaphore, #tpu.memory_space<semaphore_mem>>) src(%dma_wait3A_88 : memref<64x64xf32, #tpu.memory_space<vmem>>) dst(%dma_wait3A_84 : memref<64x64xf32, #tpu.memory_space<vmem_shared>>)
      tpu.yield
    }) : () -> ()
    %add3A_17 = arith.constant 64 : i32
    %add3A_18 = arith.addi %mul3A_14, %add3A_17 : i32
    %run_scoped3A_19 = arith.constant 0 : i32
    "tpu.region"() ({
      %run_scoped3A_65 = tpu.sem_alloc : memref<!tpu.dma_semaphore, #tpu.memory_space<semaphore_mem>>
      %dma_start3A_66 = arith.constant 0 : i32
      %dma_start3A_67 = arith.constant 0 : i32
      %dma_start3A_68 = tpu.memref_slice %arg14[%run_scoped3A_19, %dma_start3A_66, %dma_start3A_67] : memref<2x64x64xf32, #tpu.memory_space<vmem>> -> memref<1x64x64xf32, #tpu.memory_space<vmem>>
      %dma_start3A_69 = tpu.memref_squeeze %dma_start3A_68 : memref<1x64x64xf32, #tpu.memory_space<vmem>> -> memref<64x64xf32, #tpu.memory_space<vmem>>
      %dma_start3A_70 = arith.constant 0 : i32
      %dma_start3A_71 = tpu.memref_slice %arg17[%add3A_18, %dma_start3A_70] : memref<10112x64xf32, #tpu.memory_space<vmem_shared>> -> memref<64x64xf32, #tpu.memory_space<vmem_shared>>
      %dma_start3A_72 = arith.constant 0 : i32
      %dma_start3A_73 = tpu.memref_slice %arg17[%add3A_18, %dma_start3A_72] : memref<10112x64xf32, #tpu.memory_space<vmem_shared>> -> memref<64x64xf32, #tpu.memory_space<vmem_shared>>
      %dma_start3A_74 = arith.constant 0 : i32
      %dma_start3A_75 = arith.constant 0 : i32
      %dma_start3A_76 = tpu.memref_slice %arg14[%run_scoped3A_19, %dma_start3A_74, %dma_start3A_75] : memref<2x64x64xf32, #tpu.memory_space<vmem>> -> memref<1x64x64xf32, #tpu.memory_space<vmem>>
      %dma_start3A_77 = tpu.memref_squeeze %dma_start3A_76 : memref<1x64x64xf32, #tpu.memory_space<vmem>> -> memref<64x64xf32, #tpu.memory_space<vmem>>
      tpu.enqueue_dma source(%dma_start3A_77 : memref<64x64xf32, #tpu.memory_space<vmem>>) target(%dma_start3A_73 : memref<64x64xf32, #tpu.memory_space<vmem_shared>>) target_semaphore(%run_scoped3A_65 : memref<!tpu.dma_semaphore, #tpu.memory_space<semaphore_mem>>)
      %dma_wait3A = arith.constant 0 : i32
      %dma_wait3A_78 = arith.constant 0 : i32
      %dma_wait3A_79 = tpu.memref_slice %arg14[%run_scoped3A_19, %dma_wait3A, %dma_wait3A_78] : memref<2x64x64xf32, #tpu.memory_space<vmem>> -> memref<1x64x64xf32, #tpu.memory_space<vmem>>
      %dma_wait3A_80 = tpu.memref_squeeze %dma_wait3A_79 : memref<1x64x64xf32, #tpu.memory_space<vmem>> -> memref<64x64xf32, #tpu.memory_space<vmem>>
      %dma_wait3A_81 = arith.constant 0 : i32
      %dma_wait3A_82 = tpu.memref_slice %arg17[%add3A_18, %dma_wait3A_81] : memref<10112x64xf32, #tpu.memory_space<vmem_shared>> -> memref<64x64xf32, #tpu.memory_space<vmem_shared>>
      %dma_wait3A_83 = arith.constant 0 : i32
      %dma_wait3A_84 = tpu.memref_slice %arg17[%add3A_18, %dma_wait3A_83] : memref<10112x64xf32, #tpu.memory_space<vmem_shared>> -> memref<64x64xf32, #tpu.memory_space<vmem_shared>>
      %dma_wait3A_85 = arith.constant 0 : i32
      %dma_wait3A_86 = arith.constant 0 : i32
      %dma_wait3A_87 = tpu.memref_slice %arg14[%run_scoped3A_19, %dma_wait3A_85, %dma_wait3A_86] : memref<2x64x64xf32, #tpu.memory_space<vmem>> -> memref<1x64x64xf32, #tpu.memory_space<vmem>>
      %dma_wait3A_88 = tpu.memref_squeeze %dma_wait3A_87 : memref<1x64x64xf32, #tpu.memory_space<vmem>> -> memref<64x64xf32, #tpu.memory_space<vmem>>
      tpu.wait_dma2 semaphore(%run_scoped3A_65 : memref<!tpu.dma_semaphore, #tpu.memory_space<semaphore_mem>>) src(%dma_wait3A_88 : memref<64x64xf32, #tpu.memory_space<vmem>>) dst(%dma_wait3A_84 : memref<64x64xf32, #tpu.memory_space<vmem_shared>>)
      tpu.yield
    }) : () -> ()
    %add3A_20 = arith.constant 128 : i32
    %add3A_21 = arith.addi %mul3A_14, %add3A_20 : i32
    %run_scoped3A_22 = arith.constant 0 : i32
    "tpu.region"() ({
      %run_scoped3A_65 = tpu.sem_alloc : memref<!tpu.dma_semaphore, #tpu.memory_space<semaphore_mem>>
      %dma_start3A_66 = arith.constant 0 : i32
      %dma_start3A_67 = arith.constant 0 : i32
      %dma_start3A_68 = tpu.memref_slice %arg14[%run_scoped3A_22, %dma_start3A_66, %dma_start3A_67] : memref<2x64x64xf32, #tpu.memory_space<vmem>> -> memref<1x64x64xf32, #tpu.memory_space<vmem>>
      %dma_start3A_69 = tpu.memref_squeeze %dma_start3A_68 : memref<1x64x64xf32, #tpu.memory_space<vmem>> -> memref<64x64xf32, #tpu.memory_space<vmem>>
      %dma_start3A_70 = arith.constant 0 : i32
      %dma_start3A_71 = tpu.memref_slice %arg17[%add3A_21, %dma_start3A_70] : memref<10112x64xf32, #tpu.memory_space<vmem_shared>> -> memref<64x64xf32, #tpu.memory_space<vmem_shared>>
      %dma_start3A_72 = arith.constant 0 : i32
      %dma_start3A_73 = tpu.memref_slice %arg17[%add3A_21, %dma_start3A_72] : memref<10112x64xf32, #tpu.memory_space<vmem_shared>> -> memref<64x64xf32, #tpu.memory_space<vmem_shared>>
      %dma_start3A_74 = arith.constant 0 : i32
      %dma_start3A_75 = arith.constant 0 : i32
      %dma_start3A_76 = tpu.memref_slice %arg14[%run_scoped3A_22, %dma_start3A_74, %dma_start3A_75] : memref<2x64x64xf32, #tpu.memory_space<vmem>> -> memref<1x64x64xf32, #tpu.memory_space<vmem>>
      %dma_start3A_77 = tpu.memref_squeeze %dma_start3A_76 : memref<1x64x64xf32, #tpu.memory_space<vmem>> -> memref<64x64xf32, #tpu.memory_space<vmem>>
      tpu.enqueue_dma source(%dma_start3A_77 : memref<64x64xf32, #tpu.memory_space<vmem>>) target(%dma_start3A_73 : memref<64x64xf32, #tpu.memory_space<vmem_shared>>) target_semaphore(%run_scoped3A_65 : memref<!tpu.dma_semaphore, #tpu.memory_space<semaphore_mem>>)
      %dma_wait3A = arith.constant 0 : i32
      %dma_wait3A_78 = arith.constant 0 : i32
      %dma_wait3A_79 = tpu.memref_slice %arg14[%run_scoped3A_22, %dma_wait3A, %dma_wait3A_78] : memref<2x64x64xf32, #tpu.memory_space<vmem>> -> memref<1x64x64xf32, #tpu.memory_space<vmem>>
      %dma_wait3A_80 = tpu.memref_squeeze %dma_wait3A_79 : memref<1x64x64xf32, #tpu.memory_space<vmem>> -> memref<64x64xf32, #tpu.memory_space<vmem>>
      %dma_wait3A_81 = arith.constant 0 : i32
      %dma_wait3A_82 = tpu.memref_slice %arg17[%add3A_21, %dma_wait3A_81] : memref<10112x64xf32, #tpu.memory_space<vmem_shared>> -> memref<64x64xf32, #tpu.memory_space<vmem_shared>>
      %dma_wait3A_83 = arith.constant 0 : i32
      %dma_wait3A_84 = tpu.memref_slice %arg17[%add3A_21, %dma_wait3A_83] : memref<10112x64xf32, #tpu.memory_space<vmem_shared>> -> memref<64x64xf32, #tpu.memory_space<vmem_shared>>
      %dma_wait3A_85 = arith.constant 0 : i32
      %dma_wait3A_86 = arith.constant 0 : i32
      %dma_wait3A_87 = tpu.memref_slice %arg14[%run_scoped3A_22, %dma_wait3A_85, %dma_wait3A_86] : memref<2x64x64xf32, #tpu.memory_space<vmem>> -> memref<1x64x64xf32, #tpu.memory_space<vmem>>
      %dma_wait3A_88 = tpu.memref_squeeze %dma_wait3A_87 : memref<1x64x64xf32, #tpu.memory_space<vmem>> -> memref<64x64xf32, #tpu.memory_space<vmem>>
      tpu.wait_dma2 semaphore(%run_scoped3A_65 : memref<!tpu.dma_semaphore, #tpu.memory_space<semaphore_mem>>) src(%dma_wait3A_88 : memref<64x64xf32, #tpu.memory_space<vmem>>) dst(%dma_wait3A_84 : memref<64x64xf32, #tpu.memory_space<vmem_shared>>)
      tpu.yield
    }) : () -> ()
    %add3A_23 = arith.constant 192 : i32
    %add3A_24 = arith.addi %mul3A_14, %add3A_23 : i32
    %run_scoped3A_25 = arith.constant 0 : i32
    "tpu.region"() ({
      %run_scoped3A_65 = tpu.sem_alloc : memref<!tpu.dma_semaphore, #tpu.memory_space<semaphore_mem>>
      %dma_start3A_66 = arith.constant 0 : i32
      %dma_start3A_67 = arith.constant 0 : i32
      %dma_start3A_68 = tpu.memref_slice %arg14[%run_scoped3A_25, %dma_start3A_66, %dma_start3A_67] : memref<2x64x64xf32, #tpu.memory_space<vmem>> -> memref<1x64x64xf32, #tpu.memory_space<vmem>>
      %dma_start3A_69 = tpu.memref_squeeze %dma_start3A_68 : memref<1x64x64xf32, #tpu.memory_space<vmem>> -> memref<64x64xf32, #tpu.memory_space<vmem>>
      %dma_start3A_70 = arith.constant 0 : i32
      %dma_start3A_71 = tpu.memref_slice %arg17[%add3A_24, %dma_start3A_70] : memref<10112x64xf32, #tpu.memory_space<vmem_shared>> -> memref<64x64xf32, #tpu.memory_space<vmem_shared>>
      %dma_start3A_72 = arith.constant 0 : i32
      %dma_start3A_73 = tpu.memref_slice %arg17[%add3A_24, %dma_start3A_72] : memref<10112x64xf32, #tpu.memory_space<vmem_shared>> -> memref<64x64xf32, #tpu.memory_space<vmem_shared>>
      %dma_start3A_74 = arith.constant 0 : i32
      %dma_start3A_75 = arith.constant 0 : i32
      %dma_start3A_76 = tpu.memref_slice %arg14[%run_scoped3A_25, %dma_start3A_74, %dma_start3A_75] : memref<2x64x64xf32, #tpu.memory_space<vmem>> -> memref<1x64x64xf32, #tpu.memory_space<vmem>>
      %dma_start3A_77 = tpu.memref_squeeze %dma_start3A_76 : memref<1x64x64xf32, #tpu.memory_space<vmem>> -> memref<64x64xf32, #tpu.memory_space<vmem>>
      tpu.enqueue_dma source(%dma_start3A_77 : memref<64x64xf32, #tpu.memory_space<vmem>>) target(%dma_start3A_73 : memref<64x64xf32, #tpu.memory_space<vmem_shared>>) target_semaphore(%run_scoped3A_65 : memref<!tpu.dma_semaphore, #tpu.memory_space<semaphore_mem>>)
      %dma_wait3A = arith.constant 0 : i32
      %dma_wait3A_78 = arith.constant 0 : i32
      %dma_wait3A_79 = tpu.memref_slice %arg14[%run_scoped3A_25, %dma_wait3A, %dma_wait3A_78] : memref<2x64x64xf32, #tpu.memory_space<vmem>> -> memref<1x64x64xf32, #tpu.memory_space<vmem>>
      %dma_wait3A_80 = tpu.memref_squeeze %dma_wait3A_79 : memref<1x64x64xf32, #tpu.memory_space<vmem>> -> memref<64x64xf32, #tpu.memory_space<vmem>>
      %dma_wait3A_81 = arith.constant 0 : i32
      %dma_wait3A_82 = tpu.memref_slice %arg17[%add3A_24, %dma_wait3A_81] : memref<10112x64xf32, #tpu.memory_space<vmem_shared>> -> memref<64x64xf32, #tpu.memory_space<vmem_shared>>
      %dma_wait3A_83 = arith.constant 0 : i32
      %dma_wait3A_84 = tpu.memref_slice %arg17[%add3A_24, %dma_wait3A_83] : memref<10112x64xf32, #tpu.memory_space<vmem_shared>> -> memref<64x64xf32, #tpu.memory_space<vmem_shared>>
      %dma_wait3A_85 = arith.constant 0 : i32
      %dma_wait3A_86 = arith.constant 0 : i32
      %dma_wait3A_87 = tpu.memref_slice %arg14[%run_scoped3A_25, %dma_wait3A_85, %dma_wait3A_86] : memref<2x64x64xf32, #tpu.memory_space<vmem>> -> memref<1x64x64xf32, #tpu.memory_space<vmem>>
      %dma_wait3A_88 = tpu.memref_squeeze %dma_wait3A_87 : memref<1x64x64xf32, #tpu.memory_space<vmem>> -> memref<64x64xf32, #tpu.memory_space<vmem>>
      tpu.wait_dma2 semaphore(%run_scoped3A_65 : memref<!tpu.dma_semaphore, #tpu.memory_space<semaphore_mem>>) src(%dma_wait3A_88 : memref<64x64xf32, #tpu.memory_space<vmem>>) dst(%dma_wait3A_84 : memref<64x64xf32, #tpu.memory_space<vmem_shared>>)
      tpu.yield
    }) : () -> ()
    %add3A_26 = arith.constant 256 : i32
    %add3A_27 = arith.addi %mul3A_14, %add3A_26 : i32
    %run_scoped3A_28 = arith.constant 0 : i32
    "tpu.region"() ({
      %run_scoped3A_65 = tpu.sem_alloc : memref<!tpu.dma_semaphore, #tpu.memory_space<semaphore_mem>>
      %dma_start3A_66 = arith.constant 0 : i32
      %dma_start3A_67 = arith.constant 0 : i32
      %dma_start3A_68 = tpu.memref_slice %arg14[%run_scoped3A_28, %dma_start3A_66, %dma_start3A_67] : memref<2x64x64xf32, #tpu.memory_space<vmem>> -> memref<1x64x64xf32, #tpu.memory_space<vmem>>
      %dma_start3A_69 = tpu.memref_squeeze %dma_start3A_68 : memref<1x64x64xf32, #tpu.memory_space<vmem>> -> memref<64x64xf32, #tpu.memory_space<vmem>>
      %dma_start3A_70 = arith.constant 0 : i32
      %dma_start3A_71 = tpu.memref_slice %arg17[%add3A_27, %dma_start3A_70] : memref<10112x64xf32, #tpu.memory_space<vmem_shared>> -> memref<64x64xf32, #tpu.memory_space<vmem_shared>>
      %dma_start3A_72 = arith.constant 0 : i32
      %dma_start3A_73 = tpu.memref_slice %arg17[%add3A_27, %dma_start3A_72] : memref<10112x64xf32, #tpu.memory_space<vmem_shared>> -> memref<64x64xf32, #tpu.memory_space<vmem_shared>>
      %dma_start3A_74 = arith.constant 0 : i32
      %dma_start3A_75 = arith.constant 0 : i32
      %dma_start3A_76 = tpu.memref_slice %arg14[%run_scoped3A_28, %dma_start3A_74, %dma_start3A_75] : memref<2x64x64xf32, #tpu.memory_space<vmem>> -> memref<1x64x64xf32, #tpu.memory_space<vmem>>
      %dma_start3A_77 = tpu.memref_squeeze %dma_start3A_76 : memref<1x64x64xf32, #tpu.memory_space<vmem>> -> memref<64x64xf32, #tpu.memory_space<vmem>>
      tpu.enqueue_dma source(%dma_start3A_77 : memref<64x64xf32, #tpu.memory_space<vmem>>) target(%dma_start3A_73 : memref<64x64xf32, #tpu.memory_space<vmem_shared>>) target_semaphore(%run_scoped3A_65 : memref<!tpu.dma_semaphore, #tpu.memory_space<semaphore_mem>>)
      %dma_wait3A = arith.constant 0 : i32
      %dma_wait3A_78 = arith.constant 0 : i32
      %dma_wait3A_79 = tpu.memref_slice %arg14[%run_scoped3A_28, %dma_wait3A, %dma_wait3A_78] : memref<2x64x64xf32, #tpu.memory_space<vmem>> -> memref<1x64x64xf32, #tpu.memory_space<vmem>>
      %dma_wait3A_80 = tpu.memref_squeeze %dma_wait3A_79 : memref<1x64x64xf32, #tpu.memory_space<vmem>> -> memref<64x64xf32, #tpu.memory_space<vmem>>
      %dma_wait3A_81 = arith.constant 0 : i32
      %dma_wait3A_82 = tpu.memref_slice %arg17[%add3A_27, %dma_wait3A_81] : memref<10112x64xf32, #tpu.memory_space<vmem_shared>> -> memref<64x64xf32, #tpu.memory_space<vmem_shared>>
      %dma_wait3A_83 = arith.constant 0 : i32
      %dma_wait3A_84 = tpu.memref_slice %arg17[%add3A_27, %dma_wait3A_83] : memref<10112x64xf32, #tpu.memory_space<vmem_shared>> -> memref<64x64xf32, #tpu.memory_space<vmem_shared>>
      %dma_wait3A_85 = arith.constant 0 : i32
      %dma_wait3A_86 = arith.constant 0 : i32
      %dma_wait3A_87 = tpu.memref_slice %arg14[%run_scoped3A_28, %dma_wait3A_85, %dma_wait3A_86] : memref<2x64x64xf32, #tpu.memory_space<vmem>> -> memref<1x64x64xf32, #tpu.memory_space<vmem>>
      %dma_wait3A_88 = tpu.memref_squeeze %dma_wait3A_87 : memref<1x64x64xf32, #tpu.memory_space<vmem>> -> memref<64x64xf32, #tpu.memory_space<vmem>>
      tpu.wait_dma2 semaphore(%run_scoped3A_65 : memref<!tpu.dma_semaphore, #tpu.memory_space<semaphore_mem>>) src(%dma_wait3A_88 : memref<64x64xf32, #tpu.memory_space<vmem>>) dst(%dma_wait3A_84 : memref<64x64xf32, #tpu.memory_space<vmem_shared>>)
      tpu.yield
    }) : () -> ()
    %add3A_29 = arith.constant 320 : i32
    %add3A_30 = arith.addi %mul3A_14, %add3A_29 : i32
    %run_scoped3A_31 = arith.constant 0 : i32
    "tpu.region"() ({
      %run_scoped3A_65 = tpu.sem_alloc : memref<!tpu.dma_semaphore, #tpu.memory_space<semaphore_mem>>
      %dma_start3A_66 = arith.constant 0 : i32
      %dma_start3A_67 = arith.constant 0 : i32
      %dma_start3A_68 = tpu.memref_slice %arg14[%run_scoped3A_31, %dma_start3A_66, %dma_start3A_67] : memref<2x64x64xf32, #tpu.memory_space<vmem>> -> memref<1x64x64xf32, #tpu.memory_space<vmem>>
      %dma_start3A_69 = tpu.memref_squeeze %dma_start3A_68 : memref<1x64x64xf32, #tpu.memory_space<vmem>> -> memref<64x64xf32, #tpu.memory_space<vmem>>
      %dma_start3A_70 = arith.constant 0 : i32
      %dma_start3A_71 = tpu.memref_slice %arg17[%add3A_30, %dma_start3A_70] : memref<10112x64xf32, #tpu.memory_space<vmem_shared>> -> memref<64x64xf32, #tpu.memory_space<vmem_shared>>
      %dma_start3A_72 = arith.constant 0 : i32
      %dma_start3A_73 = tpu.memref_slice %arg17[%add3A_30, %dma_start3A_72] : memref<10112x64xf32, #tpu.memory_space<vmem_shared>> -> memref<64x64xf32, #tpu.memory_space<vmem_shared>>
      %dma_start3A_74 = arith.constant 0 : i32
      %dma_start3A_75 = arith.constant 0 : i32
      %dma_start3A_76 = tpu.memref_slice %arg14[%run_scoped3A_31, %dma_start3A_74, %dma_start3A_75] : memref<2x64x64xf32, #tpu.memory_space<vmem>> -> memref<1x64x64xf32, #tpu.memory_space<vmem>>
      %dma_start3A_77 = tpu.memref_squeeze %dma_start3A_76 : memref<1x64x64xf32, #tpu.memory_space<vmem>> -> memref<64x64xf32, #tpu.memory_space<vmem>>
      tpu.enqueue_dma source(%dma_start3A_77 : memref<64x64xf32, #tpu.memory_space<vmem>>) target(%dma_start3A_73 : memref<64x64xf32, #tpu.memory_space<vmem_shared>>) target_semaphore(%run_scoped3A_65 : memref<!tpu.dma_semaphore, #tpu.memory_space<semaphore_mem>>)
      %dma_wait3A = arith.constant 0 : i32
      %dma_wait3A_78 = arith.constant 0 : i32
      %dma_wait3A_79 = tpu.memref_slice %arg14[%run_scoped3A_31, %dma_wait3A, %dma_wait3A_78] : memref<2x64x64xf32, #tpu.memory_space<vmem>> -> memref<1x64x64xf32, #tpu.memory_space<vmem>>
      %dma_wait3A_80 = tpu.memref_squeeze %dma_wait3A_79 : memref<1x64x64xf32, #tpu.memory_space<vmem>> -> memref<64x64xf32, #tpu.memory_space<vmem>>
      %dma_wait3A_81 = arith.constant 0 : i32
      %dma_wait3A_82 = tpu.memref_slice %arg17[%add3A_30, %dma_wait3A_81] : memref<10112x64xf32, #tpu.memory_space<vmem_shared>> -> memref<64x64xf32, #tpu.memory_space<vmem_shared>>
      %dma_wait3A_83 = arith.constant 0 : i32
      %dma_wait3A_84 = tpu.memref_slice %arg17[%add3A_30, %dma_wait3A_83] : memref<10112x64xf32, #tpu.memory_space<vmem_shared>> -> memref<64x64xf32, #tpu.memory_space<vmem_shared>>
      %dma_wait3A_85 = arith.constant 0 : i32
      %dma_wait3A_86 = arith.constant 0 : i32
      %dma_wait3A_87 = tpu.memref_slice %arg14[%run_scoped3A_31, %dma_wait3A_85, %dma_wait3A_86] : memref<2x64x64xf32, #tpu.memory_space<vmem>> -> memref<1x64x64xf32, #tpu.memory_space<vmem>>
      %dma_wait3A_88 = tpu.memref_squeeze %dma_wait3A_87 : memref<1x64x64xf32, #tpu.memory_space<vmem>> -> memref<64x64xf32, #tpu.memory_space<vmem>>
      tpu.wait_dma2 semaphore(%run_scoped3A_65 : memref<!tpu.dma_semaphore, #tpu.memory_space<semaphore_mem>>) src(%dma_wait3A_88 : memref<64x64xf32, #tpu.memory_space<vmem>>) dst(%dma_wait3A_84 : memref<64x64xf32, #tpu.memory_space<vmem_shared>>)
      tpu.yield
    }) : () -> ()
    %add3A_32 = arith.constant 384 : i32
    %add3A_33 = arith.addi %mul3A_14, %add3A_32 : i32
    %run_scoped3A_34 = arith.constant 0 : i32
    "tpu.region"() ({
      %run_scoped3A_65 = tpu.sem_alloc : memref<!tpu.dma_semaphore, #tpu.memory_space<semaphore_mem>>
      %dma_start3A_66 = arith.constant 0 : i32
      %dma_start3A_67 = arith.constant 0 : i32
      %dma_start3A_68 = tpu.memref_slice %arg14[%run_scoped3A_34, %dma_start3A_66, %dma_start3A_67] : memref<2x64x64xf32, #tpu.memory_space<vmem>> -> memref<1x64x64xf32, #tpu.memory_space<vmem>>
      %dma_start3A_69 = tpu.memref_squeeze %dma_start3A_68 : memref<1x64x64xf32, #tpu.memory_space<vmem>> -> memref<64x64xf32, #tpu.memory_space<vmem>>
      %dma_start3A_70 = arith.constant 0 : i32
      %dma_start3A_71 = tpu.memref_slice %arg17[%add3A_33, %dma_start3A_70] : memref<10112x64xf32, #tpu.memory_space<vmem_shared>> -> memref<64x64xf32, #tpu.memory_space<vmem_shared>>
      %dma_start3A_72 = arith.constant 0 : i32
      %dma_start3A_73 = tpu.memref_slice %arg17[%add3A_33, %dma_start3A_72] : memref<10112x64xf32, #tpu.memory_space<vmem_shared>> -> memref<64x64xf32, #tpu.memory_space<vmem_shared>>
      %dma_start3A_74 = arith.constant 0 : i32
      %dma_start3A_75 = arith.constant 0 : i32
      %dma_start3A_76 = tpu.memref_slice %arg14[%run_scoped3A_34, %dma_start3A_74, %dma_start3A_75] : memref<2x64x64xf32, #tpu.memory_space<vmem>> -> memref<1x64x64xf32, #tpu.memory_space<vmem>>
      %dma_start3A_77 = tpu.memref_squeeze %dma_start3A_76 : memref<1x64x64xf32, #tpu.memory_space<vmem>> -> memref<64x64xf32, #tpu.memory_space<vmem>>
      tpu.enqueue_dma source(%dma_start3A_77 : memref<64x64xf32, #tpu.memory_space<vmem>>) target(%dma_start3A_73 : memref<64x64xf32, #tpu.memory_space<vmem_shared>>) target_semaphore(%run_scoped3A_65 : memref<!tpu.dma_semaphore, #tpu.memory_space<semaphore_mem>>)
      %dma_wait3A = arith.constant 0 : i32
      %dma_wait3A_78 = arith.constant 0 : i32
      %dma_wait3A_79 = tpu.memref_slice %arg14[%run_scoped3A_34, %dma_wait3A, %dma_wait3A_78] : memref<2x64x64xf32, #tpu.memory_space<vmem>> -> memref<1x64x64xf32, #tpu.memory_space<vmem>>
      %dma_wait3A_80 = tpu.memref_squeeze %dma_wait3A_79 : memref<1x64x64xf32, #tpu.memory_space<vmem>> -> memref<64x64xf32, #tpu.memory_space<vmem>>
      %dma_wait3A_81 = arith.constant 0 : i32
      %dma_wait3A_82 = tpu.memref_slice %arg17[%add3A_33, %dma_wait3A_81] : memref<10112x64xf32, #tpu.memory_space<vmem_shared>> -> memref<64x64xf32, #tpu.memory_space<vmem_shared>>
      %dma_wait3A_83 = arith.constant 0 : i32
      %dma_wait3A_84 = tpu.memref_slice %arg17[%add3A_33, %dma_wait3A_83] : memref<10112x64xf32, #tpu.memory_space<vmem_shared>> -> memref<64x64xf32, #tpu.memory_space<vmem_shared>>
      %dma_wait3A_85 = arith.constant 0 : i32
      %dma_wait3A_86 = arith.constant 0 : i32
      %dma_wait3A_87 = tpu.memref_slice %arg14[%run_scoped3A_34, %dma_wait3A_85, %dma_wait3A_86] : memref<2x64x64xf32, #tpu.memory_space<vmem>> -> memref<1x64x64xf32, #tpu.memory_space<vmem>>
      %dma_wait3A_88 = tpu.memref_squeeze %dma_wait3A_87 : memref<1x64x64xf32, #tpu.memory_space<vmem>> -> memref<64x64xf32, #tpu.memory_space<vmem>>
      tpu.wait_dma2 semaphore(%run_scoped3A_65 : memref<!tpu.dma_semaphore, #tpu.memory_space<semaphore_mem>>) src(%dma_wait3A_88 : memref<64x64xf32, #tpu.memory_space<vmem>>) dst(%dma_wait3A_84 : memref<64x64xf32, #tpu.memory_space<vmem_shared>>)
      tpu.yield
    }) : () -> ()
    %add3A_35 = arith.constant 448 : i32
    %add3A_36 = arith.addi %mul3A_14, %add3A_35 : i32
    %run_scoped3A_37 = arith.constant 0 : i32
    "tpu.region"() ({
      %run_scoped3A_65 = tpu.sem_alloc : memref<!tpu.dma_semaphore, #tpu.memory_space<semaphore_mem>>
      %dma_start3A_66 = arith.constant 0 : i32
      %dma_start3A_67 = arith.constant 0 : i32
      %dma_start3A_68 = tpu.memref_slice %arg14[%run_scoped3A_37, %dma_start3A_66, %dma_start3A_67] : memref<2x64x64xf32, #tpu.memory_space<vmem>> -> memref<1x64x64xf32, #tpu.memory_space<vmem>>
      %dma_start3A_69 = tpu.memref_squeeze %dma_start3A_68 : memref<1x64x64xf32, #tpu.memory_space<vmem>> -> memref<64x64xf32, #tpu.memory_space<vmem>>
      %dma_start3A_70 = arith.constant 0 : i32
      %dma_start3A_71 = tpu.memref_slice %arg17[%add3A_36, %dma_start3A_70] : memref<10112x64xf32, #tpu.memory_space<vmem_shared>> -> memref<64x64xf32, #tpu.memory_space<vmem_shared>>
      %dma_start3A_72 = arith.constant 0 : i32
      %dma_start3A_73 = tpu.memref_slice %arg17[%add3A_36, %dma_start3A_72] : memref<10112x64xf32, #tpu.memory_space<vmem_shared>> -> memref<64x64xf32, #tpu.memory_space<vmem_shared>>
      %dma_start3A_74 = arith.constant 0 : i32
      %dma_start3A_75 = arith.constant 0 : i32
      %dma_start3A_76 = tpu.memref_slice %arg14[%run_scoped3A_37, %dma_start3A_74, %dma_start3A_75] : memref<2x64x64xf32, #tpu.memory_space<vmem>> -> memref<1x64x64xf32, #tpu.memory_space<vmem>>
      %dma_start3A_77 = tpu.memref_squeeze %dma_start3A_76 : memref<1x64x64xf32, #tpu.memory_space<vmem>> -> memref<64x64xf32, #tpu.memory_space<vmem>>
      tpu.enqueue_dma source(%dma_start3A_77 : memref<64x64xf32, #tpu.memory_space<vmem>>) target(%dma_start3A_73 : memref<64x64xf32, #tpu.memory_space<vmem_shared>>) target_semaphore(%run_scoped3A_65 : memref<!tpu.dma_semaphore, #tpu.memory_space<semaphore_mem>>)
      %dma_wait3A = arith.constant 0 : i32
      %dma_wait3A_78 = arith.constant 0 : i32
      %dma_wait3A_79 = tpu.memref_slice %arg14[%run_scoped3A_37, %dma_wait3A, %dma_wait3A_78] : memref<2x64x64xf32, #tpu.memory_space<vmem>> -> memref<1x64x64xf32, #tpu.memory_space<vmem>>
      %dma_wait3A_80 = tpu.memref_squeeze %dma_wait3A_79 : memref<1x64x64xf32, #tpu.memory_space<vmem>> -> memref<64x64xf32, #tpu.memory_space<vmem>>
      %dma_wait3A_81 = arith.constant 0 : i32
      %dma_wait3A_82 = tpu.memref_slice %arg17[%add3A_36, %dma_wait3A_81] : memref<10112x64xf32, #tpu.memory_space<vmem_shared>> -> memref<64x64xf32, #tpu.memory_space<vmem_shared>>
      %dma_wait3A_83 = arith.constant 0 : i32
      %dma_wait3A_84 = tpu.memref_slice %arg17[%add3A_36, %dma_wait3A_83] : memref<10112x64xf32, #tpu.memory_space<vmem_shared>> -> memref<64x64xf32, #tpu.memory_space<vmem_shared>>
      %dma_wait3A_85 = arith.constant 0 : i32
      %dma_wait3A_86 = arith.constant 0 : i32
      %dma_wait3A_87 = tpu.memref_slice %arg14[%run_scoped3A_37, %dma_wait3A_85, %dma_wait3A_86] : memref<2x64x64xf32, #tpu.memory_space<vmem>> -> memref<1x64x64xf32, #tpu.memory_space<vmem>>
      %dma_wait3A_88 = tpu.memref_squeeze %dma_wait3A_87 : memref<1x64x64xf32, #tpu.memory_space<vmem>> -> memref<64x64xf32, #tpu.memory_space<vmem>>
      tpu.wait_dma2 semaphore(%run_scoped3A_65 : memref<!tpu.dma_semaphore, #tpu.memory_space<semaphore_mem>>) src(%dma_wait3A_88 : memref<64x64xf32, #tpu.memory_space<vmem>>) dst(%dma_wait3A_84 : memref<64x64xf32, #tpu.memory_space<vmem_shared>>)
      tpu.yield
    }) : () -> ()
    %add3A_38 = arith.constant 512 : i32
    %add3A_39 = arith.addi %mul3A_14, %add3A_38 : i32
    %run_scoped3A_40 = arith.constant 0 : i32
    "tpu.region"() ({
      %run_scoped3A_65 = tpu.sem_alloc : memref<!tpu.dma_semaphore, #tpu.memory_space<semaphore_mem>>
      %dma_start3A_66 = arith.constant 0 : i32
      %dma_start3A_67 = arith.constant 0 : i32
      %dma_start3A_68 = tpu.memref_slice %arg14[%run_scoped3A_40, %dma_start3A_66, %dma_start3A_67] : memref<2x64x64xf32, #tpu.memory_space<vmem>> -> memref<1x64x64xf32, #tpu.memory_space<vmem>>
      %dma_start3A_69 = tpu.memref_squeeze %dma_start3A_68 : memref<1x64x64xf32, #tpu.memory_space<vmem>> -> memref<64x64xf32, #tpu.memory_space<vmem>>
      %dma_start3A_70 = arith.constant 0 : i32
      %dma_start3A_71 = tpu.memref_slice %arg17[%add3A_39, %dma_start3A_70] : memref<10112x64xf32, #tpu.memory_space<vmem_shared>> -> memref<64x64xf32, #tpu.memory_space<vmem_shared>>
      %dma_start3A_72 = arith.constant 0 : i32
      %dma_start3A_73 = tpu.memref_slice %arg17[%add3A_39, %dma_start3A_72] : memref<10112x64xf32, #tpu.memory_space<vmem_shared>> -> memref<64x64xf32, #tpu.memory_space<vmem_shared>>
      %dma_start3A_74 = arith.constant 0 : i32
      %dma_start3A_75 = arith.constant 0 : i32
      %dma_start3A_76 = tpu.memref_slice %arg14[%run_scoped3A_40, %dma_start3A_74, %dma_start3A_75] : memref<2x64x64xf32, #tpu.memory_space<vmem>> -> memref<1x64x64xf32, #tpu.memory_space<vmem>>
      %dma_start3A_77 = tpu.memref_squeeze %dma_start3A_76 : memref<1x64x64xf32, #tpu.memory_space<vmem>> -> memref<64x64xf32, #tpu.memory_space<vmem>>
      tpu.enqueue_dma source(%dma_start3A_77 : memref<64x64xf32, #tpu.memory_space<vmem>>) target(%dma_start3A_73 : memref<64x64xf32, #tpu.memory_space<vmem_shared>>) target_semaphore(%run_scoped3A_65 : memref<!tpu.dma_semaphore, #tpu.memory_space<semaphore_mem>>)
      %dma_wait3A = arith.constant 0 : i32
      %dma_wait3A_78 = arith.constant 0 : i32
      %dma_wait3A_79 = tpu.memref_slice %arg14[%run_scoped3A_40, %dma_wait3A, %dma_wait3A_78] : memref<2x64x64xf32, #tpu.memory_space<vmem>> -> memref<1x64x64xf32, #tpu.memory_space<vmem>>
      %dma_wait3A_80 = tpu.memref_squeeze %dma_wait3A_79 : memref<1x64x64xf32, #tpu.memory_space<vmem>> -> memref<64x64xf32, #tpu.memory_space<vmem>>
      %dma_wait3A_81 = arith.constant 0 : i32
      %dma_wait3A_82 = tpu.memref_slice %arg17[%add3A_39, %dma_wait3A_81] : memref<10112x64xf32, #tpu.memory_space<vmem_shared>> -> memref<64x64xf32, #tpu.memory_space<vmem_shared>>
      %dma_wait3A_83 = arith.constant 0 : i32
      %dma_wait3A_84 = tpu.memref_slice %arg17[%add3A_39, %dma_wait3A_83] : memref<10112x64xf32, #tpu.memory_space<vmem_shared>> -> memref<64x64xf32, #tpu.memory_space<vmem_shared>>
      %dma_wait3A_85 = arith.constant 0 : i32
      %dma_wait3A_86 = arith.constant 0 : i32
      %dma_wait3A_87 = tpu.memref_slice %arg14[%run_scoped3A_40, %dma_wait3A_85, %dma_wait3A_86] : memref<2x64x64xf32, #tpu.memory_space<vmem>> -> memref<1x64x64xf32, #tpu.memory_space<vmem>>
      %dma_wait3A_88 = tpu.memref_squeeze %dma_wait3A_87 : memref<1x64x64xf32, #tpu.memory_space<vmem>> -> memref<64x64xf32, #tpu.memory_space<vmem>>
      tpu.wait_dma2 semaphore(%run_scoped3A_65 : memref<!tpu.dma_semaphore, #tpu.memory_space<semaphore_mem>>) src(%dma_wait3A_88 : memref<64x64xf32, #tpu.memory_space<vmem>>) dst(%dma_wait3A_84 : memref<64x64xf32, #tpu.memory_space<vmem_shared>>)
      tpu.yield
    }) : () -> ()
    %add3A_41 = arith.constant 576 : i32
    %add3A_42 = arith.addi %mul3A_14, %add3A_41 : i32
    %run_scoped3A_43 = arith.constant 0 : i32
    "tpu.region"() ({
      %run_scoped3A_65 = tpu.sem_alloc : memref<!tpu.dma_semaphore, #tpu.memory_space<semaphore_mem>>
      %dma_start3A_66 = arith.constant 0 : i32
      %dma_start3A_67 = arith.constant 0 : i32
      %dma_start3A_68 = tpu.memref_slice %arg14[%run_scoped3A_43, %dma_start3A_66, %dma_start3A_67] : memref<2x64x64xf32, #tpu.memory_space<vmem>> -> memref<1x56x64xf32, #tpu.memory_space<vmem>>
      %dma_start3A_69 = tpu.memref_squeeze %dma_start3A_68 : memref<1x56x64xf32, #tpu.memory_space<vmem>> -> memref<56x64xf32, #tpu.memory_space<vmem>>
      %dma_start3A_70 = arith.constant 0 : i32
      %dma_start3A_71 = tpu.memref_slice %arg17[%add3A_42, %dma_start3A_70] : memref<10112x64xf32, #tpu.memory_space<vmem_shared>> -> memref<56x64xf32, #tpu.memory_space<vmem_shared>>
      %dma_start3A_72 = arith.constant 0 : i32
      %dma_start3A_73 = tpu.memref_slice %arg17[%add3A_42, %dma_start3A_72] : memref<10112x64xf32, #tpu.memory_space<vmem_shared>> -> memref<56x64xf32, #tpu.memory_space<vmem_shared>>
      %dma_start3A_74 = arith.constant 0 : i32
      %dma_start3A_75 = arith.constant 0 : i32
      %dma_start3A_76 = tpu.memref_slice %arg14[%run_scoped3A_43, %dma_start3A_74, %dma_start3A_75] : memref<2x64x64xf32, #tpu.memory_space<vmem>> -> memref<1x56x64xf32, #tpu.memory_space<vmem>>
      %dma_start3A_77 = tpu.memref_squeeze %dma_start3A_76 : memref<1x56x64xf32, #tpu.memory_space<vmem>> -> memref<56x64xf32, #tpu.memory_space<vmem>>
      tpu.enqueue_dma source(%dma_start3A_77 : memref<56x64xf32, #tpu.memory_space<vmem>>) target(%dma_start3A_73 : memref<56x64xf32, #tpu.memory_space<vmem_shared>>) target_semaphore(%run_scoped3A_65 : memref<!tpu.dma_semaphore, #tpu.memory_space<semaphore_mem>>)
      %dma_wait3A = arith.constant 0 : i32
      %dma_wait3A_78 = arith.constant 0 : i32
      %dma_wait3A_79 = tpu.memref_slice %arg14[%run_scoped3A_43, %dma_wait3A, %dma_wait3A_78] : memref<2x64x64xf32, #tpu.memory_space<vmem>> -> memref<1x56x64xf32, #tpu.memory_space<vmem>>
      %dma_wait3A_80 = tpu.memref_squeeze %dma_wait3A_79 : memref<1x56x64xf32, #tpu.memory_space<vmem>> -> memref<56x64xf32, #tpu.memory_space<vmem>>
      %dma_wait3A_81 = arith.constant 0 : i32
      %dma_wait3A_82 = tpu.memref_slice %arg17[%add3A_42, %dma_wait3A_81] : memref<10112x64xf32, #tpu.memory_space<vmem_shared>> -> memref<56x64xf32, #tpu.memory_space<vmem_shared>>
      %dma_wait3A_83 = arith.constant 0 : i32
      %dma_wait3A_84 = tpu.memref_slice %arg17[%add3A_42, %dma_wait3A_83] : memref<10112x64xf32, #tpu.memory_space<vmem_shared>> -> memref<56x64xf32, #tpu.memory_space<vmem_shared>>
      %dma_wait3A_85 = arith.constant 0 : i32
      %dma_wait3A_86 = arith.constant 0 : i32
      %dma_wait3A_87 = tpu.memref_slice %arg14[%run_scoped3A_43, %dma_wait3A_85, %dma_wait3A_86] : memref<2x64x64xf32, #tpu.memory_space<vmem>> -> memref<1x56x64xf32, #tpu.memory_space<vmem>>
      %dma_wait3A_88 = tpu.memref_squeeze %dma_wait3A_87 : memref<1x56x64xf32, #tpu.memory_space<vmem>> -> memref<56x64xf32, #tpu.memory_space<vmem>>
      tpu.wait_dma2 semaphore(%run_scoped3A_65 : memref<!tpu.dma_semaphore, #tpu.memory_space<semaphore_mem>>) src(%dma_wait3A_88 : memref<56x64xf32, #tpu.memory_space<vmem>>) dst(%dma_wait3A_84 : memref<56x64xf32, #tpu.memory_space<vmem_shared>>)
      tpu.yield
    }) : () -> ()
    %barrier3A = arith.constant 0 : index
    tpu.barrier barrier_id(%barrier3A)
    %get3A = arith.constant 0 : index
    %get3A_44 = tpu.vector_load %arg16[%get3A] {strides = array<i32>} : memref<32xf32, #tpu.memory_space<vmem>>, vector<16xf32>,
    %get3A_45 = arith.constant 16 : index
    %get3A_46 = tpu.vector_load %arg16[%get3A_45] {strides = array<i32>} : memref<32xf32, #tpu.memory_space<vmem>>, vector<16xf32>,
    %dma_start3A = arith.constant 0 : i32
    %dma_start3A_47 = arith.constant 0 : i32
    %dma_start3A_48 = arith.constant 0 : i32
    %dma_start3A_49 = arith.constant 0 : i32
    %dma_start3A_50 = tpu.memref_slice %arg14[%dma_start3A_47, %dma_start3A_48, %dma_start3A_49] : memref<2x64x64xf32, #tpu.memory_space<vmem>> -> memref<1x64x64xf32, #tpu.memory_space<vmem>>
    %dma_start3A_51 = tpu.memref_squeeze %dma_start3A_50 : memref<1x64x64xf32, #tpu.memory_space<vmem>> -> memref<64x64xf32, #tpu.memory_space<vmem>>
    %dma_start3A_52 = arith.constant 0 : i32
    %dma_start3A_53 = tpu.memref_slice %arg10[%dma_start3A, %dma_start3A_52] : memref<162x64xi32, #tpu.memory_space<vmem>> -> memref<1x64xi32, #tpu.memory_space<vmem>>
    %dma_start3A_54 = tpu.memref_squeeze %dma_start3A_53 : memref<1x64xi32, #tpu.memory_space<vmem>> -> memref<64xi32, #tpu.memory_space<vmem>>
    %dma_start3A_55 = arith.constant 0 : i32
    %dma_start3A_56 = arith.constant 0 : i32
    %dma_start3A_57 = tpu.memref_slice %arg6[%dma_start3A_55, %dma_start3A_56] : memref<10112x64xf32, #tpu.memory_space<hbm>> -> memref<10112x64xf32, #tpu.memory_space<hbm>>
    tpu.enqueue_indirect_dma source(%dma_start3A_57 : memref<10112x64xf32, #tpu.memory_space<hbm>>) target(%dma_start3A_51 : memref<64x64xf32, #tpu.memory_space<vmem>>) offsets(%dma_start3A_54 : memref<64xi32, #tpu.memory_space<vmem>>) semaphore(%arg18 : memref<!tpu.dma_semaphore, #tpu.memory_space<semaphore_mem>>)
    %scan3A_58 = arith.constant 0 : i32
    %scan3A_59 = arith.constant 0 : i32
    %scan3A_60 = arith.constant 162 : i32
    %scan3A_61 = arith.addi %scan3A_59, %scan3A_60 : i32
    %scan3A_62 = arith.constant 1 : i32
    scf.for %scan3A_65 = %scan3A_59 to %scan3A_61 step %scan3A_62  : i32 {
      %jit3A = arith.constant 2 : i32
      %eq3A = arith.constant 0 : i32
      %eq3A_66 = arith.cmpi eq, %jit3A, %eq3A : i32
      %jit3A_67 = arith.constant 1 : i32
      %select_n3A = arith.select %eq3A_66, %jit3A_67, %jit3A : i32
      %rem3A = arith.remsi %scan3A_65, %select_n3A : i32
      %ne3A = arith.constant 0 : i32
      %ne3A_68 = arith.cmpi ne, %rem3A, %ne3A : i32
      %lt3A = arith.constant 0 : i32
      %lt3A_69 = arith.cmpi slt, %rem3A, %lt3A : i32
      %lt3A_70 = arith.constant 0 : i32
      %lt3A_71 = arith.cmpi slt, %select_n3A, %lt3A_70 : i32
      %ne3A_72 = arith.xori %lt3A_69, %lt3A_71 : i1
      %and3A = arith.andi %ne3A_72, %ne3A_68 : i1
      %add3A_73 = arith.addi %rem3A, %select_n3A : i32
      %select_n3A_74 = arith.select %and3A, %add3A_73, %rem3A : i32
      %eq3A_75 = arith.constant 0 : i32
      %eq3A_76 = arith.cmpi eq, %select_n3A_74, %eq3A_75 : i32
      %convert_element_type3A = arith.extui %eq3A_76 : i1 to i32
      %cond3A = arith.constant 0 : i32
      %cond3A_77 = arith.cmpi ne, %convert_element_type3A, %cond3A : i32
      scf.if %cond3A_77 {
        %add3A_99 = arith.constant 1 : i32
        %add3A_100 = arith.addi %scan3A_65, %add3A_99 : i32
        %lt3A_101 = arith.constant 162 : i32
        %lt3A_102 = arith.cmpi slt, %add3A_100, %lt3A_101 : i32
        %convert_element_type3A_103 = arith.extui %lt3A_102 : i1 to i32
        %cond3A_104 = arith.constant 0 : i32
        %cond3A_105 = arith.cmpi ne, %convert_element_type3A_103, %cond3A_104 : i32
        scf.if %cond3A_105 {
          %add3A_125 = arith.constant 1 : i32
          %add3A_126 = arith.addi %scan3A_65, %add3A_125 : i32
          %dma_start3A_127 = arith.constant 1 : i32
          %dma_start3A_128 = arith.constant 0 : i32
          %dma_start3A_129 = arith.constant 0 : i32
          %dma_start3A_130 = tpu.memref_slice %arg14[%dma_start3A_127, %dma_start3A_128, %dma_start3A_129] : memref<2x64x64xf32, #tpu.memory_space<vmem>> -> memref<1x64x64xf32, #tpu.memory_space<vmem>>
          %dma_start3A_131 = tpu.memref_squeeze %dma_start3A_130 : memref<1x64x64xf32, #tpu.memory_space<vmem>> -> memref<64x64xf32, #tpu.memory_space<vmem>>
          %dma_start3A_132 = arith.constant 0 : i32
          %dma_start3A_133 = tpu.memref_slice %arg10[%add3A_126, %dma_start3A_132] : memref<162x64xi32, #tpu.memory_space<vmem>> -> memref<1x64xi32, #tpu.memory_space<vmem>>
          %dma_start3A_134 = tpu.memref_squeeze %dma_start3A_133 : memref<1x64xi32, #tpu.memory_space<vmem>> -> memref<64xi32, #tpu.memory_space<vmem>>
          %dma_start3A_135 = arith.constant 0 : i32
          %dma_start3A_136 = arith.constant 0 : i32
          %dma_start3A_137 = tpu.memref_slice %arg6[%dma_start3A_135, %dma_start3A_136] : memref<10112x64xf32, #tpu.memory_space<hbm>> -> memref<10112x64xf32, #tpu.memory_space<hbm>>
          tpu.enqueue_indirect_dma source(%dma_start3A_137 : memref<10112x64xf32, #tpu.memory_space<hbm>>) target(%dma_start3A_131 : memref<64x64xf32, #tpu.memory_space<vmem>>) offsets(%dma_start3A_134 : memref<64xi32, #tpu.memory_space<vmem>>) semaphore(%arg19 : memref<!tpu.dma_semaphore, #tpu.memory_space<semaphore_mem>>)
        } else {
        }
        %scan3A_106 = arith.constant 0 : i32
        %scan3A_107 = arith.constant 0 : i32
        %scan3A_108 = arith.constant 4 : i32
        %scan3A_109 = arith.addi %scan3A_107, %scan3A_108 : i32
        %scan3A_110 = arith.constant 1 : i32
        scf.for %scan3A_125 = %scan3A_107 to %scan3A_109 step %scan3A_110  : i32 {
          %mul3A_126 = arith.constant 16 : i32
          %mul3A_127 = arith.muli %scan3A_125, %mul3A_126 : i32
          %get3A_128 = arith.index_cast %scan3A_65 : i32 to index
          %get3A_129 = arith.index_cast %mul3A_127 : i32 to index
          %get3A_130 = tpu.vector_load %arg10[%get3A_128, %get3A_129] {strides = array<i32>} : memref<162x64xi32, #tpu.memory_space<vmem>>, vector<16xi32>,
          %mul3A_131 = arith.constant 16 : i32
          %mul3A_132 = arith.muli %scan3A_125, %mul3A_131 : i32
          %get3A_133 = arith.index_cast %scan3A_65 : i32 to index
          %get3A_134 = arith.index_cast %mul3A_132 : i32 to index
          %get3A_135 = tpu.vector_load %arg11[%get3A_133, %get3A_134] {strides = array<i32>} : memref<162x64xi32, #tpu.memory_space<vmem>>, vector<16xi32>,
          %mul3A_136 = arith.constant 16 : i32
          %mul3A_137 = arith.muli %scan3A_125, %mul3A_136 : i32
          %swap3A = arith.index_cast %mul3A_137 : i32 to index
          %swap3A_138 = tpu.vector_load %arg12[%swap3A] {strides = array<i32>} : memref<64xi32, #tpu.memory_space<vmem>>, vector<16xi32>,
          tpu.vector_store %arg12[%swap3A], %get3A_135 {strides = array<i32>} : memref<64xi32, #tpu.memory_space<vmem>>, vector<16xi32>,
          %mul3A_139 = arith.constant 4 : i32
          %mul3A_140 = vector.broadcast %mul3A_139 : i32 to vector<16xi32>
          %mul3A_141 = arith.muli %get3A_130, %mul3A_140 : vector<16xi32>
          %mul3A_142 = arith.constant 4 : i32
          %mul3A_143 = vector.broadcast %mul3A_142 : i32 to vector<16xi32>
          %mul3A_144 = arith.muli %get3A_135, %mul3A_143 : vector<16xi32>
          %gather3A = tpu.vector_load_idx %arg9[%mul3A_141] : memref<40448xf32, #tpu.memory_space<vmem>>[vector<16xi32>], vector<16xf32>,
          %add3A_145 = arith.constant 1 : i32
          %add3A_146 = vector.broadcast %add3A_145 : i32 to vector<16xi32>
          %add3A_147 = arith.addi %mul3A_141, %add3A_146 : vector<16xi32>
          %gather3A_148 = tpu.vector_load_idx %arg9[%add3A_147] : memref<40448xf32, #tpu.memory_space<vmem>>[vector<16xi32>], vector<16xf32>,
          %add3A_149 = arith.constant 2 : i32
          %add3A_150 = vector.broadcast %add3A_149 : i32 to vector<16xi32>
          %add3A_151 = arith.addi %mul3A_144, %add3A_150 : vector<16xi32>
          %gather3A_152 = tpu.vector_load_idx %arg9[%add3A_151] : memref<40448xf32, #tpu.memory_space<vmem>>[vector<16xi32>], vector<16xf32>,
          %add3A_153 = arith.constant 3 : i32
          %add3A_154 = vector.broadcast %add3A_153 : i32 to vector<16xi32>
          %add3A_155 = arith.addi %mul3A_144, %add3A_154 : vector<16xi32>
          %gather3A_156 = tpu.vector_load_idx %arg9[%add3A_155] : memref<40448xf32, #tpu.memory_space<vmem>>[vector<16xi32>], vector<16xf32>,
          %add3A_157 = arith.addf %gather3A, %gather3A_152 : vector<16xf32>
          %add3A_158 = arith.addf %gather3A_148, %gather3A_156 : vector<16xf32>
          %gt3A = arith.constant 0.000000e+00 : f32
          %gt3A_159 = vector.broadcast %gt3A : f32 to vector<16xf32>
          %gt3A_160 = arith.cmpf ogt, %add3A_157, %gt3A_159 : vector<16xf32>
          %mul3A_161 = arith.constant 2.000000e-01 : f32
          %mul3A_162 = vector.broadcast %mul3A_161 : f32 to vector<16xf32>
          %mul3A_163 = arith.mulf %add3A_157, %mul3A_162 : vector<16xf32>
          %select_n3A_164 = arith.select %gt3A_160, %add3A_157, %mul3A_163 : vector<16xi1>, vector<16xf32>
          %gt3A_165 = arith.constant 0.000000e+00 : f32
          %gt3A_166 = vector.broadcast %gt3A_165 : f32 to vector<16xf32>
          %gt3A_167 = arith.cmpf ogt, %add3A_158, %gt3A_166 : vector<16xf32>
          %mul3A_168 = arith.constant 2.000000e-01 : f32
          %mul3A_169 = vector.broadcast %mul3A_168 : f32 to vector<16xf32>
          %mul3A_170 = arith.mulf %add3A_158, %mul3A_169 : vector<16xf32>
          %select_n3A_171 = arith.select %gt3A_167, %add3A_158, %mul3A_170 : vector<16xi1>, vector<16xf32>
          %sub3A = arith.subf %select_n3A_164, %get3A_44 : vector<16xf32>
          %exp3A = math.exp %sub3A : vector<16xf32>
          %sub3A_172 = arith.subf %select_n3A_171, %get3A_46 : vector<16xf32>
          %exp3A_173 = math.exp %sub3A_172 : vector<16xf32>
          %mul3A_174 = arith.constant 2 : i32
          %mul3A_175 = vector.broadcast %mul3A_174 : i32 to vector<16xi32>
          %mul3A_176 = arith.muli %get3A_135, %mul3A_175 : vector<16xi32>
          tpu.vector_store_idx %arg13[%mul3A_176], %exp3A {add = true} : memref<20224xf32, #tpu.memory_space<vmem>>[vector<16xi32>], vector<16xf32>,
          %add3A_177 = arith.constant 1 : i32
          %add3A_178 = vector.broadcast %add3A_177 : i32 to vector<16xi32>
          %add3A_179 = arith.addi %mul3A_176, %add3A_178 : vector<16xi32>
          tpu.vector_store_idx %arg13[%add3A_179], %exp3A_173 {add = true} : memref<20224xf32, #tpu.memory_space<vmem>>[vector<16xi32>], vector<16xf32>,
          %mul3A_180 = arith.constant 16 : i32
          %mul3A_181 = arith.muli %scan3A_125, %mul3A_180 : i32
          %swap3A_182 = arith.index_cast %mul3A_181 : i32 to index
          %swap3A_183 = tpu.vector_load %arg15[%swap3A_182] {strides = array<i32>} : memref<128xf32, #tpu.memory_space<vmem>>, vector<16xf32>,
          tpu.vector_store %arg15[%swap3A_182], %exp3A {strides = array<i32>} : memref<128xf32, #tpu.memory_space<vmem>>, vector<16xf32>,
          %mul3A_184 = arith.constant 16 : i32
          %mul3A_185 = arith.muli %scan3A_125, %mul3A_184 : i32
          %add3A_186 = arith.constant 64 : i32
          %add3A_187 = arith.addi %add3A_186, %mul3A_185 : i32
          %swap3A_188 = arith.index_cast %add3A_187 : i32 to index
          %swap3A_189 = tpu.vector_load %arg15[%swap3A_188] {strides = array<i32>} : memref<128xf32, #tpu.memory_space<vmem>>, vector<16xf32>,
          tpu.vector_store %arg15[%swap3A_188], %exp3A_173 {strides = array<i32>} : memref<128xf32, #tpu.memory_space<vmem>>, vector<16xf32>,
        }
        %scan3A_111 = arith.constant 4 : i32
        %dma_wait3A = arith.constant 0 : i32
        %dma_wait3A_112 = arith.constant 0 : i32
        %dma_wait3A_113 = arith.constant 0 : i32
        %dma_wait3A_114 = tpu.memref_slice %arg14[%dma_wait3A, %dma_wait3A_112, %dma_wait3A_113] : memref<2x64x64xf32, #tpu.memory_space<vmem>> -> memref<1x64x64xf32, #tpu.memory_space<vmem>>
        %dma_wait3A_115 = tpu.memref_squeeze %dma_wait3A_114 : memref<1x64x64xf32, #tpu.memory_space<vmem>> -> memref<64x64xf32, #tpu.memory_space<vmem>>
        %dma_wait3A_116 = arith.constant 0 : i32
        %dma_wait3A_117 = tpu.memref_slice %arg10[%scan3A_65, %dma_wait3A_116] : memref<162x64xi32, #tpu.memory_space<vmem>> -> memref<1x64xi32, #tpu.memory_space<vmem>>
        %dma_wait3A_118 = tpu.memref_squeeze %dma_wait3A_117 : memref<1x64xi32, #tpu.memory_space<vmem>> -> memref<64xi32, #tpu.memory_space<vmem>>
        %dma_wait3A_119 = arith.constant 0 : i32
        %dma_wait3A_120 = arith.constant 0 : i32
        %dma_wait3A_121 = tpu.memref_slice %arg6[%dma_wait3A_119, %dma_wait3A_120] : memref<10112x64xf32, #tpu.memory_space<hbm>> -> memref<10112x64xf32, #tpu.memory_space<hbm>>
        tpu.wait_indirect_dma semaphore(%arg18 : memref<!tpu.dma_semaphore, #tpu.memory_space<semaphore_mem>>) src(%dma_wait3A_121 : memref<10112x64xf32, #tpu.memory_space<hbm>>) dst(%dma_wait3A_115 : memref<64x64xf32, #tpu.memory_space<vmem>>)
        %parallel_loop3A = arith.constant 0 : i32
        %parallel_loop3A_122 = arith.constant 64 : i32
        %parallel_loop3A_123 = arith.constant 1 : i32
        scf.for %parallel_loop3A_125 = %parallel_loop3A to %parallel_loop3A_122 step %parallel_loop3A_123  : i32 {
          %parallel_loop3A_126 = arith.constant 0 : i32
          %parallel_loop3A_127 = vector.broadcast %parallel_loop3A_126 : i32 to vector<16xi32>
          %parallel_loop3A_128 = vector.broadcast %parallel_loop3A_125 : i32 to vector<16xi32>
          %parallel_loop3A_129 = arith.addi %parallel_loop3A_127, %parallel_loop3A_128 : vector<16xi32>
          %parallel_loop3A_130 = tpu.vector_load_idx %arg15[%parallel_loop3A_129] : memref<128xf32, #tpu.memory_space<vmem>>[vector<16xi32>], vector<16xf32>,
          %parallel_loop3A_131 = arith.constant 64 : i32
          %parallel_loop3A_132 = vector.broadcast %parallel_loop3A_131 : i32 to vector<16xi32>
          %parallel_loop3A_133 = vector.broadcast %parallel_loop3A_125 : i32 to vector<16xi32>
          %parallel_loop3A_134 = arith.addi %parallel_loop3A_132, %parallel_loop3A_133 : vector<16xi32>
          %parallel_loop3A_135 = tpu.vector_load_idx %arg15[%parallel_loop3A_134] : memref<128xf32, #tpu.memory_space<vmem>>[vector<16xi32>], vector<16xf32>,
          %parallel_loop3A_136 = arith.constant 0 : i32
          %parallel_loop3A_137 = arith.index_cast %parallel_loop3A_136 : i32 to index
          %parallel_loop3A_138 = arith.index_cast %parallel_loop3A_125 : i32 to index
          %parallel_loop3A_139 = arith.constant 0 : index
          %parallel_loop3A_140 = tpu.vector_load %arg14[%parallel_loop3A_137, %parallel_loop3A_138, %parallel_loop3A_139] {strides = array<i32>} : memref<2x64x64xf32, #tpu.memory_space<vmem>>, vector<16xf32>,
          %parallel_loop3A_141 = arith.mulf %parallel_loop3A_140, %parallel_loop3A_130 : vector<16xf32>
          %parallel_loop3A_142 = arith.constant 0 : i32
          %parallel_loop3A_143 = arith.index_cast %parallel_loop3A_142 : i32 to index
          %parallel_loop3A_144 = arith.index_cast %parallel_loop3A_125 : i32 to index
          %parallel_loop3A_145 = arith.constant 0 : index
          %parallel_loop3A_146 = tpu.vector_load %arg14[%parallel_loop3A_143, %parallel_loop3A_144, %parallel_loop3A_145] {strides = array<i32>} : memref<2x64x64xf32, #tpu.memory_space<vmem>>, vector<16xf32>,
          tpu.vector_store %arg14[%parallel_loop3A_143, %parallel_loop3A_144, %parallel_loop3A_145], %parallel_loop3A_141 {strides = array<i32>} : memref<2x64x64xf32, #tpu.memory_space<vmem>>, vector<16xf32>,
          %parallel_loop3A_147 = arith.constant 0 : i32
          %parallel_loop3A_148 = arith.index_cast %parallel_loop3A_147 : i32 to index
          %parallel_loop3A_149 = arith.index_cast %parallel_loop3A_125 : i32 to index
          %parallel_loop3A_150 = arith.constant 16 : index
          %parallel_loop3A_151 = tpu.vector_load %arg14[%parallel_loop3A_148, %parallel_loop3A_149, %parallel_loop3A_150] {strides = array<i32>} : memref<2x64x64xf32, #tpu.memory_space<vmem>>, vector<16xf32>,
          %parallel_loop3A_152 = arith.mulf %parallel_loop3A_151, %parallel_loop3A_130 : vector<16xf32>
          %parallel_loop3A_153 = arith.constant 0 : i32
          %parallel_loop3A_154 = arith.index_cast %parallel_loop3A_153 : i32 to index
          %parallel_loop3A_155 = arith.index_cast %parallel_loop3A_125 : i32 to index
          %parallel_loop3A_156 = arith.constant 16 : index
          %parallel_loop3A_157 = tpu.vector_load %arg14[%parallel_loop3A_154, %parallel_loop3A_155, %parallel_loop3A_156] {strides = array<i32>} : memref<2x64x64xf32, #tpu.memory_space<vmem>>, vector<16xf32>,
          tpu.vector_store %arg14[%parallel_loop3A_154, %parallel_loop3A_155, %parallel_loop3A_156], %parallel_loop3A_152 {strides = array<i32>} : memref<2x64x64xf32, #tpu.memory_space<vmem>>, vector<16xf32>,
          %parallel_loop3A_158 = arith.constant 0 : i32
          %parallel_loop3A_159 = arith.index_cast %parallel_loop3A_158 : i32 to index
          %parallel_loop3A_160 = arith.index_cast %parallel_loop3A_125 : i32 to index
          %parallel_loop3A_161 = arith.constant 32 : index
          %parallel_loop3A_162 = tpu.vector_load %arg14[%parallel_loop3A_159, %parallel_loop3A_160, %parallel_loop3A_161] {strides = array<i32>} : memref<2x64x64xf32, #tpu.memory_space<vmem>>, vector<16xf32>,
          %parallel_loop3A_163 = arith.mulf %parallel_loop3A_162, %parallel_loop3A_135 : vector<16xf32>
          %parallel_loop3A_164 = arith.constant 0 : i32
          %parallel_loop3A_165 = arith.index_cast %parallel_loop3A_164 : i32 to index
          %parallel_loop3A_166 = arith.index_cast %parallel_loop3A_125 : i32 to index
          %parallel_loop3A_167 = arith.constant 32 : index
          %parallel_loop3A_168 = tpu.vector_load %arg14[%parallel_loop3A_165, %parallel_loop3A_166, %parallel_loop3A_167] {strides = array<i32>} : memref<2x64x64xf32, #tpu.memory_space<vmem>>, vector<16xf32>,
          tpu.vector_store %arg14[%parallel_loop3A_165, %parallel_loop3A_166, %parallel_loop3A_167], %parallel_loop3A_163 {strides = array<i32>} : memref<2x64x64xf32, #tpu.memory_space<vmem>>, vector<16xf32>,
          %parallel_loop3A_169 = arith.constant 0 : i32
          %parallel_loop3A_170 = arith.index_cast %parallel_loop3A_169 : i32 to index
          %parallel_loop3A_171 = arith.index_cast %parallel_loop3A_125 : i32 to index
          %parallel_loop3A_172 = arith.constant 48 : index
          %parallel_loop3A_173 = tpu.vector_load %arg14[%parallel_loop3A_170, %parallel_loop3A_171, %parallel_loop3A_172] {strides = array<i32>} : memref<2x64x64xf32, #tpu.memory_space<vmem>>, vector<16xf32>,
          %parallel_loop3A_174 = arith.mulf %parallel_loop3A_173, %parallel_loop3A_135 : vector<16xf32>
          %parallel_loop3A_175 = arith.constant 0 : i32
          %parallel_loop3A_176 = arith.index_cast %parallel_loop3A_175 : i32 to index
          %parallel_loop3A_177 = arith.index_cast %parallel_loop3A_125 : i32 to index
          %parallel_loop3A_178 = arith.constant 48 : index
          %parallel_loop3A_179 = tpu.vector_load %arg14[%parallel_loop3A_176, %parallel_loop3A_177, %parallel_loop3A_178] {strides = array<i32>} : memref<2x64x64xf32, #tpu.memory_space<vmem>>, vector<16xf32>,
          tpu.vector_store %arg14[%parallel_loop3A_176, %parallel_loop3A_177, %parallel_loop3A_178], %parallel_loop3A_174 {strides = array<i32>} : memref<2x64x64xf32, #tpu.memory_space<vmem>>, vector<16xf32>,
        } {sc.loop_unroll_factor = 4 : i64, sc.parallel_access}
        %run_scoped3A_124 = arith.constant 0 : i32
        "tpu.region"() ({
          %run_scoped3A_125 = tpu.sem_alloc : memref<!tpu.dma_semaphore, #tpu.memory_space<semaphore_mem>>
          %dma_start3A_126 = arith.constant 0 : i32
          %dma_start3A_127 = arith.constant 0 : i32
          %dma_start3A_128 = tpu.memref_slice %arg14[%run_scoped3A_124, %dma_start3A_126, %dma_start3A_127] : memref<2x64x64xf32, #tpu.memory_space<vmem>> -> memref<1x64x64xf32, #tpu.memory_space<vmem>>
          %dma_start3A_129 = tpu.memref_squeeze %dma_start3A_128 : memref<1x64x64xf32, #tpu.memory_space<vmem>> -> memref<64x64xf32, #tpu.memory_space<vmem>>
          %dma_start3A_130 = arith.constant 0 : i32
          %dma_start3A_131 = arith.constant 0 : i32
          %dma_start3A_132 = tpu.memref_slice %arg17[%dma_start3A_130, %dma_start3A_131] : memref<10112x64xf32, #tpu.memory_space<vmem_shared>> -> memref<10112x64xf32, #tpu.memory_space<vmem_shared>>
          tpu.enqueue_indirect_dma source(%dma_start3A_129 : memref<64x64xf32, #tpu.memory_space<vmem>>) target(%dma_start3A_132 : memref<10112x64xf32, #tpu.memory_space<vmem_shared>>) offsets(%arg12 : memref<64xi32, #tpu.memory_space<vmem>>) semaphore(%run_scoped3A_125 : memref<!tpu.dma_semaphore, #tpu.memory_space<semaphore_mem>>) {add = true}
          %dma_wait3A_133 = arith.constant 0 : i32
          %dma_wait3A_134 = arith.constant 0 : i32
          %dma_wait3A_135 = tpu.memref_slice %arg14[%run_scoped3A_124, %dma_wait3A_133, %dma_wait3A_134] : memref<2x64x64xf32, #tpu.memory_space<vmem>> -> memref<1x64x64xf32, #tpu.memory_space<vmem>>
          %dma_wait3A_136 = tpu.memref_squeeze %dma_wait3A_135 : memref<1x64x64xf32, #tpu.memory_space<vmem>> -> memref<64x64xf32, #tpu.memory_space<vmem>>
          %dma_wait3A_137 = arith.constant 0 : i32
          %dma_wait3A_138 = arith.constant 0 : i32
          %dma_wait3A_139 = tpu.memref_slice %arg17[%dma_wait3A_137, %dma_wait3A_138] : memref<10112x64xf32, #tpu.memory_space<vmem_shared>> -> memref<10112x64xf32, #tpu.memory_space<vmem_shared>>
          tpu.wait_indirect_dma semaphore(%run_scoped3A_125 : memref<!tpu.dma_semaphore, #tpu.memory_space<semaphore_mem>>) src(%dma_wait3A_136 : memref<64x64xf32, #tpu.memory_space<vmem>>) dst(%dma_wait3A_139 : memref<10112x64xf32, #tpu.memory_space<vmem_shared>>)
          tpu.yield
        }) : () -> ()
      } else {
      }
      %jit3A_78 = arith.constant 2 : i32
      %eq3A_79 = arith.constant 0 : i32
      %eq3A_80 = arith.cmpi eq, %jit3A_78, %eq3A_79 : i32
      %jit3A_81 = arith.constant 1 : i32
      %select_n3A_82 = arith.select %eq3A_80, %jit3A_81, %jit3A_78 : i32
      %rem3A_83 = arith.remsi %scan3A_65, %select_n3A_82 : i32
      %ne3A_84 = arith.constant 0 : i32
      %ne3A_85 = arith.cmpi ne, %rem3A_83, %ne3A_84 : i32
      %lt3A_86 = arith.constant 0 : i32
      %lt3A_87 = arith.cmpi slt, %rem3A_83, %lt3A_86 : i32
      %lt3A_88 = arith.constant 0 : i32
      %lt3A_89 = arith.cmpi slt, %select_n3A_82, %lt3A_88 : i32
      %ne3A_90 = arith.xori %lt3A_87, %lt3A_89 : i1
      %and3A_91 = arith.andi %ne3A_90, %ne3A_85 : i1
      %add3A_92 = arith.addi %rem3A_83, %select_n3A_82 : i32
      %select_n3A_93 = arith.select %and3A_91, %add3A_92, %rem3A_83 : i32
      %eq3A_94 = arith.constant 1 : i32
      %eq3A_95 = arith.cmpi eq, %select_n3A_93, %eq3A_94 : i32
      %convert_element_type3A_96 = arith.extui %eq3A_95 : i1 to i32
      %cond3A_97 = arith.constant 0 : i32
      %cond3A_98 = arith.cmpi ne, %convert_element_type3A_96, %cond3A_97 : i32
      scf.if %cond3A_98 {
        %add3A_99 = arith.constant 1 : i32
        %add3A_100 = arith.addi %scan3A_65, %add3A_99 : i32
        %lt3A_101 = arith.constant 162 : i32
        %lt3A_102 = arith.cmpi slt, %add3A_100, %lt3A_101 : i32
        %convert_element_type3A_103 = arith.extui %lt3A_102 : i1 to i32
        %cond3A_104 = arith.constant 0 : i32
        %cond3A_105 = arith.cmpi ne, %convert_element_type3A_103, %cond3A_104 : i32
        scf.if %cond3A_105 {
          %add3A_125 = arith.constant 1 : i32
          %add3A_126 = arith.addi %scan3A_65, %add3A_125 : i32
          %dma_start3A_127 = arith.constant 0 : i32
          %dma_start3A_128 = arith.constant 0 : i32
          %dma_start3A_129 = arith.constant 0 : i32
          %dma_start3A_130 = tpu.memref_slice %arg14[%dma_start3A_127, %dma_start3A_128, %dma_start3A_129] : memref<2x64x64xf32, #tpu.memory_space<vmem>> -> memref<1x64x64xf32, #tpu.memory_space<vmem>>
          %dma_start3A_131 = tpu.memref_squeeze %dma_start3A_130 : memref<1x64x64xf32, #tpu.memory_space<vmem>> -> memref<64x64xf32, #tpu.memory_space<vmem>>
          %dma_start3A_132 = arith.constant 0 : i32
          %dma_start3A_133 = tpu.memref_slice %arg10[%add3A_126, %dma_start3A_132] : memref<162x64xi32, #tpu.memory_space<vmem>> -> memref<1x64xi32, #tpu.memory_space<vmem>>
          %dma_start3A_134 = tpu.memref_squeeze %dma_start3A_133 : memref<1x64xi32, #tpu.memory_space<vmem>> -> memref<64xi32, #tpu.memory_space<vmem>>
          %dma_start3A_135 = arith.constant 0 : i32
          %dma_start3A_136 = arith.constant 0 : i32
          %dma_start3A_137 = tpu.memref_slice %arg6[%dma_start3A_135, %dma_start3A_136] : memref<10112x64xf32, #tpu.memory_space<hbm>> -> memref<10112x64xf32, #tpu.memory_space<hbm>>
          tpu.enqueue_indirect_dma source(%dma_start3A_137 : memref<10112x64xf32, #tpu.memory_space<hbm>>) target(%dma_start3A_131 : memref<64x64xf32, #tpu.memory_space<vmem>>) offsets(%dma_start3A_134 : memref<64xi32, #tpu.memory_space<vmem>>) semaphore(%arg18 : memref<!tpu.dma_semaphore, #tpu.memory_space<semaphore_mem>>)
        } else {
        }
        %scan3A_106 = arith.constant 0 : i32
        %scan3A_107 = arith.constant 0 : i32
        %scan3A_108 = arith.constant 4 : i32
        %scan3A_109 = arith.addi %scan3A_107, %scan3A_108 : i32
        %scan3A_110 = arith.constant 1 : i32
        scf.for %scan3A_125 = %scan3A_107 to %scan3A_109 step %scan3A_110  : i32 {
          %mul3A_126 = arith.constant 16 : i32
          %mul3A_127 = arith.muli %scan3A_125, %mul3A_126 : i32
          %get3A_128 = arith.index_cast %scan3A_65 : i32 to index
          %get3A_129 = arith.index_cast %mul3A_127 : i32 to index
          %get3A_130 = tpu.vector_load %arg10[%get3A_128, %get3A_129] {strides = array<i32>} : memref<162x64xi32, #tpu.memory_space<vmem>>, vector<16xi32>,
          %mul3A_131 = arith.constant 16 : i32
          %mul3A_132 = arith.muli %scan3A_125, %mul3A_131 : i32
          %get3A_133 = arith.index_cast %scan3A_65 : i32 to index
          %get3A_134 = arith.index_cast %mul3A_132 : i32 to index
          %get3A_135 = tpu.vector_load %arg11[%get3A_133, %get3A_134] {strides = array<i32>} : memref<162x64xi32, #tpu.memory_space<vmem>>, vector<16xi32>,
          %mul3A_136 = arith.constant 16 : i32
          %mul3A_137 = arith.muli %scan3A_125, %mul3A_136 : i32
          %swap3A = arith.index_cast %mul3A_137 : i32 to index
          %swap3A_138 = tpu.vector_load %arg12[%swap3A] {strides = array<i32>} : memref<64xi32, #tpu.memory_space<vmem>>, vector<16xi32>,
          tpu.vector_store %arg12[%swap3A], %get3A_135 {strides = array<i32>} : memref<64xi32, #tpu.memory_space<vmem>>, vector<16xi32>,
          %mul3A_139 = arith.constant 4 : i32
          %mul3A_140 = vector.broadcast %mul3A_139 : i32 to vector<16xi32>
          %mul3A_141 = arith.muli %get3A_130, %mul3A_140 : vector<16xi32>
          %mul3A_142 = arith.constant 4 : i32
          %mul3A_143 = vector.broadcast %mul3A_142 : i32 to vector<16xi32>
          %mul3A_144 = arith.muli %get3A_135, %mul3A_143 : vector<16xi32>
          %gather3A = tpu.vector_load_idx %arg9[%mul3A_141] : memref<40448xf32, #tpu.memory_space<vmem>>[vector<16xi32>], vector<16xf32>,
          %add3A_145 = arith.constant 1 : i32
          %add3A_146 = vector.broadcast %add3A_145 : i32 to vector<16xi32>
          %add3A_147 = arith.addi %mul3A_141, %add3A_146 : vector<16xi32>
          %gather3A_148 = tpu.vector_load_idx %arg9[%add3A_147] : memref<40448xf32, #tpu.memory_space<vmem>>[vector<16xi32>], vector<16xf32>,
          %add3A_149 = arith.constant 2 : i32
          %add3A_150 = vector.broadcast %add3A_149 : i32 to vector<16xi32>
          %add3A_151 = arith.addi %mul3A_144, %add3A_150 : vector<16xi32>
          %gather3A_152 = tpu.vector_load_idx %arg9[%add3A_151] : memref<40448xf32, #tpu.memory_space<vmem>>[vector<16xi32>], vector<16xf32>,
          %add3A_153 = arith.constant 3 : i32
          %add3A_154 = vector.broadcast %add3A_153 : i32 to vector<16xi32>
          %add3A_155 = arith.addi %mul3A_144, %add3A_154 : vector<16xi32>
          %gather3A_156 = tpu.vector_load_idx %arg9[%add3A_155] : memref<40448xf32, #tpu.memory_space<vmem>>[vector<16xi32>], vector<16xf32>,
          %add3A_157 = arith.addf %gather3A, %gather3A_152 : vector<16xf32>
          %add3A_158 = arith.addf %gather3A_148, %gather3A_156 : vector<16xf32>
          %gt3A = arith.constant 0.000000e+00 : f32
          %gt3A_159 = vector.broadcast %gt3A : f32 to vector<16xf32>
          %gt3A_160 = arith.cmpf ogt, %add3A_157, %gt3A_159 : vector<16xf32>
          %mul3A_161 = arith.constant 2.000000e-01 : f32
          %mul3A_162 = vector.broadcast %mul3A_161 : f32 to vector<16xf32>
          %mul3A_163 = arith.mulf %add3A_157, %mul3A_162 : vector<16xf32>
          %select_n3A_164 = arith.select %gt3A_160, %add3A_157, %mul3A_163 : vector<16xi1>, vector<16xf32>
          %gt3A_165 = arith.constant 0.000000e+00 : f32
          %gt3A_166 = vector.broadcast %gt3A_165 : f32 to vector<16xf32>
          %gt3A_167 = arith.cmpf ogt, %add3A_158, %gt3A_166 : vector<16xf32>
          %mul3A_168 = arith.constant 2.000000e-01 : f32
          %mul3A_169 = vector.broadcast %mul3A_168 : f32 to vector<16xf32>
          %mul3A_170 = arith.mulf %add3A_158, %mul3A_169 : vector<16xf32>
          %select_n3A_171 = arith.select %gt3A_167, %add3A_158, %mul3A_170 : vector<16xi1>, vector<16xf32>
          %sub3A = arith.subf %select_n3A_164, %get3A_44 : vector<16xf32>
          %exp3A = math.exp %sub3A : vector<16xf32>
          %sub3A_172 = arith.subf %select_n3A_171, %get3A_46 : vector<16xf32>
          %exp3A_173 = math.exp %sub3A_172 : vector<16xf32>
          %mul3A_174 = arith.constant 2 : i32
          %mul3A_175 = vector.broadcast %mul3A_174 : i32 to vector<16xi32>
          %mul3A_176 = arith.muli %get3A_135, %mul3A_175 : vector<16xi32>
          tpu.vector_store_idx %arg13[%mul3A_176], %exp3A {add = true} : memref<20224xf32, #tpu.memory_space<vmem>>[vector<16xi32>], vector<16xf32>,
          %add3A_177 = arith.constant 1 : i32
          %add3A_178 = vector.broadcast %add3A_177 : i32 to vector<16xi32>
          %add3A_179 = arith.addi %mul3A_176, %add3A_178 : vector<16xi32>
          tpu.vector_store_idx %arg13[%add3A_179], %exp3A_173 {add = true} : memref<20224xf32, #tpu.memory_space<vmem>>[vector<16xi32>], vector<16xf32>,
          %mul3A_180 = arith.constant 16 : i32
          %mul3A_181 = arith.muli %scan3A_125, %mul3A_180 : i32
          %swap3A_182 = arith.index_cast %mul3A_181 : i32 to index
          %swap3A_183 = tpu.vector_load %arg15[%swap3A_182] {strides = array<i32>} : memref<128xf32, #tpu.memory_space<vmem>>, vector<16xf32>,
          tpu.vector_store %arg15[%swap3A_182], %exp3A {strides = array<i32>} : memref<128xf32, #tpu.memory_space<vmem>>, vector<16xf32>,
          %mul3A_184 = arith.constant 16 : i32
          %mul3A_185 = arith.muli %scan3A_125, %mul3A_184 : i32
          %add3A_186 = arith.constant 64 : i32
          %add3A_187 = arith.addi %add3A_186, %mul3A_185 : i32
          %swap3A_188 = arith.index_cast %add3A_187 : i32 to index
          %swap3A_189 = tpu.vector_load %arg15[%swap3A_188] {strides = array<i32>} : memref<128xf32, #tpu.memory_space<vmem>>, vector<16xf32>,
          tpu.vector_store %arg15[%swap3A_188], %exp3A_173 {strides = array<i32>} : memref<128xf32, #tpu.memory_space<vmem>>, vector<16xf32>,
        }
        %scan3A_111 = arith.constant 4 : i32
        %dma_wait3A = arith.constant 1 : i32
        %dma_wait3A_112 = arith.constant 0 : i32
        %dma_wait3A_113 = arith.constant 0 : i32
        %dma_wait3A_114 = tpu.memref_slice %arg14[%dma_wait3A, %dma_wait3A_112, %dma_wait3A_113] : memref<2x64x64xf32, #tpu.memory_space<vmem>> -> memref<1x64x64xf32, #tpu.memory_space<vmem>>
        %dma_wait3A_115 = tpu.memref_squeeze %dma_wait3A_114 : memref<1x64x64xf32, #tpu.memory_space<vmem>> -> memref<64x64xf32, #tpu.memory_space<vmem>>
        %dma_wait3A_116 = arith.constant 0 : i32
        %dma_wait3A_117 = tpu.memref_slice %arg10[%scan3A_65, %dma_wait3A_116] : memref<162x64xi32, #tpu.memory_space<vmem>> -> memref<1x64xi32, #tpu.memory_space<vmem>>
        %dma_wait3A_118 = tpu.memref_squeeze %dma_wait3A_117 : memref<1x64xi32, #tpu.memory_space<vmem>> -> memref<64xi32, #tpu.memory_space<vmem>>
        %dma_wait3A_119 = arith.constant 0 : i32
        %dma_wait3A_120 = arith.constant 0 : i32
        %dma_wait3A_121 = tpu.memref_slice %arg6[%dma_wait3A_119, %dma_wait3A_120] : memref<10112x64xf32, #tpu.memory_space<hbm>> -> memref<10112x64xf32, #tpu.memory_space<hbm>>
        tpu.wait_indirect_dma semaphore(%arg19 : memref<!tpu.dma_semaphore, #tpu.memory_space<semaphore_mem>>) src(%dma_wait3A_121 : memref<10112x64xf32, #tpu.memory_space<hbm>>) dst(%dma_wait3A_115 : memref<64x64xf32, #tpu.memory_space<vmem>>)
        %parallel_loop3A = arith.constant 0 : i32
        %parallel_loop3A_122 = arith.constant 64 : i32
        %parallel_loop3A_123 = arith.constant 1 : i32
        scf.for %parallel_loop3A_125 = %parallel_loop3A to %parallel_loop3A_122 step %parallel_loop3A_123  : i32 {
          %parallel_loop3A_126 = arith.constant 0 : i32
          %parallel_loop3A_127 = vector.broadcast %parallel_loop3A_126 : i32 to vector<16xi32>
          %parallel_loop3A_128 = vector.broadcast %parallel_loop3A_125 : i32 to vector<16xi32>
          %parallel_loop3A_129 = arith.addi %parallel_loop3A_127, %parallel_loop3A_128 : vector<16xi32>
          %parallel_loop3A_130 = tpu.vector_load_idx %arg15[%parallel_loop3A_129] : memref<128xf32, #tpu.memory_space<vmem>>[vector<16xi32>], vector<16xf32>,
          %parallel_loop3A_131 = arith.constant 64 : i32
          %parallel_loop3A_132 = vector.broadcast %parallel_loop3A_131 : i32 to vector<16xi32>
          %parallel_loop3A_133 = vector.broadcast %parallel_loop3A_125 : i32 to vector<16xi32>
          %parallel_loop3A_134 = arith.addi %parallel_loop3A_132, %parallel_loop3A_133 : vector<16xi32>
          %parallel_loop3A_135 = tpu.vector_load_idx %arg15[%parallel_loop3A_134] : memref<128xf32, #tpu.memory_space<vmem>>[vector<16xi32>], vector<16xf32>,
          %parallel_loop3A_136 = arith.constant 1 : i32
          %parallel_loop3A_137 = arith.index_cast %parallel_loop3A_136 : i32 to index
          %parallel_loop3A_138 = arith.index_cast %parallel_loop3A_125 : i32 to index
          %parallel_loop3A_139 = arith.constant 0 : index
          %parallel_loop3A_140 = tpu.vector_load %arg14[%parallel_loop3A_137, %parallel_loop3A_138, %parallel_loop3A_139] {strides = array<i32>} : memref<2x64x64xf32, #tpu.memory_space<vmem>>, vector<16xf32>,
          %parallel_loop3A_141 = arith.mulf %parallel_loop3A_140, %parallel_loop3A_130 : vector<16xf32>
          %parallel_loop3A_142 = arith.constant 1 : i32
          %parallel_loop3A_143 = arith.index_cast %parallel_loop3A_142 : i32 to index
          %parallel_loop3A_144 = arith.index_cast %parallel_loop3A_125 : i32 to index
          %parallel_loop3A_145 = arith.constant 0 : index
          %parallel_loop3A_146 = tpu.vector_load %arg14[%parallel_loop3A_143, %parallel_loop3A_144, %parallel_loop3A_145] {strides = array<i32>} : memref<2x64x64xf32, #tpu.memory_space<vmem>>, vector<16xf32>,
          tpu.vector_store %arg14[%parallel_loop3A_143, %parallel_loop3A_144, %parallel_loop3A_145], %parallel_loop3A_141 {strides = array<i32>} : memref<2x64x64xf32, #tpu.memory_space<vmem>>, vector<16xf32>,
          %parallel_loop3A_147 = arith.constant 1 : i32
          %parallel_loop3A_148 = arith.index_cast %parallel_loop3A_147 : i32 to index
          %parallel_loop3A_149 = arith.index_cast %parallel_loop3A_125 : i32 to index
          %parallel_loop3A_150 = arith.constant 16 : index
          %parallel_loop3A_151 = tpu.vector_load %arg14[%parallel_loop3A_148, %parallel_loop3A_149, %parallel_loop3A_150] {strides = array<i32>} : memref<2x64x64xf32, #tpu.memory_space<vmem>>, vector<16xf32>,
          %parallel_loop3A_152 = arith.mulf %parallel_loop3A_151, %parallel_loop3A_130 : vector<16xf32>
          %parallel_loop3A_153 = arith.constant 1 : i32
          %parallel_loop3A_154 = arith.index_cast %parallel_loop3A_153 : i32 to index
          %parallel_loop3A_155 = arith.index_cast %parallel_loop3A_125 : i32 to index
          %parallel_loop3A_156 = arith.constant 16 : index
          %parallel_loop3A_157 = tpu.vector_load %arg14[%parallel_loop3A_154, %parallel_loop3A_155, %parallel_loop3A_156] {strides = array<i32>} : memref<2x64x64xf32, #tpu.memory_space<vmem>>, vector<16xf32>,
          tpu.vector_store %arg14[%parallel_loop3A_154, %parallel_loop3A_155, %parallel_loop3A_156], %parallel_loop3A_152 {strides = array<i32>} : memref<2x64x64xf32, #tpu.memory_space<vmem>>, vector<16xf32>,
          %parallel_loop3A_158 = arith.constant 1 : i32
          %parallel_loop3A_159 = arith.index_cast %parallel_loop3A_158 : i32 to index
          %parallel_loop3A_160 = arith.index_cast %parallel_loop3A_125 : i32 to index
          %parallel_loop3A_161 = arith.constant 32 : index
          %parallel_loop3A_162 = tpu.vector_load %arg14[%parallel_loop3A_159, %parallel_loop3A_160, %parallel_loop3A_161] {strides = array<i32>} : memref<2x64x64xf32, #tpu.memory_space<vmem>>, vector<16xf32>,
          %parallel_loop3A_163 = arith.mulf %parallel_loop3A_162, %parallel_loop3A_135 : vector<16xf32>
          %parallel_loop3A_164 = arith.constant 1 : i32
          %parallel_loop3A_165 = arith.index_cast %parallel_loop3A_164 : i32 to index
          %parallel_loop3A_166 = arith.index_cast %parallel_loop3A_125 : i32 to index
          %parallel_loop3A_167 = arith.constant 32 : index
          %parallel_loop3A_168 = tpu.vector_load %arg14[%parallel_loop3A_165, %parallel_loop3A_166, %parallel_loop3A_167] {strides = array<i32>} : memref<2x64x64xf32, #tpu.memory_space<vmem>>, vector<16xf32>,
          tpu.vector_store %arg14[%parallel_loop3A_165, %parallel_loop3A_166, %parallel_loop3A_167], %parallel_loop3A_163 {strides = array<i32>} : memref<2x64x64xf32, #tpu.memory_space<vmem>>, vector<16xf32>,
          %parallel_loop3A_169 = arith.constant 1 : i32
          %parallel_loop3A_170 = arith.index_cast %parallel_loop3A_169 : i32 to index
          %parallel_loop3A_171 = arith.index_cast %parallel_loop3A_125 : i32 to index
          %parallel_loop3A_172 = arith.constant 48 : index
          %parallel_loop3A_173 = tpu.vector_load %arg14[%parallel_loop3A_170, %parallel_loop3A_171, %parallel_loop3A_172] {strides = array<i32>} : memref<2x64x64xf32, #tpu.memory_space<vmem>>, vector<16xf32>,
          %parallel_loop3A_174 = arith.mulf %parallel_loop3A_173, %parallel_loop3A_135 : vector<16xf32>
          %parallel_loop3A_175 = arith.constant 1 : i32
          %parallel_loop3A_176 = arith.index_cast %parallel_loop3A_175 : i32 to index
          %parallel_loop3A_177 = arith.index_cast %parallel_loop3A_125 : i32 to index
          %parallel_loop3A_178 = arith.constant 48 : index
          %parallel_loop3A_179 = tpu.vector_load %arg14[%parallel_loop3A_176, %parallel_loop3A_177, %parallel_loop3A_178] {strides = array<i32>} : memref<2x64x64xf32, #tpu.memory_space<vmem>>, vector<16xf32>,
          tpu.vector_store %arg14[%parallel_loop3A_176, %parallel_loop3A_177, %parallel_loop3A_178], %parallel_loop3A_174 {strides = array<i32>} : memref<2x64x64xf32, #tpu.memory_space<vmem>>, vector<16xf32>,
        } {sc.loop_unroll_factor = 4 : i64, sc.parallel_access}
        %run_scoped3A_124 = arith.constant 1 : i32
        "tpu.region"() ({
          %run_scoped3A_125 = tpu.sem_alloc : memref<!tpu.dma_semaphore, #tpu.memory_space<semaphore_mem>>
          %dma_start3A_126 = arith.constant 0 : i32
          %dma_start3A_127 = arith.constant 0 : i32
          %dma_start3A_128 = tpu.memref_slice %arg14[%run_scoped3A_124, %dma_start3A_126, %dma_start3A_127] : memref<2x64x64xf32, #tpu.memory_space<vmem>> -> memref<1x64x64xf32, #tpu.memory_space<vmem>>
          %dma_start3A_129 = tpu.memref_squeeze %dma_start3A_128 : memref<1x64x64xf32, #tpu.memory_space<vmem>> -> memref<64x64xf32, #tpu.memory_space<vmem>>
          %dma_start3A_130 = arith.constant 0 : i32
          %dma_start3A_131 = arith.constant 0 : i32
          %dma_start3A_132 = tpu.memref_slice %arg17[%dma_start3A_130, %dma_start3A_131] : memref<10112x64xf32, #tpu.memory_space<vmem_shared>> -> memref<10112x64xf32, #tpu.memory_space<vmem_shared>>
          tpu.enqueue_indirect_dma source(%dma_start3A_129 : memref<64x64xf32, #tpu.memory_space<vmem>>) target(%dma_start3A_132 : memref<10112x64xf32, #tpu.memory_space<vmem_shared>>) offsets(%arg12 : memref<64xi32, #tpu.memory_space<vmem>>) semaphore(%run_scoped3A_125 : memref<!tpu.dma_semaphore, #tpu.memory_space<semaphore_mem>>) {add = true}
          %dma_wait3A_133 = arith.constant 0 : i32
          %dma_wait3A_134 = arith.constant 0 : i32
          %dma_wait3A_135 = tpu.memref_slice %arg14[%run_scoped3A_124, %dma_wait3A_133, %dma_wait3A_134] : memref<2x64x64xf32, #tpu.memory_space<vmem>> -> memref<1x64x64xf32, #tpu.memory_space<vmem>>
          %dma_wait3A_136 = tpu.memref_squeeze %dma_wait3A_135 : memref<1x64x64xf32, #tpu.memory_space<vmem>> -> memref<64x64xf32, #tpu.memory_space<vmem>>
          %dma_wait3A_137 = arith.constant 0 : i32
          %dma_wait3A_138 = arith.constant 0 : i32
          %dma_wait3A_139 = tpu.memref_slice %arg17[%dma_wait3A_137, %dma_wait3A_138] : memref<10112x64xf32, #tpu.memory_space<vmem_shared>> -> memref<10112x64xf32, #tpu.memory_space<vmem_shared>>
          tpu.wait_indirect_dma semaphore(%run_scoped3A_125 : memref<!tpu.dma_semaphore, #tpu.memory_space<semaphore_mem>>) src(%dma_wait3A_136 : memref<64x64xf32, #tpu.memory_space<vmem>>) dst(%dma_wait3A_139 : memref<10112x64xf32, #tpu.memory_space<vmem_shared>>)
          tpu.yield
        }) : () -> ()
      } else {
      }
    }
    %scan3A_63 = arith.constant 162 : i32
    "tpu.region"() ({
      %run_scoped3A_65 = tpu.sem_alloc : memref<!tpu.dma_semaphore, #tpu.memory_space<semaphore_mem>>
      %dma_start3A_66 = arith.constant 0 : i32
      %dma_start3A_67 = tpu.memref_slice %arg8[%add3A, %dma_start3A_66] : memref<32x20224xf32, #tpu.memory_space<hbm>> -> memref<1x20224xf32, #tpu.memory_space<hbm>>
      %dma_start3A_68 = tpu.memref_squeeze %dma_start3A_67 : memref<1x20224xf32, #tpu.memory_space<hbm>> -> memref<20224xf32, #tpu.memory_space<hbm>>
      %dma_start3A_69 = arith.constant 0 : i32
      %dma_start3A_70 = tpu.memref_slice %arg8[%add3A, %dma_start3A_69] : memref<32x20224xf32, #tpu.memory_space<hbm>> -> memref<1x20224xf32, #tpu.memory_space<hbm>>
      %dma_start3A_71 = tpu.memref_squeeze %dma_start3A_70 : memref<1x20224xf32, #tpu.memory_space<hbm>> -> memref<20224xf32, #tpu.memory_space<hbm>>
      tpu.enqueue_dma source(%arg13 : memref<20224xf32, #tpu.memory_space<vmem>>) target(%dma_start3A_71 : memref<20224xf32, #tpu.memory_space<hbm>>) target_semaphore(%run_scoped3A_65 : memref<!tpu.dma_semaphore, #tpu.memory_space<semaphore_mem>>)
      %dma_wait3A = arith.constant 0 : i32
      %dma_wait3A_72 = tpu.memref_slice %arg8[%add3A, %dma_wait3A] : memref<32x20224xf32, #tpu.memory_space<hbm>> -> memref<1x20224xf32, #tpu.memory_space<hbm>>
      %dma_wait3A_73 = tpu.memref_squeeze %dma_wait3A_72 : memref<1x20224xf32, #tpu.memory_space<hbm>> -> memref<20224xf32, #tpu.memory_space<hbm>>
      %dma_wait3A_74 = arith.constant 0 : i32
      %dma_wait3A_75 = tpu.memref_slice %arg8[%add3A, %dma_wait3A_74] : memref<32x20224xf32, #tpu.memory_space<hbm>> -> memref<1x20224xf32, #tpu.memory_space<hbm>>
      %dma_wait3A_76 = tpu.memref_squeeze %dma_wait3A_75 : memref<1x20224xf32, #tpu.memory_space<hbm>> -> memref<20224xf32, #tpu.memory_space<hbm>>
      tpu.wait_dma2 semaphore(%run_scoped3A_65 : memref<!tpu.dma_semaphore, #tpu.memory_space<semaphore_mem>>) src(%arg13 : memref<20224xf32, #tpu.memory_space<vmem>>) dst(%dma_wait3A_76 : memref<20224xf32, #tpu.memory_space<hbm>>)
      tpu.yield
    }) : () -> ()
    %barrier3A_64 = arith.constant 0 : index
    tpu.barrier barrier_id(%barrier3A_64)
    "tpu.region"() ({
      %run_scoped3A_65 = tpu.sem_alloc : memref<!tpu.dma_semaphore, #tpu.memory_space<semaphore_mem>>
      %dma_start3A_66 = arith.constant 0 : i32
      %dma_start3A_67 = tpu.memref_slice %arg7[%arg0, %mul3A_14, %dma_start3A_66] : memref<2x10112x64xf32, #tpu.memory_space<hbm>> -> memref<1x632x64xf32, #tpu.memory_space<hbm>>
      %dma_start3A_68 = tpu.memref_squeeze %dma_start3A_67 : memref<1x632x64xf32, #tpu.memory_space<hbm>> -> memref<632x64xf32, #tpu.memory_space<hbm>>
      %dma_start3A_69 = arith.constant 0 : i32
      %dma_start3A_70 = tpu.memref_slice %arg17[%mul3A_14, %dma_start3A_69] : memref<10112x64xf32, #tpu.memory_space<vmem_shared>> -> memref<632x64xf32, #tpu.memory_space<vmem_shared>>
      tpu.enqueue_dma source(%dma_start3A_70 : memref<632x64xf32, #tpu.memory_space<vmem_shared>>) target(%dma_start3A_68 : memref<632x64xf32, #tpu.memory_space<hbm>>) target_semaphore(%run_scoped3A_65 : memref<!tpu.dma_semaphore, #tpu.memory_space<semaphore_mem>>)
      %dma_wait3A = arith.constant 0 : i32
      %dma_wait3A_71 = tpu.memref_slice %arg7[%arg0, %mul3A_14, %dma_wait3A] : memref<2x10112x64xf32, #tpu.memory_space<hbm>> -> memref<1x632x64xf32, #tpu.memory_space<hbm>>
      %dma_wait3A_72 = tpu.memref_squeeze %dma_wait3A_71 : memref<1x632x64xf32, #tpu.memory_space<hbm>> -> memref<632x64xf32, #tpu.memory_space<hbm>>
      %dma_wait3A_73 = arith.constant 0 : i32
      %dma_wait3A_74 = tpu.memref_slice %arg17[%mul3A_14, %dma_wait3A_73] : memref<10112x64xf32, #tpu.memory_space<vmem_shared>> -> memref<632x64xf32, #tpu.memory_space<vmem_shared>>
      tpu.wait_dma2 semaphore(%run_scoped3A_65 : memref<!tpu.dma_semaphore, #tpu.memory_space<semaphore_mem>>) src(%dma_wait3A_74 : memref<632x64xf32, #tpu.memory_space<vmem_shared>>) dst(%dma_wait3A_72 : memref<632x64xf32, #tpu.memory_space<hbm>>)
      tpu.yield
    }) : () -> ()
    return
  }
}

module attributes {stable_mosaic.version = 14 : i64} {
  func.func @_tc_head_body(%arg0: memref<10112x128xf32, #tpu.memory_space<vmem>>, %arg1: memref<128x64xf32, #tpu.memory_space<vmem>>, %arg2: memref<1x64xf32, #tpu.memory_space<vmem>>, %arg3: memref<1x64xf32, #tpu.memory_space<vmem>>, %arg4: memref<10112x64xf32, #tpu.memory_space<vmem>>, %arg5: memref<10112x4xf32, #tpu.memory_space<vmem>>, %arg6: memref<1x32xf32, #tpu.memory_space<vmem>>) attributes {dimension_semantics = [], scalar_prefetch = 0 : i64, scratch_operands = 0 : i64, tpu.core_type = #tpu.core_type<tc>} {
    %get3A = arith.constant 0 : index
    %get3A_0 = arith.constant 0 : index
    %get3A_1 = vector.load %arg0[%get3A, %get3A_0] : memref<10112x128xf32, #tpu.memory_space<vmem>>, vector<10112x128xf32>
    %get3A_2 = arith.constant 0 : index
    %get3A_3 = arith.constant 0 : index
    %get3A_4 = vector.load %arg1[%get3A_2, %get3A_3] : memref<128x64xf32, #tpu.memory_space<vmem>>, vector<128x64xf32>
    %dot_general3A = arith.constant dense<0.000000e+00> : vector<10112x64xf32>
    %dot_general3A_5 = tpu.matmul %get3A_1, %get3A_4, %dot_general3A {dimension_numbers = #tpu.dot_dimension_numbers<[1], [0], [0], [1], [0, 0, 1, 1], [], []>, transpose_lhs_hint = false} : vector<10112x128xf32>, vector<128x64xf32>, vector<10112x64xf32> -> vector<10112x64xf32>
    %swap3A = arith.constant 0 : index
    %swap3A_6 = arith.constant 0 : index
    %swap3A_7 = vector.load %arg4[%swap3A, %swap3A_6] : memref<10112x64xf32, #tpu.memory_space<vmem>>, vector<10112x64xf32>
    tpu.vector_store %arg4[%swap3A, %swap3A_6], %dot_general3A_5 {strides = array<i32>} : memref<10112x64xf32, #tpu.memory_space<vmem>>, vector<10112x64xf32>,
    %get3A_8 = arith.constant 0 : index
    %get3A_9 = arith.constant 0 : index
    %get3A_10 = vector.load %arg2[%get3A_8, %get3A_9] : memref<1x64xf32, #tpu.memory_space<vmem>>, vector<1x64xf32>
    %get3A_11 = arith.constant 0 : index
    %get3A_12 = arith.constant 0 : index
    %get3A_13 = vector.load %arg3[%get3A_11, %get3A_12] : memref<1x64xf32, #tpu.memory_space<vmem>>, vector<1x64xf32>
    %mul3A = vector.broadcast %get3A_10 : vector<1x64xf32> to vector<10112x64xf32>
    %mul3A_14 = arith.mulf %dot_general3A_5, %mul3A : vector<10112x64xf32>
    %mul3A_15 = vector.broadcast %get3A_13 : vector<1x64xf32> to vector<10112x64xf32>
    %mul3A_16 = arith.mulf %dot_general3A_5, %mul3A_15 : vector<10112x64xf32>
    %slice3A = vector.extract_strided_slice %mul3A_14 {offsets = [0, 0], sizes = [10112, 32], strides = [1, 1]} : vector<10112x64xf32> to vector<10112x32xf32>
    %reduce_sum3A = arith.constant dense<0.000000e+00> : vector<10112xf32>
    %reduce_sum3A_17 = vector.multi_reduction <add>, %slice3A, %reduce_sum3A [1] : vector<10112x32xf32> to vector<10112xf32>
    %broadcast_in_dim3A = vector.shape_cast %reduce_sum3A_17 : vector<10112xf32> to vector<10112x1xf32>
    %slice3A_18 = vector.extract_strided_slice %mul3A_14 {offsets = [0, 32], sizes = [10112, 32], strides = [1, 1]} : vector<10112x64xf32> to vector<10112x32xf32>
    %reduce_sum3A_19 = arith.constant dense<0.000000e+00> : vector<10112xf32>
    %reduce_sum3A_20 = vector.multi_reduction <add>, %slice3A_18, %reduce_sum3A_19 [1] : vector<10112x32xf32> to vector<10112xf32>
    %broadcast_in_dim3A_21 = vector.shape_cast %reduce_sum3A_20 : vector<10112xf32> to vector<10112x1xf32>
    %slice3A_22 = vector.extract_strided_slice %mul3A_16 {offsets = [0, 0], sizes = [10112, 32], strides = [1, 1]} : vector<10112x64xf32> to vector<10112x32xf32>
    %reduce_sum3A_23 = arith.constant dense<0.000000e+00> : vector<10112xf32>
    %reduce_sum3A_24 = vector.multi_reduction <add>, %slice3A_22, %reduce_sum3A_23 [1] : vector<10112x32xf32> to vector<10112xf32>
    %broadcast_in_dim3A_25 = vector.shape_cast %reduce_sum3A_24 : vector<10112xf32> to vector<10112x1xf32>
    %slice3A_26 = vector.extract_strided_slice %mul3A_16 {offsets = [0, 32], sizes = [10112, 32], strides = [1, 1]} : vector<10112x64xf32> to vector<10112x32xf32>
    %reduce_sum3A_27 = arith.constant dense<0.000000e+00> : vector<10112xf32>
    %reduce_sum3A_28 = vector.multi_reduction <add>, %slice3A_26, %reduce_sum3A_27 [1] : vector<10112x32xf32> to vector<10112xf32>
    %broadcast_in_dim3A_29 = vector.shape_cast %reduce_sum3A_28 : vector<10112xf32> to vector<10112x1xf32>
    %iota3A = tpu.iota {dimensions = array<i32: 0>} : vector<10112x1xi32>
    %lt3A = arith.constant 10000 : i32
    %lt3A_30 = vector.broadcast %lt3A : i32 to vector<10112x1xi32>
    %lt3A_31 = arith.cmpi slt, %iota3A, %lt3A_30 : vector<10112x1xi32>
    %jit3A = arith.constant -1.000000e+30 : f32
    %broadcast_in_dim3A_32 = vector.broadcast %jit3A : f32 to vector<10112x1xf32>
    %select_n3A = arith.select %lt3A_31, %broadcast_in_dim3A, %broadcast_in_dim3A_32 : vector<10112x1xi1>, vector<10112x1xf32>
    %jit3A_33 = arith.constant -1.000000e+30 : f32
    %broadcast_in_dim3A_34 = vector.broadcast %jit3A_33 : f32 to vector<10112x1xf32>
    %select_n3A_35 = arith.select %lt3A_31, %broadcast_in_dim3A_21, %broadcast_in_dim3A_34 : vector<10112x1xi1>, vector<10112x1xf32>
    %jit3A_36 = arith.constant -1.000000e+30 : f32
    %broadcast_in_dim3A_37 = vector.broadcast %jit3A_36 : f32 to vector<10112x1xf32>
    %select_n3A_38 = arith.select %lt3A_31, %broadcast_in_dim3A_25, %broadcast_in_dim3A_37 : vector<10112x1xi1>, vector<10112x1xf32>
    %jit3A_39 = arith.constant -1.000000e+30 : f32
    %broadcast_in_dim3A_40 = vector.broadcast %jit3A_39 : f32 to vector<10112x1xf32>
    %select_n3A_41 = arith.select %lt3A_31, %broadcast_in_dim3A_29, %broadcast_in_dim3A_40 : vector<10112x1xi1>, vector<10112x1xf32>
    %concatenate3A = tpu.concatenate %select_n3A, %select_n3A_35, %select_n3A_38, %select_n3A_41 in 1 : vector<10112x1xf32>, vector<10112x1xf32>, vector<10112x1xf32>, vector<10112x1xf32> -> vector<10112x4xf32>
    %swap3A_42 = arith.constant 0 : index
    %swap3A_43 = arith.constant 0 : index
    %swap3A_44 = vector.load %arg5[%swap3A_42, %swap3A_43] : memref<10112x4xf32, #tpu.memory_space<vmem>>, vector<10112x4xf32>
    tpu.vector_store %arg5[%swap3A_42, %swap3A_43], %concatenate3A {strides = array<i32>} : memref<10112x4xf32, #tpu.memory_space<vmem>>, vector<10112x4xf32>,
    %reduce_max3A = vector.shape_cast %select_n3A : vector<10112x1xf32> to vector<1x10112x1xf32>
    %reduce_max3A_45 = arith.constant dense<0xFF800000> : vector<1xf32>
    %reduce_max3A_46 = vector.multi_reduction <maximumf>, %reduce_max3A, %reduce_max3A_45 [1, 2] : vector<1x10112x1xf32> to vector<1xf32>
    %reduce_max3A_47 = vector.shape_cast %reduce_max3A_46 : vector<1xf32> to vector<1x1x1xf32>
    %reduce_max3A_48 = vector.extract %reduce_max3A_47[0, 0, 0] : f32 from vector<1x1x1xf32>
    %reduce_max3A_49 = vector.shape_cast %select_n3A_38 : vector<10112x1xf32> to vector<1x10112x1xf32>
    %reduce_max3A_50 = arith.constant dense<0xFF800000> : vector<1xf32>
    %reduce_max3A_51 = vector.multi_reduction <maximumf>, %reduce_max3A_49, %reduce_max3A_50 [1, 2] : vector<1x10112x1xf32> to vector<1xf32>
    %reduce_max3A_52 = vector.shape_cast %reduce_max3A_51 : vector<1xf32> to vector<1x1x1xf32>
    %reduce_max3A_53 = vector.extract %reduce_max3A_52[0, 0, 0] : f32 from vector<1x1x1xf32>
    %add3A = arith.addf %reduce_max3A_48, %reduce_max3A_53 : f32
    %reduce_max3A_54 = vector.shape_cast %select_n3A_35 : vector<10112x1xf32> to vector<1x10112x1xf32>
    %reduce_max3A_55 = arith.constant dense<0xFF800000> : vector<1xf32>
    %reduce_max3A_56 = vector.multi_reduction <maximumf>, %reduce_max3A_54, %reduce_max3A_55 [1, 2] : vector<1x10112x1xf32> to vector<1xf32>
    %reduce_max3A_57 = vector.shape_cast %reduce_max3A_56 : vector<1xf32> to vector<1x1x1xf32>
    %reduce_max3A_58 = vector.extract %reduce_max3A_57[0, 0, 0] : f32 from vector<1x1x1xf32>
    %reduce_max3A_59 = vector.shape_cast %select_n3A_41 : vector<10112x1xf32> to vector<1x10112x1xf32>
    %reduce_max3A_60 = arith.constant dense<0xFF800000> : vector<1xf32>
    %reduce_max3A_61 = vector.multi_reduction <maximumf>, %reduce_max3A_59, %reduce_max3A_60 [1, 2] : vector<1x10112x1xf32> to vector<1xf32>
    %reduce_max3A_62 = vector.shape_cast %reduce_max3A_61 : vector<1xf32> to vector<1x1x1xf32>
    %reduce_max3A_63 = vector.extract %reduce_max3A_62[0, 0, 0] : f32 from vector<1x1x1xf32>
    %add3A_64 = arith.addf %reduce_max3A_58, %reduce_max3A_63 : f32
    %iota3A_65 = tpu.iota {dimensions = array<i32: 1>} : vector<1x32xi32>
    %lt3A_66 = arith.constant 16 : i32
    %lt3A_67 = vector.broadcast %lt3A_66 : i32 to vector<1x32xi32>
    %lt3A_68 = arith.cmpi slt, %iota3A_65, %lt3A_67 : vector<1x32xi32>
    %broadcast_in_dim3A_69 = vector.broadcast %add3A : f32 to vector<1x32xf32>
    %broadcast_in_dim3A_70 = vector.broadcast %add3A_64 : f32 to vector<1x32xf32>
    %select_n3A_71 = arith.select %lt3A_68, %broadcast_in_dim3A_69, %broadcast_in_dim3A_70 : vector<1x32xi1>, vector<1x32xf32>
    %swap3A_72 = arith.constant 0 : index
    %swap3A_73 = arith.constant 0 : index
    %swap3A_74 = vector.load %arg6[%swap3A_72, %swap3A_73] : memref<1x32xf32, #tpu.memory_space<vmem>>, vector<1x32xf32>
    tpu.vector_store %arg6[%swap3A_72, %swap3A_73], %select_n3A_71 {strides = array<i32>} : memref<1x32xf32, #tpu.memory_space<vmem>>, vector<1x32xf32>,
    return
  }
}

module attributes {stable_mosaic.version = 14 : i64} {
  func.func @_denred_body(%arg0: i32, %arg1: memref<1x158x128xf32, #tpu.memory_space<vmem>>, %arg2: memref<158x128xf32, #tpu.memory_space<vmem>>) attributes {dimension_semantics = [#tpu.dimension_semantics<arbitrary>], iteration_bounds = array<i64: 32>, scalar_prefetch = 0 : i64, scratch_operands = 0 : i64, tpu.core_type = #tpu.core_type<tc>, window_params = [{transform_indices = @transform_0, window_bounds = array<i64: 1, 158, 128>}, {pipeline_mode = #tpu.pipeline_mode<synchronous>, transform_indices = @transform_1, window_bounds = array<i64: 158, 128>}]} {
    %eq3A = arith.constant 0 : i32
    %eq3A_0 = arith.cmpi eq, %arg0, %eq3A : i32
    %convert_element_type3A = arith.extui %eq3A_0 : i1 to i32
    %cond3A = arith.constant 0 : i32
    %cond3A_1 = arith.cmpi ne, %convert_element_type3A, %cond3A : i32
    scf.if %cond3A_1 {
      %broadcast_in_dim3A = arith.constant 0.000000e+00 : f32
      %broadcast_in_dim3A_11 = vector.broadcast %broadcast_in_dim3A : f32 to vector<158x128xf32>
      %swap3A_12 = arith.constant 0 : index
      %swap3A_13 = arith.constant 0 : index
      %swap3A_14 = vector.load %arg2[%swap3A_12, %swap3A_13] : memref<158x128xf32, #tpu.memory_space<vmem>>, vector<158x128xf32>
      tpu.vector_store %arg2[%swap3A_12, %swap3A_13], %broadcast_in_dim3A_11 {strides = array<i32>} : memref<158x128xf32, #tpu.memory_space<vmem>>, vector<158x128xf32>,
    } else {
    }
    %get3A = arith.constant 0 : index
    %get3A_2 = arith.constant 0 : index
    %get3A_3 = vector.load %arg2[%get3A, %get3A_2] : memref<158x128xf32, #tpu.memory_space<vmem>>, vector<158x128xf32>
    %get3A_4 = arith.constant 0 : index
    %get3A_5 = arith.constant 0 : index
    %get3A_6 = arith.constant 0 : index
    %get3A_7 = vector.load %arg1[%get3A_4, %get3A_5, %get3A_6] : memref<1x158x128xf32, #tpu.memory_space<vmem>>, vector<1x158x128xf32>
    %get3A_8 = vector.shape_cast %get3A_7 : vector<1x158x128xf32> to vector<158x128xf32>
    %add3A = arith.addf %get3A_3, %get3A_8 : vector<158x128xf32>
    %swap3A = arith.constant 0 : index
    %swap3A_9 = arith.constant 0 : index
    %swap3A_10 = vector.load %arg2[%swap3A, %swap3A_9] : memref<158x128xf32, #tpu.memory_space<vmem>>, vector<158x128xf32>
    tpu.vector_store %arg2[%swap3A, %swap3A_9], %add3A {strides = array<i32>} : memref<158x128xf32, #tpu.memory_space<vmem>>, vector<158x128xf32>,
    return
  }
  func.func @transform_0(%arg0: i32) -> (i32, i32, i32) {
    %c0_i32 = arith.constant 0 : i32
    %c0_i32_0 = arith.constant 0 : i32
    %c0_i32_1 = arith.constant 0 : i32
    return %arg0, %c0_i32, %c0_i32_0 : i32, i32, i32
  }
  func.func @transform_1(%arg0: i32) -> (i32, i32) {
    %c0_i32 = arith.constant 0 : i32
    %c0_i32_0 = arith.constant 0 : i32
    %c0_i32_1 = arith.constant 0 : i32
    return %c0_i32, %c0_i32_0 : i32, i32
  }
}

module attributes {stable_mosaic.version = 14 : i64} {
  func.func @_tc_mid_body(%arg0: memref<2x10112x64xf32, #tpu.memory_space<vmem>>, %arg1: memref<10112x2xf32, #tpu.memory_space<vmem>>, %arg2: memref<1x64xf32, #tpu.memory_space<vmem>>, %arg3: memref<1x64xf32, #tpu.memory_space<vmem>>, %arg4: memref<1x64xf32, #tpu.memory_space<vmem>>, %arg5: memref<64x64xf32, #tpu.memory_space<vmem>>, %arg6: memref<1x64xf32, #tpu.memory_space<vmem>>, %arg7: memref<1x64xf32, #tpu.memory_space<vmem>>, %arg8: memref<10112x64xf32, #tpu.memory_space<vmem>>, %arg9: memref<10112x64xf32, #tpu.memory_space<vmem>>, %arg10: memref<10112x4xf32, #tpu.memory_space<vmem>>, %arg11: memref<1x32xf32, #tpu.memory_space<vmem>>) attributes {dimension_semantics = [], scalar_prefetch = 0 : i64, scratch_operands = 0 : i64, tpu.core_type = #tpu.core_type<tc>} {
    %get3A = arith.constant 0 : index
    %get3A_0 = arith.constant 0 : index
    %get3A_1 = arith.constant 0 : index
    %get3A_2 = vector.load %arg0[%get3A, %get3A_0, %get3A_1] : memref<2x10112x64xf32, #tpu.memory_space<vmem>>, vector<1x10112x64xf32>
    %get3A_3 = vector.shape_cast %get3A_2 : vector<1x10112x64xf32> to vector<10112x64xf32>
    %get3A_4 = arith.constant 1 : index
    %get3A_5 = arith.constant 0 : index
    %get3A_6 = arith.constant 0 : index
    %get3A_7 = vector.load %arg0[%get3A_4, %get3A_5, %get3A_6] : memref<2x10112x64xf32, #tpu.memory_space<vmem>>, vector<1x10112x64xf32>
    %get3A_8 = vector.shape_cast %get3A_7 : vector<1x10112x64xf32> to vector<10112x64xf32>
    %add3A = arith.addf %get3A_3, %get3A_8 : vector<10112x64xf32>
    %get3A_9 = arith.constant 0 : index
    %get3A_10 = arith.constant 0 : index
    %get3A_11 = vector.load %arg1[%get3A_9, %get3A_10] : memref<10112x2xf32, #tpu.memory_space<vmem>>, vector<10112x2xf32>
    %slice3A = vector.extract_strided_slice %get3A_11 {offsets = [0, 0], sizes = [10112, 1], strides = [1, 1]} : vector<10112x2xf32> to vector<10112x1xf32>
    %slice3A_12 = vector.extract_strided_slice %get3A_11 {offsets = [0, 1], sizes = [10112, 1], strides = [1, 1]} : vector<10112x2xf32> to vector<10112x1xf32>
    %iota3A = tpu.iota {dimensions = array<i32: 1>} : vector<10112x64xi32>
    %lt3A = arith.constant 32 : i32
    %lt3A_13 = vector.broadcast %lt3A : i32 to vector<10112x64xi32>
    %lt3A_14 = arith.cmpi slt, %iota3A, %lt3A_13 : vector<10112x64xi32>
    %broadcast_in_dim3A = vector.shape_cast %slice3A : vector<10112x1xf32> to vector<10112x1xf32>
    %broadcast_in_dim3A_15 = vector.broadcast %broadcast_in_dim3A : vector<10112x1xf32> to vector<10112x64xf32>
    %broadcast_in_dim3A_16 = vector.shape_cast %slice3A_12 : vector<10112x1xf32> to vector<10112x1xf32>
    %broadcast_in_dim3A_17 = vector.broadcast %broadcast_in_dim3A_16 : vector<10112x1xf32> to vector<10112x64xf32>
    %select_n3A = arith.select %lt3A_14, %broadcast_in_dim3A_15, %broadcast_in_dim3A_17 : vector<10112x64xi1>, vector<10112x64xf32>
    %add3A_18 = arith.constant 1.000000e-16 : f32
    %add3A_19 = vector.broadcast %add3A_18 : f32 to vector<10112x64xf32>
    %add3A_20 = arith.addf %select_n3A, %add3A_19 : vector<10112x64xf32>
    %div3A = arith.divf %add3A, %add3A_20 : vector<10112x64xf32>
    %get3A_21 = arith.constant 0 : index
    %get3A_22 = arith.constant 0 : index
    %get3A_23 = vector.load %arg2[%get3A_21, %get3A_22] : memref<1x64xf32, #tpu.memory_space<vmem>>, vector<1x64xf32>
    %add3A_24 = vector.broadcast %get3A_23 : vector<1x64xf32> to vector<10112x64xf32>
    %add3A_25 = arith.addf %div3A, %add3A_24 : vector<10112x64xf32>
    %reduce_sum3A = arith.constant dense<0.000000e+00> : vector<10112xf32>
    %reduce_sum3A_26 = vector.multi_reduction <add>, %add3A_25, %reduce_sum3A [1] : vector<10112x64xf32> to vector<10112xf32>
    %broadcast_in_dim3A_27 = vector.shape_cast %reduce_sum3A_26 : vector<10112xf32> to vector<10112x1xf32>
    %div3A_28 = arith.constant 6.400000e+01 : f32
    %div3A_29 = vector.broadcast %div3A_28 : f32 to vector<10112x1xf32>
    %div3A_30 = arith.divf %broadcast_in_dim3A_27, %div3A_29 : vector<10112x1xf32>
    %sub3A = vector.broadcast %div3A_30 : vector<10112x1xf32> to vector<10112x64xf32>
    %sub3A_31 = arith.subf %add3A_25, %sub3A : vector<10112x64xf32>
    %integer_pow3A = arith.mulf %sub3A_31, %sub3A_31 : vector<10112x64xf32>
    %reduce_sum3A_32 = arith.constant dense<0.000000e+00> : vector<10112xf32>
    %reduce_sum3A_33 = vector.multi_reduction <add>, %integer_pow3A, %reduce_sum3A_32 [1] : vector<10112x64xf32> to vector<10112xf32>
    %broadcast_in_dim3A_34 = vector.shape_cast %reduce_sum3A_33 : vector<10112xf32> to vector<10112x1xf32>
    %div3A_35 = arith.constant 6.400000e+01 : f32
    %div3A_36 = vector.broadcast %div3A_35 : f32 to vector<10112x1xf32>
    %div3A_37 = arith.divf %broadcast_in_dim3A_34, %div3A_36 : vector<10112x1xf32>
    %sub3A_38 = vector.broadcast %div3A_30 : vector<10112x1xf32> to vector<10112x64xf32>
    %sub3A_39 = arith.subf %add3A_25, %sub3A_38 : vector<10112x64xf32>
    %add3A_40 = arith.constant 9.99999974E-6 : f32
    %add3A_41 = vector.broadcast %add3A_40 : f32 to vector<10112x1xf32>
    %add3A_42 = arith.addf %div3A_37, %add3A_41 : vector<10112x1xf32>
    %sqrt3A = math.sqrt %add3A_42 : vector<10112x1xf32>
    %div3A_43 = vector.broadcast %sqrt3A : vector<10112x1xf32> to vector<10112x64xf32>
    %div3A_44 = arith.divf %sub3A_39, %div3A_43 : vector<10112x64xf32>
    %get3A_45 = arith.constant 0 : index
    %get3A_46 = arith.constant 0 : index
    %get3A_47 = vector.load %arg3[%get3A_45, %get3A_46] : memref<1x64xf32, #tpu.memory_space<vmem>>, vector<1x64xf32>
    %mul3A = vector.broadcast %get3A_47 : vector<1x64xf32> to vector<10112x64xf32>
    %mul3A_48 = arith.mulf %div3A_44, %mul3A : vector<10112x64xf32>
    %get3A_49 = arith.constant 0 : index
    %get3A_50 = arith.constant 0 : index
    %get3A_51 = vector.load %arg4[%get3A_49, %get3A_50] : memref<1x64xf32, #tpu.memory_space<vmem>>, vector<1x64xf32>
    %add3A_52 = vector.broadcast %get3A_51 : vector<1x64xf32> to vector<10112x64xf32>
    %add3A_53 = arith.addf %mul3A_48, %add3A_52 : vector<10112x64xf32>
    %gt3A = arith.constant 0.000000e+00 : f32
    %gt3A_54 = vector.broadcast %gt3A : f32 to vector<10112x64xf32>
    %gt3A_55 = arith.cmpf ogt, %add3A_53, %gt3A_54 : vector<10112x64xf32>
    %exp3A = math.exp %add3A_53 : vector<10112x64xf32>
    %sub3A_56 = arith.constant 1.000000e+00 : f32
    %sub3A_57 = vector.broadcast %sub3A_56 : f32 to vector<10112x64xf32>
    %sub3A_58 = arith.subf %exp3A, %sub3A_57 : vector<10112x64xf32>
    %select_n3A_59 = arith.select %gt3A_55, %add3A_53, %sub3A_58 : vector<10112x64xi1>, vector<10112x64xf32>
    %swap3A = arith.constant 0 : index
    %swap3A_60 = arith.constant 0 : index
    %swap3A_61 = vector.load %arg8[%swap3A, %swap3A_60] : memref<10112x64xf32, #tpu.memory_space<vmem>>, vector<10112x64xf32>
    tpu.vector_store %arg8[%swap3A, %swap3A_60], %select_n3A_59 {strides = array<i32>} : memref<10112x64xf32, #tpu.memory_space<vmem>>, vector<10112x64xf32>,
    %get3A_62 = arith.constant 0 : index
    %get3A_63 = arith.constant 0 : index
    %get3A_64 = vector.load %arg8[%get3A_62, %get3A_63] : memref<10112x64xf32, #tpu.memory_space<vmem>>, vector<10112x64xf32>
    %get3A_65 = arith.constant 0 : index
    %get3A_66 = arith.constant 0 : index
    %get3A_67 = vector.load %arg5[%get3A_65, %get3A_66] : memref<64x64xf32, #tpu.memory_space<vmem>>, vector<64x64xf32>
    %dot_general3A = arith.constant dense<0.000000e+00> : vector<10112x64xf32>
    %dot_general3A_68 = tpu.matmul %get3A_64, %get3A_67, %dot_general3A {dimension_numbers = #tpu.dot_dimension_numbers<[1], [0], [0], [1], [0, 0, 1, 1], [], []>, transpose_lhs_hint = false} : vector<10112x64xf32>, vector<64x64xf32>, vector<10112x64xf32> -> vector<10112x64xf32>
    %swap3A_69 = arith.constant 0 : index
    %swap3A_70 = arith.constant 0 : index
    %swap3A_71 = vector.load %arg9[%swap3A_69, %swap3A_70] : memref<10112x64xf32, #tpu.memory_space<vmem>>, vector<10112x64xf32>
    tpu.vector_store %arg9[%swap3A_69, %swap3A_70], %dot_general3A_68 {strides = array<i32>} : memref<10112x64xf32, #tpu.memory_space<vmem>>, vector<10112x64xf32>,
    %get3A_72 = arith.constant 0 : index
    %get3A_73 = arith.constant 0 : index
    %get3A_74 = vector.load %arg6[%get3A_72, %get3A_73] : memref<1x64xf32, #tpu.memory_space<vmem>>, vector<1x64xf32>
    %get3A_75 = arith.constant 0 : index
    %get3A_76 = arith.constant 0 : index
    %get3A_77 = vector.load %arg7[%get3A_75, %get3A_76] : memref<1x64xf32, #tpu.memory_space<vmem>>, vector<1x64xf32>
    %mul3A_78 = vector.broadcast %get3A_74 : vector<1x64xf32> to vector<10112x64xf32>
    %mul3A_79 = arith.mulf %dot_general3A_68, %mul3A_78 : vector<10112x64xf32>
    %mul3A_80 = vector.broadcast %get3A_77 : vector<1x64xf32> to vector<10112x64xf32>
    %mul3A_81 = arith.mulf %dot_general3A_68, %mul3A_80 : vector<10112x64xf32>
    %slice3A_82 = vector.extract_strided_slice %mul3A_79 {offsets = [0, 0], sizes = [10112, 32], strides = [1, 1]} : vector<10112x64xf32> to vector<10112x32xf32>
    %reduce_sum3A_83 = arith.constant dense<0.000000e+00> : vector<10112xf32>
    %reduce_sum3A_84 = vector.multi_reduction <add>, %slice3A_82, %reduce_sum3A_83 [1] : vector<10112x32xf32> to vector<10112xf32>
    %broadcast_in_dim3A_85 = vector.shape_cast %reduce_sum3A_84 : vector<10112xf32> to vector<10112x1xf32>
    %slice3A_86 = vector.extract_strided_slice %mul3A_79 {offsets = [0, 32], sizes = [10112, 32], strides = [1, 1]} : vector<10112x64xf32> to vector<10112x32xf32>
    %reduce_sum3A_87 = arith.constant dense<0.000000e+00> : vector<10112xf32>
    %reduce_sum3A_88 = vector.multi_reduction <add>, %slice3A_86, %reduce_sum3A_87 [1] : vector<10112x32xf32> to vector<10112xf32>
    %broadcast_in_dim3A_89 = vector.shape_cast %reduce_sum3A_88 : vector<10112xf32> to vector<10112x1xf32>
    %slice3A_90 = vector.extract_strided_slice %mul3A_81 {offsets = [0, 0], sizes = [10112, 32], strides = [1, 1]} : vector<10112x64xf32> to vector<10112x32xf32>
    %reduce_sum3A_91 = arith.constant dense<0.000000e+00> : vector<10112xf32>
    %reduce_sum3A_92 = vector.multi_reduction <add>, %slice3A_90, %reduce_sum3A_91 [1] : vector<10112x32xf32> to vector<10112xf32>
    %broadcast_in_dim3A_93 = vector.shape_cast %reduce_sum3A_92 : vector<10112xf32> to vector<10112x1xf32>
    %slice3A_94 = vector.extract_strided_slice %mul3A_81 {offsets = [0, 32], sizes = [10112, 32], strides = [1, 1]} : vector<10112x64xf32> to vector<10112x32xf32>
    %reduce_sum3A_95 = arith.constant dense<0.000000e+00> : vector<10112xf32>
    %reduce_sum3A_96 = vector.multi_reduction <add>, %slice3A_94, %reduce_sum3A_95 [1] : vector<10112x32xf32> to vector<10112xf32>
    %broadcast_in_dim3A_97 = vector.shape_cast %reduce_sum3A_96 : vector<10112xf32> to vector<10112x1xf32>
    %iota3A_98 = tpu.iota {dimensions = array<i32: 0>} : vector<10112x1xi32>
    %lt3A_99 = arith.constant 10000 : i32
    %lt3A_100 = vector.broadcast %lt3A_99 : i32 to vector<10112x1xi32>
    %lt3A_101 = arith.cmpi slt, %iota3A_98, %lt3A_100 : vector<10112x1xi32>
    %jit3A = arith.constant -1.000000e+30 : f32
    %broadcast_in_dim3A_102 = vector.broadcast %jit3A : f32 to vector<10112x1xf32>
    %select_n3A_103 = arith.select %lt3A_101, %broadcast_in_dim3A_85, %broadcast_in_dim3A_102 : vector<10112x1xi1>, vector<10112x1xf32>
    %jit3A_104 = arith.constant -1.000000e+30 : f32
    %broadcast_in_dim3A_105 = vector.broadcast %jit3A_104 : f32 to vector<10112x1xf32>
    %select_n3A_106 = arith.select %lt3A_101, %broadcast_in_dim3A_89, %broadcast_in_dim3A_105 : vector<10112x1xi1>, vector<10112x1xf32>
    %jit3A_107 = arith.constant -1.000000e+30 : f32
    %broadcast_in_dim3A_108 = vector.broadcast %jit3A_107 : f32 to vector<10112x1xf32>
    %select_n3A_109 = arith.select %lt3A_101, %broadcast_in_dim3A_93, %broadcast_in_dim3A_108 : vector<10112x1xi1>, vector<10112x1xf32>
    %jit3A_110 = arith.constant -1.000000e+30 : f32
    %broadcast_in_dim3A_111 = vector.broadcast %jit3A_110 : f32 to vector<10112x1xf32>
    %select_n3A_112 = arith.select %lt3A_101, %broadcast_in_dim3A_97, %broadcast_in_dim3A_111 : vector<10112x1xi1>, vector<10112x1xf32>
    %concatenate3A = tpu.concatenate %select_n3A_103, %select_n3A_106, %select_n3A_109, %select_n3A_112 in 1 : vector<10112x1xf32>, vector<10112x1xf32>, vector<10112x1xf32>, vector<10112x1xf32> -> vector<10112x4xf32>
    %swap3A_113 = arith.constant 0 : index
    %swap3A_114 = arith.constant 0 : index
    %swap3A_115 = vector.load %arg10[%swap3A_113, %swap3A_114] : memref<10112x4xf32, #tpu.memory_space<vmem>>, vector<10112x4xf32>
    tpu.vector_store %arg10[%swap3A_113, %swap3A_114], %concatenate3A {strides = array<i32>} : memref<10112x4xf32, #tpu.memory_space<vmem>>, vector<10112x4xf32>,
    %reduce_max3A = vector.shape_cast %select_n3A_103 : vector<10112x1xf32> to vector<1x10112x1xf32>
    %reduce_max3A_116 = arith.constant dense<0xFF800000> : vector<1xf32>
    %reduce_max3A_117 = vector.multi_reduction <maximumf>, %reduce_max3A, %reduce_max3A_116 [1, 2] : vector<1x10112x1xf32> to vector<1xf32>
    %reduce_max3A_118 = vector.shape_cast %reduce_max3A_117 : vector<1xf32> to vector<1x1x1xf32>
    %reduce_max3A_119 = vector.extract %reduce_max3A_118[0, 0, 0] : f32 from vector<1x1x1xf32>
    %reduce_max3A_120 = vector.shape_cast %select_n3A_109 : vector<10112x1xf32> to vector<1x10112x1xf32>
    %reduce_max3A_121 = arith.constant dense<0xFF800000> : vector<1xf32>
    %reduce_max3A_122 = vector.multi_reduction <maximumf>, %reduce_max3A_120, %reduce_max3A_121 [1, 2] : vector<1x10112x1xf32> to vector<1xf32>
    %reduce_max3A_123 = vector.shape_cast %reduce_max3A_122 : vector<1xf32> to vector<1x1x1xf32>
    %reduce_max3A_124 = vector.extract %reduce_max3A_123[0, 0, 0] : f32 from vector<1x1x1xf32>
    %add3A_125 = arith.addf %reduce_max3A_119, %reduce_max3A_124 : f32
    %reduce_max3A_126 = vector.shape_cast %select_n3A_106 : vector<10112x1xf32> to vector<1x10112x1xf32>
    %reduce_max3A_127 = arith.constant dense<0xFF800000> : vector<1xf32>
    %reduce_max3A_128 = vector.multi_reduction <maximumf>, %reduce_max3A_126, %reduce_max3A_127 [1, 2] : vector<1x10112x1xf32> to vector<1xf32>
    %reduce_max3A_129 = vector.shape_cast %reduce_max3A_128 : vector<1xf32> to vector<1x1x1xf32>
    %reduce_max3A_130 = vector.extract %reduce_max3A_129[0, 0, 0] : f32 from vector<1x1x1xf32>
    %reduce_max3A_131 = vector.shape_cast %select_n3A_112 : vector<10112x1xf32> to vector<1x10112x1xf32>
    %reduce_max3A_132 = arith.constant dense<0xFF800000> : vector<1xf32>
    %reduce_max3A_133 = vector.multi_reduction <maximumf>, %reduce_max3A_131, %reduce_max3A_132 [1, 2] : vector<1x10112x1xf32> to vector<1xf32>
    %reduce_max3A_134 = vector.shape_cast %reduce_max3A_133 : vector<1xf32> to vector<1x1x1xf32>
    %reduce_max3A_135 = vector.extract %reduce_max3A_134[0, 0, 0] : f32 from vector<1x1x1xf32>
    %add3A_136 = arith.addf %reduce_max3A_130, %reduce_max3A_135 : f32
    %iota3A_137 = tpu.iota {dimensions = array<i32: 1>} : vector<1x32xi32>
    %lt3A_138 = arith.constant 16 : i32
    %lt3A_139 = vector.broadcast %lt3A_138 : i32 to vector<1x32xi32>
    %lt3A_140 = arith.cmpi slt, %iota3A_137, %lt3A_139 : vector<1x32xi32>
    %broadcast_in_dim3A_141 = vector.broadcast %add3A_125 : f32 to vector<1x32xf32>
    %broadcast_in_dim3A_142 = vector.broadcast %add3A_136 : f32 to vector<1x32xf32>
    %select_n3A_143 = arith.select %lt3A_140, %broadcast_in_dim3A_141, %broadcast_in_dim3A_142 : vector<1x32xi1>, vector<1x32xf32>
    %swap3A_144 = arith.constant 0 : index
    %swap3A_145 = arith.constant 0 : index
    %swap3A_146 = vector.load %arg11[%swap3A_144, %swap3A_145] : memref<1x32xf32, #tpu.memory_space<vmem>>, vector<1x32xf32>
    tpu.vector_store %arg11[%swap3A_144, %swap3A_145], %select_n3A_143 {strides = array<i32>} : memref<1x32xf32, #tpu.memory_space<vmem>>, vector<1x32xf32>,
    return
  }
}

module attributes {stable_mosaic.version = 14 : i64} {
  func.func @_tc_fin_body(%arg0: memref<2x10112x64xf32, #tpu.memory_space<vmem>>, %arg1: memref<10112x2xf32, #tpu.memory_space<vmem>>, %arg2: memref<1x64xf32, #tpu.memory_space<vmem>>, %arg3: memref<1x64xf32, #tpu.memory_space<vmem>>, %arg4: memref<1x64xf32, #tpu.memory_space<vmem>>, %arg5: memref<10112x64xf32, #tpu.memory_space<vmem>>, %arg6: memref<64x1xf32, #tpu.memory_space<vmem>>, %arg7: memref<1x1xf32, #tpu.memory_space<vmem>>, %arg8: memref<1x64xf32, #tpu.memory_space<vmem>>) attributes {dimension_semantics = [], scalar_prefetch = 0 : i64, scratch_operands = 0 : i64, tpu.core_type = #tpu.core_type<tc>} {
    %get3A = arith.constant 0 : index
    %get3A_0 = arith.constant 0 : index
    %get3A_1 = arith.constant 0 : index
    %get3A_2 = vector.load %arg0[%get3A, %get3A_0, %get3A_1] : memref<2x10112x64xf32, #tpu.memory_space<vmem>>, vector<1x10112x64xf32>
    %get3A_3 = vector.shape_cast %get3A_2 : vector<1x10112x64xf32> to vector<10112x64xf32>
    %get3A_4 = arith.constant 1 : index
    %get3A_5 = arith.constant 0 : index
    %get3A_6 = arith.constant 0 : index
    %get3A_7 = vector.load %arg0[%get3A_4, %get3A_5, %get3A_6] : memref<2x10112x64xf32, #tpu.memory_space<vmem>>, vector<1x10112x64xf32>
    %get3A_8 = vector.shape_cast %get3A_7 : vector<1x10112x64xf32> to vector<10112x64xf32>
    %add3A = arith.addf %get3A_3, %get3A_8 : vector<10112x64xf32>
    %get3A_9 = arith.constant 0 : index
    %get3A_10 = arith.constant 0 : index
    %get3A_11 = vector.load %arg1[%get3A_9, %get3A_10] : memref<10112x2xf32, #tpu.memory_space<vmem>>, vector<10112x2xf32>
    %slice3A = vector.extract_strided_slice %get3A_11 {offsets = [0, 0], sizes = [10112, 1], strides = [1, 1]} : vector<10112x2xf32> to vector<10112x1xf32>
    %slice3A_12 = vector.extract_strided_slice %get3A_11 {offsets = [0, 1], sizes = [10112, 1], strides = [1, 1]} : vector<10112x2xf32> to vector<10112x1xf32>
    %iota3A = tpu.iota {dimensions = array<i32: 1>} : vector<10112x64xi32>
    %lt3A = arith.constant 32 : i32
    %lt3A_13 = vector.broadcast %lt3A : i32 to vector<10112x64xi32>
    %lt3A_14 = arith.cmpi slt, %iota3A, %lt3A_13 : vector<10112x64xi32>
    %broadcast_in_dim3A = vector.shape_cast %slice3A : vector<10112x1xf32> to vector<10112x1xf32>
    %broadcast_in_dim3A_15 = vector.broadcast %broadcast_in_dim3A : vector<10112x1xf32> to vector<10112x64xf32>
    %broadcast_in_dim3A_16 = vector.shape_cast %slice3A_12 : vector<10112x1xf32> to vector<10112x1xf32>
    %broadcast_in_dim3A_17 = vector.broadcast %broadcast_in_dim3A_16 : vector<10112x1xf32> to vector<10112x64xf32>
    %select_n3A = arith.select %lt3A_14, %broadcast_in_dim3A_15, %broadcast_in_dim3A_17 : vector<10112x64xi1>, vector<10112x64xf32>
    %add3A_18 = arith.constant 1.000000e-16 : f32
    %add3A_19 = vector.broadcast %add3A_18 : f32 to vector<10112x64xf32>
    %add3A_20 = arith.addf %select_n3A, %add3A_19 : vector<10112x64xf32>
    %div3A = arith.divf %add3A, %add3A_20 : vector<10112x64xf32>
    %get3A_21 = arith.constant 0 : index
    %get3A_22 = arith.constant 0 : index
    %get3A_23 = vector.load %arg2[%get3A_21, %get3A_22] : memref<1x64xf32, #tpu.memory_space<vmem>>, vector<1x64xf32>
    %add3A_24 = vector.broadcast %get3A_23 : vector<1x64xf32> to vector<10112x64xf32>
    %add3A_25 = arith.addf %div3A, %add3A_24 : vector<10112x64xf32>
    %reduce_sum3A = arith.constant dense<0.000000e+00> : vector<10112xf32>
    %reduce_sum3A_26 = vector.multi_reduction <add>, %add3A_25, %reduce_sum3A [1] : vector<10112x64xf32> to vector<10112xf32>
    %broadcast_in_dim3A_27 = vector.shape_cast %reduce_sum3A_26 : vector<10112xf32> to vector<10112x1xf32>
    %div3A_28 = arith.constant 6.400000e+01 : f32
    %div3A_29 = vector.broadcast %div3A_28 : f32 to vector<10112x1xf32>
    %div3A_30 = arith.divf %broadcast_in_dim3A_27, %div3A_29 : vector<10112x1xf32>
    %sub3A = vector.broadcast %div3A_30 : vector<10112x1xf32> to vector<10112x64xf32>
    %sub3A_31 = arith.subf %add3A_25, %sub3A : vector<10112x64xf32>
    %integer_pow3A = arith.mulf %sub3A_31, %sub3A_31 : vector<10112x64xf32>
    %reduce_sum3A_32 = arith.constant dense<0.000000e+00> : vector<10112xf32>
    %reduce_sum3A_33 = vector.multi_reduction <add>, %integer_pow3A, %reduce_sum3A_32 [1] : vector<10112x64xf32> to vector<10112xf32>
    %broadcast_in_dim3A_34 = vector.shape_cast %reduce_sum3A_33 : vector<10112xf32> to vector<10112x1xf32>
    %div3A_35 = arith.constant 6.400000e+01 : f32
    %div3A_36 = vector.broadcast %div3A_35 : f32 to vector<10112x1xf32>
    %div3A_37 = arith.divf %broadcast_in_dim3A_34, %div3A_36 : vector<10112x1xf32>
    %sub3A_38 = vector.broadcast %div3A_30 : vector<10112x1xf32> to vector<10112x64xf32>
    %sub3A_39 = arith.subf %add3A_25, %sub3A_38 : vector<10112x64xf32>
    %add3A_40 = arith.constant 9.99999974E-6 : f32
    %add3A_41 = vector.broadcast %add3A_40 : f32 to vector<10112x1xf32>
    %add3A_42 = arith.addf %div3A_37, %add3A_41 : vector<10112x1xf32>
    %sqrt3A = math.sqrt %add3A_42 : vector<10112x1xf32>
    %div3A_43 = vector.broadcast %sqrt3A : vector<10112x1xf32> to vector<10112x64xf32>
    %div3A_44 = arith.divf %sub3A_39, %div3A_43 : vector<10112x64xf32>
    %get3A_45 = arith.constant 0 : index
    %get3A_46 = arith.constant 0 : index
    %get3A_47 = vector.load %arg3[%get3A_45, %get3A_46] : memref<1x64xf32, #tpu.memory_space<vmem>>, vector<1x64xf32>
    %mul3A = vector.broadcast %get3A_47 : vector<1x64xf32> to vector<10112x64xf32>
    %mul3A_48 = arith.mulf %div3A_44, %mul3A : vector<10112x64xf32>
    %get3A_49 = arith.constant 0 : index
    %get3A_50 = arith.constant 0 : index
    %get3A_51 = vector.load %arg4[%get3A_49, %get3A_50] : memref<1x64xf32, #tpu.memory_space<vmem>>, vector<1x64xf32>
    %add3A_52 = vector.broadcast %get3A_51 : vector<1x64xf32> to vector<10112x64xf32>
    %add3A_53 = arith.addf %mul3A_48, %add3A_52 : vector<10112x64xf32>
    %get3A_54 = arith.constant 0 : index
    %get3A_55 = arith.constant 0 : index
    %get3A_56 = vector.load %arg5[%get3A_54, %get3A_55] : memref<10112x64xf32, #tpu.memory_space<vmem>>, vector<10112x64xf32>
    %add3A_57 = arith.addf %add3A_53, %get3A_56 : vector<10112x64xf32>
    %gt3A = arith.constant 0.000000e+00 : f32
    %gt3A_58 = vector.broadcast %gt3A : f32 to vector<10112x64xf32>
    %gt3A_59 = arith.cmpf ogt, %add3A_57, %gt3A_58 : vector<10112x64xf32>
    %exp3A = math.exp %add3A_57 : vector<10112x64xf32>
    %sub3A_60 = arith.constant 1.000000e+00 : f32
    %sub3A_61 = vector.broadcast %sub3A_60 : f32 to vector<10112x64xf32>
    %sub3A_62 = arith.subf %exp3A, %sub3A_61 : vector<10112x64xf32>
    %select_n3A_63 = arith.select %gt3A_59, %add3A_57, %sub3A_62 : vector<10112x64xi1>, vector<10112x64xf32>
    %get3A_64 = arith.constant 0 : index
    %get3A_65 = arith.constant 0 : index
    %get3A_66 = vector.load %arg6[%get3A_64, %get3A_65] : memref<64x1xf32, #tpu.memory_space<vmem>>, vector<64x1xf32>
    %dot_general3A = arith.constant dense<0.000000e+00> : vector<10112x1xf32>
    %dot_general3A_67 = tpu.matmul %select_n3A_63, %get3A_66, %dot_general3A {dimension_numbers = #tpu.dot_dimension_numbers<[1], [0], [0], [1], [0, 0, 1, 1], [], []>, transpose_lhs_hint = false} : vector<10112x64xf32>, vector<64x1xf32>, vector<10112x1xf32> -> vector<10112x1xf32>
    %get3A_68 = arith.constant 0 : index
    %get3A_69 = arith.constant 0 : index
    %get3A_70 = vector.load %arg7[%get3A_68, %get3A_69] : memref<1x1xf32, #tpu.memory_space<vmem>>, vector<1x1xf32>
    %add3A_71 = vector.broadcast %get3A_70 : vector<1x1xf32> to vector<10112x1xf32>
    %add3A_72 = arith.addf %dot_general3A_67, %add3A_71 : vector<10112x1xf32>
    %iota3A_73 = tpu.iota {dimensions = array<i32: 0>} : vector<10112x1xi32>
    %lt3A_74 = arith.constant 10000 : i32
    %lt3A_75 = vector.broadcast %lt3A_74 : i32 to vector<10112x1xi32>
    %lt3A_76 = arith.cmpi slt, %iota3A_73, %lt3A_75 : vector<10112x1xi32>
    %jit3A = arith.constant -1.000000e+30 : f32
    %broadcast_in_dim3A_77 = vector.broadcast %jit3A : f32 to vector<10112x1xf32>
    %select_n3A_78 = arith.select %lt3A_76, %add3A_72, %broadcast_in_dim3A_77 : vector<10112x1xi1>, vector<10112x1xf32>
    %reduce_max3A = vector.shape_cast %select_n3A_78 : vector<10112x1xf32> to vector<1x10112x1xf32>
    %reduce_max3A_79 = arith.constant dense<0xFF800000> : vector<1xf32>
    %reduce_max3A_80 = vector.multi_reduction <maximumf>, %reduce_max3A, %reduce_max3A_79 [1, 2] : vector<1x10112x1xf32> to vector<1xf32>
    %reduce_max3A_81 = vector.shape_cast %reduce_max3A_80 : vector<1xf32> to vector<1x1x1xf32>
    %reduce_max3A_82 = vector.extract %reduce_max3A_81[0, 0, 0] : f32 from vector<1x1x1xf32>
    %sub3A_83 = vector.broadcast %reduce_max3A_82 : f32 to vector<10112x1xf32>
    %sub3A_84 = arith.subf %select_n3A_78, %sub3A_83 : vector<10112x1xf32>
    %exp3A_85 = math.exp %sub3A_84 : vector<10112x1xf32>
    %reduce_sum3A_86 = vector.shape_cast %exp3A_85 : vector<10112x1xf32> to vector<1x10112x1xf32>
    %reduce_sum3A_87 = arith.constant dense<0.000000e+00> : vector<1xf32>
    %reduce_sum3A_88 = vector.multi_reduction <add>, %reduce_sum3A_86, %reduce_sum3A_87 [1, 2] : vector<1x10112x1xf32> to vector<1xf32>
    %reduce_sum3A_89 = vector.shape_cast %reduce_sum3A_88 : vector<1xf32> to vector<1x1x1xf32>
    %reduce_sum3A_90 = vector.extract %reduce_sum3A_89[0, 0, 0] : f32 from vector<1x1x1xf32>
    %div3A_91 = vector.broadcast %reduce_sum3A_90 : f32 to vector<10112x1xf32>
    %div3A_92 = arith.divf %exp3A_85, %div3A_91 : vector<10112x1xf32>
    %mul3A_93 = vector.broadcast %div3A_92 : vector<10112x1xf32> to vector<10112x64xf32>
    %mul3A_94 = arith.mulf %select_n3A_63, %mul3A_93 : vector<10112x64xf32>
    %reduce_sum3A_95 = arith.constant dense<0.000000e+00> : vector<64xf32>
    %reduce_sum3A_96 = vector.multi_reduction <add>, %mul3A_94, %reduce_sum3A_95 [0] : vector<10112x64xf32> to vector<64xf32>
    %broadcast_in_dim3A_97 = vector.shape_cast %reduce_sum3A_96 : vector<64xf32> to vector<1x64xf32>
    %swap3A = arith.constant 0 : index
    %swap3A_98 = arith.constant 0 : index
    %swap3A_99 = vector.load %arg8[%swap3A, %swap3A_98] : memref<1x64xf32, #tpu.memory_space<vmem>>, vector<1x64xf32>
    tpu.vector_store %arg8[%swap3A, %swap3A_98], %broadcast_in_dim3A_97 {strides = array<i32>} : memref<1x64xf32, #tpu.memory_space<vmem>>, vector<1x64xf32>,
    return
  }
}

</mosaic_0001>

<sc_bundles>
// kernel: kernel.12.cloned.1.call-start
scs
__scs_entry_jumppad:
0x0: {  	(pc) =	sbr.rel $0x88, $3  }
0x1: {  	(tag) =	ssettag $0x0;
	lr =	simm.s32 $0x1  }
0x2: {  	[smem:$0x3F91] =	sst lr;
	_ =	strace $0xD0000000  }
0x3: {  	_ = 	snop  }
0x4: {  	_ = 	snop  }
0x5: {  	_ = 	snop  }
0x6: {  	_ = 	snop  }
0x7: {  	_ = 	snop  }
__scs_overlays_trampoline_lowered:
0x8: {  	[smem:$0x3FA0] =	sst s0  }
0x9: {  	[smem:$0x3FA1] =	sst s1  }
0xa: {  	[smem:$0x3FA2] =	sst s2  }
0xb: {  	[smem:$0x3FA3] =	sst s3  }
0xc: {  	[smem:$0x3FA4] =	sst s4  }
0xd: {  	[smem:$0x3FA5] =	sst s5  }
0xe: {  	[smem:$0x3FA6] =	sst s6  }
0xf: {  	[smem:$0x3FA7] =	sst s7  }
0x10: {  	[smem:$0x3FA8] =	sst s8  }
0x11: {  	[smem:$0x3FA9] =	sst s9;
	s0 =	simm.s32 @!p0 $0x0  }
0x12: {  	s1 =	sld [smem:$0x3F8F];
	s0 =	simm.s32 @p0 $0x1  }
0x13: {  	[smem:$0x3FAA] =	sst s0;
	s0 =	simm.s32 @!p1 $0x0  }
0x14: {  	s2 =	sld [smem:$0x3F8E];
	s0 =	simm.s32 @p1 $0x1  }
0x15: {  	[smem:$0x3FAB] =	sst s0;
	s0 =	simm.s32 @!p2 $0x0  }
0x16: {  	s3 =	sld [smem:$0x3FDB];
	s0 =	simm.s32 @p2 $0x1  }
0x17: {  	s4 =	simm.s32 $0x1BF5;
	[smem:$0x3FAD] =	sst s0  }
0x18: {  	s0 =	sld [smem:$0x3F90];
	_ =	swait.ge [sflag:s4], $0x0  }
0x19: {  	s7 =	sld [smem:$0x3F91]  }
0x1a: {  	s8 =	sadd.s32 $0xFFFFE003, lr  }
0x1b: {  	s9 =	sadd.s32 $0xFFFFFEF7, lr;
	s5 =	simm.s32 $0xFFFFFFFF;
	p2 =	slt.u32 s8, $0xFFFFF086  }
0x1c: {  	p1 =	slt.u32 s9, $0xF7A;
	s5 =	simm.s32 @!p2 $0x0  }
0x1d: {  	s5 =	simm.s32 @p1 $0x1;
	p0 =	seq.s32 s7, s2  }
0x1e: {  	s7 =	smul.u32 @!p0 $0xF7A, s2;
	p2 =	seq.s32 @!p0 s5, $0x0  }
0x1f: {  	s9 =	smul.u32 $0xF7A, s1;
	s8 =	simm.s32 @!p0 $0x1BF5;
	p2 =	por !p2, p0  }
0x20: {  	[sflag:s8] =	ssyncset.s32 @!p0 $0xFFFFF086;
	s6 =	sadd.s32 @!p0 s3, s7;
	s7 =	simm.s32 @!p0 $0x108  }
0x21: {  	s3 =	sadd.s32 s3, s9;
	s6 =	sadd.s32 @!p0 $0x88, s6;
	s7 =	simm.s32 @p2 $0x1082  }
0x22: {  	[simem:s7], [sflag:s8] =	dma.local @!p0 [hbm:s6], $0xF7A  }
0x23: {  	s9 =	sor.u32 $0xD0000000, s2;
	s6 =	simm.s32 $0x108;
	_ =	swait.ge @!p0 [sflag:s8], $0x0  }
0x24: {  	s3 =	sadd.s32 $0x88, s3;
	s6 =	simm.s32 @!p1 $0x1082;
	[sflag:s4] =	ssyncset.s32 $0xFFFFF086  }
0x25: {  	[simem:s6], [sflag:s4] =	dma.local [hbm:s3], $0xF7A  }
0x26: {  	[smem:$0x3F91] =	sst s1;
	(tag) =	ssettag s2;
	_ =	strace s9  }
0x27: {  	s1 =	sld [smem:$0x3FA1]  }
0x28: {  	s2 =	sld [smem:$0x3FA2]  }
0x29: {  	s4 =	sld [smem:$0x3FA4]  }
0x2a: {  	p0 =	seq.s32 s5, $0x0;
	s5 =	sld [smem:$0x3FA5]  }
0x2b: {  	s6 =	sld [smem:$0x3FA6]  }
0x2c: {  	s7 =	sld [smem:$0x3FA7]  }
0x2d: {  	s3 =	simm.s32 $0x108;
	s8 =	sld [smem:$0x3FA8]  }
0x2e: {  	s3 =	simm.s32 @!p0 $0x1082;
	s9 =	sld [smem:$0x3FA9]  }
0x2f: {  	lr =	sadd.s32 s0, s3;
	s0 =	sld [smem:$0x3FA0]  }
0x30: {  	s3 =	sld [smem:$0x3FA3]  }
0x31: {  	[smem:$0x3FAC] =	sst s10  }
0x32: {  	s10 =	sld [smem:$0x3FAA];
	_ =	sdelay $0x3  }
0x33: {  	p0 =	seq.s32 s10, $0x1;
	s10 =	sld [smem:$0x3FAC];
	_ =	sdelay $0x3  }
0x34: {  	[smem:$0x3FAC] =	sst s10  }
0x35: {  	s10 =	sld [smem:$0x3FAB];
	_ =	sdelay $0x3  }
0x36: {  	p1 =	seq.s32 s10, $0x1;
	s10 =	sld [smem:$0x3FAC];
	_ =	sdelay $0x3  }
0x37: {  	[smem:$0x3FAC] =	sst s10  }
0x38: {  	s10 =	sld [smem:$0x3FAD]  }
0x39: {  	_ = 	snop;
	(pc) =	sbr.ind lr, $3  }
0x3a: {  	_ = 	snop  }
0x3b: {  	_ = 	snop  }
0x3c: {  	p2 =	seq.s32 s10, $0x1;
	s10 =	sld [smem:$0x3FAC]  }
0x3d: {  	_ =	shalt  }
0x3e: {  	_ =	shalt  }
0x3f: {  	_ =	shalt  }
0x40: {  	_ =	shalt  }
0x41: {  	_ =	shalt  }
0x42: {  	_ =	shalt  }
0x43: {  	_ =	shalt  }
0x44: {  	_ =	shalt  }
0x45: {  	_ =	shalt  }
0x46: {  	_ =	shalt  }
0x47: {  	_ =	shalt  }
0x48: {  	_ =	shalt  }
0x49: {  	_ =	shalt  }
0x4a: {  	_ =	shalt  }
0x4b: {  	_ =	shalt  }
0x4c: {  	_ =	shalt  }
0x4d: {  	_ =	shalt  }
0x4e: {  	_ =	shalt  }
0x4f: {  	_ =	shalt  }
0x50: {  	_ =	shalt  }
0x51: {  	_ =	shalt  }
0x52: {  	_ =	shalt  }
0x53: {  	_ =	shalt  }
0x54: {  	_ =	shalt  }
0x55: {  	_ =	shalt  }
0x56: {  	_ =	shalt  }
0x57: {  	_ =	shalt  }
0x58: {  	_ =	shalt  }
0x59: {  	_ =	shalt  }
0x5a: {  	_ =	shalt  }
0x5b: {  	_ =	shalt  }
0x5c: {  	_ =	shalt  }
0x5d: {  	_ =	shalt  }
0x5e: {  	_ =	shalt  }
0x5f: {  	_ =	shalt  }
0x60: {  	_ =	shalt  }
0x61: {  	_ =	shalt  }
0x62: {  	_ =	shalt  }
0x63: {  	_ =	shalt  }
0x64: {  	_ =	shalt  }
0x65: {  	_ =	shalt  }
0x66: {  	_ =	shalt  }
0x67: {  	_ =	shalt  }
0x68: {  	_ =	shalt  }
0x69: {  	_ =	shalt  }
0x6a: {  	_ =	shalt  }
0x6b: {  	_ =	shalt  }
0x6c: {  	_ =	shalt  }
0x6d: {  	_ =	shalt  }
0x6e: {  	_ =	shalt  }
0x6f: {  	_ =	shalt  }
0x70: {  	_ =	shalt  }
0x71: {  	_ =	shalt  }
0x72: {  	_ =	shalt  }
0x73: {  	_ =	shalt  }
0x74: {  	_ =	shalt  }
0x75: {  	_ =	shalt  }
0x76: {  	_ =	shalt  }
0x77: {  	_ =	shalt  }
0x78: {  	_ =	shalt  }
0x79: {  	_ =	shalt  }
0x7a: {  	_ =	shalt  }
0x7b: {  	_ =	shalt  }
0x7c: {  	_ =	shalt  }
0x7d: {  	_ =	shalt  }
0x7e: {  	_ =	shalt  }
0x7f: {  	_ =	shalt  }
0x80: {  	_ =	shalt  }
0x81: {  	_ =	shalt  }
0x82: {  	_ =	shalt  }
0x83: {  	_ =	shalt  }
0x84: {  	_ =	shalt  }
0x85: {  	_ =	shalt  }
0x86: {  	_ =	shalt  }
0x87: {  	_ =	shalt  }
.Lfunc_end0:
.L_simem_size_0:
called_computation.1_lowered:
.L_overlay_start_0:
0x88: {  	s2 =	sld [smem:$0x3FD9]  }
0x89: {  	s3 =	sld [smem:$0x3FFE];
	_ =	sdelay $0x1  }
0x8a: {  	s1 =	srdreg.scid  }
0x8b: {  	s0 =	sand.u32 $0x1, s1  }
0x8c: {  	s17 =	sshll.u32 s0, $0xA;
	s2 =	sadd.s32 s3, s2  }
0x8d: {  	s2 =	sadd.s32 s2, s17  }
0x8e: {  	[smem:$0x3FB8] =	sst s2  }
0x8f: {  	_ = 	snop  }
0x90: {  	s2 =	sld [smem:$0x3FD0];
	(tm) =	ssettm $0x1  }
0x91: {  	s18 =	sld [smem:$0x3FFB];
	_ =	sdelay $0x3  }
0x92: {  	_ =	strace s18  }
0x93: {  	s3 =	sld [smem:$0x3FFC];
	_ =	sdelay $0x3  }
0x94: {  	_ =	strace s3  }
0x95: {  	s3 =	sld [smem:$0x3FFD];
	_ =	sdelay $0x3  }
0x96: {  	_ =	strace s3  }
0x97: {  	_ =	strace $0x8FFFFFFF  }
0x98: {  	s19 =	sld [smem:$0x3FDB];
	_ =	sdelay $0x1  }
0x99: {  	s4 =	simm.s32 $_scs_section_size  }
0x9a: {  	s5 =	simm.s32 $_size__tile_overlayer_lowered;
	s6 =	simm.s32 $_tile_overlayer_lowered  }
0x9b: {  	s22 =	simm.s32 $0x1BFF;
	s21 =	sshll.u32 s6, $0x1;
	s3 =	sadd.s32 s4, s19  }
0x9c: {  	s7 =	simm.s32 $0x0;
	s20 =	sshll.u32 s5, $0x1;
	s5 =	sadd.s32 s21, s3  }
0x9d: {  	[timem:s7], [sflag:s22] =	dma.local [hbm:s5], s20  }
0x9e: {  	_ =	swait.ge [sflag:s22], s20  }
0x9f: {  	s4 =	ssub.s32 $0x0, s20;
	[sflag:s22] =	ssyncset.done $0x0  }
0xa0: {  	[sflag:s22] =	ssyncadd.s32 s4;
	_ =	sdelay $0x1  }
0xa1: {  	s23 =	simm.s32 $0x1B8B  }
0xa2: {  	_ =	swait.ge [sflag:s23], $0x1  }
0xa3: {  	[sflag:s23] =	ssyncset.done $0x0  }
0xa4: {  	s25 =	simm.s32 $0x1B8E;
	s24 =	sld [smem:$0x3FFE];
	[sflag:s23] =	ssyncadd.s32 $0xFFFFFFFF  }
0xa5: {  	s26 =	simm.s32 $execute0_lowered;
	[smem:$0x3FD2] =	sst s25  }
0xa6: {  	s5 =	sshll.u32 s26, $0x1;
	_ =	strace $0x80000049;
	[dreg:$0x1] =	wrdreg $0xFFFFFFFF  }
0xa7: {  	s28 =	simm.s32 $_size_execute0_lowered;
	s3 =	sadd.s32 s3, s5;
	[dreg:$0x0] =	wrdreg $0x0  }
0xa8: {  	s5 =	sshll.u32 s28, $0x1;
	[dreg:$0x2] =	wrdreg s3  }
0xa9: {  	[dreg:$0x3] =	wrdreg s5  }
0xaa: {  	[dreg:$0x4] =	wrdreg $0xC0  }
0xab: {  	_ =	task [dreg:s7], $0x5FFFF  }
0xac: {  	[dreg:$0x1] =	wrdreg $0xFFFFFFFF  }
0xad: {  	[dreg:$0x0] =	wrdreg $0x60  }
0xae: {  	[dreg:$0x2] =	wrdreg s24  }
0xaf: {  	[dreg:$0x3] =	wrdreg s2  }
0xb0: {  	[dreg:$0x4] =	wrdreg $0x15EE00  }
0xb1: {  	[dreg:$0x5] =	wrdreg $0x9  }
0xb2: {  	_ =	task.clear_ibuf [dreg:s7], $0x6FFFF;
	_ =	strace $0x90000049  }
0xb3: {  	s29 =	simm.s32 $0x9;
	_ =	strace $0x8000004B  }
0xb4: {  	_ =	swait.ge [sflag:s29], $0x1  }
0xb5: {  	[sflag:s29] =	ssyncadd.s32 $0xFFFFFFFF  }
0xb6: {  	_ =	strace $0x9000004B  }
0xb7: {  	_ =	sfence  }
0xb8: {  	s30 =	sld [smem:$0x0];
	_ =	sdelay $0x2  }
0xb9: {  	s31 =	sshll.u32 s1, $0xD;
	s1 =	sshrl.u32 s1, $0x2  }
0xba: {  	s3 =	sand.u32 $0x4000, s31;
	s1 =	sadd.s32 s1, s30  }
0xbb: {  	s0 =	sor.u32 s3, s0;
	s1 =	sshll.u32 s1, $0x11  }
0xbc: {  	s0 =	sor.u32 s1, s0  }
0xbd: {  	s0 =	sadd.s32 $0x8F2B, s0  }
0xbe: {  	[sflag:s0] =	ssyncadd.remote.s32 $0x1  }
0xbf: {  	_ =	sfence.sel $0xFFFF  }
0xc0: {  	[dreg:$0x0] =	wrdreg $0xFFFFFFFF;
	(pc) =	sbr.abs _section_cstart, $3  }
0xc1: {  	[dreg:$0x1] =	wrdreg $0xFFFFFFFF  }
0xc2: {  	_ =	task.clear_ibuf [dreg:s7], $0x2FFFF;
	_ =	strace $0x9FFFFFFF  }
0xc3: {  	(tm) =	ssettm $0x7FFFFFFF  }
tec
execute0_lowered:
.L_overlay_start_1:
0x0: {  	(tag) =	ssettag $0x1  }
0x1: {  	s0 =	rddreg [dreg:$0x0]  }
0x2: {  	s3 =	rddreg [dreg:$0x2]  }
0x3: {  	s1 =	srdreg.scid;
	s9 =	stileid.u32;
	s4 =	simm.s32 $0x0  }
0x4: {  	s22 =	simm.s32 $0x3;
	s28 =	simm.s32 $0x40;
	s29 =	simm.s32 $0x14E40  }
0x5: {  	s30 =	simm.s32 $0xEF40;
	s31 =	simm.s32 $0x1;
	s1 =	sand.u32 $0x1, s1  }
0x6: {  	s5 =	smul.u32 $0x9E00, s9;
	[smem:$0x7FF] =	sst s4;
	s8 =	sadd.s32 $0x2B000, s0  }
0x7: {  	s2 =	sshll.u32 s1, $0x4;
	s6 =	smul.u32 $0x9E000, s1;
	_ =	strace $0x8000004A  }
0x8: {  	s1 =	ssub.s32 $0x2, s1;
	s2 =	sor.u32 s9, s2;
	s9 =	smul.u32 $0x27800, s9  }
0x9: {  	[dreg:$0x4] =	wrdreg s8;
	s24 =	sshrl.u32 s1, $0x1;
	s7 =	smul.u32 $0x510, s2  }
0xa: {  	s6 =	sadd.s32 s5, s6;
	s2 =	smul.u32 $0x9E0, s2;
	s1 =	ssub.s32 s1, s24  }
0xb: {  	s23 =	sshrl.u32 s6, $0x3;
	s6 =	sadd.s32 $0x17400, s0;
	s9 =	sshrl.u32 s9, $0x2  }
0xc: {  	s21 =	smax.u32 s1, $0x1;
	s7 =	sadd.s32 s7, s0;
	s8 =	sadd.s32 s23, s0  }
0xd: {  	s0 =	sadd.s32 s2, s0;
	s26 =	sadd.s32 s9, s3;
	s9 =	sadd.s32 s5, s3  }
0xe: {  	s2 =	simm.s32 $0xEF00;
	s23 =	simm.s32 $0x2;
	s25 =	sadd.s32 $0xD200, s7  }
0xf: {  	s7 =	sadd.s32 $0x3000, s7;
	s10 =	sadd.s32 $0x1000, s26;
	s11 =	sadd.s32 $0x2000, s26  }
.Ltmp0:
0x10: {  	s12 =	sadd.s32 $0x3000, s26;
	s13 =	sadd.s32 $0x4000, s26;
	(pc) =	sbr.rel .LBB2_1-.Ltmp0, $4  }
0x11: {  	s14 =	sadd.s32 $0x5000, s26;
	s15 =	sadd.s32 $0x6000, s26;
	s16 =	sadd.s32 $0x7000, s26  }
0x12: {  	s17 =	sadd.s32 $0x8000, s26;
	s18 =	sadd.s32 $0x9000, s26;
	s19 =	sadd.s32 $0x53C00, s0  }
0x13: {  	s20 =	sadd.s32 $0x2C400, s8;
	s26 =	simm.s32 $0x13E40;
	[dreg:$0x5] =	wrdreg s25  }
0x14: {  	v0 =	vimm.f32 $0.0e+00;
	s0 =	simm.s32 $0x15E40;
	[dreg:$0x6] =	wrdreg s7;
	s25 =	simm.s32 $0x0  }
.LBB2_14:
0x15: {  	[hbm4b:s19+s4] =	stream.linear.scatter [tilespmem:s30], [sflag:$0x3], $0x4F00, $0x38;
	[tilespmem:$0x1FCE0] =	vst v63  }
0x16: {  	s1 =	stileid.u32;
	_ =	swait.ge [sflag:s22], $0x4F00  }
0x17: {  	s5 =	sshrl.u32 s9, $0x3;
	s25 =	sadd.s32 $0x1, s25;
	[sflag:s22] =	ssyncset.done $0x0  }
0x18: {  	s1 =	sshll.u32 s1, $0x6;
	p0 =	sne.s32 s25, s21;
	[sflag:s22] =	ssyncadd.s32 $0xFFFFB100  }
.Ltmp1:
0x19: {  	s1 =	sor.u32 $0x1C03, s1;
	[bflag:$0x0] =	sbarrier.arrive $0xFFFF;
	(pc) =	sbr.rel @!p0 .LBB2_15-.Ltmp1, $4  }
0x1a: {  	[hbm:s20], [sflag:s1] =	dma.local [spmem:s5], $0x13C0  }
0x1b: {  	_ =	swait.ge [sflag:s22], $0x13C0  }
0x1c: {  	[sflag:s22] =	ssyncset.done $0x0  }
0x1d: {  	[sflag:s22] =	ssyncadd.s32 $0xFFFFEC40  }
.LBB2_1:
0x1e: {  	s1 =	rddreg [dreg:$0x4]  }
0x1f: {  	[tilespmem:s4], [sflag:$0x3] =	stream.linear.gather [hbm4b:s1+s4], $0x9E00, $0x38;
	[tilespmem:$0x1FCE0] =	vst v63  }
0x20: {  	_ =	swait.ge [sflag:s22], $0x9E00  }
0x21: {  	[sflag:s22] =	ssyncset.done $0x0  }
0x22: {  	[sflag:s22] =	ssyncadd.s32 $0xFFFF6200  }
0x23: {  	s5 =	simm.s32 $0x15EC0;
	s24 =	rddreg [dreg:$0x1]  }
0x24: {  	[tilespmem:s5], [sflag:$0x3] =	stream.linear.gather [hbm4b:s24+s4], $0x20, $0x38;
	[tilespmem:$0x1FCE0] =	vst v63  }
0x25: {  	_ =	swait.ge [sflag:s22], $0x20  }
0x26: {  	[sflag:s22] =	ssyncset.done $0x0  }
0x27: {  	s7 =	simm.s32 $0x9E00;
	s5 =	rddreg [dreg:$0x5];
	[sflag:s22] =	ssyncadd.s32 $0xFFFFFFE0  }
0x28: {  	[tilespmem:s7], [sflag:$0x3] =	stream.linear.gather [hbm4b:s5+s4], $0x2880, $0x38;
	[tilespmem:$0x1FCE0] =	vst v63  }
0x29: {  	_ =	swait.ge [sflag:s22], $0x2880  }
0x2a: {  	[sflag:s22] =	ssyncset.done $0x0  }
0x2b: {  	s24 =	simm.s32 $0xC680;
	s8 =	rddreg [dreg:$0x6];
	[sflag:s22] =	ssyncadd.s32 $0xFFFFD780  }
0x2c: {  	[tilespmem:s24], [sflag:$0x3] =	stream.linear.gather [hbm4b:s8+s4], $0x2880, $0x38;
	[tilespmem:$0x1FCE0] =	vst v63  }
0x2d: {  	_ =	swait.ge [sflag:s22], $0x2880  }
0x2e: {  	[sflag:s22] =	ssyncset.done $0x0  }
0x2f: {  	s1 =	simm.s32 $0x0;
	[sflag:s22] =	ssyncadd.s32 $0xFFFFD780  }
.LBB2_2:
0x30: {  	p0 =	sne.s32 s1, $0x13BC0  }
.Ltmp2:
0x31: {  	_ = 	snop;
	(pc) =	sbr.rel @p0 .LBB2_2-.Ltmp2, $3  }
0x32: {  	_ =	sdelay $0x1  }
0x33: {  	s5 =	sshra.s32 s1, $0x2  }
0x34: {  	s1 =	sadd.s32 $0x40, s1;
	[tilespmem:s5+$0xEF40] =	vst v0  }
0x35: {  	s5 =	simm.s32 $0x100;
	s1 =	simm.s32 $0x0  }
.LBB2_4:
0x36: {  	p0 =	sne.s32 s5, $0x3F00;
	[tilespmem:s1+$0x13E70] =	vst v0;
	s7 =	smov.u32 s5;
	s5 =	sadd.s32 $0x100, s5  }
.Ltmp3:
0x37: {  	[tilespmem:s1+$0x13E60] =	vst v0;
	(pc) =	sbr.rel @p0 .LBB2_4-.Ltmp3, $3  }
0x38: {  	[tilespmem:s1+$0x13E40] =	vst v0  }
0x39: {  	[tilespmem:s1+$0x13E50] =	vst v0;
	_ =	sdelay $0x1  }
0x3a: {  	s1 =	sshra.s32 s7, $0x2  }
0x3b: {  	[tilespmem:s1+$0x13E70] =	vst v0  }
0x3c: {  	[tilespmem:s1+$0x13E60] =	vst v0  }
0x3d: {  	[tilespmem:s1+$0x13E40] =	vst v0  }
0x3e: {  	[tilespmem:s1+$0x13E50] =	vst v0  }
0x3f: {  	[spmem:s9] =	stream.linear.scatter [tilespmem:s26], [sflag:$0x3], $0x1000, $0x38;
	[tilespmem:$0x1FCE0] =	vst v63  }
0x40: {  	_ =	swait.ge [sflag:s22], $0x1000  }
0x41: {  	[sflag:s22] =	ssyncset.done $0x0  }
0x42: {  	[sflag:s22] =	ssyncadd.s32 $0xFFFFF000  }
0x43: {  	[spmem:s10] =	stream.linear.scatter [tilespmem:s26], [sflag:$0x3], $0x1000, $0x38;
	[tilespmem:$0x1FCE0] =	vst v63  }
0x44: {  	_ =	swait.ge [sflag:s22], $0x1000  }
0x45: {  	[sflag:s22] =	ssyncset.done $0x0  }
0x46: {  	[sflag:s22] =	ssyncadd.s32 $0xFFFFF000  }
0x47: {  	[spmem:s11] =	stream.linear.scatter [tilespmem:s26], [sflag:$0x3], $0x1000, $0x38;
	[tilespmem:$0x1FCE0] =	vst v63  }
0x48: {  	_ =	swait.ge [sflag:s22], $0x1000  }
0x49: {  	[sflag:s22] =	ssyncset.done $0x0  }
0x4a: {  	[sflag:s22] =	ssyncadd.s32 $0xFFFFF000  }
0x4b: {  	[spmem:s12] =	stream.linear.scatter [tilespmem:s26], [sflag:$0x3], $0x1000, $0x38;
	[tilespmem:$0x1FCE0] =	vst v63  }
0x4c: {  	_ =	swait.ge [sflag:s22], $0x1000  }
0x4d: {  	[sflag:s22] =	ssyncset.done $0x0  }
0x4e: {  	[sflag:s22] =	ssyncadd.s32 $0xFFFFF000  }
0x4f: {  	[spmem:s13] =	stream.linear.scatter [tilespmem:s26], [sflag:$0x3], $0x1000, $0x38;
	[tilespmem:$0x1FCE0] =	vst v63  }
0x50: {  	_ =	swait.ge [sflag:s22], $0x1000  }
0x51: {  	[sflag:s22] =	ssyncset.done $0x0  }
0x52: {  	[sflag:s22] =	ssyncadd.s32 $0xFFFFF000  }
0x53: {  	[spmem:s14] =	stream.linear.scatter [tilespmem:s26], [sflag:$0x3], $0x1000, $0x38;
	[tilespmem:$0x1FCE0] =	vst v63  }
0x54: {  	_ =	swait.ge [sflag:s22], $0x1000  }
0x55: {  	[sflag:s22] =	ssyncset.done $0x0  }
0x56: {  	[sflag:s22] =	ssyncadd.s32 $0xFFFFF000  }
0x57: {  	[spmem:s15] =	stream.linear.scatter [tilespmem:s26], [sflag:$0x3], $0x1000, $0x38;
	[tilespmem:$0x1FCE0] =	vst v63  }
0x58: {  	_ =	swait.ge [sflag:s22], $0x1000  }
0x59: {  	[sflag:s22] =	ssyncset.done $0x0  }
0x5a: {  	[sflag:s22] =	ssyncadd.s32 $0xFFFFF000  }
0x5b: {  	[spmem:s16] =	stream.linear.scatter [tilespmem:s26], [sflag:$0x3], $0x1000, $0x38;
	[tilespmem:$0x1FCE0] =	vst v63  }
0x5c: {  	_ =	swait.ge [sflag:s22], $0x1000  }
0x5d: {  	[sflag:s22] =	ssyncset.done $0x0  }
0x5e: {  	[sflag:s22] =	ssyncadd.s32 $0xFFFFF000  }
0x5f: {  	[spmem:s17] =	stream.linear.scatter [tilespmem:s26], [sflag:$0x3], $0x1000, $0x38;
	[tilespmem:$0x1FCE0] =	vst v63  }
0x60: {  	_ =	swait.ge [sflag:s22], $0x1000  }
0x61: {  	[sflag:s22] =	ssyncset.done $0x0  }
0x62: {  	[sflag:s22] =	ssyncadd.s32 $0xFFFFF000  }
0x63: {  	[spmem:s18] =	stream.linear.scatter [tilespmem:s26], [sflag:$0x3], $0xE00, $0x38;
	[tilespmem:$0x1FCE0] =	vst v63  }
0x64: {  	_ =	swait.ge [sflag:s22], $0xE00  }
.Ltmp4:
0x65: {  	[sflag:s22] =	ssyncset.done $0x0;
	(pc) =	sbr.rel .LBB2_6-.Ltmp4, $4  }
0x66: {  	[sflag:s22] =	ssyncadd.s32 $0xFFFFF200  }
0x67: {  	[bflag:$0x0] =	sbarrier.arrive $0xFFFF  }
0x68: {  	s24 =	simm.s32 $0x9E00;
	s1 =	simm.s32 $0x0;
	v1 =	vld [tilespmem:$0x15EC0]  }
0x69: {  	v2 =	vld [tilespmem:$0x15ED0];
	[tilespmem:s26], [sflag:$0x1] =	stream.indirect.gather [hbm4b:s6+s28], $0x40, s24, s28, $0xb8  }
.LBB2_12:
0x6a: {  	_ =	sdelay $0x3  }
0x6b: {  	v11 =	vld.idx.msk [tilespmem:v11+s0+$0x0], $0xffff  }
0x6c: {  	v12 =	vld.idx.msk [tilespmem:v12+s0+$0x0], $0xffff  }
0x6d: {  	v13 =	vld.idx.msk [tilespmem:v13+s0+$0x0], $0xffff  }
0x6e: {  	v39 =	vld.idx.msk [tilespmem:v14+s0+$0x0], $0xffff  }
0x6f: {  	v15 =	vld.idx.msk [tilespmem:v15+s0+$0x0], $0xffff;
	s7 =	sadd.s32 $0x100, s5  }
0x70: {  	v21 =	vld [tilespmem:s7+$0x0]  }
0x71: {  	v40 =	vld [tilespmem:s7+$0xFFFFFF10]  }
0x72: {  	v42 =	vld [tilespmem:s7+$0xFFFFFF20]  }
0x73: {  	[tilespmem:s5+$0xFFFFFF90] =	vst v16;
	v6 =	vmul.f32 v6, v4;
	v44 =	vld [tilespmem:s7+$0xFFFFFF30]  }
0x74: {  	[tilespmem:s5+$0xFFFFFFA0] =	vst v17;
	v41 =	vmul.f32 v7, v4;
	v46 =	vld [tilespmem:s7+$0xFFFFFF40]  }
0x75: {  	v43 =	vmul.f32 v8, v5;
	v47 =	vld [tilespmem:s7+$0xFFFFFF50];
	[tilespmem:s5+$0xFFFFFFB0] =	vst v6  }
0x76: {  	v3 =	vmul.f32 v10, v3;
	v49 =	vld [tilespmem:s7+$0xFFFFFF60];
	[tilespmem:s5+$0xFFFFFFC0] =	vst v41  }
0x77: {  	v45 =	vmul.f32 v9, v5;
	v51 =	vld [tilespmem:s7+$0xFFFFFF70];
	[tilespmem:s5+$0xFFFFFFD0] =	vst v43  }
0x78: {  	v18 =	vor.u32 $0x40, v14;
	v52 =	vld [tilespmem:s7+$0xFFFFFF80];
	[tilespmem:s5+$0xFFFFFFF0] =	vst v3;
	v3 =	vmul.f32 v40, v11  }
0x79: {  	v53 =	vld [tilespmem:s7+$0xFFFFFF90];
	[tilespmem:s5+$0xFFFFFFE0] =	vst v45;
	v7 =	vmul.f32 v42, v11  }
0x7a: {  	v19 =	vmov s8;
	v54 =	vld [tilespmem:s7+$0xFFFFFFA0];
	v5 =	vmul.f32 v46, v12;
	[tilespmem:s7+$0xFFFFFF10] =	vst v3  }
0x7b: {  	v56 =	vld [tilespmem:s7+$0xFFFFFFB0];
	v3 =	vmul.f32 v44, v12;
	[tilespmem:s7+$0xFFFFFF20] =	vst v7  }
0x7c: {  	v20 =	vor.u32 $0x40, v19;
	v57 =	vld [tilespmem:s7+$0xFFFFFFC0];
	v55 =	vmul.f32 v49, v13;
	[tilespmem:s7+$0xFFFFFF40] =	vst v5  }
0x7d: {  	v18 =	vld.idx.msk [tilespmem:v18+s0+$0x0], $0xffff;
	[tilespmem:s7+$0xFFFFFF30] =	vst v3;
	v3 =	vmul.f32 v47, v13  }
0x7e: {  	v60 =	vld [tilespmem:s7+$0xFFFFFFE0];
	v58 =	vmul.f32 v52, v15;
	[tilespmem:s7+$0xFFFFFF60] =	vst v55  }
0x7f: {  	v50 =	vld.idx.msk [tilespmem:v19+s0+$0x0], $0xffff;
	[tilespmem:s7+$0xFFFFFF50] =	vst v3;
	v3 =	vmul.f32 v51, v15  }
0x80: {  	v59 =	vld [tilespmem:s7+$0xFFFFFFD0];
	v61 =	vmul.f32 v54, v39;
	[tilespmem:s7+$0xFFFFFF80] =	vst v58  }
0x81: {  	v20 =	vld.idx.msk [tilespmem:v20+s0+$0x0], $0xffff;
	[tilespmem:s7+$0xFFFFFF70] =	vst v3;
	v3 =	vmul.f32 v53, v39  }
0x82: {  	v62 =	vld [tilespmem:s7+$0xFFFFFFF0];
	[tilespmem:s7+$0xFFFFFFA0] =	vst v61;
	v4 =	vmul.f32 v57, v18  }
0x83: {  	[tilespmem:s7+$0xFFFFFF90] =	vst v3;
	v3 =	vmul.f32 v56, v18  }
0x84: {  	v63 =	vmul.f32 v60, v50;
	[tilespmem:s7+$0xFFFFFFC0] =	vst v4  }
0x85: {  	[tilespmem:s7+$0xFFFFFFB0] =	vst v3;
	v3 =	vmul.f32 v59, v50  }
0x86: {  	v48 =	vmul.f32 v21, v20;
	[tilespmem:s7+$0xFFFFFFE0] =	vst v63  }
0x87: {  	[tilespmem:s7+$0xFFFFFFD0] =	vst v3;
	v3 =	vmul.f32 v62, v20  }
0x88: {  	[tilespmem:s7+$0x0] =	vst v48  }
0x89: {  	s5 =	simm.s32 $0x3;
	[tilespmem:s7+$0xFFFFFFF0] =	vst v3  }
0x8a: {  	[spmem:s3] =	stream.indirect.scatter.add.f32 [tilespmem:s29], [sflag:$0x3], $0x40, s2, s28, $0xb8;
	[tilespmem:$0x1FCE0] =	vst v63  }
.LBB2_13:
0x8b: {  	s1 =	sadd.s32 $0x1, s1  }
0x8c: {  	p0 =	sne.s32 s1, $0xA2  }
.Ltmp5:
0x8d: {  	_ = 	snop;
	(pc) =	sbr.rel @!p0 .LBB2_14-.Ltmp5, $4  }
0x8e: {  	_ = 	snop  }
0x8f: {  	_ =	swait.ge [sflag:s5], $0x1000  }
0x90: {  	[sflag:s5] =	ssyncset.done $0x0  }
0x91: {  	[sflag:s5] =	ssyncadd.s32 $0xFFFFF000  }
.LBB2_6:
0x92: {  	s5 =	sand.u32 $0x1, s1  }
0x93: {  	p0 =	seq.s32 s5, $0x1  }
.Ltmp6:
0x94: {  	_ = 	snop;
	(pc) =	sbr.rel @p0 .LBB2_10-.Ltmp6, $2  }
0x95: {  	_ =	sdelay $0x2  }
0x96: {  	s5 =	sshll.u32 s1, $0x6  }
0x97: {  	s7 =	sand.u32 $0x3FFFFFC0, s5  }
0x98: {  	s7 =	sadd.s32 $0x9E40, s7  }
0x99: {  	[tilespmem:s29], [sflag:$0x2] =	stream.indirect.gather [hbm4b:s6+s28], $0x40, s7, s28, $0xb8;
	[tilespmem:$0x1FCE0] =	vst v63  }
0x9a: {  	v3 =	vld [tilespmem:s5+$0x9E00]  }
0x9b: {  	v4 =	vld [tilespmem:s5+$0xC680];
	_ =	sdelay $0x3  }
0x9c: {  	v3 =	vshll.u32 v3, $0x2  }
0x9d: {  	v5 =	vshll.u32 v4, $0x2;
	v6 =	vor.u32 $0x1, v3  }
0x9e: {  	v7 =	vor.u32 $0x2, v5  }
0x9f: {  	v5 =	vor.u32 $0x3, v5  }
0xa0: {  	s24 =	simm.s32 $0x0;
	[tilespmem:$0xEF00] =	vst v4  }
0xa1: {  	v3 =	vld.idx.msk [tilespmem:v3+s24+$0x0], $0xffff  }
0xa2: {  	v6 =	vld.idx.msk [tilespmem:v6+s24+$0x0], $0xffff  }
0xa3: {  	v7 =	vld.idx.msk [tilespmem:v7+s24+$0x0], $0xffff  }
0xa4: {  	v5 =	vld.idx.msk [tilespmem:v5+s24+$0x0], $0xffff;
	_ =	sdelay $0x3  }
0xa5: {  	v3 =	vadd.f32 v7, v3  }
0xa6: {  	v5 =	vadd.f32 v5, v6  }
0xa7: {  	v6 =	vmul.f32 $2.000000030e-01, v3  }
0xa8: {  	vm0 =	vgt.f32 v3, $0.0e+00;
	v7 =	vmul.f32 $2.000000030e-01, v5  }
0xa9: {  	vm9 =	vgt.f32 v5, $0.0e+00;
	v3 =	vsel vm0, v3, v6  }
0xaa: {  	v5 =	vsel vm9, v5, v7;
	v3 =	vsub.f32 v3, v1  }
0xab: {  	v5 =	vsub.f32 v5, v2  }
0xac: {  	v3 =	vmul.f32 $1.442695020e+00, v3  }
0xad: {  	v5 =	vmul.f32 $1.442695020e+00, v5  }
0xae: {  	(erf) = vpow2.f32 v3  }
0xaf: {  	(erf) = vpow2.f32 v5;
	_ =	sdelay $0x3  }
0xb0: {  	v3 =	vshll.u32 v4, $0x1  }
0xb1: {  	v4 =	vor.u32 $0x1, v3;
	_ =	sdelay $0x2  }
0xb2: {  	v5 =	vpop (erf)  }
0xb3: {  	v6 =	vpop (erf);
	[tilespmem:v3+s30+$0x0] =	vst.idx.add.f32.msk $0xffff, v5  }
0xb4: {  	[tilespmem:v4+s30+$0x0] =	vst.idx.add.f32.msk $0xffff, v6  }
0xb5: {  	[tilespmem:$0x15E40] =	vst v5  }
0xb6: {  	[tilespmem:$0x15E80] =	vst v6  }
0xb7: {  	v3 =	vld [tilespmem:s5+$0x9E10]  }
0xb8: {  	v4 =	vld [tilespmem:s5+$0xC690];
	_ =	sdelay $0x3  }
0xb9: {  	v3 =	vshll.u32 v3, $0x2  }
0xba: {  	v5 =	vshll.u32 v4, $0x2;
	v6 =	vor.u32 $0x1, v3  }
0xbb: {  	v7 =	vor.u32 $0x2, v5  }
0xbc: {  	v5 =	vor.u32 $0x3, v5  }
0xbd: {  	[tilespmem:$0xEF10] =	vst v4  }
0xbe: {  	v3 =	vld.idx.msk [tilespmem:v3+s24+$0x0], $0xffff  }
0xbf: {  	v6 =	vld.idx.msk [tilespmem:v6+s24+$0x0], $0xffff  }
0xc0: {  	v7 =	vld.idx.msk [tilespmem:v7+s24+$0x0], $0xffff  }
0xc1: {  	v5 =	vld.idx.msk [tilespmem:v5+s24+$0x0], $0xffff;
	_ =	sdelay $0x3  }
0xc2: {  	v3 =	vadd.f32 v7, v3  }
0xc3: {  	v5 =	vadd.f32 v5, v6  }
0xc4: {  	v6 =	vmul.f32 $2.000000030e-01, v3  }
0xc5: {  	vm10 =	vgt.f32 v3, $0.0e+00;
	v7 =	vmul.f32 $2.000000030e-01, v5  }
0xc6: {  	vm11 =	vgt.f32 v5, $0.0e+00;
	v3 =	vsel vm10, v3, v6  }
0xc7: {  	v5 =	vsel vm11, v5, v7;
	v3 =	vsub.f32 v3, v1  }
0xc8: {  	v5 =	vsub.f32 v5, v2  }
0xc9: {  	v3 =	vmul.f32 $1.442695020e+00, v3  }
0xca: {  	v5 =	vmul.f32 $1.442695020e+00, v5  }
0xcb: {  	(erf) = vpow2.f32 v3  }
0xcc: {  	(erf) = vpow2.f32 v5;
	_ =	sdelay $0x3  }
0xcd: {  	v3 =	vshll.u32 v4, $0x1  }
0xce: {  	v4 =	vor.u32 $0x1, v3;
	_ =	sdelay $0x2  }
0xcf: {  	v5 =	vpop (erf)  }
0xd0: {  	v6 =	vpop (erf);
	[tilespmem:v3+s30+$0x0] =	vst.idx.add.f32.msk $0xffff, v5  }
0xd1: {  	[tilespmem:v4+s30+$0x0] =	vst.idx.add.f32.msk $0xffff, v6  }
0xd2: {  	[tilespmem:$0x15E50] =	vst v5  }
0xd3: {  	[tilespmem:$0x15E90] =	vst v6  }
0xd4: {  	v3 =	vld [tilespmem:s5+$0x9E20]  }
0xd5: {  	v4 =	vld [tilespmem:s5+$0xC6A0];
	_ =	sdelay $0x3  }
0xd6: {  	v3 =	vshll.u32 v3, $0x2  }
0xd7: {  	v5 =	vshll.u32 v4, $0x2;
	v6 =	vor.u32 $0x1, v3  }
0xd8: {  	v7 =	vor.u32 $0x2, v5  }
0xd9: {  	v5 =	vor.u32 $0x3, v5  }
0xda: {  	[tilespmem:$0xEF20] =	vst v4  }
0xdb: {  	v3 =	vld.idx.msk [tilespmem:v3+s24+$0x0], $0xffff  }
0xdc: {  	v6 =	vld.idx.msk [tilespmem:v6+s24+$0x0], $0xffff  }
0xdd: {  	v7 =	vld.idx.msk [tilespmem:v7+s24+$0x0], $0xffff  }
0xde: {  	v5 =	vld.idx.msk [tilespmem:v5+s24+$0x0], $0xffff;
	_ =	sdelay $0x3  }
0xdf: {  	v3 =	vadd.f32 v7, v3  }
0xe0: {  	v5 =	vadd.f32 v5, v6  }
0xe1: {  	v6 =	vmul.f32 $2.000000030e-01, v3  }
0xe2: {  	vm12 =	vgt.f32 v3, $0.0e+00;
	v7 =	vmul.f32 $2.000000030e-01, v5  }
0xe3: {  	vm13 =	vgt.f32 v5, $0.0e+00;
	v3 =	vsel vm12, v3, v6  }
0xe4: {  	v5 =	vsel vm13, v5, v7;
	v3 =	vsub.f32 v3, v1  }
0xe5: {  	v5 =	vsub.f32 v5, v2  }
0xe6: {  	v3 =	vmul.f32 $1.442695020e+00, v3  }
0xe7: {  	v5 =	vmul.f32 $1.442695020e+00, v5  }
0xe8: {  	(erf) = vpow2.f32 v3  }
0xe9: {  	(erf) = vpow2.f32 v5;
	_ =	sdelay $0x3  }
0xea: {  	v3 =	vshll.u32 v4, $0x1  }
0xeb: {  	v4 =	vor.u32 $0x1, v3;
	_ =	sdelay $0x2  }
0xec: {  	v5 =	vpop (erf)  }
0xed: {  	v6 =	vpop (erf);
	[tilespmem:v3+s30+$0x0] =	vst.idx.add.f32.msk $0xffff, v5  }
0xee: {  	[tilespmem:v4+s30+$0x0] =	vst.idx.add.f32.msk $0xffff, v6  }
0xef: {  	[tilespmem:$0x15E60] =	vst v5  }
0xf0: {  	[tilespmem:$0x15EA0] =	vst v6  }
0xf1: {  	v3 =	vld [tilespmem:s5+$0x9E30]  }
0xf2: {  	v4 =	vld [tilespmem:s5+$0xC6B0];
	_ =	sdelay $0x3  }
0xf3: {  	v3 =	vshll.u32 v3, $0x2  }
0xf4: {  	v5 =	vshll.u32 v4, $0x2;
	v6 =	vor.u32 $0x1, v3  }
0xf5: {  	v7 =	vor.u32 $0x2, v5  }
0xf6: {  	v5 =	vor.u32 $0x3, v5  }
0xf7: {  	[tilespmem:$0xEF30] =	vst v4  }
0xf8: {  	v3 =	vld.idx.msk [tilespmem:v3+s24+$0x0], $0xffff  }
0xf9: {  	v6 =	vld.idx.msk [tilespmem:v6+s24+$0x0], $0xffff  }
0xfa: {  	v7 =	vld.idx.msk [tilespmem:v7+s24+$0x0], $0xffff  }
0xfb: {  	v5 =	vld.idx.msk [tilespmem:v5+s24+$0x0], $0xffff;
	_ =	sdelay $0x3  }
0xfc: {  	v3 =	vadd.f32 v7, v3  }
0xfd: {  	v5 =	vadd.f32 v5, v6  }
0xfe: {  	v6 =	vmul.f32 $2.000000030e-01, v3  }
0xff: {  	vm14 =	vgt.f32 v3, $0.0e+00;
	v7 =	vmul.f32 $2.000000030e-01, v5  }
0x100: {  	vm15 =	vgt.f32 v5, $0.0e+00;
	v3 =	vsel vm14, v3, v6  }
0x101: {  	v5 =	vsel vm15, v5, v7;
	v3 =	vsub.f32 v3, v1  }
0x102: {  	v5 =	vsub.f32 v5, v2  }
0x103: {  	v3 =	vmul.f32 $1.442695020e+00, v3  }
0x104: {  	v5 =	vmul.f32 $1.442695020e+00, v5  }
0x105: {  	(erf) = vpow2.f32 v3  }
0x106: {  	(erf) = vpow2.f32 v5;
	_ =	sdelay $0x3  }
0x107: {  	v3 =	vshll.u32 v4, $0x1  }
0x108: {  	v4 =	vor.u32 $0x1, v3;
	_ =	sdelay $0x2  }
0x109: {  	v5 =	vpop (erf)  }
0x10a: {  	v6 =	vpop (erf);
	[tilespmem:v3+s30+$0x0] =	vst.idx.add.f32.msk $0xffff, v5  }
0x10b: {  	[tilespmem:v4+s30+$0x0] =	vst.idx.add.f32.msk $0xffff, v6  }
0x10c: {  	v3 =	vmov s24;
	[tilespmem:$0x15E70] =	vst v5  }
0x10d: {  	v4 =	vor.u32 $0x40, v3;
	[tilespmem:$0x15EB0] =	vst v6  }
0x10e: {  	s8 =	simm.s32 $0x1;
	_ =	swait.ge [sflag:s31], $0x1000  }
0x10f: {  	s24 =	simm.s32 $0x2;
	v5 =	vmov s8;
	[sflag:s31] =	ssyncset.done $0x0  }
0x110: {  	v6 =	vmov s24;
	[sflag:s31] =	ssyncadd.s32 $0xFFFFF000  }
0x111: {  	v8 =	vld.idx.msk [tilespmem:v3+s0+$0x0], $0xffff  }
0x112: {  	s5 =	simm.s32 $0x13EC0;
	v10 =	vld.idx.msk [tilespmem:v4+s0+$0x0], $0xffff  }
0x113: {  	v7 =	vor.u32 $0x40, v5;
	v14 =	vld [tilespmem:s5+$0xFFFFFFB0]  }
0x114: {  	s7 =	simm.s32 $0x3;
	v12 =	vld.idx.msk [tilespmem:v5+s0+$0x0], $0xffff  }
0x115: {  	v9 =	vmov s7;
	v3 =	vor.u32 $0x40, v6;
	v17 =	vld.idx.msk [tilespmem:v6+s0+$0x0], $0xffff  }
0x116: {  	v11 =	vor.u32 $0x40, v9;
	v5 =	vld [tilespmem:s5+$0x70]  }
0x117: {  	v6 =	vld [tilespmem:s5+$0xFFFFFF80]  }
0x118: {  	v13 =	vld.idx.msk [tilespmem:v7+s0+$0x0], $0xffff  }
0x119: {  	v7 =	vld [tilespmem:s5+$0xFFFFFF90]  }
0x11a: {  	v4 =	vld.idx.msk [tilespmem:v3+s0+$0x0], $0xffff  }
0x11b: {  	v3 =	vld.idx.msk [tilespmem:v11+s0+$0x0], $0xffff  }
0x11c: {  	v11 =	vld [tilespmem:s5+$0xFFFFFFA0]  }
0x11d: {  	v15 =	vld [tilespmem:s5+$0xFFFFFFC0]  }
0x11e: {  	v18 =	vld [tilespmem:s5+$0xFFFFFFD0];
	v7 =	vmul.f32 v7, v8  }
0x11f: {  	v6 =	vmul.f32 v6, v8;
	v8 =	vld [tilespmem:s5+$0xFFFFFFE0]  }
0x120: {  	[tilespmem:s5+$0xFFFFFF90] =	vst v7;
	v7 =	vmul.f32 v14, v10;
	v16 =	vmul.f32 v5, v3;
	v5 =	vld.idx.msk [tilespmem:v9+s0+$0x0], $0xffff  }
0x121: {  	[tilespmem:s5+$0xFFFFFF80] =	vst v6;
	v6 =	vmul.f32 v11, v10;
	v9 =	vld [tilespmem:s5+$0xFFFFFFF0]  }
0x122: {  	v10 =	vld [tilespmem:s5+$0x0];
	v11 =	vmul.f32 v15, v12;
	[tilespmem:s5+$0xFFFFFFB0] =	vst v7  }
0x123: {  	s8 =	simm.s32 $0x4;
	v19 =	vld [tilespmem:s5+$0x10];
	v12 =	vmul.f32 v18, v12;
	[tilespmem:s5+$0xFFFFFFA0] =	vst v6  }
0x124: {  	v6 =	vld [tilespmem:s5+$0x20];
	[tilespmem:s5+$0xFFFFFFC0] =	vst v11;
	v11 =	vmov s8  }
0x125: {  	s24 =	simm.s32 $0x5;
	v7 =	vld [tilespmem:s5+$0x30];
	v15 =	vmul.f32 v8, v13;
	[tilespmem:s5+$0xFFFFFFD0] =	vst v12;
	v12 =	vor.u32 $0x40, v11  }
0x126: {  	[tilespmem:s5+$0x70] =	vst v16;
	v8 =	vld [tilespmem:s5+$0x40];
	v18 =	vmul.f32 v9, v13;
	v13 =	vmov s24  }
0x127: {  	s8 =	simm.s32 $0x6;
	[tilespmem:s5+$0xFFFFFFE0] =	vst v15;
	v9 =	vld [tilespmem:s5+$0x50];
	v16 =	vmul.f32 v10, v17  }
0x128: {  	s7 =	simm.s32 $0x8;
	v14 =	vmov s8;
	s8 =	simm.s32 $0x7;
	v17 =	vmul.f32 v19, v17;
	v10 =	vld [tilespmem:s5+$0x60];
	v15 =	vor.u32 $0x40, v13;
	[tilespmem:s5+$0xFFFFFFF0] =	vst v18  }
.LBB2_8:
0x129: {  	p0 =	slt.u32 s7, $0x3C;
	v11 =	vld.idx.msk [tilespmem:v11+s0+$0x0], $0xffff;
	v18 =	vor.u32 $0x40, v14;
	v19 =	vmov s8;
	[tilespmem:s5+$0x0] =	vst v16;
	v6 =	vmul.f32 v6, v4  }
0x12a: {  	v12 =	vld.idx.msk [tilespmem:v12+s0+$0x0], $0xffff;
	v16 =	vor.u32 $0x40, v19;
	[tilespmem:s5+$0x10] =	vst v17;
	v4 =	vmul.f32 v7, v4  }
0x12b: {  	v7 =	vld.idx.msk [tilespmem:v13+s0+$0x0], $0xffff;
	[tilespmem:s5+$0x20] =	vst v6;
	v6 =	vmul.f32 v8, v5  }
0x12c: {  	v17 =	vld.idx.msk [tilespmem:v14+s0+$0x0], $0xffff;
	[tilespmem:s5+$0x30] =	vst v4;
	v5 =	vmul.f32 v9, v5  }
0x12d: {  	v8 =	vld.idx.msk [tilespmem:v15+s0+$0x0], $0xffff;
	[tilespmem:s5+$0x40] =	vst v6;
	v6 =	vmul.f32 v10, v3  }
0x12e: {  	v4 =	vld.idx.msk [tilespmem:v18+s0+$0x0], $0xffff;
	[tilespmem:s5+$0x50] =	vst v5  }
0x12f: {  	v3 =	vld.idx.msk [tilespmem:v16+s0+$0x0], $0xffff;
	[tilespmem:s5+$0x60] =	vst v6;
	s5 =	sadd.s32 $0x100, s5  }
0x130: {  	v5 =	vld [tilespmem:s5+$0x70]  }
0x131: {  	v6 =	vld [tilespmem:s5+$0xFFFFFF80]  }
0x132: {  	v9 =	vld [tilespmem:s5+$0xFFFFFF90]  }
0x133: {  	v10 =	vld [tilespmem:s5+$0xFFFFFFA0]  }
0x134: {  	v13 =	vld [tilespmem:s5+$0xFFFFFFB0]  }
0x135: {  	v14 =	vld [tilespmem:s5+$0xFFFFFFC0];
	v15 =	vmul.f32 v5, v3  }
0x136: {  	v6 =	vmul.f32 v6, v11;
	v16 =	vld [tilespmem:s5+$0xFFFFFFD0]  }
0x137: {  	v9 =	vmul.f32 v9, v11;
	v5 =	vld.idx.msk [tilespmem:v19+s0+$0x0], $0xffff;
	[tilespmem:s5+$0x70] =	vst v15  }
0x138: {  	[tilespmem:s5+$0xFFFFFF80] =	vst v6;
	v6 =	vmul.f32 v10, v12;
	v10 =	vld [tilespmem:s5+$0xFFFFFFE0]  }
0x139: {  	[tilespmem:s5+$0xFFFFFF90] =	vst v9;
	v9 =	vmul.f32 v13, v12;
	v15 =	vld [tilespmem:s5+$0xFFFFFFF0]  }
0x13a: {  	[tilespmem:s5+$0xFFFFFFA0] =	vst v6;
	v6 =	vmul.f32 v14, v7;
	v18 =	vld [tilespmem:s5+$0x0]  }
0x13b: {  	[tilespmem:s5+$0xFFFFFFB0] =	vst v9;
	v7 =	vmul.f32 v16, v7;
	v19 =	vld [tilespmem:s5+$0x10]  }
.Ltmp7:
0x13c: {  	v11 =	vmov s7;
	[tilespmem:s5+$0xFFFFFFC0] =	vst v6;
	v6 =	vld [tilespmem:s5+$0x20];
	(pc) =	sbr.rel @p0 .LBB2_8-.Ltmp7, $4  }
0x13d: {  	s8 =	sadd.s32 $0x1, s7;
	v12 =	vor.u32 $0x40, v11;
	[tilespmem:s5+$0xFFFFFFD0] =	vst v7;
	v9 =	vmul.f32 v10, v8;
	v7 =	vld [tilespmem:s5+$0x30]  }
0x13e: {  	v13 =	vmov s8;
	s8 =	sadd.s32 $0x2, s7;
	v10 =	vmul.f32 v15, v8;
	v8 =	vld [tilespmem:s5+$0x40]  }
0x13f: {  	v14 =	vmov s8;
	[tilespmem:s5+$0xFFFFFFE0] =	vst v9;
	v16 =	vmul.f32 v18, v17;
	v9 =	vld [tilespmem:s5+$0x50]  }
0x140: {  	s8 =	sadd.s32 $0x3, s7;
	s7 =	sadd.s32 $0x4, s7;
	v15 =	vor.u32 $0x40, v13;
	[tilespmem:s5+$0xFFFFFFF0] =	vst v10;
	v17 =	vmul.f32 v19, v17;
	v10 =	vld [tilespmem:s5+$0x60]  }
0x141: {  	_ =	sdelay $0x3  }
0x142: {  	v11 =	vld.idx.msk [tilespmem:v11+s0+$0x0], $0xffff  }
0x143: {  	v12 =	vld.idx.msk [tilespmem:v12+s0+$0x0], $0xffff  }
0x144: {  	v13 =	vld.idx.msk [tilespmem:v13+s0+$0x0], $0xffff  }
0x145: {  	v39 =	vld.idx.msk [tilespmem:v14+s0+$0x0], $0xffff  }
0x146: {  	v15 =	vld.idx.msk [tilespmem:v15+s0+$0x0], $0xffff;
	s7 =	sadd.s32 $0x100, s5  }
0x147: {  	v21 =	vld [tilespmem:s7+$0x70]  }
0x148: {  	v40 =	vld [tilespmem:s7+$0xFFFFFF80]  }
0x149: {  	v42 =	vld [tilespmem:s7+$0xFFFFFF90]  }
0x14a: {  	[tilespmem:s5+$0x0] =	vst v16;
	v6 =	vmul.f32 v6, v4;
	v44 =	vld [tilespmem:s7+$0xFFFFFFA0]  }
0x14b: {  	[tilespmem:s5+$0x10] =	vst v17;
	v41 =	vmul.f32 v7, v4;
	v46 =	vld [tilespmem:s7+$0xFFFFFFB0]  }
0x14c: {  	v47 =	vld [tilespmem:s7+$0xFFFFFFC0];
	[tilespmem:s5+$0x20] =	vst v6;
	v43 =	vmul.f32 v8, v5  }
0x14d: {  	v49 =	vld [tilespmem:s7+$0xFFFFFFD0];
	[tilespmem:s5+$0x30] =	vst v41;
	v3 =	vmul.f32 v10, v3  }
0x14e: {  	v51 =	vld [tilespmem:s7+$0xFFFFFFE0];
	v45 =	vmul.f32 v9, v5;
	[tilespmem:s5+$0x40] =	vst v43  }
0x14f: {  	v18 =	vor.u32 $0x40, v14;
	v52 =	vld [tilespmem:s7+$0xFFFFFFF0];
	[tilespmem:s5+$0x60] =	vst v3;
	v3 =	vmul.f32 v40, v11  }
0x150: {  	v53 =	vld [tilespmem:s7+$0x0];
	[tilespmem:s5+$0x50] =	vst v45;
	v7 =	vmul.f32 v42, v11  }
0x151: {  	v19 =	vmov s8;
	v54 =	vld [tilespmem:s7+$0x10];
	v5 =	vmul.f32 v46, v12;
	[tilespmem:s7+$0xFFFFFF80] =	vst v3  }
0x152: {  	v56 =	vld [tilespmem:s7+$0x20];
	v3 =	vmul.f32 v44, v12;
	[tilespmem:s7+$0xFFFFFF90] =	vst v7  }
0x153: {  	v20 =	vor.u32 $0x40, v19;
	v57 =	vld [tilespmem:s7+$0x30];
	v55 =	vmul.f32 v49, v13;
	[tilespmem:s7+$0xFFFFFFB0] =	vst v5  }
0x154: {  	v18 =	vld.idx.msk [tilespmem:v18+s0+$0x0], $0xffff;
	[tilespmem:s7+$0xFFFFFFA0] =	vst v3;
	v3 =	vmul.f32 v47, v13  }
0x155: {  	v60 =	vld [tilespmem:s7+$0x50];
	v58 =	vmul.f32 v52, v15;
	[tilespmem:s7+$0xFFFFFFD0] =	vst v55  }
0x156: {  	v50 =	vld.idx.msk [tilespmem:v19+s0+$0x0], $0xffff;
	[tilespmem:s7+$0xFFFFFFC0] =	vst v3;
	v3 =	vmul.f32 v51, v15  }
0x157: {  	v59 =	vld [tilespmem:s7+$0x40];
	v61 =	vmul.f32 v54, v39;
	[tilespmem:s7+$0xFFFFFFF0] =	vst v58  }
0x158: {  	v20 =	vld.idx.msk [tilespmem:v20+s0+$0x0], $0xffff;
	[tilespmem:s7+$0xFFFFFFE0] =	vst v3;
	v3 =	vmul.f32 v53, v39  }
0x159: {  	v62 =	vld [tilespmem:s7+$0x60];
	[tilespmem:s7+$0x10] =	vst v61;
	v4 =	vmul.f32 v57, v18  }
0x15a: {  	[tilespmem:s7+$0x0] =	vst v3;
	v3 =	vmul.f32 v56, v18  }
0x15b: {  	v63 =	vmul.f32 v60, v50;
	[tilespmem:s7+$0x30] =	vst v4  }
0x15c: {  	[tilespmem:s7+$0x20] =	vst v3;
	v3 =	vmul.f32 v59, v50  }
.Ltmp8:
0x15d: {  	v48 =	vmul.f32 v21, v20;
	[tilespmem:s7+$0x50] =	vst v63;
	(pc) =	sbr.rel .LBB2_13-.Ltmp8, $4  }
0x15e: {  	[tilespmem:s7+$0x40] =	vst v3;
	v3 =	vmul.f32 v62, v20  }
0x15f: {  	[tilespmem:s7+$0x70] =	vst v48  }
0x160: {  	s5 =	simm.s32 $0x4;
	[tilespmem:s7+$0x60] =	vst v3  }
0x161: {  	[spmem:s3] =	stream.indirect.scatter.add.f32 [tilespmem:s26], [sflag:$0x4], $0x40, s2, s28, $0xb8;
	[tilespmem:$0x1FCE0] =	vst v63  }
.LBB2_10:
0x162: {  	p0 =	seq.s32 s1, $0xA1  }
0x163: {  	s7 =	sshll.u32 @!p0 s1, $0x6  }
0x164: {  	s7 =	sand.u32 @!p0 $0x3FFFFFC0, s7  }
0x165: {  	s8 =	simm.s32 @!p0 $0x40;
	s24 =	simm.s32 @!p0 $0x13E40;
	s7 =	sadd.s32 @!p0 $0x9E40, s7  }
0x166: {  	[tilespmem:s24], [sflag:$0x1] =	stream.indirect.gather @!p0 [hbm4b:s6+s8], $0x40, s7, s8, $0xb8;
	[tilespmem:$0x1FCE0] =	vst v63  }
0x167: {  	v3 =	vld [tilespmem:s5+$0x9E00]  }
0x168: {  	v4 =	vld [tilespmem:s5+$0xC680];
	_ =	sdelay $0x3  }
0x169: {  	v3 =	vshll.u32 v3, $0x2  }
0x16a: {  	v5 =	vshll.u32 v4, $0x2;
	v6 =	vor.u32 $0x1, v3  }
0x16b: {  	v7 =	vor.u32 $0x2, v5  }
0x16c: {  	v5 =	vor.u32 $0x3, v5  }
0x16d: {  	s8 =	simm.s32 $0x0;
	[tilespmem:$0xEF00] =	vst v4  }
0x16e: {  	v3 =	vld.idx.msk [tilespmem:v3+s8+$0x0], $0xffff  }
0x16f: {  	v6 =	vld.idx.msk [tilespmem:v6+s8+$0x0], $0xffff  }
0x170: {  	v7 =	vld.idx.msk [tilespmem:v7+s8+$0x0], $0xffff  }
0x171: {  	v5 =	vld.idx.msk [tilespmem:v5+s8+$0x0], $0xffff;
	_ =	sdelay $0x3  }
0x172: {  	v3 =	vadd.f32 v7, v3  }
0x173: {  	v5 =	vadd.f32 v5, v6  }
0x174: {  	v6 =	vmul.f32 $2.000000030e-01, v3  }
0x175: {  	vm0 =	vgt.f32 v3, $0.0e+00;
	v7 =	vmul.f32 $2.000000030e-01, v5  }
0x176: {  	vm9 =	vgt.f32 v5, $0.0e+00;
	v3 =	vsel vm0, v3, v6  }
0x177: {  	v5 =	vsel vm9, v5, v7;
	v3 =	vsub.f32 v3, v1  }
0x178: {  	v5 =	vsub.f32 v5, v2  }
0x179: {  	v3 =	vmul.f32 $1.442695020e+00, v3  }
0x17a: {  	v5 =	vmul.f32 $1.442695020e+00, v5  }
0x17b: {  	(erf) = vpow2.f32 v3  }
0x17c: {  	(erf) = vpow2.f32 v5;
	_ =	sdelay $0x3  }
0x17d: {  	v3 =	vshll.u32 v4, $0x1  }
0x17e: {  	v4 =	vor.u32 $0x1, v3;
	_ =	sdelay $0x2  }
0x17f: {  	v5 =	vpop (erf)  }
0x180: {  	v6 =	vpop (erf);
	[tilespmem:v3+s30+$0x0] =	vst.idx.add.f32.msk $0xffff, v5  }
0x181: {  	[tilespmem:v4+s30+$0x0] =	vst.idx.add.f32.msk $0xffff, v6  }
0x182: {  	[tilespmem:$0x15E40] =	vst v5  }
0x183: {  	[tilespmem:$0x15E80] =	vst v6  }
0x184: {  	v3 =	vld [tilespmem:s5+$0x9E10]  }
0x185: {  	v4 =	vld [tilespmem:s5+$0xC690];
	_ =	sdelay $0x3  }
0x186: {  	v3 =	vshll.u32 v3, $0x2  }
0x187: {  	v5 =	vshll.u32 v4, $0x2;
	v6 =	vor.u32 $0x1, v3  }
0x188: {  	v7 =	vor.u32 $0x2, v5  }
0x189: {  	v5 =	vor.u32 $0x3, v5  }
0x18a: {  	[tilespmem:$0xEF10] =	vst v4  }
0x18b: {  	v3 =	vld.idx.msk [tilespmem:v3+s8+$0x0], $0xffff  }
0x18c: {  	v6 =	vld.idx.msk [tilespmem:v6+s8+$0x0], $0xffff  }
0x18d: {  	v7 =	vld.idx.msk [tilespmem:v7+s8+$0x0], $0xffff  }
0x18e: {  	v5 =	vld.idx.msk [tilespmem:v5+s8+$0x0], $0xffff;
	_ =	sdelay $0x3  }
0x18f: {  	v3 =	vadd.f32 v7, v3  }
0x190: {  	v5 =	vadd.f32 v5, v6  }
0x191: {  	v6 =	vmul.f32 $2.000000030e-01, v3  }
0x192: {  	vm10 =	vgt.f32 v3, $0.0e+00;
	v7 =	vmul.f32 $2.000000030e-01, v5  }
0x193: {  	vm11 =	vgt.f32 v5, $0.0e+00;
	v3 =	vsel vm10, v3, v6  }
0x194: {  	v5 =	vsel vm11, v5, v7;
	v3 =	vsub.f32 v3, v1  }
0x195: {  	v5 =	vsub.f32 v5, v2  }
0x196: {  	v3 =	vmul.f32 $1.442695020e+00, v3  }
0x197: {  	v5 =	vmul.f32 $1.442695020e+00, v5  }
0x198: {  	(erf) = vpow2.f32 v3  }
0x199: {  	(erf) = vpow2.f32 v5;
	_ =	sdelay $0x3  }
0x19a: {  	v3 =	vshll.u32 v4, $0x1  }
0x19b: {  	v4 =	vor.u32 $0x1, v3;
	_ =	sdelay $0x2  }
0x19c: {  	v5 =	vpop (erf)  }
0x19d: {  	v6 =	vpop (erf);
	[tilespmem:v3+s30+$0x0] =	vst.idx.add.f32.msk $0xffff, v5  }
0x19e: {  	[tilespmem:v4+s30+$0x0] =	vst.idx.add.f32.msk $0xffff, v6  }
0x19f: {  	[tilespmem:$0x15E50] =	vst v5  }
0x1a0: {  	[tilespmem:$0x15E90] =	vst v6  }
0x1a1: {  	v3 =	vld [tilespmem:s5+$0x9E20]  }
0x1a2: {  	v4 =	vld [tilespmem:s5+$0xC6A0];
	_ =	sdelay $0x3  }
0x1a3: {  	v3 =	vshll.u32 v3, $0x2  }
0x1a4: {  	v5 =	vshll.u32 v4, $0x2;
	v6 =	vor.u32 $0x1, v3  }
0x1a5: {  	v7 =	vor.u32 $0x2, v5  }
0x1a6: {  	v5 =	vor.u32 $0x3, v5  }
0x1a7: {  	[tilespmem:$0xEF20] =	vst v4  }
0x1a8: {  	v3 =	vld.idx.msk [tilespmem:v3+s8+$0x0], $0xffff  }
0x1a9: {  	v6 =	vld.idx.msk [tilespmem:v6+s8+$0x0], $0xffff  }
0x1aa: {  	v7 =	vld.idx.msk [tilespmem:v7+s8+$0x0], $0xffff  }
0x1ab: {  	v5 =	vld.idx.msk [tilespmem:v5+s8+$0x0], $0xffff;
	_ =	sdelay $0x3  }
0x1ac: {  	v3 =	vadd.f32 v7, v3  }
0x1ad: {  	v5 =	vadd.f32 v5, v6  }
0x1ae: {  	v6 =	vmul.f32 $2.000000030e-01, v3  }
0x1af: {  	vm12 =	vgt.f32 v3, $0.0e+00;
	v7 =	vmul.f32 $2.000000030e-01, v5  }
0x1b0: {  	vm13 =	vgt.f32 v5, $0.0e+00;
	v3 =	vsel vm12, v3, v6  }
0x1b1: {  	v5 =	vsel vm13, v5, v7;
	v3 =	vsub.f32 v3, v1  }
0x1b2: {  	v5 =	vsub.f32 v5, v2  }
0x1b3: {  	v3 =	vmul.f32 $1.442695020e+00, v3  }
0x1b4: {  	v5 =	vmul.f32 $1.442695020e+00, v5  }
0x1b5: {  	(erf) = vpow2.f32 v3  }
0x1b6: {  	(erf) = vpow2.f32 v5;
	_ =	sdelay $0x3  }
0x1b7: {  	v3 =	vshll.u32 v4, $0x1  }
0x1b8: {  	v4 =	vor.u32 $0x1, v3;
	_ =	sdelay $0x2  }
0x1b9: {  	v5 =	vpop (erf)  }
0x1ba: {  	v6 =	vpop (erf);
	[tilespmem:v3+s30+$0x0] =	vst.idx.add.f32.msk $0xffff, v5  }
0x1bb: {  	[tilespmem:v4+s30+$0x0] =	vst.idx.add.f32.msk $0xffff, v6  }
0x1bc: {  	[tilespmem:$0x15E60] =	vst v5  }
0x1bd: {  	[tilespmem:$0x15EA0] =	vst v6  }
0x1be: {  	v3 =	vld [tilespmem:s5+$0x9E30]  }
0x1bf: {  	v4 =	vld [tilespmem:s5+$0xC6B0];
	_ =	sdelay $0x3  }
0x1c0: {  	v3 =	vshll.u32 v3, $0x2  }
0x1c1: {  	v5 =	vshll.u32 v4, $0x2;
	v6 =	vor.u32 $0x1, v3  }
0x1c2: {  	v7 =	vor.u32 $0x2, v5  }
0x1c3: {  	v5 =	vor.u32 $0x3, v5  }
0x1c4: {  	[tilespmem:$0xEF30] =	vst v4  }
0x1c5: {  	v3 =	vld.idx.msk [tilespmem:v3+s8+$0x0], $0xffff  }
0x1c6: {  	v6 =	vld.idx.msk [tilespmem:v6+s8+$0x0], $0xffff  }
0x1c7: {  	v7 =	vld.idx.msk [tilespmem:v7+s8+$0x0], $0xffff  }
0x1c8: {  	v5 =	vld.idx.msk [tilespmem:v5+s8+$0x0], $0xffff;
	_ =	sdelay $0x3  }
0x1c9: {  	v3 =	vadd.f32 v7, v3  }
0x1ca: {  	v5 =	vadd.f32 v5, v6  }
0x1cb: {  	v6 =	vmul.f32 $2.000000030e-01, v3  }
0x1cc: {  	vm14 =	vgt.f32 v3, $0.0e+00;
	v7 =	vmul.f32 $2.000000030e-01, v5  }
0x1cd: {  	vm15 =	vgt.f32 v5, $0.0e+00;
	v3 =	vsel vm14, v3, v6  }
0x1ce: {  	v5 =	vsel vm15, v5, v7;
	v3 =	vsub.f32 v3, v1  }
0x1cf: {  	v5 =	vsub.f32 v5, v2  }
0x1d0: {  	v3 =	vmul.f32 $1.442695020e+00, v3  }
0x1d1: {  	v5 =	vmul.f32 $1.442695020e+00, v5  }
0x1d2: {  	(erf) = vpow2.f32 v3  }
0x1d3: {  	(erf) = vpow2.f32 v5;
	_ =	sdelay $0x3  }
0x1d4: {  	v3 =	vshll.u32 v4, $0x1  }
0x1d5: {  	v4 =	vor.u32 $0x1, v3;
	_ =	sdelay $0x2  }
0x1d6: {  	v5 =	vpop (erf)  }
0x1d7: {  	v6 =	vpop (erf);
	[tilespmem:v3+s30+$0x0] =	vst.idx.add.f32.msk $0xffff, v5  }
0x1d8: {  	[tilespmem:v4+s30+$0x0] =	vst.idx.add.f32.msk $0xffff, v6  }
0x1d9: {  	v3 =	vmov s8;
	[tilespmem:$0x15E70] =	vst v5  }
0x1da: {  	v4 =	vor.u32 $0x40, v3;
	[tilespmem:$0x15EB0] =	vst v6  }
0x1db: {  	s24 =	simm.s32 $0x1;
	_ =	swait.ge [sflag:s23], $0x1000  }
0x1dc: {  	s7 =	simm.s32 $0x2;
	v5 =	vmov s24;
	[sflag:s23] =	ssyncset.done $0x0  }
0x1dd: {  	v6 =	vmov s7;
	[sflag:s23] =	ssyncadd.s32 $0xFFFFF000  }
0x1de: {  	v8 =	vld.idx.msk [tilespmem:v3+s0+$0x0], $0xffff  }
0x1df: {  	s5 =	simm.s32 $0x14F30;
	v10 =	vld.idx.msk [tilespmem:v4+s0+$0x0], $0xffff  }
0x1e0: {  	v7 =	vor.u32 $0x40, v5;
	v14 =	vld [tilespmem:s5+$0xFFFFFF40]  }
0x1e1: {  	s8 =	simm.s32 $0x3;
	v12 =	vld.idx.msk [tilespmem:v5+s0+$0x0], $0xffff  }
0x1e2: {  	v9 =	vmov s8;
	v3 =	vor.u32 $0x40, v6;
	v17 =	vld.idx.msk [tilespmem:v6+s0+$0x0], $0xffff  }
0x1e3: {  	v11 =	vor.u32 $0x40, v9;
	v5 =	vld [tilespmem:s5+$0x0]  }
0x1e4: {  	v6 =	vld [tilespmem:s5+$0xFFFFFF10]  }
0x1e5: {  	v13 =	vld.idx.msk [tilespmem:v7+s0+$0x0], $0xffff  }
0x1e6: {  	v7 =	vld [tilespmem:s5+$0xFFFFFF20]  }
0x1e7: {  	v4 =	vld.idx.msk [tilespmem:v3+s0+$0x0], $0xffff  }
0x1e8: {  	v3 =	vld.idx.msk [tilespmem:v11+s0+$0x0], $0xffff  }
0x1e9: {  	v11 =	vld [tilespmem:s5+$0xFFFFFF30]  }
0x1ea: {  	v15 =	vld [tilespmem:s5+$0xFFFFFF50]  }
0x1eb: {  	v18 =	vld [tilespmem:s5+$0xFFFFFF60];
	v7 =	vmul.f32 v7, v8  }
0x1ec: {  	v6 =	vmul.f32 v6, v8;
	v8 =	vld [tilespmem:s5+$0xFFFFFF70]  }
0x1ed: {  	[tilespmem:s5+$0xFFFFFF20] =	vst v7;
	v7 =	vmul.f32 v14, v10;
	v16 =	vmul.f32 v5, v3;
	v5 =	vld.idx.msk [tilespmem:v9+s0+$0x0], $0xffff  }
0x1ee: {  	[tilespmem:s5+$0xFFFFFF10] =	vst v6;
	v6 =	vmul.f32 v11, v10;
	v9 =	vld [tilespmem:s5+$0xFFFFFF80]  }
0x1ef: {  	v10 =	vld [tilespmem:s5+$0xFFFFFF90];
	v11 =	vmul.f32 v15, v12;
	[tilespmem:s5+$0xFFFFFF40] =	vst v7  }
0x1f0: {  	s24 =	simm.s32 $0x4;
	v19 =	vld [tilespmem:s5+$0xFFFFFFA0];
	v12 =	vmul.f32 v18, v12;
	[tilespmem:s5+$0xFFFFFF30] =	vst v6  }
0x1f1: {  	v6 =	vld [tilespmem:s5+$0xFFFFFFB0];
	[tilespmem:s5+$0xFFFFFF50] =	vst v11;
	v11 =	vmov s24  }
0x1f2: {  	s8 =	simm.s32 $0x5;
	v7 =	vld [tilespmem:s5+$0xFFFFFFC0];
	v15 =	vmul.f32 v8, v13;
	[tilespmem:s5+$0xFFFFFF60] =	vst v12;
	v12 =	vor.u32 $0x40, v11  }
0x1f3: {  	[tilespmem:s5+$0x0] =	vst v16;
	v8 =	vld [tilespmem:s5+$0xFFFFFFD0];
	v18 =	vmul.f32 v9, v13;
	v13 =	vmov s8  }
0x1f4: {  	s24 =	simm.s32 $0x6;
	[tilespmem:s5+$0xFFFFFF70] =	vst v15;
	v9 =	vld [tilespmem:s5+$0xFFFFFFE0];
	v16 =	vmul.f32 v10, v17  }
0x1f5: {  	s7 =	simm.s32 $0x8;
	v14 =	vmov s24;
	s8 =	simm.s32 $0x7;
	v17 =	vmul.f32 v19, v17;
	v10 =	vld [tilespmem:s5+$0xFFFFFFF0];
	v15 =	vor.u32 $0x40, v13;
	[tilespmem:s5+$0xFFFFFF80] =	vst v18  }
.LBB2_11:
0x1f6: {  	p0 =	slt.u32 s7, $0x3C;
	v11 =	vld.idx.msk [tilespmem:v11+s0+$0x0], $0xffff;
	v18 =	vor.u32 $0x40, v14;
	v19 =	vmov s8;
	[tilespmem:s5+$0xFFFFFF90] =	vst v16;
	v6 =	vmul.f32 v6, v4  }
0x1f7: {  	v4 =	vmul.f32 v7, v4;
	v12 =	vld.idx.msk [tilespmem:v12+s0+$0x0], $0xffff;
	v16 =	vor.u32 $0x40, v19;
	[tilespmem:s5+$0xFFFFFFA0] =	vst v17  }
0x1f8: {  	v7 =	vld.idx.msk [tilespmem:v13+s0+$0x0], $0xffff;
	[tilespmem:s5+$0xFFFFFFB0] =	vst v6;
	v6 =	vmul.f32 v8, v5  }
0x1f9: {  	v5 =	vmul.f32 v9, v5;
	v17 =	vld.idx.msk [tilespmem:v14+s0+$0x0], $0xffff;
	[tilespmem:s5+$0xFFFFFFC0] =	vst v4  }
0x1fa: {  	v8 =	vld.idx.msk [tilespmem:v15+s0+$0x0], $0xffff;
	[tilespmem:s5+$0xFFFFFFD0] =	vst v6;
	v6 =	vmul.f32 v10, v3  }
0x1fb: {  	v4 =	vld.idx.msk [tilespmem:v18+s0+$0x0], $0xffff;
	[tilespmem:s5+$0xFFFFFFE0] =	vst v5  }
0x1fc: {  	v3 =	vld.idx.msk [tilespmem:v16+s0+$0x0], $0xffff;
	[tilespmem:s5+$0xFFFFFFF0] =	vst v6;
	s5 =	sadd.s32 $0x100, s5  }
0x1fd: {  	v5 =	vld [tilespmem:s5+$0x0]  }
0x1fe: {  	v6 =	vld [tilespmem:s5+$0xFFFFFF10]  }
0x1ff: {  	v9 =	vld [tilespmem:s5+$0xFFFFFF20]  }
0x200: {  	v10 =	vld [tilespmem:s5+$0xFFFFFF30]  }
0x201: {  	v13 =	vld [tilespmem:s5+$0xFFFFFF40]  }
0x202: {  	v14 =	vld [tilespmem:s5+$0xFFFFFF50];
	v15 =	vmul.f32 v5, v3  }
0x203: {  	v6 =	vmul.f32 v6, v11;
	v16 =	vld [tilespmem:s5+$0xFFFFFF60]  }
0x204: {  	v9 =	vmul.f32 v9, v11;
	v5 =	vld.idx.msk [tilespmem:v19+s0+$0x0], $0xffff;
	[tilespmem:s5+$0x0] =	vst v15  }
0x205: {  	[tilespmem:s5+$0xFFFFFF10] =	vst v6;
	v6 =	vmul.f32 v10, v12;
	v10 =	vld [tilespmem:s5+$0xFFFFFF70]  }
0x206: {  	[tilespmem:s5+$0xFFFFFF20] =	vst v9;
	v9 =	vmul.f32 v13, v12;
	v15 =	vld [tilespmem:s5+$0xFFFFFF80]  }
0x207: {  	[tilespmem:s5+$0xFFFFFF30] =	vst v6;
	v6 =	vmul.f32 v14, v7;
	v18 =	vld [tilespmem:s5+$0xFFFFFF90]  }
0x208: {  	[tilespmem:s5+$0xFFFFFF40] =	vst v9;
	v7 =	vmul.f32 v16, v7;
	v19 =	vld [tilespmem:s5+$0xFFFFFFA0]  }
.Ltmp9:
0x209: {  	v11 =	vmov s7;
	[tilespmem:s5+$0xFFFFFF50] =	vst v6;
	v6 =	vld [tilespmem:s5+$0xFFFFFFB0];
	(pc) =	sbr.rel @p0 .LBB2_11-.Ltmp9, $4  }
0x20a: {  	s8 =	sadd.s32 $0x1, s7;
	v12 =	vor.u32 $0x40, v11;
	[tilespmem:s5+$0xFFFFFF60] =	vst v7;
	v9 =	vmul.f32 v10, v8;
	v7 =	vld [tilespmem:s5+$0xFFFFFFC0]  }
0x20b: {  	v13 =	vmov s8;
	s8 =	sadd.s32 $0x2, s7;
	v10 =	vmul.f32 v15, v8;
	v8 =	vld [tilespmem:s5+$0xFFFFFFD0]  }
0x20c: {  	v14 =	vmov s8;
	[tilespmem:s5+$0xFFFFFF70] =	vst v9;
	v16 =	vmul.f32 v18, v17;
	v9 =	vld [tilespmem:s5+$0xFFFFFFE0]  }
0x20d: {  	s8 =	sadd.s32 $0x3, s7;
	s7 =	sadd.s32 $0x4, s7;
	v15 =	vor.u32 $0x40, v13;
	[tilespmem:s5+$0xFFFFFF80] =	vst v10;
	v17 =	vmul.f32 v19, v17;
	v10 =	vld [tilespmem:s5+$0xFFFFFFF0]  }
.Ltmp10:
0x20e: {  	_ = 	snop;
	(pc) =	sbr.rel .LBB2_12-.Ltmp10, $1  }
0x20f: {  	_ =	sdelay $0x3  }
.LBB2_15:
0x210: {  	_ =	sfence.sel $0x180000  }
0x211: {  	[bflag:$0x0] =	sbarrier.arrive $0xFFFF  }
0x212: {  	_ =	strace $0x9000004A  }
0x213: {  	s0 =	stileid.u32;
	[bflag:$0x2] =	sbarrier.arrive $0xFFFF  }
0x214: {  	p0 =	sne.s32 s0, $0x0;
	s0 =	rddreg [dreg:$0x3]  }
0x215: {  	s0 =	sadd.s32 @!p0 $0x100000, s0  }
0x216: {  	[sflag:s0] =	ssyncadd.tile.s32 @!p0 $0x1;
	_ =	shalt  }
.Lfunc_end2:
_tile_overlayer_lowered:
.L_overlay_start_2:
0x217: {  	(tag) =	ssettag $0x2  }
0x218: {  	s0 =	rddreg [dreg:$0x0];
	s2 =	stileid.u32  }
0x219: {  	s1 =	rddreg [dreg:$0x1];
	p0 =	sne.s32 s2, $0x0  }
0x21a: {  	s3 =	rddreg [dreg:$0x2];
	[bflag:$0x3] =	sbarrier.arrive $0xFFFF;
	s2 =	simm.s32 @!p0 $0x1C03  }
0x21b: {  	[timem:s3], [sflag:s2] =	dma.local @!p0 [hbm:s0], s1  }
0x21c: {  	s0 =	simm.s32 @!p0 $0x3  }
0x21d: {  	_ =	swait.ge @!p0 [sflag:s0], s1  }
0x21e: {  	s1 =	ssub.s32 @!p0 $0x0, s1;
	[sflag:s0] =	ssyncset.done @!p0 $0x0  }
0x21f: {  	[sflag:s0] =	ssyncadd.s32 @!p0 s1  }
0x220: {  	[bflag:$0x3] =	sbarrier.arrive $0xFFFF  }
0x221: {  	_ =	shalt  }

// kernel: kernel.9.cloned.1.call-start
scs
__scs_entry_jumppad:
0x0: {  	(pc) =	sbr.rel $0x88, $3  }
0x1: {  	(tag) =	ssettag $0x0;
	lr =	simm.s32 $0x1  }
0x2: {  	[smem:$0x3F91] =	sst lr;
	_ =	strace $0xD0000000  }
0x3: {  	_ = 	snop  }
0x4: {  	_ = 	snop  }
0x5: {  	_ = 	snop  }
0x6: {  	_ = 	snop  }
0x7: {  	_ = 	snop  }
__scs_overlays_trampoline_lowered:
0x8: {  	[smem:$0x3FA0] =	sst s0  }
0x9: {  	[smem:$0x3FA1] =	sst s1  }
0xa: {  	[smem:$0x3FA2] =	sst s2  }
0xb: {  	[smem:$0x3FA3] =	sst s3  }
0xc: {  	[smem:$0x3FA4] =	sst s4  }
0xd: {  	[smem:$0x3FA5] =	sst s5  }
0xe: {  	[smem:$0x3FA6] =	sst s6  }
0xf: {  	[smem:$0x3FA7] =	sst s7  }
0x10: {  	[smem:$0x3FA8] =	sst s8  }
0x11: {  	[smem:$0x3FA9] =	sst s9;
	s0 =	simm.s32 @!p0 $0x0  }
0x12: {  	s1 =	sld [smem:$0x3F8F];
	s0 =	simm.s32 @p0 $0x1  }
0x13: {  	[smem:$0x3FAA] =	sst s0;
	s0 =	simm.s32 @!p1 $0x0  }
0x14: {  	s2 =	sld [smem:$0x3F8E];
	s0 =	simm.s32 @p1 $0x1  }
0x15: {  	[smem:$0x3FAB] =	sst s0;
	s0 =	simm.s32 @!p2 $0x0  }
0x16: {  	s3 =	sld [smem:$0x3FDB];
	s0 =	simm.s32 @p2 $0x1  }
0x17: {  	s4 =	simm.s32 $0x1BF5;
	[smem:$0x3FAD] =	sst s0  }
0x18: {  	s0 =	sld [smem:$0x3F90];
	_ =	swait.ge [sflag:s4], $0x0  }
0x19: {  	s7 =	sld [smem:$0x3F91]  }
0x1a: {  	s8 =	sadd.s32 $0xFFFFE003, lr  }
0x1b: {  	s9 =	sadd.s32 $0xFFFFFEF7, lr;
	s5 =	simm.s32 $0xFFFFFFFF;
	p2 =	slt.u32 s8, $0xFFFFF086  }
0x1c: {  	p1 =	slt.u32 s9, $0xF7A;
	s5 =	simm.s32 @!p2 $0x0  }
0x1d: {  	s5 =	simm.s32 @p1 $0x1;
	p0 =	seq.s32 s7, s2  }
0x1e: {  	s7 =	smul.u32 @!p0 $0xF7A, s2;
	p2 =	seq.s32 @!p0 s5, $0x0  }
0x1f: {  	s9 =	smul.u32 $0xF7A, s1;
	s8 =	simm.s32 @!p0 $0x1BF5;
	p2 =	por !p2, p0  }
0x20: {  	[sflag:s8] =	ssyncset.s32 @!p0 $0xFFFFF086;
	s6 =	sadd.s32 @!p0 s3, s7;
	s7 =	simm.s32 @!p0 $0x108  }
0x21: {  	s3 =	sadd.s32 s3, s9;
	s6 =	sadd.s32 @!p0 $0x88, s6;
	s7 =	simm.s32 @p2 $0x1082  }
0x22: {  	[simem:s7], [sflag:s8] =	dma.local @!p0 [hbm:s6], $0xF7A  }
0x23: {  	s9 =	sor.u32 $0xD0000000, s2;
	s6 =	simm.s32 $0x108;
	_ =	swait.ge @!p0 [sflag:s8], $0x0  }
0x24: {  	s3 =	sadd.s32 $0x88, s3;
	s6 =	simm.s32 @!p1 $0x1082;
	[sflag:s4] =	ssyncset.s32 $0xFFFFF086  }
0x25: {  	[simem:s6], [sflag:s4] =	dma.local [hbm:s3], $0xF7A  }
0x26: {  	[smem:$0x3F91] =	sst s1;
	(tag) =	ssettag s2;
	_ =	strace s9  }
0x27: {  	s1 =	sld [smem:$0x3FA1]  }
0x28: {  	s2 =	sld [smem:$0x3FA2]  }
0x29: {  	s4 =	sld [smem:$0x3FA4]  }
0x2a: {  	p0 =	seq.s32 s5, $0x0;
	s5 =	sld [smem:$0x3FA5]  }
0x2b: {  	s6 =	sld [smem:$0x3FA6]  }
0x2c: {  	s7 =	sld [smem:$0x3FA7]  }
0x2d: {  	s3 =	simm.s32 $0x108;
	s8 =	sld [smem:$0x3FA8]  }
0x2e: {  	s3 =	simm.s32 @!p0 $0x1082;
	s9 =	sld [smem:$0x3FA9]  }
0x2f: {  	lr =	sadd.s32 s0, s3;
	s0 =	sld [smem:$0x3FA0]  }
0x30: {  	s3 =	sld [smem:$0x3FA3]  }
0x31: {  	[smem:$0x3FAC] =	sst s10  }
0x32: {  	s10 =	sld [smem:$0x3FAA];
	_ =	sdelay $0x3  }
0x33: {  	p0 =	seq.s32 s10, $0x1;
	s10 =	sld [smem:$0x3FAC];
	_ =	sdelay $0x3  }
0x34: {  	[smem:$0x3FAC] =	sst s10  }
0x35: {  	s10 =	sld [smem:$0x3FAB];
	_ =	sdelay $0x3  }
0x36: {  	p1 =	seq.s32 s10, $0x1;
	s10 =	sld [smem:$0x3FAC];
	_ =	sdelay $0x3  }
0x37: {  	[smem:$0x3FAC] =	sst s10  }
0x38: {  	s10 =	sld [smem:$0x3FAD]  }
0x39: {  	_ = 	snop;
	(pc) =	sbr.ind lr, $3  }
0x3a: {  	_ = 	snop  }
0x3b: {  	_ = 	snop  }
0x3c: {  	p2 =	seq.s32 s10, $0x1;
	s10 =	sld [smem:$0x3FAC]  }
0x3d: {  	_ =	shalt  }
0x3e: {  	_ =	shalt  }
0x3f: {  	_ =	shalt  }
0x40: {  	_ =	shalt  }
0x41: {  	_ =	shalt  }
0x42: {  	_ =	shalt  }
0x43: {  	_ =	shalt  }
0x44: {  	_ =	shalt  }
0x45: {  	_ =	shalt  }
0x46: {  	_ =	shalt  }
0x47: {  	_ =	shalt  }
0x48: {  	_ =	shalt  }
0x49: {  	_ =	shalt  }
0x4a: {  	_ =	shalt  }
0x4b: {  	_ =	shalt  }
0x4c: {  	_ =	shalt  }
0x4d: {  	_ =	shalt  }
0x4e: {  	_ =	shalt  }
0x4f: {  	_ =	shalt  }
0x50: {  	_ =	shalt  }
0x51: {  	_ =	shalt  }
0x52: {  	_ =	shalt  }
0x53: {  	_ =	shalt  }
0x54: {  	_ =	shalt  }
0x55: {  	_ =	shalt  }
0x56: {  	_ =	shalt  }
0x57: {  	_ =	shalt  }
0x58: {  	_ =	shalt  }
0x59: {  	_ =	shalt  }
0x5a: {  	_ =	shalt  }
0x5b: {  	_ =	shalt  }
0x5c: {  	_ =	shalt  }
0x5d: {  	_ =	shalt  }
0x5e: {  	_ =	shalt  }
0x5f: {  	_ =	shalt  }
0x60: {  	_ =	shalt  }
0x61: {  	_ =	shalt  }
0x62: {  	_ =	shalt  }
0x63: {  	_ =	shalt  }
0x64: {  	_ =	shalt  }
0x65: {  	_ =	shalt  }
0x66: {  	_ =	shalt  }
0x67: {  	_ =	shalt  }
0x68: {  	_ =	shalt  }
0x69: {  	_ =	shalt  }
0x6a: {  	_ =	shalt  }
0x6b: {  	_ =	shalt  }
0x6c: {  	_ =	shalt  }
0x6d: {  	_ =	shalt  }
0x6e: {  	_ =	shalt  }
0x6f: {  	_ =	shalt  }
0x70: {  	_ =	shalt  }
0x71: {  	_ =	shalt  }
0x72: {  	_ =	shalt  }
0x73: {  	_ =	shalt  }
0x74: {  	_ =	shalt  }
0x75: {  	_ =	shalt  }
0x76: {  	_ =	shalt  }
0x77: {  	_ =	shalt  }
0x78: {  	_ =	shalt  }
0x79: {  	_ =	shalt  }
0x7a: {  	_ =	shalt  }
0x7b: {  	_ =	shalt  }
0x7c: {  	_ =	shalt  }
0x7d: {  	_ =	shalt  }
0x7e: {  	_ =	shalt  }
0x7f: {  	_ =	shalt  }
0x80: {  	_ =	shalt  }
0x81: {  	_ =	shalt  }
0x82: {  	_ =	shalt  }
0x83: {  	_ =	shalt  }
0x84: {  	_ =	shalt  }
0x85: {  	_ =	shalt  }
0x86: {  	_ =	shalt  }
0x87: {  	_ =	shalt  }
.Lfunc_end0:
.L_simem_size_0:
called_computation_lowered:
.L_overlay_start_0:
0x88: {  	s2 =	sld [smem:$0x3FD9]  }
0x89: {  	s3 =	sld [smem:$0x3FFE];
	_ =	sdelay $0x1  }
0x8a: {  	s1 =	srdreg.scid  }
0x8b: {  	s0 =	sand.u32 $0x1, s1  }
0x8c: {  	s17 =	sshll.u32 s0, $0xA;
	s2 =	sadd.s32 s3, s2  }
0x8d: {  	s2 =	sadd.s32 s2, s17  }
0x8e: {  	[smem:$0x3FB8] =	sst s2  }
0x8f: {  	_ = 	snop  }
0x90: {  	s2 =	sld [smem:$0x3FD0];
	(tm) =	ssettm $0x1  }
0x91: {  	s18 =	sld [smem:$0x3FFB];
	_ =	sdelay $0x3  }
0x92: {  	_ =	strace s18  }
0x93: {  	s3 =	sld [smem:$0x3FFC];
	_ =	sdelay $0x3  }
0x94: {  	_ =	strace s3  }
0x95: {  	s3 =	sld [smem:$0x3FFD];
	_ =	sdelay $0x3  }
0x96: {  	_ =	strace s3  }
0x97: {  	_ =	strace $0x8FFFFFFF  }
0x98: {  	s19 =	sld [smem:$0x3FDB];
	_ =	sdelay $0x1  }
0x99: {  	s4 =	simm.s32 $_scs_section_size  }
0x9a: {  	s5 =	simm.s32 $_size__tile_overlayer_lowered;
	s6 =	simm.s32 $_tile_overlayer_lowered  }
0x9b: {  	s22 =	simm.s32 $0x1BFF;
	s21 =	sshll.u32 s6, $0x1;
	s3 =	sadd.s32 s4, s19  }
0x9c: {  	s7 =	simm.s32 $0x0;
	s20 =	sshll.u32 s5, $0x1;
	s5 =	sadd.s32 s21, s3  }
0x9d: {  	[timem:s7], [sflag:s22] =	dma.local [hbm:s5], s20  }
0x9e: {  	_ =	swait.ge [sflag:s22], s20  }
0x9f: {  	s4 =	ssub.s32 $0x0, s20;
	[sflag:s22] =	ssyncset.done $0x0  }
0xa0: {  	[sflag:s22] =	ssyncadd.s32 s4;
	_ =	sdelay $0x1  }
0xa1: {  	s23 =	simm.s32 $0x1B8B  }
0xa2: {  	_ =	swait.ge [sflag:s23], $0x1  }
0xa3: {  	[sflag:s23] =	ssyncset.done $0x0  }
0xa4: {  	s25 =	simm.s32 $0x1B8E;
	s24 =	sld [smem:$0x3FFE];
	[sflag:s23] =	ssyncadd.s32 $0xFFFFFFFF  }
0xa5: {  	s26 =	simm.s32 $execute0_lowered;
	[smem:$0x3FD2] =	sst s25  }
0xa6: {  	s5 =	sshll.u32 s26, $0x1;
	_ =	strace $0x80000046;
	[dreg:$0x1] =	wrdreg $0xFFFFFFFF  }
0xa7: {  	s28 =	simm.s32 $_size_execute0_lowered;
	s3 =	sadd.s32 s3, s5;
	[dreg:$0x0] =	wrdreg $0x0  }
0xa8: {  	s5 =	sshll.u32 s28, $0x1;
	[dreg:$0x2] =	wrdreg s3  }
0xa9: {  	[dreg:$0x3] =	wrdreg s5  }
0xaa: {  	[dreg:$0x4] =	wrdreg $0xC0  }
0xab: {  	_ =	task [dreg:s7], $0x5FFFF  }
0xac: {  	[dreg:$0x1] =	wrdreg $0xFFFFFFFF  }
0xad: {  	[dreg:$0x0] =	wrdreg $0x60  }
0xae: {  	[dreg:$0x2] =	wrdreg s24  }
0xaf: {  	[dreg:$0x3] =	wrdreg s2  }
0xb0: {  	[dreg:$0x4] =	wrdreg $0x15EE00  }
0xb1: {  	[dreg:$0x5] =	wrdreg $0x9  }
0xb2: {  	_ =	task.clear_ibuf [dreg:s7], $0x6FFFF;
	_ =	strace $0x90000046  }
0xb3: {  	s29 =	simm.s32 $0x9;
	_ =	strace $0x80000048  }
0xb4: {  	_ =	swait.ge [sflag:s29], $0x1  }
0xb5: {  	[sflag:s29] =	ssyncadd.s32 $0xFFFFFFFF  }
0xb6: {  	_ =	strace $0x90000048  }
0xb7: {  	_ =	sfence  }
0xb8: {  	s30 =	sld [smem:$0x0];
	_ =	sdelay $0x2  }
0xb9: {  	s31 =	sshll.u32 s1, $0xD;
	s1 =	sshrl.u32 s1, $0x2  }
0xba: {  	s3 =	sand.u32 $0x4000, s31;
	s1 =	sadd.s32 s1, s30  }
0xbb: {  	s0 =	sor.u32 s3, s0;
	s1 =	sshll.u32 s1, $0x11  }
0xbc: {  	s0 =	sor.u32 s1, s0  }
0xbd: {  	s0 =	sadd.s32 $0x8F2B, s0  }
0xbe: {  	[sflag:s0] =	ssyncadd.remote.s32 $0x1  }
0xbf: {  	_ =	sfence.sel $0xFFFF  }
0xc0: {  	[dreg:$0x0] =	wrdreg $0xFFFFFFFF;
	(pc) =	sbr.abs _section_cstart, $3  }
0xc1: {  	[dreg:$0x1] =	wrdreg $0xFFFFFFFF  }
0xc2: {  	_ =	task.clear_ibuf [dreg:s7], $0x2FFFF;
	_ =	strace $0x9FFFFFFF  }
0xc3: {  	(tm) =	ssettm $0x7FFFFFFF  }
tec
execute0_lowered:
.L_overlay_start_1:
0x0: {  	(tag) =	ssettag $0x1  }
0x1: {  	s0 =	rddreg [dreg:$0x0]  }
0x2: {  	s3 =	rddreg [dreg:$0x2]  }
0x3: {  	s1 =	srdreg.scid;
	s9 =	stileid.u32;
	s4 =	simm.s32 $0x0  }
0x4: {  	s22 =	simm.s32 $0x3;
	s28 =	simm.s32 $0x40;
	s29 =	simm.s32 $0x14E40  }
0x5: {  	s30 =	simm.s32 $0xEF40;
	s31 =	simm.s32 $0x1;
	s1 =	sand.u32 $0x1, s1  }
0x6: {  	s5 =	smul.u32 $0x9E00, s9;
	[smem:$0x7FF] =	sst s4;
	s8 =	sadd.s32 $0x2B000, s0  }
0x7: {  	s2 =	sshll.u32 s1, $0x4;
	s6 =	smul.u32 $0x9E000, s1;
	_ =	strace $0x80000047  }
0x8: {  	s1 =	ssub.s32 $0x2, s1;
	s2 =	sor.u32 s9, s2;
	s9 =	smul.u32 $0x27800, s9  }
0x9: {  	[dreg:$0x4] =	wrdreg s8;
	s24 =	sshrl.u32 s1, $0x1;
	s7 =	smul.u32 $0x510, s2  }
0xa: {  	s6 =	sadd.s32 s5, s6;
	s2 =	smul.u32 $0x9E0, s2;
	s1 =	ssub.s32 s1, s24  }
0xb: {  	s23 =	sshrl.u32 s6, $0x3;
	s6 =	sadd.s32 $0x17400, s0;
	s9 =	sshrl.u32 s9, $0x2  }
0xc: {  	s21 =	smax.u32 s1, $0x1;
	s7 =	sadd.s32 s7, s0;
	s8 =	sadd.s32 s23, s0  }
0xd: {  	s0 =	sadd.s32 s2, s0;
	s26 =	sadd.s32 s9, s3;
	s9 =	sadd.s32 s5, s3  }
0xe: {  	s2 =	simm.s32 $0xEF00;
	s23 =	simm.s32 $0x2;
	s25 =	sadd.s32 $0xD200, s7  }
0xf: {  	s7 =	sadd.s32 $0x3000, s7;
	s10 =	sadd.s32 $0x1000, s26;
	s11 =	sadd.s32 $0x2000, s26  }
.Ltmp0:
0x10: {  	s12 =	sadd.s32 $0x3000, s26;
	s13 =	sadd.s32 $0x4000, s26;
	(pc) =	sbr.rel .LBB2_1-.Ltmp0, $4  }
0x11: {  	s14 =	sadd.s32 $0x5000, s26;
	s15 =	sadd.s32 $0x6000, s26;
	s16 =	sadd.s32 $0x7000, s26  }
0x12: {  	s17 =	sadd.s32 $0x8000, s26;
	s18 =	sadd.s32 $0x9000, s26;
	s19 =	sadd.s32 $0x53C00, s0  }
0x13: {  	s20 =	sadd.s32 $0x2C400, s8;
	s26 =	simm.s32 $0x13E40;
	[dreg:$0x5] =	wrdreg s25  }
0x14: {  	v0 =	vimm.f32 $0.0e+00;
	s0 =	simm.s32 $0x15E40;
	[dreg:$0x6] =	wrdreg s7;
	s25 =	simm.s32 $0x0  }
.LBB2_14:
0x15: {  	[hbm4b:s19+s4] =	stream.linear.scatter [tilespmem:s30], [sflag:$0x3], $0x4F00, $0x38;
	[tilespmem:$0x1FCE0] =	vst v63  }
0x16: {  	s1 =	stileid.u32;
	_ =	swait.ge [sflag:s22], $0x4F00  }
0x17: {  	s5 =	sshrl.u32 s9, $0x3;
	s25 =	sadd.s32 $0x1, s25;
	[sflag:s22] =	ssyncset.done $0x0  }
0x18: {  	s1 =	sshll.u32 s1, $0x6;
	p0 =	sne.s32 s25, s21;
	[sflag:s22] =	ssyncadd.s32 $0xFFFFB100  }
.Ltmp1:
0x19: {  	s1 =	sor.u32 $0x1C03, s1;
	[bflag:$0x0] =	sbarrier.arrive $0xFFFF;
	(pc) =	sbr.rel @!p0 .LBB2_15-.Ltmp1, $4  }
0x1a: {  	[hbm:s20], [sflag:s1] =	dma.local [spmem:s5], $0x13C0  }
0x1b: {  	_ =	swait.ge [sflag:s22], $0x13C0  }
0x1c: {  	[sflag:s22] =	ssyncset.done $0x0  }
0x1d: {  	[sflag:s22] =	ssyncadd.s32 $0xFFFFEC40  }
.LBB2_1:
0x1e: {  	s1 =	rddreg [dreg:$0x4]  }
0x1f: {  	[tilespmem:s4], [sflag:$0x3] =	stream.linear.gather [hbm4b:s1+s4], $0x9E00, $0x38;
	[tilespmem:$0x1FCE0] =	vst v63  }
0x20: {  	_ =	swait.ge [sflag:s22], $0x9E00  }
0x21: {  	[sflag:s22] =	ssyncset.done $0x0  }
0x22: {  	[sflag:s22] =	ssyncadd.s32 $0xFFFF6200  }
0x23: {  	s5 =	simm.s32 $0x15EC0;
	s24 =	rddreg [dreg:$0x1]  }
0x24: {  	[tilespmem:s5], [sflag:$0x3] =	stream.linear.gather [hbm4b:s24+s4], $0x20, $0x38;
	[tilespmem:$0x1FCE0] =	vst v63  }
0x25: {  	_ =	swait.ge [sflag:s22], $0x20  }
0x26: {  	[sflag:s22] =	ssyncset.done $0x0  }
0x27: {  	s7 =	simm.s32 $0x9E00;
	s5 =	rddreg [dreg:$0x5];
	[sflag:s22] =	ssyncadd.s32 $0xFFFFFFE0  }
0x28: {  	[tilespmem:s7], [sflag:$0x3] =	stream.linear.gather [hbm4b:s5+s4], $0x2880, $0x38;
	[tilespmem:$0x1FCE0] =	vst v63  }
0x29: {  	_ =	swait.ge [sflag:s22], $0x2880  }
0x2a: {  	[sflag:s22] =	ssyncset.done $0x0  }
0x2b: {  	s24 =	simm.s32 $0xC680;
	s8 =	rddreg [dreg:$0x6];
	[sflag:s22] =	ssyncadd.s32 $0xFFFFD780  }
0x2c: {  	[tilespmem:s24], [sflag:$0x3] =	stream.linear.gather [hbm4b:s8+s4], $0x2880, $0x38;
	[tilespmem:$0x1FCE0] =	vst v63  }
0x2d: {  	_ =	swait.ge [sflag:s22], $0x2880  }
0x2e: {  	[sflag:s22] =	ssyncset.done $0x0  }
0x2f: {  	s1 =	simm.s32 $0x0;
	[sflag:s22] =	ssyncadd.s32 $0xFFFFD780  }
.LBB2_2:
0x30: {  	p0 =	sne.s32 s1, $0x13BC0  }
.Ltmp2:
0x31: {  	_ = 	snop;
	(pc) =	sbr.rel @p0 .LBB2_2-.Ltmp2, $3  }
0x32: {  	_ =	sdelay $0x1  }
0x33: {  	s5 =	sshra.s32 s1, $0x2  }
0x34: {  	s1 =	sadd.s32 $0x40, s1;
	[tilespmem:s5+$0xEF40] =	vst v0  }
0x35: {  	s5 =	simm.s32 $0x100;
	s1 =	simm.s32 $0x0  }
.LBB2_4:
0x36: {  	p0 =	sne.s32 s5, $0x3F00;
	[tilespmem:s1+$0x13E70] =	vst v0;
	s7 =	smov.u32 s5;
	s5 =	sadd.s32 $0x100, s5  }
.Ltmp3:
0x37: {  	[tilespmem:s1+$0x13E60] =	vst v0;
	(pc) =	sbr.rel @p0 .LBB2_4-.Ltmp3, $3  }
0x38: {  	[tilespmem:s1+$0x13E40] =	vst v0  }
0x39: {  	[tilespmem:s1+$0x13E50] =	vst v0;
	_ =	sdelay $0x1  }
0x3a: {  	s1 =	sshra.s32 s7, $0x2  }
0x3b: {  	[tilespmem:s1+$0x13E70] =	vst v0  }
0x3c: {  	[tilespmem:s1+$0x13E60] =	vst v0  }
0x3d: {  	[tilespmem:s1+$0x13E40] =	vst v0  }
0x3e: {  	[tilespmem:s1+$0x13E50] =	vst v0  }
0x3f: {  	[spmem:s9] =	stream.linear.scatter [tilespmem:s26], [sflag:$0x3], $0x1000, $0x38;
	[tilespmem:$0x1FCE0] =	vst v63  }
0x40: {  	_ =	swait.ge [sflag:s22], $0x1000  }
0x41: {  	[sflag:s22] =	ssyncset.done $0x0  }
0x42: {  	[sflag:s22] =	ssyncadd.s32 $0xFFFFF000  }
0x43: {  	[spmem:s10] =	stream.linear.scatter [tilespmem:s26], [sflag:$0x3], $0x1000, $0x38;
	[tilespmem:$0x1FCE0] =	vst v63  }
0x44: {  	_ =	swait.ge [sflag:s22], $0x1000  }
0x45: {  	[sflag:s22] =	ssyncset.done $0x0  }
0x46: {  	[sflag:s22] =	ssyncadd.s32 $0xFFFFF000  }
0x47: {  	[spmem:s11] =	stream.linear.scatter [tilespmem:s26], [sflag:$0x3], $0x1000, $0x38;
	[tilespmem:$0x1FCE0] =	vst v63  }
0x48: {  	_ =	swait.ge [sflag:s22], $0x1000  }
0x49: {  	[sflag:s22] =	ssyncset.done $0x0  }
0x4a: {  	[sflag:s22] =	ssyncadd.s32 $0xFFFFF000  }
0x4b: {  	[spmem:s12] =	stream.linear.scatter [tilespmem:s26], [sflag:$0x3], $0x1000, $0x38;
	[tilespmem:$0x1FCE0] =	vst v63  }
0x4c: {  	_ =	swait.ge [sflag:s22], $0x1000  }
0x4d: {  	[sflag:s22] =	ssyncset.done $0x0  }
0x4e: {  	[sflag:s22] =	ssyncadd.s32 $0xFFFFF000  }
0x4f: {  	[spmem:s13] =	stream.linear.scatter [tilespmem:s26], [sflag:$0x3], $0x1000, $0x38;
	[tilespmem:$0x1FCE0] =	vst v63  }
0x50: {  	_ =	swait.ge [sflag:s22], $0x1000  }
0x51: {  	[sflag:s22] =	ssyncset.done $0x0  }
0x52: {  	[sflag:s22] =	ssyncadd.s32 $0xFFFFF000  }
0x53: {  	[spmem:s14] =	stream.linear.scatter [tilespmem:s26], [sflag:$0x3], $0x1000, $0x38;
	[tilespmem:$0x1FCE0] =	vst v63  }
0x54: {  	_ =	swait.ge [sflag:s22], $0x1000  }
0x55: {  	[sflag:s22] =	ssyncset.done $0x0  }
0x56: {  	[sflag:s22] =	ssyncadd.s32 $0xFFFFF000  }
0x57: {  	[spmem:s15] =	stream.linear.scatter [tilespmem:s26], [sflag:$0x3], $0x1000, $0x38;
	[tilespmem:$0x1FCE0] =	vst v63  }
0x58: {  	_ =	swait.ge [sflag:s22], $0x1000  }
0x59: {  	[sflag:s22] =	ssyncset.done $0x0  }
0x5a: {  	[sflag:s22] =	ssyncadd.s32 $0xFFFFF000  }
0x5b: {  	[spmem:s16] =	stream.linear.scatter [tilespmem:s26], [sflag:$0x3], $0x1000, $0x38;
	[tilespmem:$0x1FCE0] =	vst v63  }
0x5c: {  	_ =	swait.ge [sflag:s22], $0x1000  }
0x5d: {  	[sflag:s22] =	ssyncset.done $0x0  }
0x5e: {  	[sflag:s22] =	ssyncadd.s32 $0xFFFFF000  }
0x5f: {  	[spmem:s17] =	stream.linear.scatter [tilespmem:s26], [sflag:$0x3], $0x1000, $0x38;
	[tilespmem:$0x1FCE0] =	vst v63  }
0x60: {  	_ =	swait.ge [sflag:s22], $0x1000  }
0x61: {  	[sflag:s22] =	ssyncset.done $0x0  }
0x62: {  	[sflag:s22] =	ssyncadd.s32 $0xFFFFF000  }
0x63: {  	[spmem:s18] =	stream.linear.scatter [tilespmem:s26], [sflag:$0x3], $0xE00, $0x38;
	[tilespmem:$0x1FCE0] =	vst v63  }
0x64: {  	_ =	swait.ge [sflag:s22], $0xE00  }
.Ltmp4:
0x65: {  	[sflag:s22] =	ssyncset.done $0x0;
	(pc) =	sbr.rel .LBB2_6-.Ltmp4, $4  }
0x66: {  	[sflag:s22] =	ssyncadd.s32 $0xFFFFF200  }
0x67: {  	[bflag:$0x0] =	sbarrier.arrive $0xFFFF  }
0x68: {  	s24 =	simm.s32 $0x9E00;
	s1 =	simm.s32 $0x0;
	v1 =	vld [tilespmem:$0x15EC0]  }
0x69: {  	v2 =	vld [tilespmem:$0x15ED0];
	[tilespmem:s26], [sflag:$0x1] =	stream.indirect.gather [hbm4b:s6+s28], $0x40, s24, s28, $0xb8  }
.LBB2_12:
0x6a: {  	_ =	sdelay $0x3  }
0x6b: {  	v11 =	vld.idx.msk [tilespmem:v11+s0+$0x0], $0xffff  }
0x6c: {  	v12 =	vld.idx.msk [tilespmem:v12+s0+$0x0], $0xffff  }
0x6d: {  	v13 =	vld.idx.msk [tilespmem:v13+s0+$0x0], $0xffff  }
0x6e: {  	v39 =	vld.idx.msk [tilespmem:v14+s0+$0x0], $0xffff  }
0x6f: {  	v15 =	vld.idx.msk [tilespmem:v15+s0+$0x0], $0xffff;
	s7 =	sadd.s32 $0x100, s5  }
0x70: {  	v21 =	vld [tilespmem:s7+$0x0]  }
0x71: {  	v40 =	vld [tilespmem:s7+$0xFFFFFF10]  }
0x72: {  	v42 =	vld [tilespmem:s7+$0xFFFFFF20]  }
0x73: {  	[tilespmem:s5+$0xFFFFFF90] =	vst v16;
	v6 =	vmul.f32 v6, v4;
	v44 =	vld [tilespmem:s7+$0xFFFFFF30]  }
0x74: {  	[tilespmem:s5+$0xFFFFFFA0] =	vst v17;
	v41 =	vmul.f32 v7, v4;
	v46 =	vld [tilespmem:s7+$0xFFFFFF40]  }
0x75: {  	v43 =	vmul.f32 v8, v5;
	v47 =	vld [tilespmem:s7+$0xFFFFFF50];
	[tilespmem:s5+$0xFFFFFFB0] =	vst v6  }
0x76: {  	v3 =	vmul.f32 v10, v3;
	v49 =	vld [tilespmem:s7+$0xFFFFFF60];
	[tilespmem:s5+$0xFFFFFFC0] =	vst v41  }
0x77: {  	v45 =	vmul.f32 v9, v5;
	v51 =	vld [tilespmem:s7+$0xFFFFFF70];
	[tilespmem:s5+$0xFFFFFFD0] =	vst v43  }
0x78: {  	v18 =	vor.u32 $0x40, v14;
	v52 =	vld [tilespmem:s7+$0xFFFFFF80];
	[tilespmem:s5+$0xFFFFFFF0] =	vst v3;
	v3 =	vmul.f32 v40, v11  }
0x79: {  	v53 =	vld [tilespmem:s7+$0xFFFFFF90];
	[tilespmem:s5+$0xFFFFFFE0] =	vst v45;
	v7 =	vmul.f32 v42, v11  }
0x7a: {  	v19 =	vmov s8;
	v54 =	vld [tilespmem:s7+$0xFFFFFFA0];
	v5 =	vmul.f32 v46, v12;
	[tilespmem:s7+$0xFFFFFF10] =	vst v3  }
0x7b: {  	v56 =	vld [tilespmem:s7+$0xFFFFFFB0];
	v3 =	vmul.f32 v44, v12;
	[tilespmem:s7+$0xFFFFFF20] =	vst v7  }
0x7c: {  	v20 =	vor.u32 $0x40, v19;
	v57 =	vld [tilespmem:s7+$0xFFFFFFC0];
	v55 =	vmul.f32 v49, v13;
	[tilespmem:s7+$0xFFFFFF40] =	vst v5  }
0x7d: {  	v18 =	vld.idx.msk [tilespmem:v18+s0+$0x0], $0xffff;
	[tilespmem:s7+$0xFFFFFF30] =	vst v3;
	v3 =	vmul.f32 v47, v13  }
0x7e: {  	v60 =	vld [tilespmem:s7+$0xFFFFFFE0];
	v58 =	vmul.f32 v52, v15;
	[tilespmem:s7+$0xFFFFFF60] =	vst v55  }
0x7f: {  	v50 =	vld.idx.msk [tilespmem:v19+s0+$0x0], $0xffff;
	[tilespmem:s7+$0xFFFFFF50] =	vst v3;
	v3 =	vmul.f32 v51, v15  }
0x80: {  	v59 =	vld [tilespmem:s7+$0xFFFFFFD0];
	v61 =	vmul.f32 v54, v39;
	[tilespmem:s7+$0xFFFFFF80] =	vst v58  }
0x81: {  	v20 =	vld.idx.msk [tilespmem:v20+s0+$0x0], $0xffff;
	[tilespmem:s7+$0xFFFFFF70] =	vst v3;
	v3 =	vmul.f32 v53, v39  }
0x82: {  	v62 =	vld [tilespmem:s7+$0xFFFFFFF0];
	[tilespmem:s7+$0xFFFFFFA0] =	vst v61;
	v4 =	vmul.f32 v57, v18  }
0x83: {  	[tilespmem:s7+$0xFFFFFF90] =	vst v3;
	v3 =	vmul.f32 v56, v18  }
0x84: {  	v63 =	vmul.f32 v60, v50;
	[tilespmem:s7+$0xFFFFFFC0] =	vst v4  }
0x85: {  	[tilespmem:s7+$0xFFFFFFB0] =	vst v3;
	v3 =	vmul.f32 v59, v50  }
0x86: {  	v48 =	vmul.f32 v21, v20;
	[tilespmem:s7+$0xFFFFFFE0] =	vst v63  }
0x87: {  	[tilespmem:s7+$0xFFFFFFD0] =	vst v3;
	v3 =	vmul.f32 v62, v20  }
0x88: {  	[tilespmem:s7+$0x0] =	vst v48  }
0x89: {  	s5 =	simm.s32 $0x3;
	[tilespmem:s7+$0xFFFFFFF0] =	vst v3  }
0x8a: {  	[spmem:s3] =	stream.indirect.scatter.add.f32 [tilespmem:s29], [sflag:$0x3], $0x40, s2, s28, $0xb8;
	[tilespmem:$0x1FCE0] =	vst v63  }
.LBB2_13:
0x8b: {  	s1 =	sadd.s32 $0x1, s1  }
0x8c: {  	p0 =	sne.s32 s1, $0xA2  }
.Ltmp5:
0x8d: {  	_ = 	snop;
	(pc) =	sbr.rel @!p0 .LBB2_14-.Ltmp5, $4  }
0x8e: {  	_ = 	snop  }
0x8f: {  	_ =	swait.ge [sflag:s5], $0x1000  }
0x90: {  	[sflag:s5] =	ssyncset.done $0x0  }
0x91: {  	[sflag:s5] =	ssyncadd.s32 $0xFFFFF000  }
.LBB2_6:
0x92: {  	s5 =	sand.u32 $0x1, s1  }
0x93: {  	p0 =	seq.s32 s5, $0x1  }
.Ltmp6:
0x94: {  	_ = 	snop;
	(pc) =	sbr.rel @p0 .LBB2_10-.Ltmp6, $2  }
0x95: {  	_ =	sdelay $0x2  }
0x96: {  	s5 =	sshll.u32 s1, $0x6  }
0x97: {  	s7 =	sand.u32 $0x3FFFFFC0, s5  }
0x98: {  	s7 =	sadd.s32 $0x9E40, s7  }
0x99: {  	[tilespmem:s29], [sflag:$0x2] =	stream.indirect.gather [hbm4b:s6+s28], $0x40, s7, s28, $0xb8;
	[tilespmem:$0x1FCE0] =	vst v63  }
0x9a: {  	v3 =	vld [tilespmem:s5+$0x9E00]  }
0x9b: {  	v4 =	vld [tilespmem:s5+$0xC680];
	_ =	sdelay $0x3  }
0x9c: {  	v3 =	vshll.u32 v3, $0x2  }
0x9d: {  	v5 =	vshll.u32 v4, $0x2;
	v6 =	vor.u32 $0x1, v3  }
0x9e: {  	v7 =	vor.u32 $0x2, v5  }
0x9f: {  	v5 =	vor.u32 $0x3, v5  }
0xa0: {  	s24 =	simm.s32 $0x0;
	[tilespmem:$0xEF00] =	vst v4  }
0xa1: {  	v3 =	vld.idx.msk [tilespmem:v3+s24+$0x0], $0xffff  }
0xa2: {  	v6 =	vld.idx.msk [tilespmem:v6+s24+$0x0], $0xffff  }
0xa3: {  	v7 =	vld.idx.msk [tilespmem:v7+s24+$0x0], $0xffff  }
0xa4: {  	v5 =	vld.idx.msk [tilespmem:v5+s24+$0x0], $0xffff;
	_ =	sdelay $0x3  }
0xa5: {  	v3 =	vadd.f32 v7, v3  }
0xa6: {  	v5 =	vadd.f32 v5, v6  }
0xa7: {  	v6 =	vmul.f32 $2.000000030e-01, v3  }
0xa8: {  	vm0 =	vgt.f32 v3, $0.0e+00;
	v7 =	vmul.f32 $2.000000030e-01, v5  }
0xa9: {  	vm9 =	vgt.f32 v5, $0.0e+00;
	v3 =	vsel vm0, v3, v6  }
0xaa: {  	v5 =	vsel vm9, v5, v7;
	v3 =	vsub.f32 v3, v1  }
0xab: {  	v5 =	vsub.f32 v5, v2  }
0xac: {  	v3 =	vmul.f32 $1.442695020e+00, v3  }
0xad: {  	v5 =	vmul.f32 $1.442695020e+00, v5  }
0xae: {  	(erf) = vpow2.f32 v3  }
0xaf: {  	(erf) = vpow2.f32 v5;
	_ =	sdelay $0x3  }
0xb0: {  	v3 =	vshll.u32 v4, $0x1  }
0xb1: {  	v4 =	vor.u32 $0x1, v3;
	_ =	sdelay $0x2  }
0xb2: {  	v5 =	vpop (erf)  }
0xb3: {  	v6 =	vpop (erf);
	[tilespmem:v3+s30+$0x0] =	vst.idx.add.f32.msk $0xffff, v5  }
0xb4: {  	[tilespmem:v4+s30+$0x0] =	vst.idx.add.f32.msk $0xffff, v6  }
0xb5: {  	[tilespmem:$0x15E40] =	vst v5  }
0xb6: {  	[tilespmem:$0x15E80] =	vst v6  }
0xb7: {  	v3 =	vld [tilespmem:s5+$0x9E10]  }
0xb8: {  	v4 =	vld [tilespmem:s5+$0xC690];
	_ =	sdelay $0x3  }
0xb9: {  	v3 =	vshll.u32 v3, $0x2  }
0xba: {  	v5 =	vshll.u32 v4, $0x2;
	v6 =	vor.u32 $0x1, v3  }
0xbb: {  	v7 =	vor.u32 $0x2, v5  }
0xbc: {  	v5 =	vor.u32 $0x3, v5  }
0xbd: {  	[tilespmem:$0xEF10] =	vst v4  }
0xbe: {  	v3 =	vld.idx.msk [tilespmem:v3+s24+$0x0], $0xffff  }
0xbf: {  	v6 =	vld.idx.msk [tilespmem:v6+s24+$0x0], $0xffff  }
0xc0: {  	v7 =	vld.idx.msk [tilespmem:v7+s24+$0x0], $0xffff  }
0xc1: {  	v5 =	vld.idx.msk [tilespmem:v5+s24+$0x0], $0xffff;
	_ =	sdelay $0x3  }
0xc2: {  	v3 =	vadd.f32 v7, v3  }
0xc3: {  	v5 =	vadd.f32 v5, v6  }
0xc4: {  	v6 =	vmul.f32 $2.000000030e-01, v3  }
0xc5: {  	vm10 =	vgt.f32 v3, $0.0e+00;
	v7 =	vmul.f32 $2.000000030e-01, v5  }
0xc6: {  	vm11 =	vgt.f32 v5, $0.0e+00;
	v3 =	vsel vm10, v3, v6  }
0xc7: {  	v5 =	vsel vm11, v5, v7;
	v3 =	vsub.f32 v3, v1  }
0xc8: {  	v5 =	vsub.f32 v5, v2  }
0xc9: {  	v3 =	vmul.f32 $1.442695020e+00, v3  }
0xca: {  	v5 =	vmul.f32 $1.442695020e+00, v5  }
0xcb: {  	(erf) = vpow2.f32 v3  }
0xcc: {  	(erf) = vpow2.f32 v5;
	_ =	sdelay $0x3  }
0xcd: {  	v3 =	vshll.u32 v4, $0x1  }
0xce: {  	v4 =	vor.u32 $0x1, v3;
	_ =	sdelay $0x2  }
0xcf: {  	v5 =	vpop (erf)  }
0xd0: {  	v6 =	vpop (erf);
	[tilespmem:v3+s30+$0x0] =	vst.idx.add.f32.msk $0xffff, v5  }
0xd1: {  	[tilespmem:v4+s30+$0x0] =	vst.idx.add.f32.msk $0xffff, v6  }
0xd2: {  	[tilespmem:$0x15E50] =	vst v5  }
0xd3: {  	[tilespmem:$0x15E90] =	vst v6  }
0xd4: {  	v3 =	vld [tilespmem:s5+$0x9E20]  }
0xd5: {  	v4 =	vld [tilespmem:s5+$0xC6A0];
	_ =	sdelay $0x3  }
0xd6: {  	v3 =	vshll.u32 v3, $0x2  }
0xd7: {  	v5 =	vshll.u32 v4, $0x2;
	v6 =	vor.u32 $0x1, v3  }
0xd8: {  	v7 =	vor.u32 $0x2, v5  }
0xd9: {  	v5 =	vor.u32 $0x3, v5  }
0xda: {  	[tilespmem:$0xEF20] =	vst v4  }
0xdb: {  	v3 =	vld.idx.msk [tilespmem:v3+s24+$0x0], $0xffff  }
0xdc: {  	v6 =	vld.idx.msk [tilespmem:v6+s24+$0x0], $0xffff  }
0xdd: {  	v7 =	vld.idx.msk [tilespmem:v7+s24+$0x0], $0xffff  }
0xde: {  	v5 =	vld.idx.msk [tilespmem:v5+s24+$0x0], $0xffff;
	_ =	sdelay $0x3  }
0xdf: {  	v3 =	vadd.f32 v7, v3  }
0xe0: {  	v5 =	vadd.f32 v5, v6  }
0xe1: {  	v6 =	vmul.f32 $2.000000030e-01, v3  }
0xe2: {  	vm12 =	vgt.f32 v3, $0.0e+00;
	v7 =	vmul.f32 $2.000000030e-01, v5  }
0xe3: {  	vm13 =	vgt.f32 v5, $0.0e+00;
	v3 =	vsel vm12, v3, v6  }
0xe4: {  	v5 =	vsel vm13, v5, v7;
	v3 =	vsub.f32 v3, v1  }
0xe5: {  	v5 =	vsub.f32 v5, v2  }
0xe6: {  	v3 =	vmul.f32 $1.442695020e+00, v3  }
0xe7: {  	v5 =	vmul.f32 $1.442695020e+00, v5  }
0xe8: {  	(erf) = vpow2.f32 v3  }
0xe9: {  	(erf) = vpow2.f32 v5;
	_ =	sdelay $0x3  }
0xea: {  	v3 =	vshll.u32 v4, $0x1  }
0xeb: {  	v4 =	vor.u32 $0x1, v3;
	_ =	sdelay $0x2  }
0xec: {  	v5 =	vpop (erf)  }
0xed: {  	v6 =	vpop (erf);
	[tilespmem:v3+s30+$0x0] =	vst.idx.add.f32.msk $0xffff, v5  }
0xee: {  	[tilespmem:v4+s30+$0x0] =	vst.idx.add.f32.msk $0xffff, v6  }
0xef: {  	[tilespmem:$0x15E60] =	vst v5  }
0xf0: {  	[tilespmem:$0x15EA0] =	vst v6  }
0xf1: {  	v3 =	vld [tilespmem:s5+$0x9E30]  }
0xf2: {  	v4 =	vld [tilespmem:s5+$0xC6B0];
	_ =	sdelay $0x3  }
0xf3: {  	v3 =	vshll.u32 v3, $0x2  }
0xf4: {  	v5 =	vshll.u32 v4, $0x2;
	v6 =	vor.u32 $0x1, v3  }
0xf5: {  	v7 =	vor.u32 $0x2, v5  }
0xf6: {  	v5 =	vor.u32 $0x3, v5  }
0xf7: {  	[tilespmem:$0xEF30] =	vst v4  }
0xf8: {  	v3 =	vld.idx.msk [tilespmem:v3+s24+$0x0], $0xffff  }
0xf9: {  	v6 =	vld.idx.msk [tilespmem:v6+s24+$0x0], $0xffff  }
0xfa: {  	v7 =	vld.idx.msk [tilespmem:v7+s24+$0x0], $0xffff  }
0xfb: {  	v5 =	vld.idx.msk [tilespmem:v5+s24+$0x0], $0xffff;
	_ =	sdelay $0x3  }
0xfc: {  	v3 =	vadd.f32 v7, v3  }
0xfd: {  	v5 =	vadd.f32 v5, v6  }
0xfe: {  	v6 =	vmul.f32 $2.000000030e-01, v3  }
0xff: {  	vm14 =	vgt.f32 v3, $0.0e+00;
	v7 =	vmul.f32 $2.000000030e-01, v5  }
0x100: {  	vm15 =	vgt.f32 v5, $0.0e+00;
	v3 =	vsel vm14, v3, v6  }
0x101: {  	v5 =	vsel vm15, v5, v7;
	v3 =	vsub.f32 v3, v1  }
0x102: {  	v5 =	vsub.f32 v5, v2  }
0x103: {  	v3 =	vmul.f32 $1.442695020e+00, v3  }
0x104: {  	v5 =	vmul.f32 $1.442695020e+00, v5  }
0x105: {  	(erf) = vpow2.f32 v3  }
0x106: {  	(erf) = vpow2.f32 v5;
	_ =	sdelay $0x3  }
0x107: {  	v3 =	vshll.u32 v4, $0x1  }
0x108: {  	v4 =	vor.u32 $0x1, v3;
	_ =	sdelay $0x2  }
0x109: {  	v5 =	vpop (erf)  }
0x10a: {  	v6 =	vpop (erf);
	[tilespmem:v3+s30+$0x0] =	vst.idx.add.f32.msk $0xffff, v5  }
0x10b: {  	[tilespmem:v4+s30+$0x0] =	vst.idx.add.f32.msk $0xffff, v6  }
0x10c: {  	v3 =	vmov s24;
	[tilespmem:$0x15E70] =	vst v5  }
0x10d: {  	v4 =	vor.u32 $0x40, v3;
	[tilespmem:$0x15EB0] =	vst v6  }
0x10e: {  	s8 =	simm.s32 $0x1;
	_ =	swait.ge [sflag:s31], $0x1000  }
0x10f: {  	s24 =	simm.s32 $0x2;
	v5 =	vmov s8;
	[sflag:s31] =	ssyncset.done $0x0  }
0x110: {  	v6 =	vmov s24;
	[sflag:s31] =	ssyncadd.s32 $0xFFFFF000  }
0x111: {  	v8 =	vld.idx.msk [tilespmem:v3+s0+$0x0], $0xffff  }
0x112: {  	s5 =	simm.s32 $0x13EC0;
	v10 =	vld.idx.msk [tilespmem:v4+s0+$0x0], $0xffff  }
0x113: {  	v7 =	vor.u32 $0x40, v5;
	v14 =	vld [tilespmem:s5+$0xFFFFFFB0]  }
0x114: {  	s7 =	simm.s32 $0x3;
	v12 =	vld.idx.msk [tilespmem:v5+s0+$0x0], $0xffff  }
0x115: {  	v9 =	vmov s7;
	v3 =	vor.u32 $0x40, v6;
	v17 =	vld.idx.msk [tilespmem:v6+s0+$0x0], $0xffff  }
0x116: {  	v11 =	vor.u32 $0x40, v9;
	v5 =	vld [tilespmem:s5+$0x70]  }
0x117: {  	v6 =	vld [tilespmem:s5+$0xFFFFFF80]  }
0x118: {  	v13 =	vld.idx.msk [tilespmem:v7+s0+$0x0], $0xffff  }
0x119: {  	v7 =	vld [tilespmem:s5+$0xFFFFFF90]  }
0x11a: {  	v4 =	vld.idx.msk [tilespmem:v3+s0+$0x0], $0xffff  }
0x11b: {  	v3 =	vld.idx.msk [tilespmem:v11+s0+$0x0], $0xffff  }
0x11c: {  	v11 =	vld [tilespmem:s5+$0xFFFFFFA0]  }
0x11d: {  	v15 =	vld [tilespmem:s5+$0xFFFFFFC0]  }
0x11e: {  	v18 =	vld [tilespmem:s5+$0xFFFFFFD0];
	v7 =	vmul.f32 v7, v8  }
0x11f: {  	v6 =	vmul.f32 v6, v8;
	v8 =	vld [tilespmem:s5+$0xFFFFFFE0]  }
0x120: {  	[tilespmem:s5+$0xFFFFFF90] =	vst v7;
	v7 =	vmul.f32 v14, v10;
	v16 =	vmul.f32 v5, v3;
	v5 =	vld.idx.msk [tilespmem:v9+s0+$0x0], $0xffff  }
0x121: {  	[tilespmem:s5+$0xFFFFFF80] =	vst v6;
	v6 =	vmul.f32 v11, v10;
	v9 =	vld [tilespmem:s5+$0xFFFFFFF0]  }
0x122: {  	v10 =	vld [tilespmem:s5+$0x0];
	v11 =	vmul.f32 v15, v12;
	[tilespmem:s5+$0xFFFFFFB0] =	vst v7  }
0x123: {  	s8 =	simm.s32 $0x4;
	v19 =	vld [tilespmem:s5+$0x10];
	v12 =	vmul.f32 v18, v12;
	[tilespmem:s5+$0xFFFFFFA0] =	vst v6  }
0x124: {  	v6 =	vld [tilespmem:s5+$0x20];
	[tilespmem:s5+$0xFFFFFFC0] =	vst v11;
	v11 =	vmov s8  }
0x125: {  	s24 =	simm.s32 $0x5;
	v7 =	vld [tilespmem:s5+$0x30];
	v15 =	vmul.f32 v8, v13;
	[tilespmem:s5+$0xFFFFFFD0] =	vst v12;
	v12 =	vor.u32 $0x40, v11  }
0x126: {  	[tilespmem:s5+$0x70] =	vst v16;
	v8 =	vld [tilespmem:s5+$0x40];
	v18 =	vmul.f32 v9, v13;
	v13 =	vmov s24  }
0x127: {  	s8 =	simm.s32 $0x6;
	[tilespmem:s5+$0xFFFFFFE0] =	vst v15;
	v9 =	vld [tilespmem:s5+$0x50];
	v16 =	vmul.f32 v10, v17  }
0x128: {  	s7 =	simm.s32 $0x8;
	v14 =	vmov s8;
	s8 =	simm.s32 $0x7;
	v17 =	vmul.f32 v19, v17;
	v10 =	vld [tilespmem:s5+$0x60];
	v15 =	vor.u32 $0x40, v13;
	[tilespmem:s5+$0xFFFFFFF0] =	vst v18  }
.LBB2_8:
0x129: {  	p0 =	slt.u32 s7, $0x3C;
	v11 =	vld.idx.msk [tilespmem:v11+s0+$0x0], $0xffff;
	v18 =	vor.u32 $0x40, v14;
	v19 =	vmov s8;
	[tilespmem:s5+$0x0] =	vst v16;
	v6 =	vmul.f32 v6, v4  }
0x12a: {  	v12 =	vld.idx.msk [tilespmem:v12+s0+$0x0], $0xffff;
	v16 =	vor.u32 $0x40, v19;
	[tilespmem:s5+$0x10] =	vst v17;
	v4 =	vmul.f32 v7, v4  }
0x12b: {  	v7 =	vld.idx.msk [tilespmem:v13+s0+$0x0], $0xffff;
	[tilespmem:s5+$0x20] =	vst v6;
	v6 =	vmul.f32 v8, v5  }
0x12c: {  	v17 =	vld.idx.msk [tilespmem:v14+s0+$0x0], $0xffff;
	[tilespmem:s5+$0x30] =	vst v4;
	v5 =	vmul.f32 v9, v5  }
0x12d: {  	v8 =	vld.idx.msk [tilespmem:v15+s0+$0x0], $0xffff;
	[tilespmem:s5+$0x40] =	vst v6;
	v6 =	vmul.f32 v10, v3  }
0x12e: {  	v4 =	vld.idx.msk [tilespmem:v18+s0+$0x0], $0xffff;
	[tilespmem:s5+$0x50] =	vst v5  }
0x12f: {  	v3 =	vld.idx.msk [tilespmem:v16+s0+$0x0], $0xffff;
	[tilespmem:s5+$0x60] =	vst v6;
	s5 =	sadd.s32 $0x100, s5  }
0x130: {  	v5 =	vld [tilespmem:s5+$0x70]  }
0x131: {  	v6 =	vld [tilespmem:s5+$0xFFFFFF80]  }
0x132: {  	v9 =	vld [tilespmem:s5+$0xFFFFFF90]  }
0x133: {  	v10 =	vld [tilespmem:s5+$0xFFFFFFA0]  }
0x134: {  	v13 =	vld [tilespmem:s5+$0xFFFFFFB0]  }
0x135: {  	v14 =	vld [tilespmem:s5+$0xFFFFFFC0];
	v15 =	vmul.f32 v5, v3  }
0x136: {  	v6 =	vmul.f32 v6, v11;
	v16 =	vld [tilespmem:s5+$0xFFFFFFD0]  }
0x137: {  	v9 =	vmul.f32 v9, v11;
	v5 =	vld.idx.msk [tilespmem:v19+s0+$0x0], $0xffff;
	[tilespmem:s5+$0x70] =	vst v15  }
0x138: {  	[tilespmem:s5+$0xFFFFFF80] =	vst v6;
	v6 =	vmul.f32 v10, v12;
	v10 =	vld [tilespmem:s5+$0xFFFFFFE0]  }
0x139: {  	[tilespmem:s5+$0xFFFFFF90] =	vst v9;
	v9 =	vmul.f32 v13, v12;
	v15 =	vld [tilespmem:s5+$0xFFFFFFF0]  }
0x13a: {  	[tilespmem:s5+$0xFFFFFFA0] =	vst v6;
	v6 =	vmul.f32 v14, v7;
	v18 =	vld [tilespmem:s5+$0x0]  }
0x13b: {  	[tilespmem:s5+$0xFFFFFFB0] =	vst v9;
	v7 =	vmul.f32 v16, v7;
	v19 =	vld [tilespmem:s5+$0x10]  }
.Ltmp7:
0x13c: {  	v11 =	vmov s7;
	[tilespmem:s5+$0xFFFFFFC0] =	vst v6;
	v6 =	vld [tilespmem:s5+$0x20];
	(pc) =	sbr.rel @p0 .LBB2_8-.Ltmp7, $4  }
0x13d: {  	s8 =	sadd.s32 $0x1, s7;
	v12 =	vor.u32 $0x40, v11;
	[tilespmem:s5+$0xFFFFFFD0] =	vst v7;
	v9 =	vmul.f32 v10, v8;
	v7 =	vld [tilespmem:s5+$0x30]  }
0x13e: {  	v13 =	vmov s8;
	s8 =	sadd.s32 $0x2, s7;
	v10 =	vmul.f32 v15, v8;
	v8 =	vld [tilespmem:s5+$0x40]  }
0x13f: {  	v14 =	vmov s8;
	[tilespmem:s5+$0xFFFFFFE0] =	vst v9;
	v16 =	vmul.f32 v18, v17;
	v9 =	vld [tilespmem:s5+$0x50]  }
0x140: {  	s8 =	sadd.s32 $0x3, s7;
	s7 =	sadd.s32 $0x4, s7;
	v15 =	vor.u32 $0x40, v13;
	[tilespmem:s5+$0xFFFFFFF0] =	vst v10;
	v17 =	vmul.f32 v19, v17;
	v10 =	vld [tilespmem:s5+$0x60]  }
0x141: {  	_ =	sdelay $0x3  }
0x142: {  	v11 =	vld.idx.msk [tilespmem:v11+s0+$0x0], $0xffff  }
0x143: {  	v12 =	vld.idx.msk [tilespmem:v12+s0+$0x0], $0xffff  }
0x144: {  	v13 =	vld.idx.msk [tilespmem:v13+s0+$0x0], $0xffff  }
0x145: {  	v39 =	vld.idx.msk [tilespmem:v14+s0+$0x0], $0xffff  }
0x146: {  	v15 =	vld.idx.msk [tilespmem:v15+s0+$0x0], $0xffff;
	s7 =	sadd.s32 $0x100, s5  }
0x147: {  	v21 =	vld [tilespmem:s7+$0x70]  }
0x148: {  	v40 =	vld [tilespmem:s7+$0xFFFFFF80]  }
0x149: {  	v42 =	vld [tilespmem:s7+$0xFFFFFF90]  }
0x14a: {  	[tilespmem:s5+$0x0] =	vst v16;
	v6 =	vmul.f32 v6, v4;
	v44 =	vld [tilespmem:s7+$0xFFFFFFA0]  }
0x14b: {  	[tilespmem:s5+$0x10] =	vst v17;
	v41 =	vmul.f32 v7, v4;
	v46 =	vld [tilespmem:s7+$0xFFFFFFB0]  }
0x14c: {  	v47 =	vld [tilespmem:s7+$0xFFFFFFC0];
	[tilespmem:s5+$0x20] =	vst v6;
	v43 =	vmul.f32 v8, v5  }
0x14d: {  	v49 =	vld [tilespmem:s7+$0xFFFFFFD0];
	[tilespmem:s5+$0x30] =	vst v41;
	v3 =	vmul.f32 v10, v3  }
0x14e: {  	v51 =	vld [tilespmem:s7+$0xFFFFFFE0];
	v45 =	vmul.f32 v9, v5;
	[tilespmem:s5+$0x40] =	vst v43  }
0x14f: {  	v18 =	vor.u32 $0x40, v14;
	v52 =	vld [tilespmem:s7+$0xFFFFFFF0];
	[tilespmem:s5+$0x60] =	vst v3;
	v3 =	vmul.f32 v40, v11  }
0x150: {  	v53 =	vld [tilespmem:s7+$0x0];
	[tilespmem:s5+$0x50] =	vst v45;
	v7 =	vmul.f32 v42, v11  }
0x151: {  	v19 =	vmov s8;
	v54 =	vld [tilespmem:s7+$0x10];
	v5 =	vmul.f32 v46, v12;
	[tilespmem:s7+$0xFFFFFF80] =	vst v3  }
0x152: {  	v56 =	vld [tilespmem:s7+$0x20];
	v3 =	vmul.f32 v44, v12;
	[tilespmem:s7+$0xFFFFFF90] =	vst v7  }
0x153: {  	v20 =	vor.u32 $0x40, v19;
	v57 =	vld [tilespmem:s7+$0x30];
	v55 =	vmul.f32 v49, v13;
	[tilespmem:s7+$0xFFFFFFB0] =	vst v5  }
0x154: {  	v18 =	vld.idx.msk [tilespmem:v18+s0+$0x0], $0xffff;
	[tilespmem:s7+$0xFFFFFFA0] =	vst v3;
	v3 =	vmul.f32 v47, v13  }
0x155: {  	v60 =	vld [tilespmem:s7+$0x50];
	v58 =	vmul.f32 v52, v15;
	[tilespmem:s7+$0xFFFFFFD0] =	vst v55  }
0x156: {  	v50 =	vld.idx.msk [tilespmem:v19+s0+$0x0], $0xffff;
	[tilespmem:s7+$0xFFFFFFC0] =	vst v3;
	v3 =	vmul.f32 v51, v15  }
0x157: {  	v59 =	vld [tilespmem:s7+$0x40];
	v61 =	vmul.f32 v54, v39;
	[tilespmem:s7+$0xFFFFFFF0] =	vst v58  }
0x158: {  	v20 =	vld.idx.msk [tilespmem:v20+s0+$0x0], $0xffff;
	[tilespmem:s7+$0xFFFFFFE0] =	vst v3;
	v3 =	vmul.f32 v53, v39  }
0x159: {  	v62 =	vld [tilespmem:s7+$0x60];
	[tilespmem:s7+$0x10] =	vst v61;
	v4 =	vmul.f32 v57, v18  }
0x15a: {  	[tilespmem:s7+$0x0] =	vst v3;
	v3 =	vmul.f32 v56, v18  }
0x15b: {  	v63 =	vmul.f32 v60, v50;
	[tilespmem:s7+$0x30] =	vst v4  }
0x15c: {  	[tilespmem:s7+$0x20] =	vst v3;
	v3 =	vmul.f32 v59, v50  }
.Ltmp8:
0x15d: {  	v48 =	vmul.f32 v21, v20;
	[tilespmem:s7+$0x50] =	vst v63;
	(pc) =	sbr.rel .LBB2_13-.Ltmp8, $4  }
0x15e: {  	[tilespmem:s7+$0x40] =	vst v3;
	v3 =	vmul.f32 v62, v20  }
0x15f: {  	[tilespmem:s7+$0x70] =	vst v48  }
0x160: {  	s5 =	simm.s32 $0x4;
	[tilespmem:s7+$0x60] =	vst v3  }
0x161: {  	[spmem:s3] =	stream.indirect.scatter.add.f32 [tilespmem:s26], [sflag:$0x4], $0x40, s2, s28, $0xb8;
	[tilespmem:$0x1FCE0] =	vst v63  }
.LBB2_10:
0x162: {  	p0 =	seq.s32 s1, $0xA1  }
0x163: {  	s7 =	sshll.u32 @!p0 s1, $0x6  }
0x164: {  	s7 =	sand.u32 @!p0 $0x3FFFFFC0, s7  }
0x165: {  	s8 =	simm.s32 @!p0 $0x40;
	s24 =	simm.s32 @!p0 $0x13E40;
	s7 =	sadd.s32 @!p0 $0x9E40, s7  }
0x166: {  	[tilespmem:s24], [sflag:$0x1] =	stream.indirect.gather @!p0 [hbm4b:s6+s8], $0x40, s7, s8, $0xb8;
	[tilespmem:$0x1FCE0] =	vst v63  }
0x167: {  	v3 =	vld [tilespmem:s5+$0x9E00]  }
0x168: {  	v4 =	vld [tilespmem:s5+$0xC680];
	_ =	sdelay $0x3  }
0x169: {  	v3 =	vshll.u32 v3, $0x2  }
0x16a: {  	v5 =	vshll.u32 v4, $0x2;
	v6 =	vor.u32 $0x1, v3  }
0x16b: {  	v7 =	vor.u32 $0x2, v5  }
0x16c: {  	v5 =	vor.u32 $0x3, v5  }
0x16d: {  	s8 =	simm.s32 $0x0;
	[tilespmem:$0xEF00] =	vst v4  }
0x16e: {  	v3 =	vld.idx.msk [tilespmem:v3+s8+$0x0], $0xffff  }
0x16f: {  	v6 =	vld.idx.msk [tilespmem:v6+s8+$0x0], $0xffff  }
0x170: {  	v7 =	vld.idx.msk [tilespmem:v7+s8+$0x0], $0xffff  }
0x171: {  	v5 =	vld.idx.msk [tilespmem:v5+s8+$0x0], $0xffff;
	_ =	sdelay $0x3  }
0x172: {  	v3 =	vadd.f32 v7, v3  }
0x173: {  	v5 =	vadd.f32 v5, v6  }
0x174: {  	v6 =	vmul.f32 $2.000000030e-01, v3  }
0x175: {  	vm0 =	vgt.f32 v3, $0.0e+00;
	v7 =	vmul.f32 $2.000000030e-01, v5  }
0x176: {  	vm9 =	vgt.f32 v5, $0.0e+00;
	v3 =	vsel vm0, v3, v6  }
0x177: {  	v5 =	vsel vm9, v5, v7;
	v3 =	vsub.f32 v3, v1  }
0x178: {  	v5 =	vsub.f32 v5, v2  }
0x179: {  	v3 =	vmul.f32 $1.442695020e+00, v3  }
0x17a: {  	v5 =	vmul.f32 $1.442695020e+00, v5  }
0x17b: {  	(erf) = vpow2.f32 v3  }
0x17c: {  	(erf) = vpow2.f32 v5;
	_ =	sdelay $0x3  }
0x17d: {  	v3 =	vshll.u32 v4, $0x1  }
0x17e: {  	v4 =	vor.u32 $0x1, v3;
	_ =	sdelay $0x2  }
0x17f: {  	v5 =	vpop (erf)  }
0x180: {  	v6 =	vpop (erf);
	[tilespmem:v3+s30+$0x0] =	vst.idx.add.f32.msk $0xffff, v5  }
0x181: {  	[tilespmem:v4+s30+$0x0] =	vst.idx.add.f32.msk $0xffff, v6  }
0x182: {  	[tilespmem:$0x15E40] =	vst v5  }
0x183: {  	[tilespmem:$0x15E80] =	vst v6  }
0x184: {  	v3 =	vld [tilespmem:s5+$0x9E10]  }
0x185: {  	v4 =	vld [tilespmem:s5+$0xC690];
	_ =	sdelay $0x3  }
0x186: {  	v3 =	vshll.u32 v3, $0x2  }
0x187: {  	v5 =	vshll.u32 v4, $0x2;
	v6 =	vor.u32 $0x1, v3  }
0x188: {  	v7 =	vor.u32 $0x2, v5  }
0x189: {  	v5 =	vor.u32 $0x3, v5  }
0x18a: {  	[tilespmem:$0xEF10] =	vst v4  }
0x18b: {  	v3 =	vld.idx.msk [tilespmem:v3+s8+$0x0], $0xffff  }
0x18c: {  	v6 =	vld.idx.msk [tilespmem:v6+s8+$0x0], $0xffff  }
0x18d: {  	v7 =	vld.idx.msk [tilespmem:v7+s8+$0x0], $0xffff  }
0x18e: {  	v5 =	vld.idx.msk [tilespmem:v5+s8+$0x0], $0xffff;
	_ =	sdelay $0x3  }
0x18f: {  	v3 =	vadd.f32 v7, v3  }
0x190: {  	v5 =	vadd.f32 v5, v6  }
0x191: {  	v6 =	vmul.f32 $2.000000030e-01, v3  }
0x192: {  	vm10 =	vgt.f32 v3, $0.0e+00;
	v7 =	vmul.f32 $2.000000030e-01, v5  }
0x193: {  	vm11 =	vgt.f32 v5, $0.0e+00;
	v3 =	vsel vm10, v3, v6  }
0x194: {  	v5 =	vsel vm11, v5, v7;
	v3 =	vsub.f32 v3, v1  }
0x195: {  	v5 =	vsub.f32 v5, v2  }
0x196: {  	v3 =	vmul.f32 $1.442695020e+00, v3  }
0x197: {  	v5 =	vmul.f32 $1.442695020e+00, v5  }
0x198: {  	(erf) = vpow2.f32 v3  }
0x199: {  	(erf) = vpow2.f32 v5;
	_ =	sdelay $0x3  }
0x19a: {  	v3 =	vshll.u32 v4, $0x1  }
0x19b: {  	v4 =	vor.u32 $0x1, v3;
	_ =	sdelay $0x2  }
0x19c: {  	v5 =	vpop (erf)  }
0x19d: {  	v6 =	vpop (erf);
	[tilespmem:v3+s30+$0x0] =	vst.idx.add.f32.msk $0xffff, v5  }
0x19e: {  	[tilespmem:v4+s30+$0x0] =	vst.idx.add.f32.msk $0xffff, v6  }
0x19f: {  	[tilespmem:$0x15E50] =	vst v5  }
0x1a0: {  	[tilespmem:$0x15E90] =	vst v6  }
0x1a1: {  	v3 =	vld [tilespmem:s5+$0x9E20]  }
0x1a2: {  	v4 =	vld [tilespmem:s5+$0xC6A0];
	_ =	sdelay $0x3  }
0x1a3: {  	v3 =	vshll.u32 v3, $0x2  }
0x1a4: {  	v5 =	vshll.u32 v4, $0x2;
	v6 =	vor.u32 $0x1, v3  }
0x1a5: {  	v7 =	vor.u32 $0x2, v5  }
0x1a6: {  	v5 =	vor.u32 $0x3, v5  }
0x1a7: {  	[tilespmem:$0xEF20] =	vst v4  }
0x1a8: {  	v3 =	vld.idx.msk [tilespmem:v3+s8+$0x0], $0xffff  }
0x1a9: {  	v6 =	vld.idx.msk [tilespmem:v6+s8+$0x0], $0xffff  }
0x1aa: {  	v7 =	vld.idx.msk [tilespmem:v7+s8+$0x0], $0xffff  }
0x1ab: {  	v5 =	vld.idx.msk [tilespmem:v5+s8+$0x0], $0xffff;
	_ =	sdelay $0x3  }
0x1ac: {  	v3 =	vadd.f32 v7, v3  }
0x1ad: {  	v5 =	vadd.f32 v5, v6  }
0x1ae: {  	v6 =	vmul.f32 $2.000000030e-01, v3  }
0x1af: {  	vm12 =	vgt.f32 v3, $0.0e+00;
	v7 =	vmul.f32 $2.000000030e-01, v5  }
0x1b0: {  	vm13 =	vgt.f32 v5, $0.0e+00;
	v3 =	vsel vm12, v3, v6  }
0x1b1: {  	v5 =	vsel vm13, v5, v7;
	v3 =	vsub.f32 v3, v1  }
0x1b2: {  	v5 =	vsub.f32 v5, v2  }
0x1b3: {  	v3 =	vmul.f32 $1.442695020e+00, v3  }
0x1b4: {  	v5 =	vmul.f32 $1.442695020e+00, v5  }
0x1b5: {  	(erf) = vpow2.f32 v3  }
0x1b6: {  	(erf) = vpow2.f32 v5;
	_ =	sdelay $0x3  }
0x1b7: {  	v3 =	vshll.u32 v4, $0x1  }
0x1b8: {  	v4 =	vor.u32 $0x1, v3;
	_ =	sdelay $0x2  }
0x1b9: {  	v5 =	vpop (erf)  }
0x1ba: {  	v6 =	vpop (erf);
	[tilespmem:v3+s30+$0x0] =	vst.idx.add.f32.msk $0xffff, v5  }
0x1bb: {  	[tilespmem:v4+s30+$0x0] =	vst.idx.add.f32.msk $0xffff, v6  }
0x1bc: {  	[tilespmem:$0x15E60] =	vst v5  }
0x1bd: {  	[tilespmem:$0x15EA0] =	vst v6  }
0x1be: {  	v3 =	vld [tilespmem:s5+$0x9E30]  }
0x1bf: {  	v4 =	vld [tilespmem:s5+$0xC6B0];
	_ =	sdelay $0x3  }
0x1c0: {  	v3 =	vshll.u32 v3, $0x2  }
0x1c1: {  	v5 =	vshll.u32 v4, $0x2;
	v6 =	vor.u32 $0x1, v3  }
0x1c2: {  	v7 =	vor.u32 $0x2, v5  }
0x1c3: {  	v5 =	vor.u32 $0x3, v5  }
0x1c4: {  	[tilespmem:$0xEF30] =	vst v4  }
0x1c5: {  	v3 =	vld.idx.msk [tilespmem:v3+s8+$0x0], $0xffff  }
0x1c6: {  	v6 =	vld.idx.msk [tilespmem:v6+s8+$0x0], $0xffff  }
0x1c7: {  	v7 =	vld.idx.msk [tilespmem:v7+s8+$0x0], $0xffff  }
0x1c8: {  	v5 =	vld.idx.msk [tilespmem:v5+s8+$0x0], $0xffff;
	_ =	sdelay $0x3  }
0x1c9: {  	v3 =	vadd.f32 v7, v3  }
0x1ca: {  	v5 =	vadd.f32 v5, v6  }
0x1cb: {  	v6 =	vmul.f32 $2.000000030e-01, v3  }
0x1cc: {  	vm14 =	vgt.f32 v3, $0.0e+00;
	v7 =	vmul.f32 $2.000000030e-01, v5  }
0x1cd: {  	vm15 =	vgt.f32 v5, $0.0e+00;
	v3 =	vsel vm14, v3, v6  }
0x1ce: {  	v5 =	vsel vm15, v5, v7;
	v3 =	vsub.f32 v3, v1  }
0x1cf: {  	v5 =	vsub.f32 v5, v2  }
0x1d0: {  	v3 =	vmul.f32 $1.442695020e+00, v3  }
0x1d1: {  	v5 =	vmul.f32 $1.442695020e+00, v5  }
0x1d2: {  	(erf) = vpow2.f32 v3  }
0x1d3: {  	(erf) = vpow2.f32 v5;
	_ =	sdelay $0x3  }
0x1d4: {  	v3 =	vshll.u32 v4, $0x1  }
0x1d5: {  	v4 =	vor.u32 $0x1, v3;
	_ =	sdelay $0x2  }
0x1d6: {  	v5 =	vpop (erf)  }
0x1d7: {  	v6 =	vpop (erf);
	[tilespmem:v3+s30+$0x0] =	vst.idx.add.f32.msk $0xffff, v5  }
0x1d8: {  	[tilespmem:v4+s30+$0x0] =	vst.idx.add.f32.msk $0xffff, v6  }
0x1d9: {  	v3 =	vmov s8;
	[tilespmem:$0x15E70] =	vst v5  }
0x1da: {  	v4 =	vor.u32 $0x40, v3;
	[tilespmem:$0x15EB0] =	vst v6  }
0x1db: {  	s24 =	simm.s32 $0x1;
	_ =	swait.ge [sflag:s23], $0x1000  }
0x1dc: {  	s7 =	simm.s32 $0x2;
	v5 =	vmov s24;
	[sflag:s23] =	ssyncset.done $0x0  }
0x1dd: {  	v6 =	vmov s7;
	[sflag:s23] =	ssyncadd.s32 $0xFFFFF000  }
0x1de: {  	v8 =	vld.idx.msk [tilespmem:v3+s0+$0x0], $0xffff  }
0x1df: {  	s5 =	simm.s32 $0x14F30;
	v10 =	vld.idx.msk [tilespmem:v4+s0+$0x0], $0xffff  }
0x1e0: {  	v7 =	vor.u32 $0x40, v5;
	v14 =	vld [tilespmem:s5+$0xFFFFFF40]  }
0x1e1: {  	s8 =	simm.s32 $0x3;
	v12 =	vld.idx.msk [tilespmem:v5+s0+$0x0], $0xffff  }
0x1e2: {  	v9 =	vmov s8;
	v3 =	vor.u32 $0x40, v6;
	v17 =	vld.idx.msk [tilespmem:v6+s0+$0x0], $0xffff  }
0x1e3: {  	v11 =	vor.u32 $0x40, v9;
	v5 =	vld [tilespmem:s5+$0x0]  }
0x1e4: {  	v6 =	vld [tilespmem:s5+$0xFFFFFF10]  }
0x1e5: {  	v13 =	vld.idx.msk [tilespmem:v7+s0+$0x0], $0xffff  }
0x1e6: {  	v7 =	vld [tilespmem:s5+$0xFFFFFF20]  }
0x1e7: {  	v4 =	vld.idx.msk [tilespmem:v3+s0+$0x0], $0xffff  }
0x1e8: {  	v3 =	vld.idx.msk [tilespmem:v11+s0+$0x0], $0xffff  }
0x1e9: {  	v11 =	vld [tilespmem:s5+$0xFFFFFF30]  }
0x1ea: {  	v15 =	vld [tilespmem:s5+$0xFFFFFF50]  }
0x1eb: {  	v18 =	vld [tilespmem:s5+$0xFFFFFF60];
	v7 =	vmul.f32 v7, v8  }
0x1ec: {  	v6 =	vmul.f32 v6, v8;
	v8 =	vld [tilespmem:s5+$0xFFFFFF70]  }
0x1ed: {  	[tilespmem:s5+$0xFFFFFF20] =	vst v7;
	v7 =	vmul.f32 v14, v10;
	v16 =	vmul.f32 v5, v3;
	v5 =	vld.idx.msk [tilespmem:v9+s0+$0x0], $0xffff  }
0x1ee: {  	[tilespmem:s5+$0xFFFFFF10] =	vst v6;
	v6 =	vmul.f32 v11, v10;
	v9 =	vld [tilespmem:s5+$0xFFFFFF80]  }
0x1ef: {  	v10 =	vld [tilespmem:s5+$0xFFFFFF90];
	v11 =	vmul.f32 v15, v12;
	[tilespmem:s5+$0xFFFFFF40] =	vst v7  }
0x1f0: {  	s24 =	simm.s32 $0x4;
	v19 =	vld [tilespmem:s5+$0xFFFFFFA0];
	v12 =	vmul.f32 v18, v12;
	[tilespmem:s5+$0xFFFFFF30] =	vst v6  }
0x1f1: {  	v6 =	vld [tilespmem:s5+$0xFFFFFFB0];
	[tilespmem:s5+$0xFFFFFF50] =	vst v11;
	v11 =	vmov s24  }
0x1f2: {  	s8 =	simm.s32 $0x5;
	v7 =	vld [tilespmem:s5+$0xFFFFFFC0];
	v15 =	vmul.f32 v8, v13;
	[tilespmem:s5+$0xFFFFFF60] =	vst v12;
	v12 =	vor.u32 $0x40, v11  }
0x1f3: {  	[tilespmem:s5+$0x0] =	vst v16;
	v8 =	vld [tilespmem:s5+$0xFFFFFFD0];
	v18 =	vmul.f32 v9, v13;
	v13 =	vmov s8  }
0x1f4: {  	s24 =	simm.s32 $0x6;
	[tilespmem:s5+$0xFFFFFF70] =	vst v15;
	v9 =	vld [tilespmem:s5+$0xFFFFFFE0];
	v16 =	vmul.f32 v10, v17  }
0x1f5: {  	s7 =	simm.s32 $0x8;
	v14 =	vmov s24;
	s8 =	simm.s32 $0x7;
	v17 =	vmul.f32 v19, v17;
	v10 =	vld [tilespmem:s5+$0xFFFFFFF0];
	v15 =	vor.u32 $0x40, v13;
	[tilespmem:s5+$0xFFFFFF80] =	vst v18  }
.LBB2_11:
0x1f6: {  	p0 =	slt.u32 s7, $0x3C;
	v11 =	vld.idx.msk [tilespmem:v11+s0+$0x0], $0xffff;
	v18 =	vor.u32 $0x40, v14;
	v19 =	vmov s8;
	[tilespmem:s5+$0xFFFFFF90] =	vst v16;
	v6 =	vmul.f32 v6, v4  }
0x1f7: {  	v4 =	vmul.f32 v7, v4;
	v12 =	vld.idx.msk [tilespmem:v12+s0+$0x0], $0xffff;
	v16 =	vor.u32 $0x40, v19;
	[tilespmem:s5+$0xFFFFFFA0] =	vst v17  }
0x1f8: {  	v7 =	vld.idx.msk [tilespmem:v13+s0+$0x0], $0xffff;
	[tilespmem:s5+$0xFFFFFFB0] =	vst v6;
	v6 =	vmul.f32 v8, v5  }
0x1f9: {  	v5 =	vmul.f32 v9, v5;
	v17 =	vld.idx.msk [tilespmem:v14+s0+$0x0], $0xffff;
	[tilespmem:s5+$0xFFFFFFC0] =	vst v4  }
0x1fa: {  	v8 =	vld.idx.msk [tilespmem:v15+s0+$0x0], $0xffff;
	[tilespmem:s5+$0xFFFFFFD0] =	vst v6;
	v6 =	vmul.f32 v10, v3  }
0x1fb: {  	v4 =	vld.idx.msk [tilespmem:v18+s0+$0x0], $0xffff;
	[tilespmem:s5+$0xFFFFFFE0] =	vst v5  }
0x1fc: {  	v3 =	vld.idx.msk [tilespmem:v16+s0+$0x0], $0xffff;
	[tilespmem:s5+$0xFFFFFFF0] =	vst v6;
	s5 =	sadd.s32 $0x100, s5  }
0x1fd: {  	v5 =	vld [tilespmem:s5+$0x0]  }
0x1fe: {  	v6 =	vld [tilespmem:s5+$0xFFFFFF10]  }
0x1ff: {  	v9 =	vld [tilespmem:s5+$0xFFFFFF20]  }
0x200: {  	v10 =	vld [tilespmem:s5+$0xFFFFFF30]  }
0x201: {  	v13 =	vld [tilespmem:s5+$0xFFFFFF40]  }
0x202: {  	v14 =	vld [tilespmem:s5+$0xFFFFFF50];
	v15 =	vmul.f32 v5, v3  }
0x203: {  	v6 =	vmul.f32 v6, v11;
	v16 =	vld [tilespmem:s5+$0xFFFFFF60]  }
0x204: {  	v9 =	vmul.f32 v9, v11;
	v5 =	vld.idx.msk [tilespmem:v19+s0+$0x0], $0xffff;
	[tilespmem:s5+$0x0] =	vst v15  }
0x205: {  	[tilespmem:s5+$0xFFFFFF10] =	vst v6;
	v6 =	vmul.f32 v10, v12;
	v10 =	vld [tilespmem:s5+$0xFFFFFF70]  }
0x206: {  	[tilespmem:s5+$0xFFFFFF20] =	vst v9;
	v9 =	vmul.f32 v13, v12;
	v15 =	vld [tilespmem:s5+$0xFFFFFF80]  }
0x207: {  	[tilespmem:s5+$0xFFFFFF30] =	vst v6;
	v6 =	vmul.f32 v14, v7;
	v18 =	vld [tilespmem:s5+$0xFFFFFF90]  }
0x208: {  	[tilespmem:s5+$0xFFFFFF40] =	vst v9;
	v7 =	vmul.f32 v16, v7;
	v19 =	vld [tilespmem:s5+$0xFFFFFFA0]  }
.Ltmp9:
0x209: {  	v11 =	vmov s7;
	[tilespmem:s5+$0xFFFFFF50] =	vst v6;
	v6 =	vld [tilespmem:s5+$0xFFFFFFB0];
	(pc) =	sbr.rel @p0 .LBB2_11-.Ltmp9, $4  }
0x20a: {  	s8 =	sadd.s32 $0x1, s7;
	v12 =	vor.u32 $0x40, v11;
	[tilespmem:s5+$0xFFFFFF60] =	vst v7;
	v9 =	vmul.f32 v10, v8;
	v7 =	vld [tilespmem:s5+$0xFFFFFFC0]  }
0x20b: {  	v13 =	vmov s8;
	s8 =	sadd.s32 $0x2, s7;
	v10 =	vmul.f32 v15, v8;
	v8 =	vld [tilespmem:s5+$0xFFFFFFD0]  }
0x20c: {  	v14 =	vmov s8;
	[tilespmem:s5+$0xFFFFFF70] =	vst v9;
	v16 =	vmul.f32 v18, v17;
	v9 =	vld [tilespmem:s5+$0xFFFFFFE0]  }
0x20d: {  	s8 =	sadd.s32 $0x3, s7;
	s7 =	sadd.s32 $0x4, s7;
	v15 =	vor.u32 $0x40, v13;
	[tilespmem:s5+$0xFFFFFF80] =	vst v10;
	v17 =	vmul.f32 v19, v17;
	v10 =	vld [tilespmem:s5+$0xFFFFFFF0]  }
.Ltmp10:
0x20e: {  	_ = 	snop;
	(pc) =	sbr.rel .LBB2_12-.Ltmp10, $1  }
0x20f: {  	_ =	sdelay $0x3  }
.LBB2_15:
0x210: {  	_ =	sfence.sel $0x180000  }
0x211: {  	[bflag:$0x0] =	sbarrier.arrive $0xFFFF  }
0x212: {  	_ =	strace $0x90000047  }
0x213: {  	s0 =	stileid.u32;
	[bflag:$0x2] =	sbarrier.arrive $0xFFFF  }
0x214: {  	p0 =	sne.s32 s0, $0x0;
	s0 =	rddreg [dreg:$0x3]  }
0x215: {  	s0 =	sadd.s32 @!p0 $0x100000, s0  }
0x216: {  	[sflag:s0] =	ssyncadd.tile.s32 @!p0 $0x1;
	_ =	shalt  }
.Lfunc_end2:
_tile_overlayer_lowered:
.L_overlay_start_2:
0x217: {  	(tag) =	ssettag $0x2  }
0x218: {  	s0 =	rddreg [dreg:$0x0];
	s2 =	stileid.u32  }
0x219: {  	s1 =	rddreg [dreg:$0x1];
	p0 =	sne.s32 s2, $0x0  }
0x21a: {  	s3 =	rddreg [dreg:$0x2];
	[bflag:$0x3] =	sbarrier.arrive $0xFFFF;
	s2 =	simm.s32 @!p0 $0x1C03  }
0x21b: {  	[timem:s3], [sflag:s2] =	dma.local @!p0 [hbm:s0], s1  }
0x21c: {  	s0 =	simm.s32 @!p0 $0x3  }
0x21d: {  	_ =	swait.ge @!p0 [sflag:s0], s1  }
0x21e: {  	s1 =	ssub.s32 @!p0 $0x0, s1;
	[sflag:s0] =	ssyncset.done @!p0 $0x0  }
0x21f: {  	[sflag:s0] =	ssyncadd.s32 @!p0 s1  }
0x220: {  	[bflag:$0x3] =	sbarrier.arrive $0xFFFF  }
0x221: {  	_ =	shalt  }

</sc_bundles>
